<compile_context>
chip_gen: v7x
topology: tpu7x:2x2x1
jax: 0.10.2.dev20260603
libtpu: 0.0.44.dev20260713+nightly
codegen_flags: <defaults>
</compile_context>

<pallas_src>
import functools

import jax
import jax.numpy as jnp
from jax import lax
from jax.experimental import pallas as pl
from jax.experimental.pallas import tpu as pltpu
from jax.experimental.pallas import tpu_sc as plsc

BIN = 0.5
MINR = 0.5
NBINS = 10
NT = 9
D = 32
L = 16
IDX_CHUNK = 128
NW = 32


def _ordrec_body(b_per_w,
                 uf_hbm, vf_hbm, ub_hbm, vb_hbm, ut1_hbm, ubeta_hbm,
                 mass_hbm, mean_hbm, mode_hbm, edges_hbm,
                 uf_v, vf_v, ub_v, vb_v, ut1_v, ubeta_v,
                 mass_v, mean_v, mode_v, edges_v, sem):
    cid = lax.axis_index("c")
    sid = lax.axis_index("s")
    wid = sid * 2 + cid
    base = pl.multiple_of(wid * b_per_w, b_per_w)
    bsl = pl.ds(base, b_per_w)

    copies = [
        pltpu.async_copy(uf_hbm.at[bsl], uf_v, sem),
        pltpu.async_copy(vf_hbm.at[bsl], vf_v, sem),
        pltpu.async_copy(ubeta_hbm.at[bsl], ubeta_v, sem),
        pltpu.async_copy(ub_hbm.at[bsl], ub_v, sem),
        pltpu.async_copy(vb_hbm.at[bsl], vb_v, sem),
        pltpu.async_copy(ut1_hbm.at[bsl], ut1_v, sem),
    ]
    for c in copies:
        c.wait()

    @plsc.parallel_loop(0, b_per_w // L, unroll=2)
    def group(g):
        off = pl.multiple_of(g * L, L)
        rows = off + lax.iota(jnp.int32, 16)

        acc = jnp.zeros((L,), jnp.float32)
        for d in range(D):
            di = jnp.full((L,), d, jnp.int32)
            a = plsc.load_gather(uf_v, [rows, di])
            b = plsc.load_gather(vf_v, [rows, di])
            acc = acc + a * b

        ub = ub_v[pl.ds(off, L)]
        vb = vb_v[pl.ds(off, L)]
        ut1 = ut1_v[pl.ds(off, L)]

        y = acc + vb + ub

        T = [ut1]
        for k in range(NT - 1):
            bk = plsc.load_gather(ubeta_v, [rows, jnp.full((L,), k, jnp.int32)])
            T.append(T[-1] + jnp.exp(bk))

        one = jnp.ones((L,), jnp.float32)
        sig = [one / (one + jnp.exp(y - t)) for t in T]

        mass = [sig[0]]
        for k in range(1, NT):
            mass.append(sig[k] - sig[k - 1])
        mass.append(one - sig[NT - 1])

        mean = jnp.zeros((L,), jnp.float32)
        best = mass[0]
        bestk = jnp.zeros((L,), jnp.float32)
        for k in range(NBINS):
            mean = mean + mass[k] * (MINR + k * BIN)
            if k > 0:
                gt = mass[k] > best
                best = jnp.where(gt, mass[k], best)
                bestk = jnp.where(gt, jnp.full((L,), float(k), jnp.float32),
                                  bestk)
        mode = MINR + bestk * BIN

        for k in range(NT):
            plsc.store_scatter(edges_v, [rows, jnp.full((L,), k, jnp.int32)],
                               T[k])
        plsc.store_scatter(edges_v, [rows, jnp.full((L,), NT, jnp.int32)],
                           jnp.full((L,), jnp.inf, jnp.float32))
        for k in range(NBINS):
            plsc.store_scatter(mass_v, [rows, jnp.full((L,), k, jnp.int32)],
                               mass[k])
        mean_v[pl.ds(off, L)] = mean
        mode_v[pl.ds(off, L)] = mode

    pltpu.sync_copy(mass_v, mass_hbm.at[bsl])
    pltpu.sync_copy(mean_v, mean_hbm.at[bsl])
    pltpu.sync_copy(mode_v, mode_hbm.at[bsl])
    pltpu.sync_copy(edges_v, edges_hbm.at[bsl])


def kernel(uid_input, iid_input, uid_features, iid_features, uid_bias,
           iid_bias, uid_t1, iid_t1, uid_beta, iid_beta):
    del iid_t1, iid_beta
    B = uid_input.shape[0]
    b_per_w = B // NW
    f32 = jnp.float32
    mesh = plsc.VectorSubcoreMesh(core_axis_name="c", subcore_axis_name="s")

    uf_g = uid_features.at[uid_input].get(mode="promise_in_bounds")
    vf_g = iid_features.at[iid_input].get(mode="promise_in_bounds")
    ubeta_g = uid_beta.at[uid_input].get(mode="promise_in_bounds")
    ub_g = uid_bias.at[uid_input].get(mode="promise_in_bounds").reshape(-1)
    vb_g = iid_bias.at[iid_input].get(mode="promise_in_bounds").reshape(-1)
    ut1_g = uid_t1.at[uid_input].get(mode="promise_in_bounds").reshape(-1)

    run = pl.kernel(
        functools.partial(_ordrec_body, b_per_w),
        mesh=mesh,
        out_type=[
            jax.ShapeDtypeStruct((B, NBINS), f32),
            jax.ShapeDtypeStruct((B,), f32),
            jax.ShapeDtypeStruct((B,), f32),
            jax.ShapeDtypeStruct((B, NBINS), f32),
        ],
        scratch_types=[
            pltpu.VMEM((b_per_w, D), f32),
            pltpu.VMEM((b_per_w, D), f32),
            pltpu.VMEM((b_per_w,), f32),
            pltpu.VMEM((b_per_w,), f32),
            pltpu.VMEM((b_per_w,), f32),
            pltpu.VMEM((b_per_w, NT - 1), f32),
            pltpu.VMEM((b_per_w, NBINS), f32),
            pltpu.VMEM((b_per_w,), f32),
            pltpu.VMEM((b_per_w,), f32),
            pltpu.VMEM((b_per_w, NBINS), f32),
            pltpu.SemaphoreType.DMA,
        ],
        compiler_params=pltpu.CompilerParams(
            use_tc_tiling_on_sc=False, needs_layout_passes=False),
    )
    bins_mass, bins_mean, bins_mode, edges = run(
        uf_g, vf_g, ub_g, vb_g, ut1_g, ubeta_g)
    return bins_mass, bins_mean, bins_mode, edges

# --- scband reference (transcript-rebuilt; emitter-appended) ---
"""Pipeline reference for scband-ord-rec-35296041239090 (READ-ONLY COPY).

The authoritative reference and input builder live on the scoring server;
editing this copy changes nothing except your own understanding.
"""

import jax, jax.numpy as jnp
import numpy as np
import math

U = 1000000
I = 1000000
D = 32
B = 16384
BIN = 0.5
MINR = 0.5
MAXR = 5.0
NB = int((MAXR - MINR) / BIN) + 1  # 10 bins


def setup_inputs(seed: int = 0) -> dict:
    key = jax.random.key(seed)
    ks = jax.random.split(key, 6)
    uid_input = jax.random.randint(ks[0], (B,), 0, U, dtype=jnp.int32)
    iid_input = jax.random.randint(ks[1], (B,), 0, I, dtype=jnp.int32)
    # learned parameters, initialized per init_initializers (thresholds_use_items=False)
    uid_features = 0.01 * jax.random.normal(ks[2], (U, D), dtype=jnp.float32)
    iid_features = 0.01 * jax.random.normal(ks[3], (I, D), dtype=jnp.float32)
    uid_bias = jnp.zeros((U, 1), dtype=jnp.float32)
    iid_bias = jnp.full((I, 1), 3.5, dtype=jnp.float32)
    uid_t1 = jnp.full((U, 1), MINR + 0.5 * BIN, dtype=jnp.float32)
    iid_t1 = jnp.full((I, 1), MINR + 0.5 * BIN, dtype=jnp.float32)
    uid_beta = jnp.full((U, NB - 2), math.log(BIN), dtype=jnp.float32)
    iid_beta = jnp.full((I, NB - 2), math.log(BIN), dtype=jnp.float32)
    return {
        'uid_input': uid_input, 'iid_input': iid_input,
        'uid_features': uid_features, 'iid_features': iid_features,
        'uid_bias': uid_bias, 'iid_bias': iid_bias,
        'uid_t1': uid_t1, 'iid_t1': iid_t1,
        'uid_beta': uid_beta, 'iid_beta': iid_beta,
    }


def reference(uid_input, iid_input, uid_features, iid_features, uid_bias, iid_bias, uid_t1, iid_t1, uid_beta, iid_beta):
    # embedding gathers (SparseCore-friendly)
    uf = jnp.take(uid_features, uid_input, axis=0)
    vf = jnp.take(iid_features, iid_input, axis=0)
    ub = jnp.take(uid_bias, uid_input, axis=0)
    vb = jnp.take(iid_bias, iid_input, axis=0)
    ut1 = jnp.take(uid_t1, uid_input, axis=0)
    ubeta = jnp.take(uid_beta, uid_input, axis=0)
    # (note: original torch code gathers iid_beta from the uid_beta table; it is
    #  dead code under thresholds_use_item=False, so omitted here)
    uTi = jnp.sum(uf * vf, axis=1, keepdims=True)
    # use_biases=True, thresholds_use_item=False branch
    y_ui = uTi + vb + ub
    t1 = ut1
    beta = jnp.exp(ubeta)
    beta_ext = jnp.concatenate([jnp.zeros_like(t1), beta], axis=-1)
    beta_cum = jnp.cumsum(beta_ext, axis=-1)
    T = t1 + beta_cum
    inf_col = jnp.full((T.shape[0], 1), jnp.inf, dtype=T.dtype)
    edges = jnp.concatenate([T, inf_col], axis=-1)
    sig = jax.nn.sigmoid(T - y_ui)
    cdf = jnp.concatenate([jnp.zeros_like(t1), sig, jnp.ones_like(t1)], axis=-1)
    bins_mass = cdf[:, 1:] - cdf[:, :-1]
    grid = jnp.arange(MINR, MAXR + BIN, BIN, dtype=bins_mass.dtype)
    bins_mean = jnp.sum(bins_mass * grid, axis=-1)
    bins_mode = MINR + jnp.argmax(bins_mass, axis=-1).astype(jnp.float32) * BIN
    return bins_mass, bins_mean, bins_mode, edges

if __name__ == "__main__":
    import jax
    _d = setup_inputs()
    print(jax.jit(kernel)(*tuple(_d.values())))

</pallas_src>

<mosaic_0001>
#map = affine_map<(d0, d1) -> (0, 0)>
#map1 = affine_map<(d0, d1) -> (0)>
module attributes {stable_mosaic.version = 14 : i64} {
  func.func @_ordrec_body(%arg0: i32, %arg1: i32, %arg2: memref<16384x32xf32, #tpu.memory_space<hbm>>, %arg3: memref<16384x32xf32, #tpu.memory_space<hbm>>, %arg4: memref<16384xf32, #tpu.memory_space<hbm>>, %arg5: memref<16384xf32, #tpu.memory_space<hbm>>, %arg6: memref<16384xf32, #tpu.memory_space<hbm>>, %arg7: memref<16384x8xf32, #tpu.memory_space<hbm>>, %arg8: memref<16384x10xf32, #tpu.memory_space<hbm>>, %arg9: memref<16384xf32, #tpu.memory_space<hbm>>, %arg10: memref<16384xf32, #tpu.memory_space<hbm>>, %arg11: memref<16384x10xf32, #tpu.memory_space<hbm>>, %arg12: memref<512x32xf32, #tpu.memory_space<vmem>>, %arg13: memref<512x32xf32, #tpu.memory_space<vmem>>, %arg14: memref<512xf32, #tpu.memory_space<vmem>>, %arg15: memref<512xf32, #tpu.memory_space<vmem>>, %arg16: memref<512xf32, #tpu.memory_space<vmem>>, %arg17: memref<512x8xf32, #tpu.memory_space<vmem>>, %arg18: memref<512x10xf32, #tpu.memory_space<vmem>>, %arg19: memref<512xf32, #tpu.memory_space<vmem>>, %arg20: memref<512xf32, #tpu.memory_space<vmem>>, %arg21: memref<512x10xf32, #tpu.memory_space<vmem>>, %arg22: memref<!tpu.dma_semaphore, #tpu.memory_space<semaphore_mem>>) attributes {dimension_semantics = [#tpu.dimension_semantics<core_parallel>, #tpu.dimension_semantics<subcore_parallel>], iteration_bounds = array<i64: 2, 16>, scalar_prefetch = 0 : i64, scratch_operands = 11 : i64, tpu.core_type = #tpu.core_type<sc_vector_subcore>, window_params = [{transform_indices = #map}, {transform_indices = #map}, {transform_indices = #map1}, {transform_indices = #map1}, {transform_indices = #map1}, {transform_indices = #map}, {transform_indices = #map}, {transform_indices = #map1}, {transform_indices = #map1}, {transform_indices = #map}]} {
    %mul3A = arith.constant 2 : i32
    %mul3A_0 = arith.muli %arg1, %mul3A : i32
    %add3A = arith.addi %mul3A_0, %arg0 : i32
    %mul3A_1 = arith.constant 512 : i32
    %mul3A_2 = arith.muli %add3A, %mul3A_1 : i32
    %multiple_of3A = tpu.assume_multiple %mul3A_2, 512 : i32
    %dma_start3A = arith.constant 0 : i32
    %dma_start3A_3 = tpu.memref_slice %arg2[%multiple_of3A, %dma_start3A] : memref<16384x32xf32, #tpu.memory_space<hbm>> -> memref<512x32xf32, #tpu.memory_space<hbm>>
    %dma_start3A_4 = arith.constant 0 : i32
    %dma_start3A_5 = tpu.memref_slice %arg2[%multiple_of3A, %dma_start3A_4] : memref<16384x32xf32, #tpu.memory_space<hbm>> -> memref<512x32xf32, #tpu.memory_space<hbm>>
    tpu.enqueue_dma source(%dma_start3A_5 : memref<512x32xf32, #tpu.memory_space<hbm>>) target(%arg12 : memref<512x32xf32, #tpu.memory_space<vmem>>) target_semaphore(%arg22 : memref<!tpu.dma_semaphore, #tpu.memory_space<semaphore_mem>>)
    %dma_start3A_6 = arith.constant 0 : i32
    %dma_start3A_7 = tpu.memref_slice %arg3[%multiple_of3A, %dma_start3A_6] : memref<16384x32xf32, #tpu.memory_space<hbm>> -> memref<512x32xf32, #tpu.memory_space<hbm>>
    %dma_start3A_8 = arith.constant 0 : i32
    %dma_start3A_9 = tpu.memref_slice %arg3[%multiple_of3A, %dma_start3A_8] : memref<16384x32xf32, #tpu.memory_space<hbm>> -> memref<512x32xf32, #tpu.memory_space<hbm>>
    tpu.enqueue_dma source(%dma_start3A_9 : memref<512x32xf32, #tpu.memory_space<hbm>>) target(%arg13 : memref<512x32xf32, #tpu.memory_space<vmem>>) target_semaphore(%arg22 : memref<!tpu.dma_semaphore, #tpu.memory_space<semaphore_mem>>)
    %dma_start3A_10 = arith.constant 0 : i32
    %dma_start3A_11 = tpu.memref_slice %arg7[%multiple_of3A, %dma_start3A_10] : memref<16384x8xf32, #tpu.memory_space<hbm>> -> memref<512x8xf32, #tpu.memory_space<hbm>>
    %dma_start3A_12 = arith.constant 0 : i32
    %dma_start3A_13 = tpu.memref_slice %arg7[%multiple_of3A, %dma_start3A_12] : memref<16384x8xf32, #tpu.memory_space<hbm>> -> memref<512x8xf32, #tpu.memory_space<hbm>>
    tpu.enqueue_dma source(%dma_start3A_13 : memref<512x8xf32, #tpu.memory_space<hbm>>) target(%arg17 : memref<512x8xf32, #tpu.memory_space<vmem>>) target_semaphore(%arg22 : memref<!tpu.dma_semaphore, #tpu.memory_space<semaphore_mem>>)
    %dma_start3A_14 = tpu.memref_slice %arg4[%multiple_of3A] : memref<16384xf32, #tpu.memory_space<hbm>> -> memref<512xf32, #tpu.memory_space<hbm>>
    %dma_start3A_15 = tpu.memref_slice %arg4[%multiple_of3A] : memref<16384xf32, #tpu.memory_space<hbm>> -> memref<512xf32, #tpu.memory_space<hbm>>
    tpu.enqueue_dma source(%dma_start3A_15 : memref<512xf32, #tpu.memory_space<hbm>>) target(%arg14 : memref<512xf32, #tpu.memory_space<vmem>>) target_semaphore(%arg22 : memref<!tpu.dma_semaphore, #tpu.memory_space<semaphore_mem>>)
    %dma_start3A_16 = tpu.memref_slice %arg5[%multiple_of3A] : memref<16384xf32, #tpu.memory_space<hbm>> -> memref<512xf32, #tpu.memory_space<hbm>>
    %dma_start3A_17 = tpu.memref_slice %arg5[%multiple_of3A] : memref<16384xf32, #tpu.memory_space<hbm>> -> memref<512xf32, #tpu.memory_space<hbm>>
    tpu.enqueue_dma source(%dma_start3A_17 : memref<512xf32, #tpu.memory_space<hbm>>) target(%arg15 : memref<512xf32, #tpu.memory_space<vmem>>) target_semaphore(%arg22 : memref<!tpu.dma_semaphore, #tpu.memory_space<semaphore_mem>>)
    %dma_start3A_18 = tpu.memref_slice %arg6[%multiple_of3A] : memref<16384xf32, #tpu.memory_space<hbm>> -> memref<512xf32, #tpu.memory_space<hbm>>
    %dma_start3A_19 = tpu.memref_slice %arg6[%multiple_of3A] : memref<16384xf32, #tpu.memory_space<hbm>> -> memref<512xf32, #tpu.memory_space<hbm>>
    tpu.enqueue_dma source(%dma_start3A_19 : memref<512xf32, #tpu.memory_space<hbm>>) target(%arg16 : memref<512xf32, #tpu.memory_space<vmem>>) target_semaphore(%arg22 : memref<!tpu.dma_semaphore, #tpu.memory_space<semaphore_mem>>)
    %dma_wait3A = arith.constant 0 : i32
    %dma_wait3A_20 = tpu.memref_slice %arg2[%multiple_of3A, %dma_wait3A] : memref<16384x32xf32, #tpu.memory_space<hbm>> -> memref<512x32xf32, #tpu.memory_space<hbm>>
    %dma_wait3A_21 = arith.constant 0 : i32
    %dma_wait3A_22 = tpu.memref_slice %arg2[%multiple_of3A, %dma_wait3A_21] : memref<16384x32xf32, #tpu.memory_space<hbm>> -> memref<512x32xf32, #tpu.memory_space<hbm>>
    tpu.wait_dma2 semaphore(%arg22 : memref<!tpu.dma_semaphore, #tpu.memory_space<semaphore_mem>>) src(%dma_wait3A_22 : memref<512x32xf32, #tpu.memory_space<hbm>>) dst(%arg12 : memref<512x32xf32, #tpu.memory_space<vmem>>)
    %dma_wait3A_23 = arith.constant 0 : i32
    %dma_wait3A_24 = tpu.memref_slice %arg3[%multiple_of3A, %dma_wait3A_23] : memref<16384x32xf32, #tpu.memory_space<hbm>> -> memref<512x32xf32, #tpu.memory_space<hbm>>
    %dma_wait3A_25 = arith.constant 0 : i32
    %dma_wait3A_26 = tpu.memref_slice %arg3[%multiple_of3A, %dma_wait3A_25] : memref<16384x32xf32, #tpu.memory_space<hbm>> -> memref<512x32xf32, #tpu.memory_space<hbm>>
    tpu.wait_dma2 semaphore(%arg22 : memref<!tpu.dma_semaphore, #tpu.memory_space<semaphore_mem>>) src(%dma_wait3A_26 : memref<512x32xf32, #tpu.memory_space<hbm>>) dst(%arg13 : memref<512x32xf32, #tpu.memory_space<vmem>>)
    %dma_wait3A_27 = arith.constant 0 : i32
    %dma_wait3A_28 = tpu.memref_slice %arg7[%multiple_of3A, %dma_wait3A_27] : memref<16384x8xf32, #tpu.memory_space<hbm>> -> memref<512x8xf32, #tpu.memory_space<hbm>>
    %dma_wait3A_29 = arith.constant 0 : i32
    %dma_wait3A_30 = tpu.memref_slice %arg7[%multiple_of3A, %dma_wait3A_29] : memref<16384x8xf32, #tpu.memory_space<hbm>> -> memref<512x8xf32, #tpu.memory_space<hbm>>
    tpu.wait_dma2 semaphore(%arg22 : memref<!tpu.dma_semaphore, #tpu.memory_space<semaphore_mem>>) src(%dma_wait3A_30 : memref<512x8xf32, #tpu.memory_space<hbm>>) dst(%arg17 : memref<512x8xf32, #tpu.memory_space<vmem>>)
    %dma_wait3A_31 = tpu.memref_slice %arg4[%multiple_of3A] : memref<16384xf32, #tpu.memory_space<hbm>> -> memref<512xf32, #tpu.memory_space<hbm>>
    %dma_wait3A_32 = tpu.memref_slice %arg4[%multiple_of3A] : memref<16384xf32, #tpu.memory_space<hbm>> -> memref<512xf32, #tpu.memory_space<hbm>>
    tpu.wait_dma2 semaphore(%arg22 : memref<!tpu.dma_semaphore, #tpu.memory_space<semaphore_mem>>) src(%dma_wait3A_32 : memref<512xf32, #tpu.memory_space<hbm>>) dst(%arg14 : memref<512xf32, #tpu.memory_space<vmem>>)
    %dma_wait3A_33 = tpu.memref_slice %arg5[%multiple_of3A] : memref<16384xf32, #tpu.memory_space<hbm>> -> memref<512xf32, #tpu.memory_space<hbm>>
    %dma_wait3A_34 = tpu.memref_slice %arg5[%multiple_of3A] : memref<16384xf32, #tpu.memory_space<hbm>> -> memref<512xf32, #tpu.memory_space<hbm>>
    tpu.wait_dma2 semaphore(%arg22 : memref<!tpu.dma_semaphore, #tpu.memory_space<semaphore_mem>>) src(%dma_wait3A_34 : memref<512xf32, #tpu.memory_space<hbm>>) dst(%arg15 : memref<512xf32, #tpu.memory_space<vmem>>)
    %dma_wait3A_35 = tpu.memref_slice %arg6[%multiple_of3A] : memref<16384xf32, #tpu.memory_space<hbm>> -> memref<512xf32, #tpu.memory_space<hbm>>
    %dma_wait3A_36 = tpu.memref_slice %arg6[%multiple_of3A] : memref<16384xf32, #tpu.memory_space<hbm>> -> memref<512xf32, #tpu.memory_space<hbm>>
    tpu.wait_dma2 semaphore(%arg22 : memref<!tpu.dma_semaphore, #tpu.memory_space<semaphore_mem>>) src(%dma_wait3A_36 : memref<512xf32, #tpu.memory_space<hbm>>) dst(%arg16 : memref<512xf32, #tpu.memory_space<vmem>>)
    %parallel_loop3A = arith.constant 0 : i32
    %parallel_loop3A_37 = arith.constant 32 : i32
    %parallel_loop3A_38 = arith.constant 1 : i32
    scf.for %parallel_loop3A_39 = %parallel_loop3A to %parallel_loop3A_37 step %parallel_loop3A_38  : i32 {
      %parallel_loop3A_40 = arith.constant 16 : i32
      %parallel_loop3A_41 = arith.muli %parallel_loop3A_39, %parallel_loop3A_40 : i32
      %parallel_loop3A_42 = tpu.assume_multiple %parallel_loop3A_41, 16 : i32
      %parallel_loop3A_43 = tpu.iota {dimensions = array<i32: 0>} : vector<16xi32>
      %parallel_loop3A_44 = vector.broadcast %parallel_loop3A_42 : i32 to vector<16xi32>
      %parallel_loop3A_45 = arith.addi %parallel_loop3A_44, %parallel_loop3A_43 : vector<16xi32>
      %parallel_loop3A_46 = arith.constant 0.000000e+00 : f32
      %parallel_loop3A_47 = vector.broadcast %parallel_loop3A_46 : f32 to vector<16xf32>
      %parallel_loop3A_48 = arith.constant 0 : i32
      %parallel_loop3A_49 = vector.broadcast %parallel_loop3A_48 : i32 to vector<16xi32>
      %parallel_loop3A_50 = tpu.vector_load_idx %arg12[%parallel_loop3A_45, %parallel_loop3A_49] : memref<512x32xf32, #tpu.memory_space<vmem>>[vector<16xi32>, vector<16xi32>], vector<16xf32>,
      %parallel_loop3A_51 = tpu.vector_load_idx %arg13[%parallel_loop3A_45, %parallel_loop3A_49] : memref<512x32xf32, #tpu.memory_space<vmem>>[vector<16xi32>, vector<16xi32>], vector<16xf32>,
      %parallel_loop3A_52 = arith.mulf %parallel_loop3A_50, %parallel_loop3A_51 : vector<16xf32>
      %parallel_loop3A_53 = arith.addf %parallel_loop3A_47, %parallel_loop3A_52 : vector<16xf32>
      %parallel_loop3A_54 = arith.constant 1 : i32
      %parallel_loop3A_55 = vector.broadcast %parallel_loop3A_54 : i32 to vector<16xi32>
      %parallel_loop3A_56 = tpu.vector_load_idx %arg12[%parallel_loop3A_45, %parallel_loop3A_55] : memref<512x32xf32, #tpu.memory_space<vmem>>[vector<16xi32>, vector<16xi32>], vector<16xf32>,
      %parallel_loop3A_57 = tpu.vector_load_idx %arg13[%parallel_loop3A_45, %parallel_loop3A_55] : memref<512x32xf32, #tpu.memory_space<vmem>>[vector<16xi32>, vector<16xi32>], vector<16xf32>,
      %parallel_loop3A_58 = arith.mulf %parallel_loop3A_56, %parallel_loop3A_57 : vector<16xf32>
      %parallel_loop3A_59 = arith.addf %parallel_loop3A_53, %parallel_loop3A_58 : vector<16xf32>
      %parallel_loop3A_60 = arith.constant 2 : i32
      %parallel_loop3A_61 = vector.broadcast %parallel_loop3A_60 : i32 to vector<16xi32>
      %parallel_loop3A_62 = tpu.vector_load_idx %arg12[%parallel_loop3A_45, %parallel_loop3A_61] : memref<512x32xf32, #tpu.memory_space<vmem>>[vector<16xi32>, vector<16xi32>], vector<16xf32>,
      %parallel_loop3A_63 = tpu.vector_load_idx %arg13[%parallel_loop3A_45, %parallel_loop3A_61] : memref<512x32xf32, #tpu.memory_space<vmem>>[vector<16xi32>, vector<16xi32>], vector<16xf32>,
      %parallel_loop3A_64 = arith.mulf %parallel_loop3A_62, %parallel_loop3A_63 : vector<16xf32>
      %parallel_loop3A_65 = arith.addf %parallel_loop3A_59, %parallel_loop3A_64 : vector<16xf32>
      %parallel_loop3A_66 = arith.constant 3 : i32
      %parallel_loop3A_67 = vector.broadcast %parallel_loop3A_66 : i32 to vector<16xi32>
      %parallel_loop3A_68 = tpu.vector_load_idx %arg12[%parallel_loop3A_45, %parallel_loop3A_67] : memref<512x32xf32, #tpu.memory_space<vmem>>[vector<16xi32>, vector<16xi32>], vector<16xf32>,
      %parallel_loop3A_69 = tpu.vector_load_idx %arg13[%parallel_loop3A_45, %parallel_loop3A_67] : memref<512x32xf32, #tpu.memory_space<vmem>>[vector<16xi32>, vector<16xi32>], vector<16xf32>,
      %parallel_loop3A_70 = arith.mulf %parallel_loop3A_68, %parallel_loop3A_69 : vector<16xf32>
      %parallel_loop3A_71 = arith.addf %parallel_loop3A_65, %parallel_loop3A_70 : vector<16xf32>
      %parallel_loop3A_72 = arith.constant 4 : i32
      %parallel_loop3A_73 = vector.broadcast %parallel_loop3A_72 : i32 to vector<16xi32>
      %parallel_loop3A_74 = tpu.vector_load_idx %arg12[%parallel_loop3A_45, %parallel_loop3A_73] : memref<512x32xf32, #tpu.memory_space<vmem>>[vector<16xi32>, vector<16xi32>], vector<16xf32>,
      %parallel_loop3A_75 = tpu.vector_load_idx %arg13[%parallel_loop3A_45, %parallel_loop3A_73] : memref<512x32xf32, #tpu.memory_space<vmem>>[vector<16xi32>, vector<16xi32>], vector<16xf32>,
      %parallel_loop3A_76 = arith.mulf %parallel_loop3A_74, %parallel_loop3A_75 : vector<16xf32>
      %parallel_loop3A_77 = arith.addf %parallel_loop3A_71, %parallel_loop3A_76 : vector<16xf32>
      %parallel_loop3A_78 = arith.constant 5 : i32
      %parallel_loop3A_79 = vector.broadcast %parallel_loop3A_78 : i32 to vector<16xi32>
      %parallel_loop3A_80 = tpu.vector_load_idx %arg12[%parallel_loop3A_45, %parallel_loop3A_79] : memref<512x32xf32, #tpu.memory_space<vmem>>[vector<16xi32>, vector<16xi32>], vector<16xf32>,
      %parallel_loop3A_81 = tpu.vector_load_idx %arg13[%parallel_loop3A_45, %parallel_loop3A_79] : memref<512x32xf32, #tpu.memory_space<vmem>>[vector<16xi32>, vector<16xi32>], vector<16xf32>,
      %parallel_loop3A_82 = arith.mulf %parallel_loop3A_80, %parallel_loop3A_81 : vector<16xf32>
      %parallel_loop3A_83 = arith.addf %parallel_loop3A_77, %parallel_loop3A_82 : vector<16xf32>
      %parallel_loop3A_84 = arith.constant 6 : i32
      %parallel_loop3A_85 = vector.broadcast %parallel_loop3A_84 : i32 to vector<16xi32>
      %parallel_loop3A_86 = tpu.vector_load_idx %arg12[%parallel_loop3A_45, %parallel_loop3A_85] : memref<512x32xf32, #tpu.memory_space<vmem>>[vector<16xi32>, vector<16xi32>], vector<16xf32>,
      %parallel_loop3A_87 = tpu.vector_load_idx %arg13[%parallel_loop3A_45, %parallel_loop3A_85] : memref<512x32xf32, #tpu.memory_space<vmem>>[vector<16xi32>, vector<16xi32>], vector<16xf32>,
      %parallel_loop3A_88 = arith.mulf %parallel_loop3A_86, %parallel_loop3A_87 : vector<16xf32>
      %parallel_loop3A_89 = arith.addf %parallel_loop3A_83, %parallel_loop3A_88 : vector<16xf32>
      %parallel_loop3A_90 = arith.constant 7 : i32
      %parallel_loop3A_91 = vector.broadcast %parallel_loop3A_90 : i32 to vector<16xi32>
      %parallel_loop3A_92 = tpu.vector_load_idx %arg12[%parallel_loop3A_45, %parallel_loop3A_91] : memref<512x32xf32, #tpu.memory_space<vmem>>[vector<16xi32>, vector<16xi32>], vector<16xf32>,
      %parallel_loop3A_93 = tpu.vector_load_idx %arg13[%parallel_loop3A_45, %parallel_loop3A_91] : memref<512x32xf32, #tpu.memory_space<vmem>>[vector<16xi32>, vector<16xi32>], vector<16xf32>,
      %parallel_loop3A_94 = arith.mulf %parallel_loop3A_92, %parallel_loop3A_93 : vector<16xf32>
      %parallel_loop3A_95 = arith.addf %parallel_loop3A_89, %parallel_loop3A_94 : vector<16xf32>
      %parallel_loop3A_96 = arith.constant 8 : i32
      %parallel_loop3A_97 = vector.broadcast %parallel_loop3A_96 : i32 to vector<16xi32>
      %parallel_loop3A_98 = tpu.vector_load_idx %arg12[%parallel_loop3A_45, %parallel_loop3A_97] : memref<512x32xf32, #tpu.memory_space<vmem>>[vector<16xi32>, vector<16xi32>], vector<16xf32>,
      %parallel_loop3A_99 = tpu.vector_load_idx %arg13[%parallel_loop3A_45, %parallel_loop3A_97] : memref<512x32xf32, #tpu.memory_space<vmem>>[vector<16xi32>, vector<16xi32>], vector<16xf32>,
      %parallel_loop3A_100 = arith.mulf %parallel_loop3A_98, %parallel_loop3A_99 : vector<16xf32>
      %parallel_loop3A_101 = arith.addf %parallel_loop3A_95, %parallel_loop3A_100 : vector<16xf32>
      %parallel_loop3A_102 = arith.constant 9 : i32
      %parallel_loop3A_103 = vector.broadcast %parallel_loop3A_102 : i32 to vector<16xi32>
      %parallel_loop3A_104 = tpu.vector_load_idx %arg12[%parallel_loop3A_45, %parallel_loop3A_103] : memref<512x32xf32, #tpu.memory_space<vmem>>[vector<16xi32>, vector<16xi32>], vector<16xf32>,
      %parallel_loop3A_105 = tpu.vector_load_idx %arg13[%parallel_loop3A_45, %parallel_loop3A_103] : memref<512x32xf32, #tpu.memory_space<vmem>>[vector<16xi32>, vector<16xi32>], vector<16xf32>,
      %parallel_loop3A_106 = arith.mulf %parallel_loop3A_104, %parallel_loop3A_105 : vector<16xf32>
      %parallel_loop3A_107 = arith.addf %parallel_loop3A_101, %parallel_loop3A_106 : vector<16xf32>
      %parallel_loop3A_108 = arith.constant 10 : i32
      %parallel_loop3A_109 = vector.broadcast %parallel_loop3A_108 : i32 to vector<16xi32>
      %parallel_loop3A_110 = tpu.vector_load_idx %arg12[%parallel_loop3A_45, %parallel_loop3A_109] : memref<512x32xf32, #tpu.memory_space<vmem>>[vector<16xi32>, vector<16xi32>], vector<16xf32>,
      %parallel_loop3A_111 = tpu.vector_load_idx %arg13[%parallel_loop3A_45, %parallel_loop3A_109] : memref<512x32xf32, #tpu.memory_space<vmem>>[vector<16xi32>, vector<16xi32>], vector<16xf32>,
      %parallel_loop3A_112 = arith.mulf %parallel_loop3A_110, %parallel_loop3A_111 : vector<16xf32>
      %parallel_loop3A_113 = arith.addf %parallel_loop3A_107, %parallel_loop3A_112 : vector<16xf32>
      %parallel_loop3A_114 = arith.constant 11 : i32
      %parallel_loop3A_115 = vector.broadcast %parallel_loop3A_114 : i32 to vector<16xi32>
      %parallel_loop3A_116 = tpu.vector_load_idx %arg12[%parallel_loop3A_45, %parallel_loop3A_115] : memref<512x32xf32, #tpu.memory_space<vmem>>[vector<16xi32>, vector<16xi32>], vector<16xf32>,
      %parallel_loop3A_117 = tpu.vector_load_idx %arg13[%parallel_loop3A_45, %parallel_loop3A_115] : memref<512x32xf32, #tpu.memory_space<vmem>>[vector<16xi32>, vector<16xi32>], vector<16xf32>,
      %parallel_loop3A_118 = arith.mulf %parallel_loop3A_116, %parallel_loop3A_117 : vector<16xf32>
      %parallel_loop3A_119 = arith.addf %parallel_loop3A_113, %parallel_loop3A_118 : vector<16xf32>
      %parallel_loop3A_120 = arith.constant 12 : i32
      %parallel_loop3A_121 = vector.broadcast %parallel_loop3A_120 : i32 to vector<16xi32>
      %parallel_loop3A_122 = tpu.vector_load_idx %arg12[%parallel_loop3A_45, %parallel_loop3A_121] : memref<512x32xf32, #tpu.memory_space<vmem>>[vector<16xi32>, vector<16xi32>], vector<16xf32>,
      %parallel_loop3A_123 = tpu.vector_load_idx %arg13[%parallel_loop3A_45, %parallel_loop3A_121] : memref<512x32xf32, #tpu.memory_space<vmem>>[vector<16xi32>, vector<16xi32>], vector<16xf32>,
      %parallel_loop3A_124 = arith.mulf %parallel_loop3A_122, %parallel_loop3A_123 : vector<16xf32>
      %parallel_loop3A_125 = arith.addf %parallel_loop3A_119, %parallel_loop3A_124 : vector<16xf32>
      %parallel_loop3A_126 = arith.constant 13 : i32
      %parallel_loop3A_127 = vector.broadcast %parallel_loop3A_126 : i32 to vector<16xi32>
      %parallel_loop3A_128 = tpu.vector_load_idx %arg12[%parallel_loop3A_45, %parallel_loop3A_127] : memref<512x32xf32, #tpu.memory_space<vmem>>[vector<16xi32>, vector<16xi32>], vector<16xf32>,
      %parallel_loop3A_129 = tpu.vector_load_idx %arg13[%parallel_loop3A_45, %parallel_loop3A_127] : memref<512x32xf32, #tpu.memory_space<vmem>>[vector<16xi32>, vector<16xi32>], vector<16xf32>,
      %parallel_loop3A_130 = arith.mulf %parallel_loop3A_128, %parallel_loop3A_129 : vector<16xf32>
      %parallel_loop3A_131 = arith.addf %parallel_loop3A_125, %parallel_loop3A_130 : vector<16xf32>
      %parallel_loop3A_132 = arith.constant 14 : i32
      %parallel_loop3A_133 = vector.broadcast %parallel_loop3A_132 : i32 to vector<16xi32>
      %parallel_loop3A_134 = tpu.vector_load_idx %arg12[%parallel_loop3A_45, %parallel_loop3A_133] : memref<512x32xf32, #tpu.memory_space<vmem>>[vector<16xi32>, vector<16xi32>], vector<16xf32>,
      %parallel_loop3A_135 = tpu.vector_load_idx %arg13[%parallel_loop3A_45, %parallel_loop3A_133] : memref<512x32xf32, #tpu.memory_space<vmem>>[vector<16xi32>, vector<16xi32>], vector<16xf32>,
      %parallel_loop3A_136 = arith.mulf %parallel_loop3A_134, %parallel_loop3A_135 : vector<16xf32>
      %parallel_loop3A_137 = arith.addf %parallel_loop3A_131, %parallel_loop3A_136 : vector<16xf32>
      %parallel_loop3A_138 = arith.constant 15 : i32
      %parallel_loop3A_139 = vector.broadcast %parallel_loop3A_138 : i32 to vector<16xi32>
      %parallel_loop3A_140 = tpu.vector_load_idx %arg12[%parallel_loop3A_45, %parallel_loop3A_139] : memref<512x32xf32, #tpu.memory_space<vmem>>[vector<16xi32>, vector<16xi32>], vector<16xf32>,
      %parallel_loop3A_141 = tpu.vector_load_idx %arg13[%parallel_loop3A_45, %parallel_loop3A_139] : memref<512x32xf32, #tpu.memory_space<vmem>>[vector<16xi32>, vector<16xi32>], vector<16xf32>,
      %parallel_loop3A_142 = arith.mulf %parallel_loop3A_140, %parallel_loop3A_141 : vector<16xf32>
      %parallel_loop3A_143 = arith.addf %parallel_loop3A_137, %parallel_loop3A_142 : vector<16xf32>
      %parallel_loop3A_144 = arith.constant 16 : i32
      %parallel_loop3A_145 = vector.broadcast %parallel_loop3A_144 : i32 to vector<16xi32>
      %parallel_loop3A_146 = tpu.vector_load_idx %arg12[%parallel_loop3A_45, %parallel_loop3A_145] : memref<512x32xf32, #tpu.memory_space<vmem>>[vector<16xi32>, vector<16xi32>], vector<16xf32>,
      %parallel_loop3A_147 = tpu.vector_load_idx %arg13[%parallel_loop3A_45, %parallel_loop3A_145] : memref<512x32xf32, #tpu.memory_space<vmem>>[vector<16xi32>, vector<16xi32>], vector<16xf32>,
      %parallel_loop3A_148 = arith.mulf %parallel_loop3A_146, %parallel_loop3A_147 : vector<16xf32>
      %parallel_loop3A_149 = arith.addf %parallel_loop3A_143, %parallel_loop3A_148 : vector<16xf32>
      %parallel_loop3A_150 = arith.constant 17 : i32
      %parallel_loop3A_151 = vector.broadcast %parallel_loop3A_150 : i32 to vector<16xi32>
      %parallel_loop3A_152 = tpu.vector_load_idx %arg12[%parallel_loop3A_45, %parallel_loop3A_151] : memref<512x32xf32, #tpu.memory_space<vmem>>[vector<16xi32>, vector<16xi32>], vector<16xf32>,
      %parallel_loop3A_153 = tpu.vector_load_idx %arg13[%parallel_loop3A_45, %parallel_loop3A_151] : memref<512x32xf32, #tpu.memory_space<vmem>>[vector<16xi32>, vector<16xi32>], vector<16xf32>,
      %parallel_loop3A_154 = arith.mulf %parallel_loop3A_152, %parallel_loop3A_153 : vector<16xf32>
      %parallel_loop3A_155 = arith.addf %parallel_loop3A_149, %parallel_loop3A_154 : vector<16xf32>
      %parallel_loop3A_156 = arith.constant 18 : i32
      %parallel_loop3A_157 = vector.broadcast %parallel_loop3A_156 : i32 to vector<16xi32>
      %parallel_loop3A_158 = tpu.vector_load_idx %arg12[%parallel_loop3A_45, %parallel_loop3A_157] : memref<512x32xf32, #tpu.memory_space<vmem>>[vector<16xi32>, vector<16xi32>], vector<16xf32>,
      %parallel_loop3A_159 = tpu.vector_load_idx %arg13[%parallel_loop3A_45, %parallel_loop3A_157] : memref<512x32xf32, #tpu.memory_space<vmem>>[vector<16xi32>, vector<16xi32>], vector<16xf32>,
      %parallel_loop3A_160 = arith.mulf %parallel_loop3A_158, %parallel_loop3A_159 : vector<16xf32>
      %parallel_loop3A_161 = arith.addf %parallel_loop3A_155, %parallel_loop3A_160 : vector<16xf32>
      %parallel_loop3A_162 = arith.constant 19 : i32
      %parallel_loop3A_163 = vector.broadcast %parallel_loop3A_162 : i32 to vector<16xi32>
      %parallel_loop3A_164 = tpu.vector_load_idx %arg12[%parallel_loop3A_45, %parallel_loop3A_163] : memref<512x32xf32, #tpu.memory_space<vmem>>[vector<16xi32>, vector<16xi32>], vector<16xf32>,
      %parallel_loop3A_165 = tpu.vector_load_idx %arg13[%parallel_loop3A_45, %parallel_loop3A_163] : memref<512x32xf32, #tpu.memory_space<vmem>>[vector<16xi32>, vector<16xi32>], vector<16xf32>,
      %parallel_loop3A_166 = arith.mulf %parallel_loop3A_164, %parallel_loop3A_165 : vector<16xf32>
      %parallel_loop3A_167 = arith.addf %parallel_loop3A_161, %parallel_loop3A_166 : vector<16xf32>
      %parallel_loop3A_168 = arith.constant 20 : i32
      %parallel_loop3A_169 = vector.broadcast %parallel_loop3A_168 : i32 to vector<16xi32>
      %parallel_loop3A_170 = tpu.vector_load_idx %arg12[%parallel_loop3A_45, %parallel_loop3A_169] : memref<512x32xf32, #tpu.memory_space<vmem>>[vector<16xi32>, vector<16xi32>], vector<16xf32>,
      %parallel_loop3A_171 = tpu.vector_load_idx %arg13[%parallel_loop3A_45, %parallel_loop3A_169] : memref<512x32xf32, #tpu.memory_space<vmem>>[vector<16xi32>, vector<16xi32>], vector<16xf32>,
      %parallel_loop3A_172 = arith.mulf %parallel_loop3A_170, %parallel_loop3A_171 : vector<16xf32>
      %parallel_loop3A_173 = arith.addf %parallel_loop3A_167, %parallel_loop3A_172 : vector<16xf32>
      %parallel_loop3A_174 = arith.constant 21 : i32
      %parallel_loop3A_175 = vector.broadcast %parallel_loop3A_174 : i32 to vector<16xi32>
      %parallel_loop3A_176 = tpu.vector_load_idx %arg12[%parallel_loop3A_45, %parallel_loop3A_175] : memref<512x32xf32, #tpu.memory_space<vmem>>[vector<16xi32>, vector<16xi32>], vector<16xf32>,
      %parallel_loop3A_177 = tpu.vector_load_idx %arg13[%parallel_loop3A_45, %parallel_loop3A_175] : memref<512x32xf32, #tpu.memory_space<vmem>>[vector<16xi32>, vector<16xi32>], vector<16xf32>,
      %parallel_loop3A_178 = arith.mulf %parallel_loop3A_176, %parallel_loop3A_177 : vector<16xf32>
      %parallel_loop3A_179 = arith.addf %parallel_loop3A_173, %parallel_loop3A_178 : vector<16xf32>
      %parallel_loop3A_180 = arith.constant 22 : i32
      %parallel_loop3A_181 = vector.broadcast %parallel_loop3A_180 : i32 to vector<16xi32>
      %parallel_loop3A_182 = tpu.vector_load_idx %arg12[%parallel_loop3A_45, %parallel_loop3A_181] : memref<512x32xf32, #tpu.memory_space<vmem>>[vector<16xi32>, vector<16xi32>], vector<16xf32>,
      %parallel_loop3A_183 = tpu.vector_load_idx %arg13[%parallel_loop3A_45, %parallel_loop3A_181] : memref<512x32xf32, #tpu.memory_space<vmem>>[vector<16xi32>, vector<16xi32>], vector<16xf32>,
      %parallel_loop3A_184 = arith.mulf %parallel_loop3A_182, %parallel_loop3A_183 : vector<16xf32>
      %parallel_loop3A_185 = arith.addf %parallel_loop3A_179, %parallel_loop3A_184 : vector<16xf32>
      %parallel_loop3A_186 = arith.constant 23 : i32
      %parallel_loop3A_187 = vector.broadcast %parallel_loop3A_186 : i32 to vector<16xi32>
      %parallel_loop3A_188 = tpu.vector_load_idx %arg12[%parallel_loop3A_45, %parallel_loop3A_187] : memref<512x32xf32, #tpu.memory_space<vmem>>[vector<16xi32>, vector<16xi32>], vector<16xf32>,
      %parallel_loop3A_189 = tpu.vector_load_idx %arg13[%parallel_loop3A_45, %parallel_loop3A_187] : memref<512x32xf32, #tpu.memory_space<vmem>>[vector<16xi32>, vector<16xi32>], vector<16xf32>,
      %parallel_loop3A_190 = arith.mulf %parallel_loop3A_188, %parallel_loop3A_189 : vector<16xf32>
      %parallel_loop3A_191 = arith.addf %parallel_loop3A_185, %parallel_loop3A_190 : vector<16xf32>
      %parallel_loop3A_192 = arith.constant 24 : i32
      %parallel_loop3A_193 = vector.broadcast %parallel_loop3A_192 : i32 to vector<16xi32>
      %parallel_loop3A_194 = tpu.vector_load_idx %arg12[%parallel_loop3A_45, %parallel_loop3A_193] : memref<512x32xf32, #tpu.memory_space<vmem>>[vector<16xi32>, vector<16xi32>], vector<16xf32>,
      %parallel_loop3A_195 = tpu.vector_load_idx %arg13[%parallel_loop3A_45, %parallel_loop3A_193] : memref<512x32xf32, #tpu.memory_space<vmem>>[vector<16xi32>, vector<16xi32>], vector<16xf32>,
      %parallel_loop3A_196 = arith.mulf %parallel_loop3A_194, %parallel_loop3A_195 : vector<16xf32>
      %parallel_loop3A_197 = arith.addf %parallel_loop3A_191, %parallel_loop3A_196 : vector<16xf32>
      %parallel_loop3A_198 = arith.constant 25 : i32
      %parallel_loop3A_199 = vector.broadcast %parallel_loop3A_198 : i32 to vector<16xi32>
      %parallel_loop3A_200 = tpu.vector_load_idx %arg12[%parallel_loop3A_45, %parallel_loop3A_199] : memref<512x32xf32, #tpu.memory_space<vmem>>[vector<16xi32>, vector<16xi32>], vector<16xf32>,
      %parallel_loop3A_201 = tpu.vector_load_idx %arg13[%parallel_loop3A_45, %parallel_loop3A_199] : memref<512x32xf32, #tpu.memory_space<vmem>>[vector<16xi32>, vector<16xi32>], vector<16xf32>,
      %parallel_loop3A_202 = arith.mulf %parallel_loop3A_200, %parallel_loop3A_201 : vector<16xf32>
      %parallel_loop3A_203 = arith.addf %parallel_loop3A_197, %parallel_loop3A_202 : vector<16xf32>
      %parallel_loop3A_204 = arith.constant 26 : i32
      %parallel_loop3A_205 = vector.broadcast %parallel_loop3A_204 : i32 to vector<16xi32>
      %parallel_loop3A_206 = tpu.vector_load_idx %arg12[%parallel_loop3A_45, %parallel_loop3A_205] : memref<512x32xf32, #tpu.memory_space<vmem>>[vector<16xi32>, vector<16xi32>], vector<16xf32>,
      %parallel_loop3A_207 = tpu.vector_load_idx %arg13[%parallel_loop3A_45, %parallel_loop3A_205] : memref<512x32xf32, #tpu.memory_space<vmem>>[vector<16xi32>, vector<16xi32>], vector<16xf32>,
      %parallel_loop3A_208 = arith.mulf %parallel_loop3A_206, %parallel_loop3A_207 : vector<16xf32>
      %parallel_loop3A_209 = arith.addf %parallel_loop3A_203, %parallel_loop3A_208 : vector<16xf32>
      %parallel_loop3A_210 = arith.constant 27 : i32
      %parallel_loop3A_211 = vector.broadcast %parallel_loop3A_210 : i32 to vector<16xi32>
      %parallel_loop3A_212 = tpu.vector_load_idx %arg12[%parallel_loop3A_45, %parallel_loop3A_211] : memref<512x32xf32, #tpu.memory_space<vmem>>[vector<16xi32>, vector<16xi32>], vector<16xf32>,
      %parallel_loop3A_213 = tpu.vector_load_idx %arg13[%parallel_loop3A_45, %parallel_loop3A_211] : memref<512x32xf32, #tpu.memory_space<vmem>>[vector<16xi32>, vector<16xi32>], vector<16xf32>,
      %parallel_loop3A_214 = arith.mulf %parallel_loop3A_212, %parallel_loop3A_213 : vector<16xf32>
      %parallel_loop3A_215 = arith.addf %parallel_loop3A_209, %parallel_loop3A_214 : vector<16xf32>
      %parallel_loop3A_216 = arith.constant 28 : i32
      %parallel_loop3A_217 = vector.broadcast %parallel_loop3A_216 : i32 to vector<16xi32>
      %parallel_loop3A_218 = tpu.vector_load_idx %arg12[%parallel_loop3A_45, %parallel_loop3A_217] : memref<512x32xf32, #tpu.memory_space<vmem>>[vector<16xi32>, vector<16xi32>], vector<16xf32>,
      %parallel_loop3A_219 = tpu.vector_load_idx %arg13[%parallel_loop3A_45, %parallel_loop3A_217] : memref<512x32xf32, #tpu.memory_space<vmem>>[vector<16xi32>, vector<16xi32>], vector<16xf32>,
      %parallel_loop3A_220 = arith.mulf %parallel_loop3A_218, %parallel_loop3A_219 : vector<16xf32>
      %parallel_loop3A_221 = arith.addf %parallel_loop3A_215, %parallel_loop3A_220 : vector<16xf32>
      %parallel_loop3A_222 = arith.constant 29 : i32
      %parallel_loop3A_223 = vector.broadcast %parallel_loop3A_222 : i32 to vector<16xi32>
      %parallel_loop3A_224 = tpu.vector_load_idx %arg12[%parallel_loop3A_45, %parallel_loop3A_223] : memref<512x32xf32, #tpu.memory_space<vmem>>[vector<16xi32>, vector<16xi32>], vector<16xf32>,
      %parallel_loop3A_225 = tpu.vector_load_idx %arg13[%parallel_loop3A_45, %parallel_loop3A_223] : memref<512x32xf32, #tpu.memory_space<vmem>>[vector<16xi32>, vector<16xi32>], vector<16xf32>,
      %parallel_loop3A_226 = arith.mulf %parallel_loop3A_224, %parallel_loop3A_225 : vector<16xf32>
      %parallel_loop3A_227 = arith.addf %parallel_loop3A_221, %parallel_loop3A_226 : vector<16xf32>
      %parallel_loop3A_228 = arith.constant 30 : i32
      %parallel_loop3A_229 = vector.broadcast %parallel_loop3A_228 : i32 to vector<16xi32>
      %parallel_loop3A_230 = tpu.vector_load_idx %arg12[%parallel_loop3A_45, %parallel_loop3A_229] : memref<512x32xf32, #tpu.memory_space<vmem>>[vector<16xi32>, vector<16xi32>], vector<16xf32>,
      %parallel_loop3A_231 = tpu.vector_load_idx %arg13[%parallel_loop3A_45, %parallel_loop3A_229] : memref<512x32xf32, #tpu.memory_space<vmem>>[vector<16xi32>, vector<16xi32>], vector<16xf32>,
      %parallel_loop3A_232 = arith.mulf %parallel_loop3A_230, %parallel_loop3A_231 : vector<16xf32>
      %parallel_loop3A_233 = arith.addf %parallel_loop3A_227, %parallel_loop3A_232 : vector<16xf32>
      %parallel_loop3A_234 = arith.constant 31 : i32
      %parallel_loop3A_235 = vector.broadcast %parallel_loop3A_234 : i32 to vector<16xi32>
      %parallel_loop3A_236 = tpu.vector_load_idx %arg12[%parallel_loop3A_45, %parallel_loop3A_235] : memref<512x32xf32, #tpu.memory_space<vmem>>[vector<16xi32>, vector<16xi32>], vector<16xf32>,
      %parallel_loop3A_237 = tpu.vector_load_idx %arg13[%parallel_loop3A_45, %parallel_loop3A_235] : memref<512x32xf32, #tpu.memory_space<vmem>>[vector<16xi32>, vector<16xi32>], vector<16xf32>,
      %parallel_loop3A_238 = arith.mulf %parallel_loop3A_236, %parallel_loop3A_237 : vector<16xf32>
      %parallel_loop3A_239 = arith.addf %parallel_loop3A_233, %parallel_loop3A_238 : vector<16xf32>
      %parallel_loop3A_240 = arith.index_cast %parallel_loop3A_42 : i32 to index
      %parallel_loop3A_241 = tpu.vector_load %arg14[%parallel_loop3A_240] {strides = array<i32>} : memref<512xf32, #tpu.memory_space<vmem>>, vector<16xf32>,
      %parallel_loop3A_242 = arith.index_cast %parallel_loop3A_42 : i32 to index
      %parallel_loop3A_243 = tpu.vector_load %arg15[%parallel_loop3A_242] {strides = array<i32>} : memref<512xf32, #tpu.memory_space<vmem>>, vector<16xf32>,
      %parallel_loop3A_244 = arith.index_cast %parallel_loop3A_42 : i32 to index
      %parallel_loop3A_245 = tpu.vector_load %arg16[%parallel_loop3A_244] {strides = array<i32>} : memref<512xf32, #tpu.memory_space<vmem>>, vector<16xf32>,
      %parallel_loop3A_246 = arith.addf %parallel_loop3A_239, %parallel_loop3A_243 : vector<16xf32>
      %parallel_loop3A_247 = arith.addf %parallel_loop3A_246, %parallel_loop3A_241 : vector<16xf32>
      %parallel_loop3A_248 = arith.constant 0 : i32
      %parallel_loop3A_249 = vector.broadcast %parallel_loop3A_248 : i32 to vector<16xi32>
      %parallel_loop3A_250 = tpu.vector_load_idx %arg17[%parallel_loop3A_45, %parallel_loop3A_249] : memref<512x8xf32, #tpu.memory_space<vmem>>[vector<16xi32>, vector<16xi32>], vector<16xf32>,
      %parallel_loop3A_251 = math.exp %parallel_loop3A_250 : vector<16xf32>
      %parallel_loop3A_252 = arith.addf %parallel_loop3A_245, %parallel_loop3A_251 : vector<16xf32>
      %parallel_loop3A_253 = arith.constant 1 : i32
      %parallel_loop3A_254 = vector.broadcast %parallel_loop3A_253 : i32 to vector<16xi32>
      %parallel_loop3A_255 = tpu.vector_load_idx %arg17[%parallel_loop3A_45, %parallel_loop3A_254] : memref<512x8xf32, #tpu.memory_space<vmem>>[vector<16xi32>, vector<16xi32>], vector<16xf32>,
      %parallel_loop3A_256 = math.exp %parallel_loop3A_255 : vector<16xf32>
      %parallel_loop3A_257 = arith.addf %parallel_loop3A_252, %parallel_loop3A_256 : vector<16xf32>
      %parallel_loop3A_258 = arith.constant 2 : i32
      %parallel_loop3A_259 = vector.broadcast %parallel_loop3A_258 : i32 to vector<16xi32>
      %parallel_loop3A_260 = tpu.vector_load_idx %arg17[%parallel_loop3A_45, %parallel_loop3A_259] : memref<512x8xf32, #tpu.memory_space<vmem>>[vector<16xi32>, vector<16xi32>], vector<16xf32>,
      %parallel_loop3A_261 = math.exp %parallel_loop3A_260 : vector<16xf32>
      %parallel_loop3A_262 = arith.addf %parallel_loop3A_257, %parallel_loop3A_261 : vector<16xf32>
      %parallel_loop3A_263 = arith.constant 3 : i32
      %parallel_loop3A_264 = vector.broadcast %parallel_loop3A_263 : i32 to vector<16xi32>
      %parallel_loop3A_265 = tpu.vector_load_idx %arg17[%parallel_loop3A_45, %parallel_loop3A_264] : memref<512x8xf32, #tpu.memory_space<vmem>>[vector<16xi32>, vector<16xi32>], vector<16xf32>,
      %parallel_loop3A_266 = math.exp %parallel_loop3A_265 : vector<16xf32>
      %parallel_loop3A_267 = arith.addf %parallel_loop3A_262, %parallel_loop3A_266 : vector<16xf32>
      %parallel_loop3A_268 = arith.constant 4 : i32
      %parallel_loop3A_269 = vector.broadcast %parallel_loop3A_268 : i32 to vector<16xi32>
      %parallel_loop3A_270 = tpu.vector_load_idx %arg17[%parallel_loop3A_45, %parallel_loop3A_269] : memref<512x8xf32, #tpu.memory_space<vmem>>[vector<16xi32>, vector<16xi32>], vector<16xf32>,
      %parallel_loop3A_271 = math.exp %parallel_loop3A_270 : vector<16xf32>
      %parallel_loop3A_272 = arith.addf %parallel_loop3A_267, %parallel_loop3A_271 : vector<16xf32>
      %parallel_loop3A_273 = arith.constant 5 : i32
      %parallel_loop3A_274 = vector.broadcast %parallel_loop3A_273 : i32 to vector<16xi32>
      %parallel_loop3A_275 = tpu.vector_load_idx %arg17[%parallel_loop3A_45, %parallel_loop3A_274] : memref<512x8xf32, #tpu.memory_space<vmem>>[vector<16xi32>, vector<16xi32>], vector<16xf32>,
      %parallel_loop3A_276 = math.exp %parallel_loop3A_275 : vector<16xf32>
      %parallel_loop3A_277 = arith.addf %parallel_loop3A_272, %parallel_loop3A_276 : vector<16xf32>
      %parallel_loop3A_278 = arith.constant 6 : i32
      %parallel_loop3A_279 = vector.broadcast %parallel_loop3A_278 : i32 to vector<16xi32>
      %parallel_loop3A_280 = tpu.vector_load_idx %arg17[%parallel_loop3A_45, %parallel_loop3A_279] : memref<512x8xf32, #tpu.memory_space<vmem>>[vector<16xi32>, vector<16xi32>], vector<16xf32>,
      %parallel_loop3A_281 = math.exp %parallel_loop3A_280 : vector<16xf32>
      %parallel_loop3A_282 = arith.addf %parallel_loop3A_277, %parallel_loop3A_281 : vector<16xf32>
      %parallel_loop3A_283 = arith.constant 7 : i32
      %parallel_loop3A_284 = vector.broadcast %parallel_loop3A_283 : i32 to vector<16xi32>
      %parallel_loop3A_285 = tpu.vector_load_idx %arg17[%parallel_loop3A_45, %parallel_loop3A_284] : memref<512x8xf32, #tpu.memory_space<vmem>>[vector<16xi32>, vector<16xi32>], vector<16xf32>,
      %parallel_loop3A_286 = math.exp %parallel_loop3A_285 : vector<16xf32>
      %parallel_loop3A_287 = arith.addf %parallel_loop3A_282, %parallel_loop3A_286 : vector<16xf32>
      %parallel_loop3A_288 = arith.constant 1.000000e+00 : f32
      %parallel_loop3A_289 = vector.broadcast %parallel_loop3A_288 : f32 to vector<16xf32>
      %parallel_loop3A_290 = arith.subf %parallel_loop3A_247, %parallel_loop3A_245 : vector<16xf32>
      %parallel_loop3A_291 = math.exp %parallel_loop3A_290 : vector<16xf32>
      %parallel_loop3A_292 = arith.addf %parallel_loop3A_289, %parallel_loop3A_291 : vector<16xf32>
      %parallel_loop3A_293 = arith.divf %parallel_loop3A_289, %parallel_loop3A_292 : vector<16xf32>
      %parallel_loop3A_294 = arith.subf %parallel_loop3A_247, %parallel_loop3A_252 : vector<16xf32>
      %parallel_loop3A_295 = math.exp %parallel_loop3A_294 : vector<16xf32>
      %parallel_loop3A_296 = arith.addf %parallel_loop3A_289, %parallel_loop3A_295 : vector<16xf32>
      %parallel_loop3A_297 = arith.divf %parallel_loop3A_289, %parallel_loop3A_296 : vector<16xf32>
      %parallel_loop3A_298 = arith.subf %parallel_loop3A_247, %parallel_loop3A_257 : vector<16xf32>
      %parallel_loop3A_299 = math.exp %parallel_loop3A_298 : vector<16xf32>
      %parallel_loop3A_300 = arith.addf %parallel_loop3A_289, %parallel_loop3A_299 : vector<16xf32>
      %parallel_loop3A_301 = arith.divf %parallel_loop3A_289, %parallel_loop3A_300 : vector<16xf32>
      %parallel_loop3A_302 = arith.subf %parallel_loop3A_247, %parallel_loop3A_262 : vector<16xf32>
      %parallel_loop3A_303 = math.exp %parallel_loop3A_302 : vector<16xf32>
      %parallel_loop3A_304 = arith.addf %parallel_loop3A_289, %parallel_loop3A_303 : vector<16xf32>
      %parallel_loop3A_305 = arith.divf %parallel_loop3A_289, %parallel_loop3A_304 : vector<16xf32>
      %parallel_loop3A_306 = arith.subf %parallel_loop3A_247, %parallel_loop3A_267 : vector<16xf32>
      %parallel_loop3A_307 = math.exp %parallel_loop3A_306 : vector<16xf32>
      %parallel_loop3A_308 = arith.addf %parallel_loop3A_289, %parallel_loop3A_307 : vector<16xf32>
      %parallel_loop3A_309 = arith.divf %parallel_loop3A_289, %parallel_loop3A_308 : vector<16xf32>
      %parallel_loop3A_310 = arith.subf %parallel_loop3A_247, %parallel_loop3A_272 : vector<16xf32>
      %parallel_loop3A_311 = math.exp %parallel_loop3A_310 : vector<16xf32>
      %parallel_loop3A_312 = arith.addf %parallel_loop3A_289, %parallel_loop3A_311 : vector<16xf32>
      %parallel_loop3A_313 = arith.divf %parallel_loop3A_289, %parallel_loop3A_312 : vector<16xf32>
      %parallel_loop3A_314 = arith.subf %parallel_loop3A_247, %parallel_loop3A_277 : vector<16xf32>
      %parallel_loop3A_315 = math.exp %parallel_loop3A_314 : vector<16xf32>
      %parallel_loop3A_316 = arith.addf %parallel_loop3A_289, %parallel_loop3A_315 : vector<16xf32>
      %parallel_loop3A_317 = arith.divf %parallel_loop3A_289, %parallel_loop3A_316 : vector<16xf32>
      %parallel_loop3A_318 = arith.subf %parallel_loop3A_247, %parallel_loop3A_282 : vector<16xf32>
      %parallel_loop3A_319 = math.exp %parallel_loop3A_318 : vector<16xf32>
      %parallel_loop3A_320 = arith.addf %parallel_loop3A_289, %parallel_loop3A_319 : vector<16xf32>
      %parallel_loop3A_321 = arith.divf %parallel_loop3A_289, %parallel_loop3A_320 : vector<16xf32>
      %parallel_loop3A_322 = arith.subf %parallel_loop3A_247, %parallel_loop3A_287 : vector<16xf32>
      %parallel_loop3A_323 = math.exp %parallel_loop3A_322 : vector<16xf32>
      %parallel_loop3A_324 = arith.addf %parallel_loop3A_289, %parallel_loop3A_323 : vector<16xf32>
      %parallel_loop3A_325 = arith.divf %parallel_loop3A_289, %parallel_loop3A_324 : vector<16xf32>
      %parallel_loop3A_326 = arith.subf %parallel_loop3A_297, %parallel_loop3A_293 : vector<16xf32>
      %parallel_loop3A_327 = arith.subf %parallel_loop3A_301, %parallel_loop3A_297 : vector<16xf32>
      %parallel_loop3A_328 = arith.subf %parallel_loop3A_305, %parallel_loop3A_301 : vector<16xf32>
      %parallel_loop3A_329 = arith.subf %parallel_loop3A_309, %parallel_loop3A_305 : vector<16xf32>
      %parallel_loop3A_330 = arith.subf %parallel_loop3A_313, %parallel_loop3A_309 : vector<16xf32>
      %parallel_loop3A_331 = arith.subf %parallel_loop3A_317, %parallel_loop3A_313 : vector<16xf32>
      %parallel_loop3A_332 = arith.subf %parallel_loop3A_321, %parallel_loop3A_317 : vector<16xf32>
      %parallel_loop3A_333 = arith.subf %parallel_loop3A_325, %parallel_loop3A_321 : vector<16xf32>
      %parallel_loop3A_334 = arith.subf %parallel_loop3A_289, %parallel_loop3A_325 : vector<16xf32>
      %parallel_loop3A_335 = arith.constant 0.000000e+00 : f32
      %parallel_loop3A_336 = vector.broadcast %parallel_loop3A_335 : f32 to vector<16xf32>
      %parallel_loop3A_337 = arith.constant 0.000000e+00 : f32
      %parallel_loop3A_338 = vector.broadcast %parallel_loop3A_337 : f32 to vector<16xf32>
      %parallel_loop3A_339 = arith.constant 5.000000e-01 : f32
      %parallel_loop3A_340 = vector.broadcast %parallel_loop3A_339 : f32 to vector<16xf32>
      %parallel_loop3A_341 = arith.mulf %parallel_loop3A_293, %parallel_loop3A_340 : vector<16xf32>
      %parallel_loop3A_342 = arith.addf %parallel_loop3A_336, %parallel_loop3A_341 : vector<16xf32>
      %parallel_loop3A_343 = arith.constant 1.000000e+00 : f32
      %parallel_loop3A_344 = vector.broadcast %parallel_loop3A_343 : f32 to vector<16xf32>
      %parallel_loop3A_345 = arith.mulf %parallel_loop3A_326, %parallel_loop3A_344 : vector<16xf32>
      %parallel_loop3A_346 = arith.addf %parallel_loop3A_342, %parallel_loop3A_345 : vector<16xf32>
      %parallel_loop3A_347 = arith.cmpf ogt, %parallel_loop3A_326, %parallel_loop3A_293 : vector<16xf32>
      %parallel_loop3A_348 = arith.select %parallel_loop3A_347, %parallel_loop3A_326, %parallel_loop3A_293 : vector<16xi1>, vector<16xf32>
      %parallel_loop3A_349 = arith.constant 1.000000e+00 : f32
      %parallel_loop3A_350 = vector.broadcast %parallel_loop3A_349 : f32 to vector<16xf32>
      %parallel_loop3A_351 = arith.select %parallel_loop3A_347, %parallel_loop3A_350, %parallel_loop3A_338 : vector<16xi1>, vector<16xf32>
      %parallel_loop3A_352 = arith.constant 1.500000e+00 : f32
      %parallel_loop3A_353 = vector.broadcast %parallel_loop3A_352 : f32 to vector<16xf32>
      %parallel_loop3A_354 = arith.mulf %parallel_loop3A_327, %parallel_loop3A_353 : vector<16xf32>
      %parallel_loop3A_355 = arith.addf %parallel_loop3A_346, %parallel_loop3A_354 : vector<16xf32>
      %parallel_loop3A_356 = arith.cmpf ogt, %parallel_loop3A_327, %parallel_loop3A_348 : vector<16xf32>
      %parallel_loop3A_357 = arith.select %parallel_loop3A_356, %parallel_loop3A_327, %parallel_loop3A_348 : vector<16xi1>, vector<16xf32>
      %parallel_loop3A_358 = arith.constant 2.000000e+00 : f32
      %parallel_loop3A_359 = vector.broadcast %parallel_loop3A_358 : f32 to vector<16xf32>
      %parallel_loop3A_360 = arith.select %parallel_loop3A_356, %parallel_loop3A_359, %parallel_loop3A_351 : vector<16xi1>, vector<16xf32>
      %parallel_loop3A_361 = arith.constant 2.000000e+00 : f32
      %parallel_loop3A_362 = vector.broadcast %parallel_loop3A_361 : f32 to vector<16xf32>
      %parallel_loop3A_363 = arith.mulf %parallel_loop3A_328, %parallel_loop3A_362 : vector<16xf32>
      %parallel_loop3A_364 = arith.addf %parallel_loop3A_355, %parallel_loop3A_363 : vector<16xf32>
      %parallel_loop3A_365 = arith.cmpf ogt, %parallel_loop3A_328, %parallel_loop3A_357 : vector<16xf32>
      %parallel_loop3A_366 = arith.select %parallel_loop3A_365, %parallel_loop3A_328, %parallel_loop3A_357 : vector<16xi1>, vector<16xf32>
      %parallel_loop3A_367 = arith.constant 3.000000e+00 : f32
      %parallel_loop3A_368 = vector.broadcast %parallel_loop3A_367 : f32 to vector<16xf32>
      %parallel_loop3A_369 = arith.select %parallel_loop3A_365, %parallel_loop3A_368, %parallel_loop3A_360 : vector<16xi1>, vector<16xf32>
      %parallel_loop3A_370 = arith.constant 2.500000e+00 : f32
      %parallel_loop3A_371 = vector.broadcast %parallel_loop3A_370 : f32 to vector<16xf32>
      %parallel_loop3A_372 = arith.mulf %parallel_loop3A_329, %parallel_loop3A_371 : vector<16xf32>
      %parallel_loop3A_373 = arith.addf %parallel_loop3A_364, %parallel_loop3A_372 : vector<16xf32>
      %parallel_loop3A_374 = arith.cmpf ogt, %parallel_loop3A_329, %parallel_loop3A_366 : vector<16xf32>
      %parallel_loop3A_375 = arith.select %parallel_loop3A_374, %parallel_loop3A_329, %parallel_loop3A_366 : vector<16xi1>, vector<16xf32>
      %parallel_loop3A_376 = arith.constant 4.000000e+00 : f32
      %parallel_loop3A_377 = vector.broadcast %parallel_loop3A_376 : f32 to vector<16xf32>
      %parallel_loop3A_378 = arith.select %parallel_loop3A_374, %parallel_loop3A_377, %parallel_loop3A_369 : vector<16xi1>, vector<16xf32>
      %parallel_loop3A_379 = arith.constant 3.000000e+00 : f32
      %parallel_loop3A_380 = vector.broadcast %parallel_loop3A_379 : f32 to vector<16xf32>
      %parallel_loop3A_381 = arith.mulf %parallel_loop3A_330, %parallel_loop3A_380 : vector<16xf32>
      %parallel_loop3A_382 = arith.addf %parallel_loop3A_373, %parallel_loop3A_381 : vector<16xf32>
      %parallel_loop3A_383 = arith.cmpf ogt, %parallel_loop3A_330, %parallel_loop3A_375 : vector<16xf32>
      %parallel_loop3A_384 = arith.select %parallel_loop3A_383, %parallel_loop3A_330, %parallel_loop3A_375 : vector<16xi1>, vector<16xf32>
      %parallel_loop3A_385 = arith.constant 5.000000e+00 : f32
      %parallel_loop3A_386 = vector.broadcast %parallel_loop3A_385 : f32 to vector<16xf32>
      %parallel_loop3A_387 = arith.select %parallel_loop3A_383, %parallel_loop3A_386, %parallel_loop3A_378 : vector<16xi1>, vector<16xf32>
      %parallel_loop3A_388 = arith.constant 3.500000e+00 : f32
      %parallel_loop3A_389 = vector.broadcast %parallel_loop3A_388 : f32 to vector<16xf32>
      %parallel_loop3A_390 = arith.mulf %parallel_loop3A_331, %parallel_loop3A_389 : vector<16xf32>
      %parallel_loop3A_391 = arith.addf %parallel_loop3A_382, %parallel_loop3A_390 : vector<16xf32>
      %parallel_loop3A_392 = arith.cmpf ogt, %parallel_loop3A_331, %parallel_loop3A_384 : vector<16xf32>
      %parallel_loop3A_393 = arith.select %parallel_loop3A_392, %parallel_loop3A_331, %parallel_loop3A_384 : vector<16xi1>, vector<16xf32>
      %parallel_loop3A_394 = arith.constant 6.000000e+00 : f32
      %parallel_loop3A_395 = vector.broadcast %parallel_loop3A_394 : f32 to vector<16xf32>
      %parallel_loop3A_396 = arith.select %parallel_loop3A_392, %parallel_loop3A_395, %parallel_loop3A_387 : vector<16xi1>, vector<16xf32>
      %parallel_loop3A_397 = arith.constant 4.000000e+00 : f32
      %parallel_loop3A_398 = vector.broadcast %parallel_loop3A_397 : f32 to vector<16xf32>
      %parallel_loop3A_399 = arith.mulf %parallel_loop3A_332, %parallel_loop3A_398 : vector<16xf32>
      %parallel_loop3A_400 = arith.addf %parallel_loop3A_391, %parallel_loop3A_399 : vector<16xf32>
      %parallel_loop3A_401 = arith.cmpf ogt, %parallel_loop3A_332, %parallel_loop3A_393 : vector<16xf32>
      %parallel_loop3A_402 = arith.select %parallel_loop3A_401, %parallel_loop3A_332, %parallel_loop3A_393 : vector<16xi1>, vector<16xf32>
      %parallel_loop3A_403 = arith.constant 7.000000e+00 : f32
      %parallel_loop3A_404 = vector.broadcast %parallel_loop3A_403 : f32 to vector<16xf32>
      %parallel_loop3A_405 = arith.select %parallel_loop3A_401, %parallel_loop3A_404, %parallel_loop3A_396 : vector<16xi1>, vector<16xf32>
      %parallel_loop3A_406 = arith.constant 4.500000e+00 : f32
      %parallel_loop3A_407 = vector.broadcast %parallel_loop3A_406 : f32 to vector<16xf32>
      %parallel_loop3A_408 = arith.mulf %parallel_loop3A_333, %parallel_loop3A_407 : vector<16xf32>
      %parallel_loop3A_409 = arith.addf %parallel_loop3A_400, %parallel_loop3A_408 : vector<16xf32>
      %parallel_loop3A_410 = arith.cmpf ogt, %parallel_loop3A_333, %parallel_loop3A_402 : vector<16xf32>
      %parallel_loop3A_411 = arith.select %parallel_loop3A_410, %parallel_loop3A_333, %parallel_loop3A_402 : vector<16xi1>, vector<16xf32>
      %parallel_loop3A_412 = arith.constant 8.000000e+00 : f32
      %parallel_loop3A_413 = vector.broadcast %parallel_loop3A_412 : f32 to vector<16xf32>
      %parallel_loop3A_414 = arith.select %parallel_loop3A_410, %parallel_loop3A_413, %parallel_loop3A_405 : vector<16xi1>, vector<16xf32>
      %parallel_loop3A_415 = arith.constant 5.000000e+00 : f32
      %parallel_loop3A_416 = vector.broadcast %parallel_loop3A_415 : f32 to vector<16xf32>
      %parallel_loop3A_417 = arith.mulf %parallel_loop3A_334, %parallel_loop3A_416 : vector<16xf32>
      %parallel_loop3A_418 = arith.addf %parallel_loop3A_409, %parallel_loop3A_417 : vector<16xf32>
      %parallel_loop3A_419 = arith.cmpf ogt, %parallel_loop3A_334, %parallel_loop3A_411 : vector<16xf32>
      %parallel_loop3A_420 = arith.select %parallel_loop3A_419, %parallel_loop3A_334, %parallel_loop3A_411 : vector<16xi1>, vector<16xf32>
      %parallel_loop3A_421 = arith.constant 9.000000e+00 : f32
      %parallel_loop3A_422 = vector.broadcast %parallel_loop3A_421 : f32 to vector<16xf32>
      %parallel_loop3A_423 = arith.select %parallel_loop3A_419, %parallel_loop3A_422, %parallel_loop3A_414 : vector<16xi1>, vector<16xf32>
      %parallel_loop3A_424 = arith.constant 5.000000e-01 : f32
      %parallel_loop3A_425 = vector.broadcast %parallel_loop3A_424 : f32 to vector<16xf32>
      %parallel_loop3A_426 = arith.mulf %parallel_loop3A_423, %parallel_loop3A_425 : vector<16xf32>
      %parallel_loop3A_427 = arith.constant 5.000000e-01 : f32
      %parallel_loop3A_428 = vector.broadcast %parallel_loop3A_427 : f32 to vector<16xf32>
      %parallel_loop3A_429 = arith.addf %parallel_loop3A_428, %parallel_loop3A_426 : vector<16xf32>
      %parallel_loop3A_430 = arith.constant 0 : i32
      %parallel_loop3A_431 = vector.broadcast %parallel_loop3A_430 : i32 to vector<16xi32>
      tpu.vector_store_idx %arg21[%parallel_loop3A_45, %parallel_loop3A_431], %parallel_loop3A_245 : memref<512x10xf32, #tpu.memory_space<vmem>>[vector<16xi32>, vector<16xi32>], vector<16xf32>,
      %parallel_loop3A_432 = arith.constant 1 : i32
      %parallel_loop3A_433 = vector.broadcast %parallel_loop3A_432 : i32 to vector<16xi32>
      tpu.vector_store_idx %arg21[%parallel_loop3A_45, %parallel_loop3A_433], %parallel_loop3A_252 : memref<512x10xf32, #tpu.memory_space<vmem>>[vector<16xi32>, vector<16xi32>], vector<16xf32>,
      %parallel_loop3A_434 = arith.constant 2 : i32
      %parallel_loop3A_435 = vector.broadcast %parallel_loop3A_434 : i32 to vector<16xi32>
      tpu.vector_store_idx %arg21[%parallel_loop3A_45, %parallel_loop3A_435], %parallel_loop3A_257 : memref<512x10xf32, #tpu.memory_space<vmem>>[vector<16xi32>, vector<16xi32>], vector<16xf32>,
      %parallel_loop3A_436 = arith.constant 3 : i32
      %parallel_loop3A_437 = vector.broadcast %parallel_loop3A_436 : i32 to vector<16xi32>
      tpu.vector_store_idx %arg21[%parallel_loop3A_45, %parallel_loop3A_437], %parallel_loop3A_262 : memref<512x10xf32, #tpu.memory_space<vmem>>[vector<16xi32>, vector<16xi32>], vector<16xf32>,
      %parallel_loop3A_438 = arith.constant 4 : i32
      %parallel_loop3A_439 = vector.broadcast %parallel_loop3A_438 : i32 to vector<16xi32>
      tpu.vector_store_idx %arg21[%parallel_loop3A_45, %parallel_loop3A_439], %parallel_loop3A_267 : memref<512x10xf32, #tpu.memory_space<vmem>>[vector<16xi32>, vector<16xi32>], vector<16xf32>,
      %parallel_loop3A_440 = arith.constant 5 : i32
      %parallel_loop3A_441 = vector.broadcast %parallel_loop3A_440 : i32 to vector<16xi32>
      tpu.vector_store_idx %arg21[%parallel_loop3A_45, %parallel_loop3A_441], %parallel_loop3A_272 : memref<512x10xf32, #tpu.memory_space<vmem>>[vector<16xi32>, vector<16xi32>], vector<16xf32>,
      %parallel_loop3A_442 = arith.constant 6 : i32
      %parallel_loop3A_443 = vector.broadcast %parallel_loop3A_442 : i32 to vector<16xi32>
      tpu.vector_store_idx %arg21[%parallel_loop3A_45, %parallel_loop3A_443], %parallel_loop3A_277 : memref<512x10xf32, #tpu.memory_space<vmem>>[vector<16xi32>, vector<16xi32>], vector<16xf32>,
      %parallel_loop3A_444 = arith.constant 7 : i32
      %parallel_loop3A_445 = vector.broadcast %parallel_loop3A_444 : i32 to vector<16xi32>
      tpu.vector_store_idx %arg21[%parallel_loop3A_45, %parallel_loop3A_445], %parallel_loop3A_282 : memref<512x10xf32, #tpu.memory_space<vmem>>[vector<16xi32>, vector<16xi32>], vector<16xf32>,
      %parallel_loop3A_446 = arith.constant 8 : i32
      %parallel_loop3A_447 = vector.broadcast %parallel_loop3A_446 : i32 to vector<16xi32>
      tpu.vector_store_idx %arg21[%parallel_loop3A_45, %parallel_loop3A_447], %parallel_loop3A_287 : memref<512x10xf32, #tpu.memory_space<vmem>>[vector<16xi32>, vector<16xi32>], vector<16xf32>,
      %parallel_loop3A_448 = arith.constant 9 : i32
      %parallel_loop3A_449 = vector.broadcast %parallel_loop3A_448 : i32 to vector<16xi32>
      %parallel_loop3A_450 = arith.constant 0x7F800000 : f32
      %parallel_loop3A_451 = vector.broadcast %parallel_loop3A_450 : f32 to vector<16xf32>
      tpu.vector_store_idx %arg21[%parallel_loop3A_45, %parallel_loop3A_449], %parallel_loop3A_451 : memref<512x10xf32, #tpu.memory_space<vmem>>[vector<16xi32>, vector<16xi32>], vector<16xf32>,
      %parallel_loop3A_452 = arith.constant 0 : i32
      %parallel_loop3A_453 = vector.broadcast %parallel_loop3A_452 : i32 to vector<16xi32>
      tpu.vector_store_idx %arg18[%parallel_loop3A_45, %parallel_loop3A_453], %parallel_loop3A_293 : memref<512x10xf32, #tpu.memory_space<vmem>>[vector<16xi32>, vector<16xi32>], vector<16xf32>,
      %parallel_loop3A_454 = arith.constant 1 : i32
      %parallel_loop3A_455 = vector.broadcast %parallel_loop3A_454 : i32 to vector<16xi32>
      tpu.vector_store_idx %arg18[%parallel_loop3A_45, %parallel_loop3A_455], %parallel_loop3A_326 : memref<512x10xf32, #tpu.memory_space<vmem>>[vector<16xi32>, vector<16xi32>], vector<16xf32>,
      %parallel_loop3A_456 = arith.constant 2 : i32
      %parallel_loop3A_457 = vector.broadcast %parallel_loop3A_456 : i32 to vector<16xi32>
      tpu.vector_store_idx %arg18[%parallel_loop3A_45, %parallel_loop3A_457], %parallel_loop3A_327 : memref<512x10xf32, #tpu.memory_space<vmem>>[vector<16xi32>, vector<16xi32>], vector<16xf32>,
      %parallel_loop3A_458 = arith.constant 3 : i32
      %parallel_loop3A_459 = vector.broadcast %parallel_loop3A_458 : i32 to vector<16xi32>
      tpu.vector_store_idx %arg18[%parallel_loop3A_45, %parallel_loop3A_459], %parallel_loop3A_328 : memref<512x10xf32, #tpu.memory_space<vmem>>[vector<16xi32>, vector<16xi32>], vector<16xf32>,
      %parallel_loop3A_460 = arith.constant 4 : i32
      %parallel_loop3A_461 = vector.broadcast %parallel_loop3A_460 : i32 to vector<16xi32>
      tpu.vector_store_idx %arg18[%parallel_loop3A_45, %parallel_loop3A_461], %parallel_loop3A_329 : memref<512x10xf32, #tpu.memory_space<vmem>>[vector<16xi32>, vector<16xi32>], vector<16xf32>,
      %parallel_loop3A_462 = arith.constant 5 : i32
      %parallel_loop3A_463 = vector.broadcast %parallel_loop3A_462 : i32 to vector<16xi32>
      tpu.vector_store_idx %arg18[%parallel_loop3A_45, %parallel_loop3A_463], %parallel_loop3A_330 : memref<512x10xf32, #tpu.memory_space<vmem>>[vector<16xi32>, vector<16xi32>], vector<16xf32>,
      %parallel_loop3A_464 = arith.constant 6 : i32
      %parallel_loop3A_465 = vector.broadcast %parallel_loop3A_464 : i32 to vector<16xi32>
      tpu.vector_store_idx %arg18[%parallel_loop3A_45, %parallel_loop3A_465], %parallel_loop3A_331 : memref<512x10xf32, #tpu.memory_space<vmem>>[vector<16xi32>, vector<16xi32>], vector<16xf32>,
      %parallel_loop3A_466 = arith.constant 7 : i32
      %parallel_loop3A_467 = vector.broadcast %parallel_loop3A_466 : i32 to vector<16xi32>
      tpu.vector_store_idx %arg18[%parallel_loop3A_45, %parallel_loop3A_467], %parallel_loop3A_332 : memref<512x10xf32, #tpu.memory_space<vmem>>[vector<16xi32>, vector<16xi32>], vector<16xf32>,
      %parallel_loop3A_468 = arith.constant 8 : i32
      %parallel_loop3A_469 = vector.broadcast %parallel_loop3A_468 : i32 to vector<16xi32>
      tpu.vector_store_idx %arg18[%parallel_loop3A_45, %parallel_loop3A_469], %parallel_loop3A_333 : memref<512x10xf32, #tpu.memory_space<vmem>>[vector<16xi32>, vector<16xi32>], vector<16xf32>,
      %parallel_loop3A_470 = arith.constant 9 : i32
      %parallel_loop3A_471 = vector.broadcast %parallel_loop3A_470 : i32 to vector<16xi32>
      tpu.vector_store_idx %arg18[%parallel_loop3A_45, %parallel_loop3A_471], %parallel_loop3A_334 : memref<512x10xf32, #tpu.memory_space<vmem>>[vector<16xi32>, vector<16xi32>], vector<16xf32>,
      %parallel_loop3A_472 = arith.index_cast %parallel_loop3A_42 : i32 to index
      %parallel_loop3A_473 = tpu.vector_load %arg19[%parallel_loop3A_472] {strides = array<i32>} : memref<512xf32, #tpu.memory_space<vmem>>, vector<16xf32>,
      tpu.vector_store %arg19[%parallel_loop3A_472], %parallel_loop3A_418 {strides = array<i32>} : memref<512xf32, #tpu.memory_space<vmem>>, vector<16xf32>,
      %parallel_loop3A_474 = arith.index_cast %parallel_loop3A_42 : i32 to index
      %parallel_loop3A_475 = tpu.vector_load %arg20[%parallel_loop3A_474] {strides = array<i32>} : memref<512xf32, #tpu.memory_space<vmem>>, vector<16xf32>,
      tpu.vector_store %arg20[%parallel_loop3A_474], %parallel_loop3A_429 {strides = array<i32>} : memref<512xf32, #tpu.memory_space<vmem>>, vector<16xf32>,
    } {sc.loop_unroll_factor = 2 : i64, sc.parallel_access}
    "tpu.region"() ({
      %run_scoped3A = tpu.sem_alloc : memref<!tpu.dma_semaphore, #tpu.memory_space<semaphore_mem>>
      %dma_start3A_39 = arith.constant 0 : i32
      %dma_start3A_40 = tpu.memref_slice %arg8[%multiple_of3A, %dma_start3A_39] : memref<16384x10xf32, #tpu.memory_space<hbm>> -> memref<512x10xf32, #tpu.memory_space<hbm>>
      %dma_start3A_41 = arith.constant 0 : i32
      %dma_start3A_42 = tpu.memref_slice %arg8[%multiple_of3A, %dma_start3A_41] : memref<16384x10xf32, #tpu.memory_space<hbm>> -> memref<512x10xf32, #tpu.memory_space<hbm>>
      tpu.enqueue_dma source(%arg18 : memref<512x10xf32, #tpu.memory_space<vmem>>) target(%dma_start3A_42 : memref<512x10xf32, #tpu.memory_space<hbm>>) target_semaphore(%run_scoped3A : memref<!tpu.dma_semaphore, #tpu.memory_space<semaphore_mem>>)
      %dma_wait3A_43 = arith.constant 0 : i32
      %dma_wait3A_44 = tpu.memref_slice %arg8[%multiple_of3A, %dma_wait3A_43] : memref<16384x10xf32, #tpu.memory_space<hbm>> -> memref<512x10xf32, #tpu.memory_space<hbm>>
      %dma_wait3A_45 = arith.constant 0 : i32
      %dma_wait3A_46 = tpu.memref_slice %arg8[%multiple_of3A, %dma_wait3A_45] : memref<16384x10xf32, #tpu.memory_space<hbm>> -> memref<512x10xf32, #tpu.memory_space<hbm>>
      tpu.wait_dma2 semaphore(%run_scoped3A : memref<!tpu.dma_semaphore, #tpu.memory_space<semaphore_mem>>) src(%arg18 : memref<512x10xf32, #tpu.memory_space<vmem>>) dst(%dma_wait3A_46 : memref<512x10xf32, #tpu.memory_space<hbm>>)
      tpu.yield
    }) : () -> ()
    "tpu.region"() ({
      %run_scoped3A = tpu.sem_alloc : memref<!tpu.dma_semaphore, #tpu.memory_space<semaphore_mem>>
      %dma_start3A_39 = tpu.memref_slice %arg9[%multiple_of3A] : memref<16384xf32, #tpu.memory_space<hbm>> -> memref<512xf32, #tpu.memory_space<hbm>>
      %dma_start3A_40 = tpu.memref_slice %arg9[%multiple_of3A] : memref<16384xf32, #tpu.memory_space<hbm>> -> memref<512xf32, #tpu.memory_space<hbm>>
      tpu.enqueue_dma source(%arg19 : memref<512xf32, #tpu.memory_space<vmem>>) target(%dma_start3A_40 : memref<512xf32, #tpu.memory_space<hbm>>) target_semaphore(%run_scoped3A : memref<!tpu.dma_semaphore, #tpu.memory_space<semaphore_mem>>)
      %dma_wait3A_41 = tpu.memref_slice %arg9[%multiple_of3A] : memref<16384xf32, #tpu.memory_space<hbm>> -> memref<512xf32, #tpu.memory_space<hbm>>
      %dma_wait3A_42 = tpu.memref_slice %arg9[%multiple_of3A] : memref<16384xf32, #tpu.memory_space<hbm>> -> memref<512xf32, #tpu.memory_space<hbm>>
      tpu.wait_dma2 semaphore(%run_scoped3A : memref<!tpu.dma_semaphore, #tpu.memory_space<semaphore_mem>>) src(%arg19 : memref<512xf32, #tpu.memory_space<vmem>>) dst(%dma_wait3A_42 : memref<512xf32, #tpu.memory_space<hbm>>)
      tpu.yield
    }) : () -> ()
    "tpu.region"() ({
      %run_scoped3A = tpu.sem_alloc : memref<!tpu.dma_semaphore, #tpu.memory_space<semaphore_mem>>
      %dma_start3A_39 = tpu.memref_slice %arg10[%multiple_of3A] : memref<16384xf32, #tpu.memory_space<hbm>> -> memref<512xf32, #tpu.memory_space<hbm>>
      %dma_start3A_40 = tpu.memref_slice %arg10[%multiple_of3A] : memref<16384xf32, #tpu.memory_space<hbm>> -> memref<512xf32, #tpu.memory_space<hbm>>
      tpu.enqueue_dma source(%arg20 : memref<512xf32, #tpu.memory_space<vmem>>) target(%dma_start3A_40 : memref<512xf32, #tpu.memory_space<hbm>>) target_semaphore(%run_scoped3A : memref<!tpu.dma_semaphore, #tpu.memory_space<semaphore_mem>>)
      %dma_wait3A_41 = tpu.memref_slice %arg10[%multiple_of3A] : memref<16384xf32, #tpu.memory_space<hbm>> -> memref<512xf32, #tpu.memory_space<hbm>>
      %dma_wait3A_42 = tpu.memref_slice %arg10[%multiple_of3A] : memref<16384xf32, #tpu.memory_space<hbm>> -> memref<512xf32, #tpu.memory_space<hbm>>
      tpu.wait_dma2 semaphore(%run_scoped3A : memref<!tpu.dma_semaphore, #tpu.memory_space<semaphore_mem>>) src(%arg20 : memref<512xf32, #tpu.memory_space<vmem>>) dst(%dma_wait3A_42 : memref<512xf32, #tpu.memory_space<hbm>>)
      tpu.yield
    }) : () -> ()
    "tpu.region"() ({
      %run_scoped3A = tpu.sem_alloc : memref<!tpu.dma_semaphore, #tpu.memory_space<semaphore_mem>>
      %dma_start3A_39 = arith.constant 0 : i32
      %dma_start3A_40 = tpu.memref_slice %arg11[%multiple_of3A, %dma_start3A_39] : memref<16384x10xf32, #tpu.memory_space<hbm>> -> memref<512x10xf32, #tpu.memory_space<hbm>>
      %dma_start3A_41 = arith.constant 0 : i32
      %dma_start3A_42 = tpu.memref_slice %arg11[%multiple_of3A, %dma_start3A_41] : memref<16384x10xf32, #tpu.memory_space<hbm>> -> memref<512x10xf32, #tpu.memory_space<hbm>>
      tpu.enqueue_dma source(%arg21 : memref<512x10xf32, #tpu.memory_space<vmem>>) target(%dma_start3A_42 : memref<512x10xf32, #tpu.memory_space<hbm>>) target_semaphore(%run_scoped3A : memref<!tpu.dma_semaphore, #tpu.memory_space<semaphore_mem>>)
      %dma_wait3A_43 = arith.constant 0 : i32
      %dma_wait3A_44 = tpu.memref_slice %arg11[%multiple_of3A, %dma_wait3A_43] : memref<16384x10xf32, #tpu.memory_space<hbm>> -> memref<512x10xf32, #tpu.memory_space<hbm>>
      %dma_wait3A_45 = arith.constant 0 : i32
      %dma_wait3A_46 = tpu.memref_slice %arg11[%multiple_of3A, %dma_wait3A_45] : memref<16384x10xf32, #tpu.memory_space<hbm>> -> memref<512x10xf32, #tpu.memory_space<hbm>>
      tpu.wait_dma2 semaphore(%run_scoped3A : memref<!tpu.dma_semaphore, #tpu.memory_space<semaphore_mem>>) src(%arg21 : memref<512x10xf32, #tpu.memory_space<vmem>>) dst(%dma_wait3A_46 : memref<512x10xf32, #tpu.memory_space<hbm>>)
      tpu.yield
    }) : () -> ()
    return
  }
}

</mosaic_0001>

<sc_bundles>
// kernel: gather_offload_async_start.1
scs
__scs_entry_jumppad:
0x0: {  	(pc) =	sbr.rel $0x88, $3  }
0x1: {  	(tag) =	ssettag $0x0;
	lr =	simm.s32 $0x1  }
0x2: {  	[smem:$0x3F99] =	sst lr;
	_ =	strace $0xD0000000  }
0x3: {  	_ = 	snop  }
0x4: {  	_ = 	snop  }
0x5: {  	_ = 	snop  }
0x6: {  	_ = 	snop  }
0x7: {  	_ = 	snop  }
__scs_overlays_trampoline_lowered:
0x8: {  	[smem:$0x3FA8] =	sst s0  }
0x9: {  	[smem:$0x3FA9] =	sst s1  }
0xa: {  	[smem:$0x3FAA] =	sst s2  }
0xb: {  	[smem:$0x3FAB] =	sst s3  }
0xc: {  	[smem:$0x3FAC] =	sst s4  }
0xd: {  	[smem:$0x3FAD] =	sst s5  }
0xe: {  	[smem:$0x3FAE] =	sst s6  }
0xf: {  	[smem:$0x3FAF] =	sst s7  }
0x10: {  	[smem:$0x3FB0] =	sst s8  }
0x11: {  	[smem:$0x3FB1] =	sst s9;
	s0 =	simm.s32 @!p0 $0x0  }
0x12: {  	s1 =	sld [smem:$0x3F97];
	s0 =	simm.s32 @p0 $0x1  }
0x13: {  	[smem:$0x3FB2] =	sst s0;
	s0 =	simm.s32 @!p1 $0x0  }
0x14: {  	s2 =	sld [smem:$0x3F96];
	s0 =	simm.s32 @p1 $0x1  }
0x15: {  	[smem:$0x3FB3] =	sst s0;
	s0 =	simm.s32 @!p2 $0x0  }
0x16: {  	s3 =	sld [smem:$0x3FDB];
	s0 =	simm.s32 @p2 $0x1  }
0x17: {  	s4 =	simm.s32 $0x1BF5;
	[smem:$0x3FB5] =	sst s0  }
0x18: {  	s0 =	sld [smem:$0x3F98];
	_ =	swait.ge [sflag:s4], $0x0  }
0x19: {  	s7 =	sld [smem:$0x3F99]  }
0x1a: {  	s8 =	sadd.s32 $0xFFFFE003, lr  }
0x1b: {  	s9 =	sadd.s32 $0xFFFFFEF7, lr;
	s5 =	simm.s32 $0xFFFFFFFF;
	p2 =	slt.u32 s8, $0xFFFFF086  }
0x1c: {  	p1 =	slt.u32 s9, $0xF7A;
	s5 =	simm.s32 @!p2 $0x0  }
0x1d: {  	s5 =	simm.s32 @p1 $0x1;
	p0 =	seq.s32 s7, s2  }
0x1e: {  	s7 =	smul.u32 @!p0 $0xF7A, s2;
	p2 =	seq.s32 @!p0 s5, $0x0  }
0x1f: {  	s9 =	smul.u32 $0xF7A, s1;
	s8 =	simm.s32 @!p0 $0x1BF5;
	p2 =	por !p2, p0  }
0x20: {  	[sflag:s8] =	ssyncset.s32 @!p0 $0xFFFFF086;
	s6 =	sadd.s32 @!p0 s3, s7;
	s7 =	simm.s32 @!p0 $0x108  }
0x21: {  	s3 =	sadd.s32 s3, s9;
	s6 =	sadd.s32 @!p0 $0x88, s6;
	s7 =	simm.s32 @p2 $0x1082  }
0x22: {  	[simem:s7], [sflag:s8] =	dma.local @!p0 [hbm:s6], $0xF7A  }
0x23: {  	s9 =	sor.u32 $0xD0000000, s2;
	s6 =	simm.s32 $0x108;
	_ =	swait.ge @!p0 [sflag:s8], $0x0  }
0x24: {  	s3 =	sadd.s32 $0x88, s3;
	s6 =	simm.s32 @!p1 $0x1082;
	[sflag:s4] =	ssyncset.s32 $0xFFFFF086  }
0x25: {  	[simem:s6], [sflag:s4] =	dma.local [hbm:s3], $0xF7A  }
0x26: {  	[smem:$0x3F99] =	sst s1;
	(tag) =	ssettag s2;
	_ =	strace s9  }
0x27: {  	s1 =	sld [smem:$0x3FA9]  }
0x28: {  	s2 =	sld [smem:$0x3FAA]  }
0x29: {  	s4 =	sld [smem:$0x3FAC]  }
0x2a: {  	p0 =	seq.s32 s5, $0x0;
	s5 =	sld [smem:$0x3FAD]  }
0x2b: {  	s6 =	sld [smem:$0x3FAE]  }
0x2c: {  	s7 =	sld [smem:$0x3FAF]  }
0x2d: {  	s3 =	simm.s32 $0x108;
	s8 =	sld [smem:$0x3FB0]  }
0x2e: {  	s3 =	simm.s32 @!p0 $0x1082;
	s9 =	sld [smem:$0x3FB1]  }
0x2f: {  	lr =	sadd.s32 s0, s3;
	s0 =	sld [smem:$0x3FA8]  }
0x30: {  	s3 =	sld [smem:$0x3FAB]  }
0x31: {  	[smem:$0x3FB4] =	sst s10  }
0x32: {  	s10 =	sld [smem:$0x3FB2];
	_ =	sdelay $0x3  }
0x33: {  	p0 =	seq.s32 s10, $0x1;
	s10 =	sld [smem:$0x3FB4];
	_ =	sdelay $0x3  }
0x34: {  	[smem:$0x3FB4] =	sst s10  }
0x35: {  	s10 =	sld [smem:$0x3FB3];
	_ =	sdelay $0x3  }
0x36: {  	p1 =	seq.s32 s10, $0x1;
	s10 =	sld [smem:$0x3FB4];
	_ =	sdelay $0x3  }
0x37: {  	[smem:$0x3FB4] =	sst s10  }
0x38: {  	s10 =	sld [smem:$0x3FB5]  }
0x39: {  	_ = 	snop;
	(pc) =	sbr.ind lr, $3  }
0x3a: {  	_ = 	snop  }
0x3b: {  	_ = 	snop  }
0x3c: {  	p2 =	seq.s32 s10, $0x1;
	s10 =	sld [smem:$0x3FB4]  }
0x3d: {  	_ =	shalt  }
0x3e: {  	_ =	shalt  }
0x3f: {  	_ =	shalt  }
0x40: {  	_ =	shalt  }
0x41: {  	_ =	shalt  }
0x42: {  	_ =	shalt  }
0x43: {  	_ =	shalt  }
0x44: {  	_ =	shalt  }
0x45: {  	_ =	shalt  }
0x46: {  	_ =	shalt  }
0x47: {  	_ =	shalt  }
0x48: {  	_ =	shalt  }
0x49: {  	_ =	shalt  }
0x4a: {  	_ =	shalt  }
0x4b: {  	_ =	shalt  }
0x4c: {  	_ =	shalt  }
0x4d: {  	_ =	shalt  }
0x4e: {  	_ =	shalt  }
0x4f: {  	_ =	shalt  }
0x50: {  	_ =	shalt  }
0x51: {  	_ =	shalt  }
0x52: {  	_ =	shalt  }
0x53: {  	_ =	shalt  }
0x54: {  	_ =	shalt  }
0x55: {  	_ =	shalt  }
0x56: {  	_ =	shalt  }
0x57: {  	_ =	shalt  }
0x58: {  	_ =	shalt  }
0x59: {  	_ =	shalt  }
0x5a: {  	_ =	shalt  }
0x5b: {  	_ =	shalt  }
0x5c: {  	_ =	shalt  }
0x5d: {  	_ =	shalt  }
0x5e: {  	_ =	shalt  }
0x5f: {  	_ =	shalt  }
0x60: {  	_ =	shalt  }
0x61: {  	_ =	shalt  }
0x62: {  	_ =	shalt  }
0x63: {  	_ =	shalt  }
0x64: {  	_ =	shalt  }
0x65: {  	_ =	shalt  }
0x66: {  	_ =	shalt  }
0x67: {  	_ =	shalt  }
0x68: {  	_ =	shalt  }
0x69: {  	_ =	shalt  }
0x6a: {  	_ =	shalt  }
0x6b: {  	_ =	shalt  }
0x6c: {  	_ =	shalt  }
0x6d: {  	_ =	shalt  }
0x6e: {  	_ =	shalt  }
0x6f: {  	_ =	shalt  }
0x70: {  	_ =	shalt  }
0x71: {  	_ =	shalt  }
0x72: {  	_ =	shalt  }
0x73: {  	_ =	shalt  }
0x74: {  	_ =	shalt  }
0x75: {  	_ =	shalt  }
0x76: {  	_ =	shalt  }
0x77: {  	_ =	shalt  }
0x78: {  	_ =	shalt  }
0x79: {  	_ =	shalt  }
0x7a: {  	_ =	shalt  }
0x7b: {  	_ =	shalt  }
0x7c: {  	_ =	shalt  }
0x7d: {  	_ =	shalt  }
0x7e: {  	_ =	shalt  }
0x7f: {  	_ =	shalt  }
0x80: {  	_ =	shalt  }
0x81: {  	_ =	shalt  }
0x82: {  	_ =	shalt  }
0x83: {  	_ =	shalt  }
0x84: {  	_ =	shalt  }
0x85: {  	_ =	shalt  }
0x86: {  	_ =	shalt  }
0x87: {  	_ =	shalt  }
.Lfunc_end0:
.L_simem_size_0:
called_computation.1_lowered:
.L_overlay_start_0:
0x88: {  	s2 =	sld [smem:$0x3FD9]  }
0x89: {  	s3 =	sld [smem:$0x3FFE];
	_ =	sdelay $0x1  }
0x8a: {  	s1 =	srdreg.scid  }
0x8b: {  	s0 =	sand.u32 $0x1, s1  }
0x8c: {  	s15 =	sshll.u32 s0, $0xA;
	s2 =	sadd.s32 s3, s2  }
0x8d: {  	s2 =	sadd.s32 s2, s15  }
0x8e: {  	[smem:$0x3FC0] =	sst s2  }
0x8f: {  	_ = 	snop  }
0x90: {  	s16 =	sld [smem:$0x3FD0];
	_ =	sdelay $0x2  }
0x91: {  	s4 =	simm.s32 $0xC;
	s5 =	simm.s32 $0x10;
	s2 =	sld [smem:$0x3FC6]  }
0x92: {  	[smem:s5], [sflag:s4] =	dma.local [hbm:s16], $0x1  }
0x93: {  	_ =	swait.eq [sflag:s4], $0x1  }
0x94: {  	[sflag:s4] =	ssyncset.done $0x0  }
0x95: {  	[sflag:s4] =	ssyncadd.s32 $0xFFFFFFFF  }
0x96: {  	s17 =	sld [smem:$0x11];
	(tm) =	ssettm $0x1  }
0x97: {  	s18 =	sld [smem:$0x3FFB];
	_ =	sdelay $0x3  }
0x98: {  	_ =	strace s18  }
0x99: {  	s3 =	sld [smem:$0x3FFC];
	_ =	sdelay $0x3  }
0x9a: {  	_ =	strace s3  }
0x9b: {  	s3 =	sld [smem:$0x3FFD];
	_ =	sdelay $0x3  }
0x9c: {  	_ =	strace s3  }
0x9d: {  	_ =	strace $0x8FFFFFFF  }
0x9e: {  	s19 =	sld [smem:$0x3FDB];
	_ =	sdelay $0x1  }
0x9f: {  	s20 =	simm.s32 $_scs_section_size  }
0xa0: {  	s6 =	simm.s32 $_size__tile_overlayer_lowered;
	s7 =	simm.s32 $_tile_overlayer_lowered  }
0xa1: {  	s8 =	simm.s32 $0x1BFF;
	s21 =	sshll.u32 s7, $0x1;
	s5 =	sadd.s32 s20, s19  }
0xa2: {  	s22 =	simm.s32 $0x0;
	s6 =	sshll.u32 s6, $0x1;
	s7 =	sadd.s32 s21, s5  }
0xa3: {  	[timem:s22], [sflag:s8] =	dma.local [hbm:s7], s6  }
0xa4: {  	_ =	swait.ge [sflag:s8], s6  }
0xa5: {  	s6 =	ssub.s32 $0x0, s6;
	[sflag:s8] =	ssyncset.done $0x0  }
0xa6: {  	[sflag:s8] =	ssyncadd.s32 s6;
	_ =	sdelay $0x1  }
0xa7: {  	s23 =	simm.s32 $0x1B8B  }
0xa8: {  	_ =	swait.ge [sflag:s23], $0x1  }
0xa9: {  	[sflag:s23] =	ssyncset.done $0x0  }
0xaa: {  	[sflag:s23] =	ssyncadd.s32 $0xFFFFFFFF  }
0xab: {  	s6 =	sld [smem:$0x0]  }
0xac: {  	s7 =	sand.u32 $0xFFFFFFFE, s1  }
0xad: {  	p0 =	sne.s32 s1, s7  }
0xae: {  	s7 =	sshll.u32 @p0 s7, $0xE  }
0xaf: {  	s7 =	sadd.s32 @p0 $0x11B8D, s7;
	s8 =	sshll.u32 @p0 s6, $0x11  }
0xb0: {  	s7 =	sor.u32 @p0 s8, s7  }
0xb1: {  	[sflag:s7] =	ssyncadd.remote.s32 @p0 $0x1;
	_ =	sdelay $0x1  }
0xb2: {  	s7 =	simm.s32 @p0 $0x1B8D  }
0xb3: {  	_ =	swait.eq @p0 [sflag:s7], $0x1  }
0xb4: {  	[sflag:s7] =	ssyncadd.s32 @p0 $0xFFFFFFFF  }
0xb5: {  	s8 =	sshll.u32 @!p0 s1, $0xE  }
0xb6: {  	s8 =	sor.u32 @!p0 $0x4000, s8;
	s7 =	simm.s32 @!p0 $0x1B8D  }
0xb7: {  	s6 =	sshll.u32 @!p0 s6, $0x11;
	s8 =	sadd.s32 @!p0 $0x11B8D, s8;
	_ =	swait.eq @!p0 [sflag:s7], $0x1  }
0xb8: {  	s6 =	sor.u32 @!p0 s6, s8;
	[sflag:s7] =	ssyncadd.s32 @!p0 $0xFFFFFFFF  }
0xb9: {  	s25 =	simm.s32 $0x1B8E;
	s24 =	sld [smem:$0x3FFE];
	[sflag:s6] =	ssyncadd.remote.s32 @!p0 $0x1  }
0xba: {  	s26 =	simm.s32 $execute0_lowered;
	[smem:$0x3FD2] =	sst s25  }
0xbb: {  	s7 =	sshll.u32 s26, $0x1;
	_ =	strace $0x8000004C;
	[dreg:$0x1] =	wrdreg $0xFFFFFFFF  }
0xbc: {  	s28 =	simm.s32 $_size_execute0_lowered;
	s5 =	sadd.s32 s5, s7;
	[dreg:$0x0] =	wrdreg $0x0  }
0xbd: {  	s7 =	sshll.u32 s28, $0x1;
	[dreg:$0x2] =	wrdreg s5  }
0xbe: {  	[dreg:$0x3] =	wrdreg s7  }
0xbf: {  	[dreg:$0x4] =	wrdreg $0xC0  }
0xc0: {  	_ =	task [dreg:s22], $0x5FFFF  }
0xc1: {  	[dreg:$0x1] =	wrdreg $0xFFFFFFFF  }
0xc2: {  	[dreg:$0x0] =	wrdreg $0x60  }
0xc3: {  	[dreg:$0x2] =	wrdreg s2  }
0xc4: {  	[dreg:$0x3] =	wrdreg s17  }
0xc5: {  	[dreg:$0x4] =	wrdreg s24  }
0xc6: {  	[dreg:$0x5] =	wrdreg $0x9  }
0xc7: {  	_ =	task.clear_ibuf [dreg:s22], $0x6FFFF;
	_ =	strace $0x9000004C  }
0xc8: {  	s29 =	simm.s32 $0x9;
	_ =	strace $0x8000004E  }
0xc9: {  	_ =	swait.ge [sflag:s29], $0x1  }
0xca: {  	[sflag:s29] =	ssyncadd.s32 $0xFFFFFFFF  }
0xcb: {  	_ =	strace $0x9000004E  }
0xcc: {  	_ =	sfence  }
0xcd: {  	s30 =	sld [smem:$0x0];
	_ =	sdelay $0x2  }
0xce: {  	s31 =	sshll.u32 s1, $0xD;
	s1 =	sshrl.u32 s1, $0x2  }
0xcf: {  	s4 =	sand.u32 $0x4000, s31;
	s1 =	sadd.s32 s1, s30  }
0xd0: {  	s0 =	sor.u32 s4, s0;
	s1 =	sshll.u32 s1, $0x11  }
0xd1: {  	s0 =	sor.u32 s1, s0  }
0xd2: {  	s0 =	sadd.s32 $0x8F2B, s0  }
0xd3: {  	[sflag:s0] =	ssyncadd.remote.s32 $0x1  }
0xd4: {  	_ =	sfence.sel $0xFFFF  }
0xd5: {  	[dreg:$0x0] =	wrdreg $0xFFFFFFFF;
	(pc) =	sbr.abs _section_cstart, $3  }
0xd6: {  	[dreg:$0x1] =	wrdreg $0xFFFFFFFF  }
0xd7: {  	_ =	task.clear_ibuf [dreg:s22], $0x2FFFF;
	_ =	strace $0x9FFFFFFF  }
0xd8: {  	(tm) =	ssettm $0x7FFFFFFF  }
0xd9: {  	_ =	shalt  }
tec
execute0_lowered:
.L_overlay_start_1:
0x0: {  	(tag) =	ssettag $0x1  }
0x1: {  	s2 =	rddreg [dreg:$0x0]  }
0x2: {  	s8 =	rddreg [dreg:$0x1];
	s0 =	srdreg.scid  }
0x3: {  	s11 =	rddreg [dreg:$0x2];
	s1 =	stileid.u32;
	s5 =	simm.s32 $0x1  }
0x4: {  	s6 =	simm.s32 $0x2;
	s10 =	simm.s32 $0x3;
	s13 =	simm.s32 $0x0  }
0x5: {  	s15 =	simm.s32 $0x0;
	s3 =	sshll.u32 s0, $0x9;
	s0 =	rddreg [dreg:$0x3]  }
0x6: {  	s4 =	sshll.u32 s1, $0xA;
	_ =	strace $0x8000004D;
	s3 =	sand.u32 $0x200, s3  }
0x7: {  	s14 =	simm.s32 $0x0;
	[sflag:s5] =	ssyncpa.u1 $0x0;
	s3 =	sor.u32 s4, s3  }
0x8: {  	s4 =	sadd.s32 $0x11A00, s11;
	[sflag:s6] =	ssyncpa.u1 $0x0;
	s7 =	ssub.s32 $0x4000, s3  }
.Ltmp0:
0x9: {  	[sflag:s10] =	ssyncpa.u1 $0x0;
	s9 =	sand.u32 $0x3E00, s7;
	(pc) =	sbr.rel .LBB2_1-.Ltmp0, $4  }
0xa: {  	s31 =	sshrl.u32 s3, $0x3;
	p0 =	sne.s32 s9, $0x0;
	s9 =	simm.s32 $0x1  }
0xb: {  	s10 =	sadd.s32 $0x19A00, s11;
	s7 =	sshrl.u32 s7, $0xE;
	s9 =	simm.s32 @!p0 $0x0  }
0xc: {  	s8 =	sadd.s32 s8, s31;
	p0 =	por $0x0, $0x0;
	s7 =	sadd.s32 s9, s7  }
0xd: {  	vm0 =	vmmov $0xffff;
	s9 =	sadd.s32 $0x15A00, s11;
	s11 =	sadd.s32 $0x1DA00, s11;
	s12 =	sadd.s32 $0x1, s7  }
.LBB2_4:
0xe: {  	_ =	sdelay $0x3  }
0xf: {  	[tilespmem:s21], [sflag:$0x1] =	stream.indirect_vreg.gather [hbm4b:s2+s13], $0x1, v0, vm0, $0x4038;
	[tilespmem:$0x8400] =	vst v63  }
0x10: {  	s18 =	sshll.u32 s15, $0x3  }
0x11: {  	s24 =	sand.u32 $0x78, s15;
	s18 =	sand.u32 $0x7FFFFC00, s18  }
0x12: {  	_ =	swait.ge [sflag:s5], $0x4000;
	s15 =	sor.u32 s24, s18  }
0x13: {  	[sflag:s5] =	ssyncset.done $0x0;
	s15 =	sshrl.u32 s15, $0x3  }
0x14: {  	[sflag:s5] =	ssyncadd.s32 $0xFFFFC000;
	s25 =	sadd.s32 s4, s15  }
0x15: {  	[hbm:s25] =	stream.linear.scatter [tilespmem:s17], [sflag:$0x3], $0x1000, $0x38;
	[tilespmem:$0x8400] =	vst v63  }
0x16: {  	s26 =	sadd.s32 $0x1400, s16;
	s28 =	sadd.s32 s15, s9  }
0x17: {  	[hbm:s28] =	stream.linear.scatter [tilespmem:s26], [sflag:$0x3], $0x1000, $0x38;
	[tilespmem:$0x8400] =	vst v63  }
0x18: {  	s29 =	sadd.s32 $0x2400, s16;
	s30 =	sadd.s32 s15, s10  }
0x19: {  	[hbm:s30] =	stream.linear.scatter [tilespmem:s29], [sflag:$0x3], $0x1000, $0x38;
	[tilespmem:$0x8400] =	vst v63  }
0x1a: {  	s31 =	sadd.s32 $0x3400, s16;
	s15 =	sadd.s32 s15, s11  }
0x1b: {  	[hbm:s15] =	stream.linear.scatter [tilespmem:s31], [sflag:$0x3], $0x1000, $0x38;
	[tilespmem:$0x8400] =	vst v63  }
.LBB2_5:
0x1c: {  	p2 =	sne.s32 s14, s12  }
.Ltmp1:
0x1d: {  	p1 =	slt.u32 s14, $0x2;
	(pc) =	sbr.rel @!p2 .LBB2_6-.Ltmp1, $4  }
0x1e: {  	s15 =	simm.s32 @!p1 $0x3  }
0x1f: {  	_ =	swait.ge @!p1 [sflag:s15], $0x4000  }
0x20: {  	s16 =	sadd.s32 $0x1, s14;
	p0 =	por !p0, !p0;
	[sflag:s15] =	ssyncset.done @!p1 $0x0  }
0x21: {  	s14 =	smov.u32 s16;
	[sflag:s15] =	ssyncadd.s32 @!p1 $0xFFFFC000;
	s15 =	smov.u32 s3  }
.LBB2_1:
0x22: {  	p1 =	sge.u32 s14, s7  }
0x23: {  	s16 =	sxor.u32 @!p1 $0xFFFFFFFF, s14  }
0x24: {  	s16 =	sshll.u32 @!p1 s16, $0x9  }
0x25: {  	s31 =	sadd.s32 $0xFFFFFFFF, s14;
	s17 =	simm.s32 @!p1 $0x0;
	s16 =	sand.u32 @!p1 $0x200, s16  }
0x26: {  	[tilespmem:s16], [sflag:$0x2] =	stream.linear.gather @!p1 [hbm4b:s8+s17], $0x200, $0x38;
	[tilespmem:$0x8400] =	vst v63  }
0x27: {  	p1 =	sge.u32 s31, s7  }
.Ltmp2:
0x28: {  	_ = 	snop;
	(pc) =	sbr.rel @p1 .LBB2_5-.Ltmp2, $1  }
0x29: {  	_ =	sdelay $0x3  }
0x2a: {  	s16 =	simm.s32 $0x1;
	_ =	swait.ge [sflag:s6], $0x200  }
0x2b: {  	s16 =	simm.s32 @!p0 $0x0;
	[sflag:s6] =	ssyncset.done $0x0  }
0x2c: {  	s19 =	sshll.u32 s16, $0x9;
	[sflag:s6] =	ssyncadd.s32 $0xFFFFFE00  }
0x2d: {  	v0 =	vld.msk [tilespmem:s19+$0x0 ss:$0x1], $0xffff;
	_ =	sdelay $0x4  }
0x2e: {  	vm1 =	vgt.s32 v0, $0x0  }
0x2f: {  	v0 =	vnsel vm1, $0x0, v0  }
0x30: {  	v0 =	vmin.u32 v0, $0xF423F  }
0x31: {  	v1 =	vshll.u32 v0, $0x3  }
0x32: {  	v0 =	vand.u32 $0x7F, v0;
	v1 =	vand.u32 $0x7FFC00, v1  }
0x33: {  	s22 =	sshll.u32 s14, $0xE;
	v0 =	vor.u32 v0, v1  }
0x34: {  	s18 =	simm.s32 $0x0;
	s16 =	sand.u32 $0x4000, s22  }
0x35: {  	s20 =	sand.u32 $0xC00, s18;
	s17 =	sor.u32 $0x400, s16  }
0x36: {  	s21 =	sand.u32 $0x70, s18;
	(ifvalue) =	ssetifvalue $0x7FFFFFFF;
	s20 =	sadd.s32 s20, s17;
	v1 =	vor.u32 $0x80, v0  }
0x37: {  	(ifvalue) =	ssetifvalue $0x7FFFFFFF;
	s20 =	sadd.s32 s21, s20  }
0x38: {  	[tilespmem:s20], [sflag:$0x1] =	stream.indirect_vreg.gather [hbm4b:s2+s13], $0x1, v0, vm0, $0x4038;
	[tilespmem:$0x8400] =	vst v63  }
0x39: {  	v2 =	vor.u32 $0x100, v0;
	(ifvalue) =	ssetifvalue $0x7FFFFFFF  }
0x3a: {  	s21 =	sadd.s32 $0x80, s20;
	(ifvalue) =	ssetifvalue $0x7FFFFFFF  }
0x3b: {  	[tilespmem:s21], [sflag:$0x1] =	stream.indirect_vreg.gather [hbm4b:s2+s13], $0x1, v1, vm0, $0x4038;
	[tilespmem:$0x8400] =	vst v63  }
0x3c: {  	v1 =	vor.u32 $0x180, v0;
	(ifvalue) =	ssetifvalue $0x7FFFFFFF  }
0x3d: {  	s23 =	sadd.s32 $0x100, s20;
	(ifvalue) =	ssetifvalue $0x7FFFFFFF  }
0x3e: {  	[tilespmem:s23], [sflag:$0x1] =	stream.indirect_vreg.gather [hbm4b:s2+s13], $0x1, v2, vm0, $0x4038;
	[tilespmem:$0x8400] =	vst v63  }
0x3f: {  	v2 =	vor.u32 $0x200, v0;
	(ifvalue) =	ssetifvalue $0x7FFFFFFF  }
0x40: {  	s24 =	sadd.s32 $0x180, s20;
	(ifvalue) =	ssetifvalue $0x7FFFFFFF  }
0x41: {  	[tilespmem:s24], [sflag:$0x1] =	stream.indirect_vreg.gather [hbm4b:s2+s13], $0x1, v1, vm0, $0x4038;
	[tilespmem:$0x8400] =	vst v63  }
0x42: {  	(ifvalue) =	ssetifvalue $0x7FFFFFFF;
	v1 =	vor.u32 $0x280, v0  }
0x43: {  	s25 =	sadd.s32 $0x200, s20;
	(ifvalue) =	ssetifvalue $0x7FFFFFFF  }
0x44: {  	[tilespmem:s25], [sflag:$0x1] =	stream.indirect_vreg.gather [hbm4b:s2+s13], $0x1, v2, vm0, $0x4038;
	[tilespmem:$0x8400] =	vst v63  }
0x45: {  	(ifvalue) =	ssetifvalue $0x7FFFFFFF;
	v2 =	vor.u32 $0x300, v0  }
0x46: {  	s26 =	sadd.s32 $0x280, s20;
	(ifvalue) =	ssetifvalue $0x7FFFFFFF  }
0x47: {  	[tilespmem:s26], [sflag:$0x1] =	stream.indirect_vreg.gather [hbm4b:s2+s13], $0x1, v1, vm0, $0x4038;
	[tilespmem:$0x8400] =	vst v63  }
0x48: {  	(ifvalue) =	ssetifvalue $0x7FFFFFFF;
	v1 =	vor.u32 $0x380, v0  }
0x49: {  	s18 =	sor.u32 s18, s18;
	s28 =	sadd.s32 $0x300, s20;
	(ifvalue) =	ssetifvalue $0x7FFFFFFF  }
0x4a: {  	[tilespmem:s28], [sflag:$0x1] =	stream.indirect_vreg.gather [hbm4b:s2+s13], $0x1, v2, vm0, $0x4038;
	[tilespmem:$0x8400] =	vst v63  }
0x4b: {  	s18 =	sor.u32 $0x380, s18;
	(ifvalue) =	ssetifvalue $0x7FFFFFFF;
	v2 =	vadd.s32 $0x7A1400, v0  }
0x4c: {  	s18 =	sadd.s32 s18, s17;
	(ifvalue) =	ssetifvalue $0x7FFFFFFF  }
0x4d: {  	[tilespmem:s18], [sflag:$0x1] =	stream.indirect_vreg.gather [hbm4b:s2+s13], $0x1, v1, vm0, $0x4038;
	[tilespmem:$0x8400] =	vst v63  }
0x4e: {  	(ifvalue) =	ssetifvalue $0x7FFFFFFF;
	v1 =	vadd.s32 $0x7A1480, v0  }
0x4f: {  	s29 =	sadd.s32 $0x1000, s20;
	(ifvalue) =	ssetifvalue $0x7FFFFFFF  }
0x50: {  	[tilespmem:s29], [sflag:$0x1] =	stream.indirect_vreg.gather [hbm4b:s2+s13], $0x1, v2, vm0, $0x4038;
	[tilespmem:$0x8400] =	vst v63  }
0x51: {  	(ifvalue) =	ssetifvalue $0x7FFFFFFF;
	v2 =	vadd.s32 $0x7A1500, v0  }
0x52: {  	s30 =	sadd.s32 $0x1080, s20;
	(ifvalue) =	ssetifvalue $0x7FFFFFFF  }
0x53: {  	[tilespmem:s30], [sflag:$0x1] =	stream.indirect_vreg.gather [hbm4b:s2+s13], $0x1, v1, vm0, $0x4038;
	[tilespmem:$0x8400] =	vst v63  }
0x54: {  	(ifvalue) =	ssetifvalue $0x7FFFFFFF;
	v1 =	vadd.s32 $0x7A1580, v0  }
0x55: {  	s31 =	sadd.s32 $0x1100, s20;
	(ifvalue) =	ssetifvalue $0x7FFFFFFF  }
0x56: {  	[tilespmem:s31], [sflag:$0x1] =	stream.indirect_vreg.gather [hbm4b:s2+s13], $0x1, v2, vm0, $0x4038;
	[tilespmem:$0x8400] =	vst v63  }
0x57: {  	(ifvalue) =	ssetifvalue $0x7FFFFFFF;
	v2 =	vadd.s32 $0x7A1600, v0  }
0x58: {  	s21 =	sadd.s32 $0x1180, s20;
	(ifvalue) =	ssetifvalue $0x7FFFFFFF  }
0x59: {  	[tilespmem:s21], [sflag:$0x1] =	stream.indirect_vreg.gather [hbm4b:s2+s13], $0x1, v1, vm0, $0x4038;
	[tilespmem:$0x8400] =	vst v63  }
0x5a: {  	(ifvalue) =	ssetifvalue $0x7FFFFFFF;
	v1 =	vadd.s32 $0x7A1680, v0  }
0x5b: {  	s22 =	sadd.s32 $0x1200, s20;
	(ifvalue) =	ssetifvalue $0x7FFFFFFF  }
0x5c: {  	[tilespmem:s22], [sflag:$0x1] =	stream.indirect_vreg.gather [hbm4b:s2+s13], $0x1, v2, vm0, $0x4038;
	[tilespmem:$0x8400] =	vst v63  }
0x5d: {  	(ifvalue) =	ssetifvalue $0x7FFFFFFF;
	v2 =	vadd.s32 $0x7A1700, v0  }
0x5e: {  	s23 =	sadd.s32 $0x1280, s20;
	(ifvalue) =	ssetifvalue $0x7FFFFFFF  }
0x5f: {  	[tilespmem:s23], [sflag:$0x1] =	stream.indirect_vreg.gather [hbm4b:s2+s13], $0x1, v1, vm0, $0x4038;
	[tilespmem:$0x8400] =	vst v63  }
0x60: {  	(ifvalue) =	ssetifvalue $0x7FFFFFFF;
	v1 =	vadd.s32 $0x7A1780, v0  }
0x61: {  	s24 =	sadd.s32 $0x1300, s20;
	(ifvalue) =	ssetifvalue $0x7FFFFFFF  }
0x62: {  	[tilespmem:s24], [sflag:$0x1] =	stream.indirect_vreg.gather [hbm4b:s2+s13], $0x1, v2, vm0, $0x4038;
	[tilespmem:$0x8400] =	vst v63  }
0x63: {  	(ifvalue) =	ssetifvalue $0x7FFFFFFF;
	v2 =	vadd.s32 $0xF42800, v0  }
0x64: {  	s25 =	sadd.s32 $0x1380, s20;
	(ifvalue) =	ssetifvalue $0x7FFFFFFF  }
0x65: {  	[tilespmem:s25], [sflag:$0x1] =	stream.indirect_vreg.gather [hbm4b:s2+s13], $0x1, v1, vm0, $0x4038;
	[tilespmem:$0x8400] =	vst v63  }
0x66: {  	(ifvalue) =	ssetifvalue $0x7FFFFFFF;
	v1 =	vadd.s32 $0xF42880, v0  }
0x67: {  	s26 =	sadd.s32 $0x2000, s20;
	(ifvalue) =	ssetifvalue $0x7FFFFFFF  }
0x68: {  	[tilespmem:s26], [sflag:$0x1] =	stream.indirect_vreg.gather [hbm4b:s2+s13], $0x1, v2, vm0, $0x4038;
	[tilespmem:$0x8400] =	vst v63  }
0x69: {  	(ifvalue) =	ssetifvalue $0x7FFFFFFF;
	v2 =	vadd.s32 $0xF42900, v0  }
0x6a: {  	s28 =	sadd.s32 $0x2080, s20;
	(ifvalue) =	ssetifvalue $0x7FFFFFFF  }
0x6b: {  	[tilespmem:s28], [sflag:$0x1] =	stream.indirect_vreg.gather [hbm4b:s2+s13], $0x1, v1, vm0, $0x4038;
	[tilespmem:$0x8400] =	vst v63  }
0x6c: {  	(ifvalue) =	ssetifvalue $0x7FFFFFFF;
	v1 =	vadd.s32 $0xF42980, v0  }
0x6d: {  	s29 =	sadd.s32 $0x2100, s20;
	(ifvalue) =	ssetifvalue $0x7FFFFFFF  }
0x6e: {  	[tilespmem:s29], [sflag:$0x1] =	stream.indirect_vreg.gather [hbm4b:s2+s13], $0x1, v2, vm0, $0x4038;
	[tilespmem:$0x8400] =	vst v63  }
0x6f: {  	(ifvalue) =	ssetifvalue $0x7FFFFFFF;
	v2 =	vadd.s32 $0xF42A00, v0  }
0x70: {  	s30 =	sadd.s32 $0x2180, s20;
	(ifvalue) =	ssetifvalue $0x7FFFFFFF  }
0x71: {  	[tilespmem:s30], [sflag:$0x1] =	stream.indirect_vreg.gather [hbm4b:s2+s13], $0x1, v1, vm0, $0x4038;
	[tilespmem:$0x8400] =	vst v63  }
0x72: {  	(ifvalue) =	ssetifvalue $0x7FFFFFFF;
	v1 =	vadd.s32 $0xF42A80, v0  }
0x73: {  	s31 =	sadd.s32 $0x2200, s20;
	(ifvalue) =	ssetifvalue $0x7FFFFFFF  }
0x74: {  	[tilespmem:s31], [sflag:$0x1] =	stream.indirect_vreg.gather [hbm4b:s2+s13], $0x1, v2, vm0, $0x4038;
	[tilespmem:$0x8400] =	vst v63  }
0x75: {  	(ifvalue) =	ssetifvalue $0x7FFFFFFF;
	v2 =	vadd.s32 $0xF42B00, v0  }
0x76: {  	s21 =	sadd.s32 $0x2280, s20;
	(ifvalue) =	ssetifvalue $0x7FFFFFFF  }
0x77: {  	[tilespmem:s21], [sflag:$0x1] =	stream.indirect_vreg.gather [hbm4b:s2+s13], $0x1, v1, vm0, $0x4038;
	[tilespmem:$0x8400] =	vst v63  }
0x78: {  	(ifvalue) =	ssetifvalue $0x7FFFFFFF;
	v1 =	vadd.s32 $0xF42B80, v0  }
0x79: {  	s22 =	sadd.s32 $0x2300, s20;
	(ifvalue) =	ssetifvalue $0x7FFFFFFF  }
0x7a: {  	[tilespmem:s22], [sflag:$0x1] =	stream.indirect_vreg.gather [hbm4b:s2+s13], $0x1, v2, vm0, $0x4038;
	[tilespmem:$0x8400] =	vst v63  }
0x7b: {  	(ifvalue) =	ssetifvalue $0x7FFFFFFF;
	v2 =	vadd.s32 $0x16E3C00, v0  }
0x7c: {  	s23 =	sadd.s32 $0x2380, s20;
	(ifvalue) =	ssetifvalue $0x7FFFFFFF  }
0x7d: {  	[tilespmem:s23], [sflag:$0x1] =	stream.indirect_vreg.gather [hbm4b:s2+s13], $0x1, v1, vm0, $0x4038;
	[tilespmem:$0x8400] =	vst v63  }
0x7e: {  	(ifvalue) =	ssetifvalue $0x7FFFFFFF;
	v1 =	vadd.s32 $0x16E3C80, v0  }
0x7f: {  	s24 =	sadd.s32 $0x3000, s20;
	(ifvalue) =	ssetifvalue $0x7FFFFFFF  }
0x80: {  	[tilespmem:s24], [sflag:$0x1] =	stream.indirect_vreg.gather [hbm4b:s2+s13], $0x1, v2, vm0, $0x4038;
	[tilespmem:$0x8400] =	vst v63  }
0x81: {  	(ifvalue) =	ssetifvalue $0x7FFFFFFF;
	v2 =	vadd.s32 $0x16E3D00, v0  }
0x82: {  	s25 =	sadd.s32 $0x3080, s20;
	(ifvalue) =	ssetifvalue $0x7FFFFFFF  }
0x83: {  	[tilespmem:s25], [sflag:$0x1] =	stream.indirect_vreg.gather [hbm4b:s2+s13], $0x1, v1, vm0, $0x4038;
	[tilespmem:$0x8400] =	vst v63  }
0x84: {  	(ifvalue) =	ssetifvalue $0x7FFFFFFF;
	v1 =	vadd.s32 $0x16E3D80, v0  }
0x85: {  	s26 =	sadd.s32 $0x3100, s20;
	(ifvalue) =	ssetifvalue $0x7FFFFFFF  }
0x86: {  	[tilespmem:s26], [sflag:$0x1] =	stream.indirect_vreg.gather [hbm4b:s2+s13], $0x1, v2, vm0, $0x4038;
	[tilespmem:$0x8400] =	vst v63  }
0x87: {  	(ifvalue) =	ssetifvalue $0x7FFFFFFF;
	v2 =	vadd.s32 $0x16E3E00, v0  }
0x88: {  	s28 =	sadd.s32 $0x3180, s20;
	(ifvalue) =	ssetifvalue $0x7FFFFFFF  }
0x89: {  	[tilespmem:s28], [sflag:$0x1] =	stream.indirect_vreg.gather [hbm4b:s2+s13], $0x1, v1, vm0, $0x4038;
	[tilespmem:$0x8400] =	vst v63  }
0x8a: {  	(ifvalue) =	ssetifvalue $0x7FFFFFFF;
	v1 =	vadd.s32 $0x16E3E80, v0  }
0x8b: {  	s29 =	sadd.s32 $0x3200, s20;
	(ifvalue) =	ssetifvalue $0x7FFFFFFF  }
0x8c: {  	[tilespmem:s29], [sflag:$0x1] =	stream.indirect_vreg.gather [hbm4b:s2+s13], $0x1, v2, vm0, $0x4038;
	[tilespmem:$0x8400] =	vst v63  }
0x8d: {  	(ifvalue) =	ssetifvalue $0x7FFFFFFF;
	v2 =	vadd.s32 $0x16E3F00, v0  }
0x8e: {  	s30 =	sadd.s32 $0x3280, s20;
	(ifvalue) =	ssetifvalue $0x7FFFFFFF  }
0x8f: {  	[tilespmem:s30], [sflag:$0x1] =	stream.indirect_vreg.gather [hbm4b:s2+s13], $0x1, v1, vm0, $0x4038;
	[tilespmem:$0x8400] =	vst v63  }
0x90: {  	v0 =	vadd.s32 $0x16E3F80, v0;
	(ifvalue) =	ssetifvalue $0x7FFFFFFF  }
0x91: {  	s31 =	sadd.s32 $0x3300, s20;
	(ifvalue) =	ssetifvalue $0x7FFFFFFF  }
0x92: {  	[tilespmem:s31], [sflag:$0x1] =	stream.indirect_vreg.gather [hbm4b:s2+s13], $0x1, v2, vm0, $0x4038;
	[tilespmem:$0x8400] =	vst v63  }
0x93: {  	s19 =	sadd.s32 $0x10, s19;
	s18 =	simm.s32 $0x10;
	(ifvalue) =	ssetifvalue $0x7FFFFFFF  }
0x94: {  	s21 =	sadd.s32 $0x3380, s20;
	s20 =	simm.s32 $0x80;
	(ifvalue) =	ssetifvalue $0x7FFFFFFF  }
.LBB2_3:
0x95: {  	[tilespmem:s21], [sflag:$0x1] =	stream.indirect_vreg.gather [hbm4b:s2+s13], $0x1, v0, vm0, $0x4038;
	[tilespmem:$0x8400] =	vst v63  }
0x96: {  	p1 =	sne.s32 s18, $0x1F0;
	s22 =	smov.u32 s18;
	s18 =	sadd.s32 $0x10, s18;
	v0 =	vld.msk [tilespmem:s19+$0x0 ss:$0x1], $0xffff  }
0x97: {  	(ifvalue) =	ssetifvalue $0x7FFFFFFF;
	_ =	sdelay $0x4  }
0x98: {  	vm1 =	vgt.s32 v0, $0x0  }
0x99: {  	v0 =	vnsel vm1, $0x0, v0  }
0x9a: {  	v0 =	vmin.u32 v0, $0xF423F  }
0x9b: {  	v1 =	vshll.u32 v0, $0x3  }
0x9c: {  	v0 =	vand.u32 $0x7F, v0;
	v1 =	vand.u32 $0x7FFC00, v1  }
0x9d: {  	v0 =	vor.u32 v0, v1;
	_ =	sdelay $0x1  }
0x9e: {  	s21 =	sand.u32 $0xC00, s20  }
0x9f: {  	s23 =	sand.u32 $0x70, s22;
	s21 =	sadd.s32 s21, s17;
	v1 =	vor.u32 $0x80, v0  }
0xa0: {  	s21 =	sadd.s32 s23, s21;
	(ifvalue) =	ssetifvalue $0x7FFFFFFF  }
0xa1: {  	[tilespmem:s21], [sflag:$0x1] =	stream.indirect_vreg.gather [hbm4b:s2+s13], $0x1, v0, vm0, $0x4038;
	[tilespmem:$0x8400] =	vst v63  }
0xa2: {  	v2 =	vor.u32 $0x100, v0;
	(ifvalue) =	ssetifvalue $0x7FFFFFFF  }
0xa3: {  	s23 =	sadd.s32 $0x80, s21;
	(ifvalue) =	ssetifvalue $0x7FFFFFFF  }
0xa4: {  	[tilespmem:s23], [sflag:$0x1] =	stream.indirect_vreg.gather [hbm4b:s2+s13], $0x1, v1, vm0, $0x4038;
	[tilespmem:$0x8400] =	vst v63  }
0xa5: {  	v1 =	vor.u32 $0x180, v0;
	(ifvalue) =	ssetifvalue $0x7FFFFFFF  }
0xa6: {  	s23 =	sadd.s32 $0x100, s21;
	(ifvalue) =	ssetifvalue $0x7FFFFFFF  }
0xa7: {  	[tilespmem:s23], [sflag:$0x1] =	stream.indirect_vreg.gather [hbm4b:s2+s13], $0x1, v2, vm0, $0x4038;
	[tilespmem:$0x8400] =	vst v63  }
0xa8: {  	v2 =	vor.u32 $0x200, v0;
	(ifvalue) =	ssetifvalue $0x7FFFFFFF  }
0xa9: {  	s23 =	sadd.s32 $0x180, s21;
	(ifvalue) =	ssetifvalue $0x7FFFFFFF  }
0xaa: {  	[tilespmem:s23], [sflag:$0x1] =	stream.indirect_vreg.gather [hbm4b:s2+s13], $0x1, v1, vm0, $0x4038;
	[tilespmem:$0x8400] =	vst v63  }
0xab: {  	v1 =	vor.u32 $0x280, v0;
	(ifvalue) =	ssetifvalue $0x7FFFFFFF  }
0xac: {  	s23 =	sadd.s32 $0x200, s21;
	(ifvalue) =	ssetifvalue $0x7FFFFFFF  }
0xad: {  	[tilespmem:s23], [sflag:$0x1] =	stream.indirect_vreg.gather [hbm4b:s2+s13], $0x1, v2, vm0, $0x4038;
	[tilespmem:$0x8400] =	vst v63  }
0xae: {  	v2 =	vor.u32 $0x300, v0;
	(ifvalue) =	ssetifvalue $0x7FFFFFFF  }
0xaf: {  	s23 =	sadd.s32 $0x280, s21;
	(ifvalue) =	ssetifvalue $0x7FFFFFFF  }
0xb0: {  	[tilespmem:s23], [sflag:$0x1] =	stream.indirect_vreg.gather [hbm4b:s2+s13], $0x1, v1, vm0, $0x4038;
	[tilespmem:$0x8400] =	vst v63  }
0xb1: {  	v1 =	vor.u32 $0x380, v0;
	(ifvalue) =	ssetifvalue $0x7FFFFFFF  }
0xb2: {  	s22 =	sor.u32 s20, s22;
	s23 =	sadd.s32 $0x300, s21;
	(ifvalue) =	ssetifvalue $0x7FFFFFFF  }
0xb3: {  	[tilespmem:s23], [sflag:$0x1] =	stream.indirect_vreg.gather [hbm4b:s2+s13], $0x1, v2, vm0, $0x4038;
	[tilespmem:$0x8400] =	vst v63  }
0xb4: {  	s22 =	sor.u32 $0x380, s22;
	v2 =	vadd.s32 $0x7A1400, v0;
	(ifvalue) =	ssetifvalue $0x7FFFFFFF  }
0xb5: {  	s22 =	sadd.s32 s22, s17;
	(ifvalue) =	ssetifvalue $0x7FFFFFFF  }
0xb6: {  	[tilespmem:s22], [sflag:$0x1] =	stream.indirect_vreg.gather [hbm4b:s2+s13], $0x1, v1, vm0, $0x4038;
	[tilespmem:$0x8400] =	vst v63  }
0xb7: {  	v1 =	vadd.s32 $0x7A1480, v0;
	(ifvalue) =	ssetifvalue $0x7FFFFFFF  }
0xb8: {  	s22 =	sadd.s32 $0x1000, s21;
	(ifvalue) =	ssetifvalue $0x7FFFFFFF  }
0xb9: {  	[tilespmem:s22], [sflag:$0x1] =	stream.indirect_vreg.gather [hbm4b:s2+s13], $0x1, v2, vm0, $0x4038;
	[tilespmem:$0x8400] =	vst v63  }
0xba: {  	v2 =	vadd.s32 $0x7A1500, v0;
	(ifvalue) =	ssetifvalue $0x7FFFFFFF  }
0xbb: {  	s22 =	sadd.s32 $0x1080, s21;
	(ifvalue) =	ssetifvalue $0x7FFFFFFF  }
0xbc: {  	[tilespmem:s22], [sflag:$0x1] =	stream.indirect_vreg.gather [hbm4b:s2+s13], $0x1, v1, vm0, $0x4038;
	[tilespmem:$0x8400] =	vst v63  }
0xbd: {  	v1 =	vadd.s32 $0x7A1580, v0;
	(ifvalue) =	ssetifvalue $0x7FFFFFFF  }
0xbe: {  	s22 =	sadd.s32 $0x1100, s21;
	(ifvalue) =	ssetifvalue $0x7FFFFFFF  }
0xbf: {  	[tilespmem:s22], [sflag:$0x1] =	stream.indirect_vreg.gather [hbm4b:s2+s13], $0x1, v2, vm0, $0x4038;
	[tilespmem:$0x8400] =	vst v63  }
0xc0: {  	v2 =	vadd.s32 $0x7A1600, v0;
	(ifvalue) =	ssetifvalue $0x7FFFFFFF  }
0xc1: {  	s22 =	sadd.s32 $0x1180, s21;
	(ifvalue) =	ssetifvalue $0x7FFFFFFF  }
0xc2: {  	[tilespmem:s22], [sflag:$0x1] =	stream.indirect_vreg.gather [hbm4b:s2+s13], $0x1, v1, vm0, $0x4038;
	[tilespmem:$0x8400] =	vst v63  }
0xc3: {  	v1 =	vadd.s32 $0x7A1680, v0;
	(ifvalue) =	ssetifvalue $0x7FFFFFFF  }
0xc4: {  	s22 =	sadd.s32 $0x1200, s21;
	(ifvalue) =	ssetifvalue $0x7FFFFFFF  }
0xc5: {  	[tilespmem:s22], [sflag:$0x1] =	stream.indirect_vreg.gather [hbm4b:s2+s13], $0x1, v2, vm0, $0x4038;
	[tilespmem:$0x8400] =	vst v63  }
0xc6: {  	v2 =	vadd.s32 $0x7A1700, v0;
	(ifvalue) =	ssetifvalue $0x7FFFFFFF  }
0xc7: {  	s22 =	sadd.s32 $0x1280, s21;
	(ifvalue) =	ssetifvalue $0x7FFFFFFF  }
0xc8: {  	[tilespmem:s22], [sflag:$0x1] =	stream.indirect_vreg.gather [hbm4b:s2+s13], $0x1, v1, vm0, $0x4038;
	[tilespmem:$0x8400] =	vst v63  }
0xc9: {  	v1 =	vadd.s32 $0x7A1780, v0;
	(ifvalue) =	ssetifvalue $0x7FFFFFFF  }
0xca: {  	s22 =	sadd.s32 $0x1300, s21;
	(ifvalue) =	ssetifvalue $0x7FFFFFFF  }
0xcb: {  	[tilespmem:s22], [sflag:$0x1] =	stream.indirect_vreg.gather [hbm4b:s2+s13], $0x1, v2, vm0, $0x4038;
	[tilespmem:$0x8400] =	vst v63  }
0xcc: {  	v2 =	vadd.s32 $0xF42800, v0;
	(ifvalue) =	ssetifvalue $0x7FFFFFFF  }
0xcd: {  	s22 =	sadd.s32 $0x1380, s21;
	(ifvalue) =	ssetifvalue $0x7FFFFFFF  }
0xce: {  	[tilespmem:s22], [sflag:$0x1] =	stream.indirect_vreg.gather [hbm4b:s2+s13], $0x1, v1, vm0, $0x4038;
	[tilespmem:$0x8400] =	vst v63  }
0xcf: {  	v1 =	vadd.s32 $0xF42880, v0;
	(ifvalue) =	ssetifvalue $0x7FFFFFFF  }
0xd0: {  	s22 =	sadd.s32 $0x2000, s21;
	(ifvalue) =	ssetifvalue $0x7FFFFFFF  }
0xd1: {  	[tilespmem:s22], [sflag:$0x1] =	stream.indirect_vreg.gather [hbm4b:s2+s13], $0x1, v2, vm0, $0x4038;
	[tilespmem:$0x8400] =	vst v63  }
0xd2: {  	v2 =	vadd.s32 $0xF42900, v0;
	(ifvalue) =	ssetifvalue $0x7FFFFFFF  }
0xd3: {  	s22 =	sadd.s32 $0x2080, s21;
	(ifvalue) =	ssetifvalue $0x7FFFFFFF  }
0xd4: {  	[tilespmem:s22], [sflag:$0x1] =	stream.indirect_vreg.gather [hbm4b:s2+s13], $0x1, v1, vm0, $0x4038;
	[tilespmem:$0x8400] =	vst v63  }
0xd5: {  	v1 =	vadd.s32 $0xF42980, v0;
	(ifvalue) =	ssetifvalue $0x7FFFFFFF  }
0xd6: {  	s22 =	sadd.s32 $0x2100, s21;
	(ifvalue) =	ssetifvalue $0x7FFFFFFF  }
0xd7: {  	[tilespmem:s22], [sflag:$0x1] =	stream.indirect_vreg.gather [hbm4b:s2+s13], $0x1, v2, vm0, $0x4038;
	[tilespmem:$0x8400] =	vst v63  }
0xd8: {  	v2 =	vadd.s32 $0xF42A00, v0;
	(ifvalue) =	ssetifvalue $0x7FFFFFFF  }
0xd9: {  	s22 =	sadd.s32 $0x2180, s21;
	(ifvalue) =	ssetifvalue $0x7FFFFFFF  }
0xda: {  	[tilespmem:s22], [sflag:$0x1] =	stream.indirect_vreg.gather [hbm4b:s2+s13], $0x1, v1, vm0, $0x4038;
	[tilespmem:$0x8400] =	vst v63  }
0xdb: {  	v1 =	vadd.s32 $0xF42A80, v0;
	(ifvalue) =	ssetifvalue $0x7FFFFFFF  }
0xdc: {  	s22 =	sadd.s32 $0x2200, s21;
	(ifvalue) =	ssetifvalue $0x7FFFFFFF  }
0xdd: {  	[tilespmem:s22], [sflag:$0x1] =	stream.indirect_vreg.gather [hbm4b:s2+s13], $0x1, v2, vm0, $0x4038;
	[tilespmem:$0x8400] =	vst v63  }
0xde: {  	v2 =	vadd.s32 $0xF42B00, v0;
	(ifvalue) =	ssetifvalue $0x7FFFFFFF  }
0xdf: {  	s22 =	sadd.s32 $0x2280, s21;
	(ifvalue) =	ssetifvalue $0x7FFFFFFF  }
0xe0: {  	[tilespmem:s22], [sflag:$0x1] =	stream.indirect_vreg.gather [hbm4b:s2+s13], $0x1, v1, vm0, $0x4038;
	[tilespmem:$0x8400] =	vst v63  }
0xe1: {  	v1 =	vadd.s32 $0xF42B80, v0;
	(ifvalue) =	ssetifvalue $0x7FFFFFFF  }
0xe2: {  	s22 =	sadd.s32 $0x2300, s21;
	(ifvalue) =	ssetifvalue $0x7FFFFFFF  }
0xe3: {  	[tilespmem:s22], [sflag:$0x1] =	stream.indirect_vreg.gather [hbm4b:s2+s13], $0x1, v2, vm0, $0x4038;
	[tilespmem:$0x8400] =	vst v63  }
0xe4: {  	v2 =	vadd.s32 $0x16E3C00, v0;
	(ifvalue) =	ssetifvalue $0x7FFFFFFF  }
0xe5: {  	s22 =	sadd.s32 $0x2380, s21;
	(ifvalue) =	ssetifvalue $0x7FFFFFFF  }
0xe6: {  	[tilespmem:s22], [sflag:$0x1] =	stream.indirect_vreg.gather [hbm4b:s2+s13], $0x1, v1, vm0, $0x4038;
	[tilespmem:$0x8400] =	vst v63  }
0xe7: {  	v1 =	vadd.s32 $0x16E3C80, v0;
	(ifvalue) =	ssetifvalue $0x7FFFFFFF  }
0xe8: {  	s22 =	sadd.s32 $0x3000, s21;
	(ifvalue) =	ssetifvalue $0x7FFFFFFF  }
0xe9: {  	[tilespmem:s22], [sflag:$0x1] =	stream.indirect_vreg.gather [hbm4b:s2+s13], $0x1, v2, vm0, $0x4038;
	[tilespmem:$0x8400] =	vst v63  }
0xea: {  	v2 =	vadd.s32 $0x16E3D00, v0;
	(ifvalue) =	ssetifvalue $0x7FFFFFFF  }
0xeb: {  	s22 =	sadd.s32 $0x3080, s21;
	(ifvalue) =	ssetifvalue $0x7FFFFFFF  }
0xec: {  	[tilespmem:s22], [sflag:$0x1] =	stream.indirect_vreg.gather [hbm4b:s2+s13], $0x1, v1, vm0, $0x4038;
	[tilespmem:$0x8400] =	vst v63  }
0xed: {  	v1 =	vadd.s32 $0x16E3D80, v0;
	(ifvalue) =	ssetifvalue $0x7FFFFFFF  }
0xee: {  	s22 =	sadd.s32 $0x3100, s21;
	(ifvalue) =	ssetifvalue $0x7FFFFFFF  }
0xef: {  	[tilespmem:s22], [sflag:$0x1] =	stream.indirect_vreg.gather [hbm4b:s2+s13], $0x1, v2, vm0, $0x4038;
	[tilespmem:$0x8400] =	vst v63  }
0xf0: {  	v2 =	vadd.s32 $0x16E3E00, v0;
	(ifvalue) =	ssetifvalue $0x7FFFFFFF  }
0xf1: {  	s22 =	sadd.s32 $0x3180, s21;
	(ifvalue) =	ssetifvalue $0x7FFFFFFF  }
0xf2: {  	[tilespmem:s22], [sflag:$0x1] =	stream.indirect_vreg.gather [hbm4b:s2+s13], $0x1, v1, vm0, $0x4038;
	[tilespmem:$0x8400] =	vst v63  }
0xf3: {  	v1 =	vadd.s32 $0x16E3E80, v0;
	(ifvalue) =	ssetifvalue $0x7FFFFFFF  }
0xf4: {  	s22 =	sadd.s32 $0x3200, s21;
	(ifvalue) =	ssetifvalue $0x7FFFFFFF  }
0xf5: {  	[tilespmem:s22], [sflag:$0x1] =	stream.indirect_vreg.gather [hbm4b:s2+s13], $0x1, v2, vm0, $0x4038;
	[tilespmem:$0x8400] =	vst v63  }
0xf6: {  	v2 =	vadd.s32 $0x16E3F00, v0;
	(ifvalue) =	ssetifvalue $0x7FFFFFFF  }
0xf7: {  	s22 =	sadd.s32 $0x3280, s21;
	(ifvalue) =	ssetifvalue $0x7FFFFFFF  }
0xf8: {  	[tilespmem:s22], [sflag:$0x1] =	stream.indirect_vreg.gather [hbm4b:s2+s13], $0x1, v1, vm0, $0x4038;
	[tilespmem:$0x8400] =	vst v63  }
.Ltmp3:
0xf9: {  	v0 =	vadd.s32 $0x16E3F80, v0;
	(ifvalue) =	ssetifvalue $0x7FFFFFFF;
	(pc) =	sbr.rel @p1 .LBB2_3-.Ltmp3, $4  }
0xfa: {  	s22 =	sadd.s32 $0x3300, s21;
	(ifvalue) =	ssetifvalue $0x7FFFFFFF  }
0xfb: {  	[tilespmem:s22], [sflag:$0x1] =	stream.indirect_vreg.gather [hbm4b:s2+s13], $0x1, v2, vm0, $0x4038;
	[tilespmem:$0x8400] =	vst v63  }
0xfc: {  	s19 =	sadd.s32 $0x10, s19;
	(ifvalue) =	ssetifvalue $0x7FFFFFFF  }
0xfd: {  	s20 =	sadd.s32 $0x80, s20;
	s21 =	sadd.s32 $0x3380, s21;
	(ifvalue) =	ssetifvalue $0x7FFFFFFF  }
.Ltmp4:
0xfe: {  	_ = 	snop;
	(pc) =	sbr.rel .LBB2_4-.Ltmp4, $1  }
0xff: {  	_ =	sdelay $0x3  }
.LBB2_6:
0x100: {  	_ =	sfence.sel $0x180000  }
0x101: {  	s2 =	simm.s32 $0x2;
	[bflag:$0x0] =	sbarrier.arrive $0xFFFF  }
0x102: {  	s30 =	simm.s32 $0x3;
	[sflag:s2] =	ssyncpa.u1 $0x1  }
0x103: {  	s31 =	simm.s32 $0x1;
	[sflag:s30] =	ssyncpa.u1 $0x1  }
0x104: {  	[sflag:s31] =	ssyncpa.u1 $0x1  }
0x105: {  	p0 =	sne.s32 s1, $0x0;
	_ =	strace $0x9000004D  }
0x106: {  	s0 =	sadd.s32 @!p0 $0x100000, s0;
	[bflag:$0x2] =	sbarrier.arrive $0xFFFF  }
0x107: {  	[sflag:s0] =	ssyncadd.tile.s32 @!p0 $0x1;
	_ =	shalt  }
.Lfunc_end2:
_tile_overlayer_lowered:
.L_overlay_start_2:
0x108: {  	(tag) =	ssettag $0x2  }
0x109: {  	s0 =	rddreg [dreg:$0x0];
	s2 =	stileid.u32  }
0x10a: {  	s1 =	rddreg [dreg:$0x1];
	p0 =	sne.s32 s2, $0x0  }
0x10b: {  	s3 =	rddreg [dreg:$0x2];
	[bflag:$0x3] =	sbarrier.arrive $0xFFFF;
	s2 =	simm.s32 @!p0 $0x1C01  }
0x10c: {  	[timem:s3], [sflag:s2] =	dma.local @!p0 [hbm:s0], s1  }
0x10d: {  	s0 =	simm.s32 @!p0 $0x1  }
0x10e: {  	_ =	swait.ge @!p0 [sflag:s0], s1  }
0x10f: {  	s1 =	ssub.s32 @!p0 $0x0, s1;
	[sflag:s0] =	ssyncset.done @!p0 $0x0  }
0x110: {  	[sflag:s0] =	ssyncadd.s32 @!p0 s1  }
0x111: {  	[bflag:$0x3] =	sbarrier.arrive $0xFFFF  }
0x112: {  	_ =	shalt  }

// kernel: gather_offload_async_start.2
scs
__scs_entry_jumppad:
0x0: {  	(pc) =	sbr.rel $0x88, $3  }
0x1: {  	(tag) =	ssettag $0x0;
	lr =	simm.s32 $0x1  }
0x2: {  	[smem:$0x3F99] =	sst lr;
	_ =	strace $0xD0000000  }
0x3: {  	_ = 	snop  }
0x4: {  	_ = 	snop  }
0x5: {  	_ = 	snop  }
0x6: {  	_ = 	snop  }
0x7: {  	_ = 	snop  }
__scs_overlays_trampoline_lowered:
0x8: {  	[smem:$0x3FA8] =	sst s0  }
0x9: {  	[smem:$0x3FA9] =	sst s1  }
0xa: {  	[smem:$0x3FAA] =	sst s2  }
0xb: {  	[smem:$0x3FAB] =	sst s3  }
0xc: {  	[smem:$0x3FAC] =	sst s4  }
0xd: {  	[smem:$0x3FAD] =	sst s5  }
0xe: {  	[smem:$0x3FAE] =	sst s6  }
0xf: {  	[smem:$0x3FAF] =	sst s7  }
0x10: {  	[smem:$0x3FB0] =	sst s8  }
0x11: {  	[smem:$0x3FB1] =	sst s9;
	s0 =	simm.s32 @!p0 $0x0  }
0x12: {  	s1 =	sld [smem:$0x3F97];
	s0 =	simm.s32 @p0 $0x1  }
0x13: {  	[smem:$0x3FB2] =	sst s0;
	s0 =	simm.s32 @!p1 $0x0  }
0x14: {  	s2 =	sld [smem:$0x3F96];
	s0 =	simm.s32 @p1 $0x1  }
0x15: {  	[smem:$0x3FB3] =	sst s0;
	s0 =	simm.s32 @!p2 $0x0  }
0x16: {  	s3 =	sld [smem:$0x3FDB];
	s0 =	simm.s32 @p2 $0x1  }
0x17: {  	s4 =	simm.s32 $0x1BF5;
	[smem:$0x3FB5] =	sst s0  }
0x18: {  	s0 =	sld [smem:$0x3F98];
	_ =	swait.ge [sflag:s4], $0x0  }
0x19: {  	s7 =	sld [smem:$0x3F99]  }
0x1a: {  	s8 =	sadd.s32 $0xFFFFE003, lr  }
0x1b: {  	s9 =	sadd.s32 $0xFFFFFEF7, lr;
	s5 =	simm.s32 $0xFFFFFFFF;
	p2 =	slt.u32 s8, $0xFFFFF086  }
0x1c: {  	p1 =	slt.u32 s9, $0xF7A;
	s5 =	simm.s32 @!p2 $0x0  }
0x1d: {  	s5 =	simm.s32 @p1 $0x1;
	p0 =	seq.s32 s7, s2  }
0x1e: {  	s7 =	smul.u32 @!p0 $0xF7A, s2;
	p2 =	seq.s32 @!p0 s5, $0x0  }
0x1f: {  	s9 =	smul.u32 $0xF7A, s1;
	s8 =	simm.s32 @!p0 $0x1BF5;
	p2 =	por !p2, p0  }
0x20: {  	[sflag:s8] =	ssyncset.s32 @!p0 $0xFFFFF086;
	s6 =	sadd.s32 @!p0 s3, s7;
	s7 =	simm.s32 @!p0 $0x108  }
0x21: {  	s3 =	sadd.s32 s3, s9;
	s6 =	sadd.s32 @!p0 $0x88, s6;
	s7 =	simm.s32 @p2 $0x1082  }
0x22: {  	[simem:s7], [sflag:s8] =	dma.local @!p0 [hbm:s6], $0xF7A  }
0x23: {  	s9 =	sor.u32 $0xD0000000, s2;
	s6 =	simm.s32 $0x108;
	_ =	swait.ge @!p0 [sflag:s8], $0x0  }
0x24: {  	s3 =	sadd.s32 $0x88, s3;
	s6 =	simm.s32 @!p1 $0x1082;
	[sflag:s4] =	ssyncset.s32 $0xFFFFF086  }
0x25: {  	[simem:s6], [sflag:s4] =	dma.local [hbm:s3], $0xF7A  }
0x26: {  	[smem:$0x3F99] =	sst s1;
	(tag) =	ssettag s2;
	_ =	strace s9  }
0x27: {  	s1 =	sld [smem:$0x3FA9]  }
0x28: {  	s2 =	sld [smem:$0x3FAA]  }
0x29: {  	s4 =	sld [smem:$0x3FAC]  }
0x2a: {  	p0 =	seq.s32 s5, $0x0;
	s5 =	sld [smem:$0x3FAD]  }
0x2b: {  	s6 =	sld [smem:$0x3FAE]  }
0x2c: {  	s7 =	sld [smem:$0x3FAF]  }
0x2d: {  	s3 =	simm.s32 $0x108;
	s8 =	sld [smem:$0x3FB0]  }
0x2e: {  	s3 =	simm.s32 @!p0 $0x1082;
	s9 =	sld [smem:$0x3FB1]  }
0x2f: {  	lr =	sadd.s32 s0, s3;
	s0 =	sld [smem:$0x3FA8]  }
0x30: {  	s3 =	sld [smem:$0x3FAB]  }
0x31: {  	[smem:$0x3FB4] =	sst s10  }
0x32: {  	s10 =	sld [smem:$0x3FB2];
	_ =	sdelay $0x3  }
0x33: {  	p0 =	seq.s32 s10, $0x1;
	s10 =	sld [smem:$0x3FB4];
	_ =	sdelay $0x3  }
0x34: {  	[smem:$0x3FB4] =	sst s10  }
0x35: {  	s10 =	sld [smem:$0x3FB3];
	_ =	sdelay $0x3  }
0x36: {  	p1 =	seq.s32 s10, $0x1;
	s10 =	sld [smem:$0x3FB4];
	_ =	sdelay $0x3  }
0x37: {  	[smem:$0x3FB4] =	sst s10  }
0x38: {  	s10 =	sld [smem:$0x3FB5]  }
0x39: {  	_ = 	snop;
	(pc) =	sbr.ind lr, $3  }
0x3a: {  	_ = 	snop  }
0x3b: {  	_ = 	snop  }
0x3c: {  	p2 =	seq.s32 s10, $0x1;
	s10 =	sld [smem:$0x3FB4]  }
0x3d: {  	_ =	shalt  }
0x3e: {  	_ =	shalt  }
0x3f: {  	_ =	shalt  }
0x40: {  	_ =	shalt  }
0x41: {  	_ =	shalt  }
0x42: {  	_ =	shalt  }
0x43: {  	_ =	shalt  }
0x44: {  	_ =	shalt  }
0x45: {  	_ =	shalt  }
0x46: {  	_ =	shalt  }
0x47: {  	_ =	shalt  }
0x48: {  	_ =	shalt  }
0x49: {  	_ =	shalt  }
0x4a: {  	_ =	shalt  }
0x4b: {  	_ =	shalt  }
0x4c: {  	_ =	shalt  }
0x4d: {  	_ =	shalt  }
0x4e: {  	_ =	shalt  }
0x4f: {  	_ =	shalt  }
0x50: {  	_ =	shalt  }
0x51: {  	_ =	shalt  }
0x52: {  	_ =	shalt  }
0x53: {  	_ =	shalt  }
0x54: {  	_ =	shalt  }
0x55: {  	_ =	shalt  }
0x56: {  	_ =	shalt  }
0x57: {  	_ =	shalt  }
0x58: {  	_ =	shalt  }
0x59: {  	_ =	shalt  }
0x5a: {  	_ =	shalt  }
0x5b: {  	_ =	shalt  }
0x5c: {  	_ =	shalt  }
0x5d: {  	_ =	shalt  }
0x5e: {  	_ =	shalt  }
0x5f: {  	_ =	shalt  }
0x60: {  	_ =	shalt  }
0x61: {  	_ =	shalt  }
0x62: {  	_ =	shalt  }
0x63: {  	_ =	shalt  }
0x64: {  	_ =	shalt  }
0x65: {  	_ =	shalt  }
0x66: {  	_ =	shalt  }
0x67: {  	_ =	shalt  }
0x68: {  	_ =	shalt  }
0x69: {  	_ =	shalt  }
0x6a: {  	_ =	shalt  }
0x6b: {  	_ =	shalt  }
0x6c: {  	_ =	shalt  }
0x6d: {  	_ =	shalt  }
0x6e: {  	_ =	shalt  }
0x6f: {  	_ =	shalt  }
0x70: {  	_ =	shalt  }
0x71: {  	_ =	shalt  }
0x72: {  	_ =	shalt  }
0x73: {  	_ =	shalt  }
0x74: {  	_ =	shalt  }
0x75: {  	_ =	shalt  }
0x76: {  	_ =	shalt  }
0x77: {  	_ =	shalt  }
0x78: {  	_ =	shalt  }
0x79: {  	_ =	shalt  }
0x7a: {  	_ =	shalt  }
0x7b: {  	_ =	shalt  }
0x7c: {  	_ =	shalt  }
0x7d: {  	_ =	shalt  }
0x7e: {  	_ =	shalt  }
0x7f: {  	_ =	shalt  }
0x80: {  	_ =	shalt  }
0x81: {  	_ =	shalt  }
0x82: {  	_ =	shalt  }
0x83: {  	_ =	shalt  }
0x84: {  	_ =	shalt  }
0x85: {  	_ =	shalt  }
0x86: {  	_ =	shalt  }
0x87: {  	_ =	shalt  }
.Lfunc_end0:
.L_simem_size_0:
called_computation.2_lowered:
.L_overlay_start_0:
0x88: {  	s2 =	sld [smem:$0x3FD9]  }
0x89: {  	s3 =	sld [smem:$0x3FFE];
	_ =	sdelay $0x1  }
0x8a: {  	s1 =	srdreg.scid  }
0x8b: {  	s0 =	sand.u32 $0x1, s1  }
0x8c: {  	s15 =	sshll.u32 s0, $0xA;
	s2 =	sadd.s32 s3, s2  }
0x8d: {  	s2 =	sadd.s32 s2, s15  }
0x8e: {  	[smem:$0x3FC0] =	sst s2  }
0x8f: {  	_ = 	snop  }
0x90: {  	s2 =	sld [smem:$0x3FD0];
	_ =	sdelay $0x2  }
0x91: {  	s4 =	simm.s32 $0xC;
	s5 =	simm.s32 $0x10;
	s16 =	sld [smem:$0x3FC2]  }
0x92: {  	[smem:s5], [sflag:s4] =	dma.local [hbm:s2], $0x1  }
0x93: {  	_ =	swait.eq [sflag:s4], $0x1  }
0x94: {  	[sflag:s4] =	ssyncset.done $0x0  }
0x95: {  	s17 =	sld [smem:$0x12];
	[sflag:s4] =	ssyncadd.s32 $0xFFFFFFFF  }
0x96: {  	s18 =	sld [smem:$0x13];
	(tm) =	ssettm $0x1  }
0x97: {  	s19 =	sld [smem:$0x3FFB];
	_ =	sdelay $0x3  }
0x98: {  	_ =	strace s19  }
0x99: {  	s5 =	sld [smem:$0x3FFC];
	_ =	sdelay $0x3  }
0x9a: {  	_ =	strace s5  }
0x9b: {  	s5 =	sld [smem:$0x3FFD];
	_ =	sdelay $0x3  }
0x9c: {  	_ =	strace s5  }
0x9d: {  	_ =	strace $0x8FFFFFFF  }
0x9e: {  	s20 =	sld [smem:$0x3FDB];
	_ =	sdelay $0x1  }
0x9f: {  	s6 =	simm.s32 $_scs_section_size  }
0xa0: {  	s7 =	simm.s32 $_size__tile_overlayer_lowered;
	s8 =	simm.s32 $_tile_overlayer_lowered  }
0xa1: {  	s23 =	simm.s32 $0x1BFF;
	s22 =	sshll.u32 s8, $0x1;
	s5 =	sadd.s32 s6, s20  }
0xa2: {  	s9 =	simm.s32 $0x0;
	s21 =	sshll.u32 s7, $0x1;
	s7 =	sadd.s32 s22, s5  }
0xa3: {  	[timem:s9], [sflag:s23] =	dma.local [hbm:s7], s21  }
0xa4: {  	_ =	swait.ge [sflag:s23], s21  }
0xa5: {  	s6 =	ssub.s32 $0x0, s21;
	[sflag:s23] =	ssyncset.done $0x0  }
0xa6: {  	[sflag:s23] =	ssyncadd.s32 s6;
	_ =	sdelay $0x1  }
0xa7: {  	s24 =	simm.s32 $0x1B8B  }
0xa8: {  	_ =	swait.ge [sflag:s24], $0x1  }
0xa9: {  	[sflag:s24] =	ssyncset.done $0x0  }
0xaa: {  	s25 =	simm.s32 $0x1B8E;
	[sflag:s24] =	ssyncadd.s32 $0xFFFFFFFF  }
0xab: {  	s26 =	simm.s32 $execute0_lowered;
	[smem:$0x3FD2] =	sst s25  }
0xac: {  	s6 =	sshll.u32 s26, $0x1;
	_ =	strace $0x80000046;
	[dreg:$0x1] =	wrdreg $0xFFFFFFFF  }
0xad: {  	s28 =	simm.s32 $_size_execute0_lowered;
	s5 =	sadd.s32 s5, s6;
	[dreg:$0x0] =	wrdreg $0x0  }
0xae: {  	s6 =	sshll.u32 s28, $0x1;
	[dreg:$0x2] =	wrdreg s5  }
0xaf: {  	[dreg:$0x3] =	wrdreg s6  }
0xb0: {  	[dreg:$0x4] =	wrdreg $0xC0  }
0xb1: {  	_ =	task [dreg:s9], $0x5FFFF  }
0xb2: {  	[dreg:$0x1] =	wrdreg $0xFFFFFFFF  }
0xb3: {  	[dreg:$0x0] =	wrdreg $0x60  }
0xb4: {  	[dreg:$0x2] =	wrdreg s16  }
0xb5: {  	[dreg:$0x3] =	wrdreg s17  }
0xb6: {  	[dreg:$0x4] =	wrdreg s18  }
0xb7: {  	[dreg:$0x5] =	wrdreg $0xB  }
0xb8: {  	_ =	task.clear_ibuf [dreg:s9], $0x6FFFF;
	_ =	strace $0x90000046  }
0xb9: {  	s29 =	simm.s32 $0xB;
	_ =	strace $0x80000048  }
0xba: {  	_ =	swait.ge [sflag:s29], $0x1  }
0xbb: {  	[sflag:s29] =	ssyncadd.s32 $0xFFFFFFFF  }
0xbc: {  	_ =	strace $0x90000048  }
0xbd: {  	_ =	sfence  }
0xbe: {  	s30 =	sld [smem:$0x0];
	_ =	sdelay $0x2  }
0xbf: {  	s31 =	sshll.u32 s1, $0xD;
	s1 =	sshrl.u32 s1, $0x2  }
0xc0: {  	s3 =	sand.u32 $0x4000, s31;
	s1 =	sadd.s32 s1, s30  }
0xc1: {  	s0 =	sor.u32 s3, s0;
	s1 =	sshll.u32 s1, $0x11  }
0xc2: {  	s0 =	sor.u32 s1, s0  }
0xc3: {  	s0 =	sadd.s32 $0x8F2B, s0  }
0xc4: {  	[sflag:s0] =	ssyncadd.remote.s32 $0x1  }
0xc5: {  	_ =	sfence.sel $0xFFFF  }
0xc6: {  	[dreg:$0x0] =	wrdreg $0xFFFFFFFF;
	(pc) =	sbr.abs _section_cstart, $3  }
0xc7: {  	[dreg:$0x1] =	wrdreg $0xFFFFFFFF  }
0xc8: {  	_ =	task.clear_ibuf [dreg:s9], $0x2FFFF;
	_ =	strace $0x9FFFFFFF  }
0xc9: {  	(tm) =	ssettm $0x7FFFFFFF  }
tec
execute0_lowered:
.L_overlay_start_1:
0x0: {  	(tag) =	ssettag $0x1  }
0x1: {  	s2 =	rddreg [dreg:$0x0]  }
0x2: {  	s1 =	srdreg.scid;
	s8 =	rddreg [dreg:$0x1]  }
0x3: {  	s0 =	stileid.u32;
	s3 =	rddreg [dreg:$0x2]  }
0x4: {  	s6 =	simm.s32 $0x2;
	s10 =	simm.s32 $0x3;
	s1 =	sshll.u32 s1, $0x9  }
0x5: {  	s12 =	simm.s32 $0x0;
	s4 =	sshll.u32 s0, $0xA;
	s5 =	sand.u32 $0x200, s1  }
0x6: {  	s11 =	simm.s32 $0x0;
	s1 =	rddreg [dreg:$0x3];
	s4 =	sor.u32 s4, s5  }
0x7: {  	_ =	strace $0x80000047;
	s5 =	simm.s32 $0x1;
	s7 =	ssub.s32 $0x4000, s4  }
.Ltmp0:
0x8: {  	[sflag:s5] =	ssyncpa.u1 $0x0;
	s9 =	sand.u32 $0x3E00, s7;
	(pc) =	sbr.rel .LBB2_1-.Ltmp0, $4  }
0x9: {  	s31 =	sshrl.u32 s4, $0x3;
	p0 =	sne.s32 s9, $0x0;
	s9 =	simm.s32 $0x1  }
0xa: {  	[sflag:s6] =	ssyncpa.u1 $0x0;
	s7 =	sshrl.u32 s7, $0xE;
	s9 =	simm.s32 @!p0 $0x0  }
0xb: {  	s8 =	sadd.s32 s8, s31;
	[sflag:s10] =	ssyncpa.u1 $0x0;
	s7 =	sadd.s32 s9, s7  }
0xc: {  	vm0 =	vmmov $0xffff;
	s10 =	simm.s32 $0x0;
	p0 =	por $0x0, $0x0;
	s9 =	sadd.s32 $0x1, s7  }
.LBB2_4:
0xd: {  	_ =	sdelay $0x3  }
0xe: {  	[tilespmem:s17], [sflag:$0x1] =	stream.indirect_vreg.gather [hbm4b:s2+s10], $0x1, v0, vm0, $0x4038;
	[tilespmem:$0x2400] =	vst v63  }
0xf: {  	s14 =	sshll.u32 s12, $0x3  }
0x10: {  	s31 =	sand.u32 $0x78, s12;
	s14 =	sand.u32 $0x7FFFFC00, s14  }
0x11: {  	_ =	swait.ge [sflag:s5], $0x1000;
	s12 =	sor.u32 s31, s14  }
0x12: {  	[sflag:s5] =	ssyncset.done $0x0;
	s12 =	sshrl.u32 s12, $0x3  }
0x13: {  	[sflag:s5] =	ssyncadd.s32 $0xFFFFF000;
	s12 =	sadd.s32 s3, s12  }
0x14: {  	[hbm:s12] =	stream.linear.scatter [tilespmem:s13], [sflag:$0x3], $0x1000, $0x38;
	[tilespmem:$0x2400] =	vst v63  }
.LBB2_5:
0x15: {  	p2 =	sne.s32 s11, s9  }
.Ltmp1:
0x16: {  	p1 =	slt.u32 s11, $0x2;
	(pc) =	sbr.rel @!p2 .LBB2_6-.Ltmp1, $4  }
0x17: {  	s12 =	simm.s32 @!p1 $0x3  }
0x18: {  	_ =	swait.ge @!p1 [sflag:s12], $0x1000  }
0x19: {  	s13 =	sadd.s32 $0x1, s11;
	p0 =	por !p0, !p0;
	[sflag:s12] =	ssyncset.done @!p1 $0x0  }
0x1a: {  	s11 =	smov.u32 s13;
	[sflag:s12] =	ssyncadd.s32 @!p1 $0xFFFFF000;
	s12 =	smov.u32 s4  }
.LBB2_1:
0x1b: {  	p1 =	sge.u32 s11, s7  }
0x1c: {  	s13 =	sxor.u32 @!p1 $0xFFFFFFFF, s11  }
0x1d: {  	s13 =	sshll.u32 @!p1 s13, $0x9  }
0x1e: {  	s31 =	sadd.s32 $0xFFFFFFFF, s11;
	s14 =	simm.s32 @!p1 $0x0;
	s13 =	sand.u32 @!p1 $0x200, s13  }
0x1f: {  	[tilespmem:s13], [sflag:$0x2] =	stream.linear.gather @!p1 [hbm4b:s8+s14], $0x200, $0x38;
	[tilespmem:$0x2400] =	vst v63  }
0x20: {  	p1 =	sge.u32 s31, s7  }
.Ltmp2:
0x21: {  	_ = 	snop;
	(pc) =	sbr.rel @p1 .LBB2_5-.Ltmp2, $1  }
0x22: {  	_ =	sdelay $0x3  }
0x23: {  	s13 =	simm.s32 $0x1;
	_ =	swait.ge [sflag:s6], $0x200  }
0x24: {  	s13 =	simm.s32 @!p0 $0x0;
	[sflag:s6] =	ssyncset.done $0x0  }
0x25: {  	s15 =	sshll.u32 s13, $0x9;
	[sflag:s6] =	ssyncadd.s32 $0xFFFFFE00  }
0x26: {  	v0 =	vld.msk [tilespmem:s15+$0x0 ss:$0x1], $0xffff;
	_ =	sdelay $0x4  }
0x27: {  	vm1 =	vgt.s32 v0, $0x0  }
0x28: {  	v0 =	vnsel vm1, $0x0, v0  }
0x29: {  	v0 =	vmin.u32 v0, $0xF423F  }
0x2a: {  	v1 =	vshll.u32 v0, $0x3  }
0x2b: {  	v0 =	vand.u32 $0x7F, v0;
	v1 =	vand.u32 $0x7FFC00, v1  }
0x2c: {  	s26 =	sand.u32 $0x1, s11;
	v0 =	vor.u32 v0, v1  }
0x2d: {  	s16 =	simm.s32 $0x0;
	s13 =	sshll.u32 s26, $0xC  }
0x2e: {  	s14 =	sand.u32 $0xC00, s16;
	s13 =	sor.u32 $0x400, s13  }
0x2f: {  	s17 =	sand.u32 $0x70, s16;
	(ifvalue) =	ssetifvalue $0x7FFFFFFF;
	s14 =	sadd.s32 s14, s13;
	v1 =	vor.u32 $0x80, v0  }
0x30: {  	(ifvalue) =	ssetifvalue $0x7FFFFFFF;
	s17 =	sadd.s32 s17, s14  }
0x31: {  	[tilespmem:s17], [sflag:$0x1] =	stream.indirect_vreg.gather [hbm4b:s2+s10], $0x1, v0, vm0, $0x4038;
	[tilespmem:$0x2400] =	vst v63  }
0x32: {  	v2 =	vor.u32 $0x100, v0;
	(ifvalue) =	ssetifvalue $0x7FFFFFFF  }
0x33: {  	s14 =	sadd.s32 $0x80, s17;
	(ifvalue) =	ssetifvalue $0x7FFFFFFF  }
0x34: {  	[tilespmem:s14], [sflag:$0x1] =	stream.indirect_vreg.gather [hbm4b:s2+s10], $0x1, v1, vm0, $0x4038;
	[tilespmem:$0x2400] =	vst v63  }
0x35: {  	v1 =	vor.u32 $0x180, v0;
	(ifvalue) =	ssetifvalue $0x7FFFFFFF  }
0x36: {  	s28 =	sadd.s32 $0x100, s17;
	(ifvalue) =	ssetifvalue $0x7FFFFFFF  }
0x37: {  	[tilespmem:s28], [sflag:$0x1] =	stream.indirect_vreg.gather [hbm4b:s2+s10], $0x1, v2, vm0, $0x4038;
	[tilespmem:$0x2400] =	vst v63  }
0x38: {  	v2 =	vor.u32 $0x200, v0;
	(ifvalue) =	ssetifvalue $0x7FFFFFFF  }
0x39: {  	s29 =	sadd.s32 $0x180, s17;
	(ifvalue) =	ssetifvalue $0x7FFFFFFF  }
0x3a: {  	[tilespmem:s29], [sflag:$0x1] =	stream.indirect_vreg.gather [hbm4b:s2+s10], $0x1, v1, vm0, $0x4038;
	[tilespmem:$0x2400] =	vst v63  }
0x3b: {  	(ifvalue) =	ssetifvalue $0x7FFFFFFF;
	v1 =	vor.u32 $0x280, v0  }
0x3c: {  	s30 =	sadd.s32 $0x200, s17;
	(ifvalue) =	ssetifvalue $0x7FFFFFFF  }
0x3d: {  	[tilespmem:s30], [sflag:$0x1] =	stream.indirect_vreg.gather [hbm4b:s2+s10], $0x1, v2, vm0, $0x4038;
	[tilespmem:$0x2400] =	vst v63  }
0x3e: {  	(ifvalue) =	ssetifvalue $0x7FFFFFFF;
	v2 =	vor.u32 $0x300, v0  }
0x3f: {  	s31 =	sadd.s32 $0x280, s17;
	(ifvalue) =	ssetifvalue $0x7FFFFFFF  }
0x40: {  	[tilespmem:s31], [sflag:$0x1] =	stream.indirect_vreg.gather [hbm4b:s2+s10], $0x1, v1, vm0, $0x4038;
	[tilespmem:$0x2400] =	vst v63  }
0x41: {  	s16 =	sor.u32 s16, s16;
	v0 =	vor.u32 $0x380, v0;
	(ifvalue) =	ssetifvalue $0x7FFFFFFF  }
0x42: {  	s16 =	sor.u32 $0x380, s16;
	s17 =	sadd.s32 $0x300, s17;
	(ifvalue) =	ssetifvalue $0x7FFFFFFF  }
0x43: {  	[tilespmem:s17], [sflag:$0x1] =	stream.indirect_vreg.gather [hbm4b:s2+s10], $0x1, v2, vm0, $0x4038;
	[tilespmem:$0x2400] =	vst v63  }
0x44: {  	s15 =	sadd.s32 $0x10, s15;
	s14 =	simm.s32 $0x10;
	(ifvalue) =	ssetifvalue $0x7FFFFFFF  }
0x45: {  	s17 =	sadd.s32 s16, s13;
	s16 =	simm.s32 $0x80;
	(ifvalue) =	ssetifvalue $0x7FFFFFFF  }
.LBB2_3:
0x46: {  	[tilespmem:s17], [sflag:$0x1] =	stream.indirect_vreg.gather [hbm4b:s2+s10], $0x1, v0, vm0, $0x4038;
	[tilespmem:$0x2400] =	vst v63  }
0x47: {  	p1 =	sne.s32 s14, $0x1F0;
	s17 =	smov.u32 s14;
	s14 =	sadd.s32 $0x10, s14;
	v0 =	vld.msk [tilespmem:s15+$0x0 ss:$0x1], $0xffff  }
0x48: {  	(ifvalue) =	ssetifvalue $0x7FFFFFFF;
	_ =	sdelay $0x4  }
0x49: {  	vm1 =	vgt.s32 v0, $0x0  }
0x4a: {  	v0 =	vnsel vm1, $0x0, v0  }
0x4b: {  	v0 =	vmin.u32 v0, $0xF423F  }
0x4c: {  	v1 =	vshll.u32 v0, $0x3  }
0x4d: {  	v0 =	vand.u32 $0x7F, v0;
	v1 =	vand.u32 $0x7FFC00, v1  }
0x4e: {  	v0 =	vor.u32 v0, v1;
	_ =	sdelay $0x1  }
0x4f: {  	s18 =	sand.u32 $0xC00, s16  }
0x50: {  	s19 =	sand.u32 $0x70, s17;
	s18 =	sadd.s32 s18, s13;
	v1 =	vor.u32 $0x80, v0  }
0x51: {  	s18 =	sadd.s32 s19, s18;
	(ifvalue) =	ssetifvalue $0x7FFFFFFF  }
0x52: {  	[tilespmem:s18], [sflag:$0x1] =	stream.indirect_vreg.gather [hbm4b:s2+s10], $0x1, v0, vm0, $0x4038;
	[tilespmem:$0x2400] =	vst v63  }
0x53: {  	v2 =	vor.u32 $0x100, v0;
	(ifvalue) =	ssetifvalue $0x7FFFFFFF  }
0x54: {  	s19 =	sadd.s32 $0x80, s18;
	(ifvalue) =	ssetifvalue $0x7FFFFFFF  }
0x55: {  	[tilespmem:s19], [sflag:$0x1] =	stream.indirect_vreg.gather [hbm4b:s2+s10], $0x1, v1, vm0, $0x4038;
	[tilespmem:$0x2400] =	vst v63  }
0x56: {  	v1 =	vor.u32 $0x180, v0;
	(ifvalue) =	ssetifvalue $0x7FFFFFFF  }
0x57: {  	s19 =	sadd.s32 $0x100, s18;
	(ifvalue) =	ssetifvalue $0x7FFFFFFF  }
0x58: {  	[tilespmem:s19], [sflag:$0x1] =	stream.indirect_vreg.gather [hbm4b:s2+s10], $0x1, v2, vm0, $0x4038;
	[tilespmem:$0x2400] =	vst v63  }
0x59: {  	v2 =	vor.u32 $0x200, v0;
	(ifvalue) =	ssetifvalue $0x7FFFFFFF  }
0x5a: {  	s19 =	sadd.s32 $0x180, s18;
	(ifvalue) =	ssetifvalue $0x7FFFFFFF  }
0x5b: {  	[tilespmem:s19], [sflag:$0x1] =	stream.indirect_vreg.gather [hbm4b:s2+s10], $0x1, v1, vm0, $0x4038;
	[tilespmem:$0x2400] =	vst v63  }
0x5c: {  	v1 =	vor.u32 $0x280, v0;
	(ifvalue) =	ssetifvalue $0x7FFFFFFF  }
0x5d: {  	s19 =	sadd.s32 $0x200, s18;
	(ifvalue) =	ssetifvalue $0x7FFFFFFF  }
0x5e: {  	[tilespmem:s19], [sflag:$0x1] =	stream.indirect_vreg.gather [hbm4b:s2+s10], $0x1, v2, vm0, $0x4038;
	[tilespmem:$0x2400] =	vst v63  }
0x5f: {  	v2 =	vor.u32 $0x300, v0;
	(ifvalue) =	ssetifvalue $0x7FFFFFFF  }
0x60: {  	s19 =	sadd.s32 $0x280, s18;
	(ifvalue) =	ssetifvalue $0x7FFFFFFF  }
0x61: {  	[tilespmem:s19], [sflag:$0x1] =	stream.indirect_vreg.gather [hbm4b:s2+s10], $0x1, v1, vm0, $0x4038;
	[tilespmem:$0x2400] =	vst v63  }
.Ltmp3:
0x62: {  	v0 =	vor.u32 $0x380, v0;
	(ifvalue) =	ssetifvalue $0x7FFFFFFF;
	(pc) =	sbr.rel @p1 .LBB2_3-.Ltmp3, $4  }
0x63: {  	s17 =	sor.u32 s16, s17;
	s18 =	sadd.s32 $0x300, s18;
	(ifvalue) =	ssetifvalue $0x7FFFFFFF  }
0x64: {  	[tilespmem:s18], [sflag:$0x1] =	stream.indirect_vreg.gather [hbm4b:s2+s10], $0x1, v2, vm0, $0x4038;
	[tilespmem:$0x2400] =	vst v63  }
0x65: {  	s15 =	sadd.s32 $0x10, s15;
	s17 =	sor.u32 $0x380, s17;
	(ifvalue) =	ssetifvalue $0x7FFFFFFF  }
0x66: {  	s16 =	sadd.s32 $0x80, s16;
	s17 =	sadd.s32 s17, s13;
	(ifvalue) =	ssetifvalue $0x7FFFFFFF  }
.Ltmp4:
0x67: {  	_ = 	snop;
	(pc) =	sbr.rel .LBB2_4-.Ltmp4, $1  }
0x68: {  	_ =	sdelay $0x3  }
.LBB2_6:
0x69: {  	_ =	sfence.sel $0x180000  }
0x6a: {  	s2 =	simm.s32 $0x2;
	[bflag:$0x0] =	sbarrier.arrive $0xFFFF  }
0x6b: {  	s30 =	simm.s32 $0x3;
	[sflag:s2] =	ssyncpa.u1 $0x1  }
0x6c: {  	s31 =	simm.s32 $0x1;
	[sflag:s30] =	ssyncpa.u1 $0x1  }
0x6d: {  	[sflag:s31] =	ssyncpa.u1 $0x1  }
0x6e: {  	p0 =	sne.s32 s0, $0x0;
	_ =	strace $0x90000047  }
0x6f: {  	s0 =	sadd.s32 @!p0 $0x100000, s1;
	[bflag:$0x2] =	sbarrier.arrive $0xFFFF  }
0x70: {  	[sflag:s0] =	ssyncadd.tile.s32 @!p0 $0x1;
	_ =	shalt  }
.Lfunc_end2:
_tile_overlayer_lowered:
.L_overlay_start_2:
0x71: {  	(tag) =	ssettag $0x2  }
0x72: {  	s0 =	rddreg [dreg:$0x0];
	s2 =	stileid.u32  }
0x73: {  	s1 =	rddreg [dreg:$0x1];
	p0 =	sne.s32 s2, $0x0  }
0x74: {  	s3 =	rddreg [dreg:$0x2];
	[bflag:$0x3] =	sbarrier.arrive $0xFFFF;
	s2 =	simm.s32 @!p0 $0x1C01  }
0x75: {  	[timem:s3], [sflag:s2] =	dma.local @!p0 [hbm:s0], s1  }
0x76: {  	s0 =	simm.s32 @!p0 $0x1  }
0x77: {  	_ =	swait.ge @!p0 [sflag:s0], s1  }
0x78: {  	s1 =	ssub.s32 @!p0 $0x0, s1;
	[sflag:s0] =	ssyncset.done @!p0 $0x0  }
0x79: {  	[sflag:s0] =	ssyncadd.s32 @!p0 s1  }
0x7a: {  	[bflag:$0x3] =	sbarrier.arrive $0xFFFF  }
0x7b: {  	_ =	shalt  }

// kernel: gather_offload_async_start.3
scs
__scs_entry_jumppad:
0x0: {  	(pc) =	sbr.rel $0x88, $3  }
0x1: {  	(tag) =	ssettag $0x0;
	lr =	simm.s32 $0x1  }
0x2: {  	[smem:$0x3F99] =	sst lr;
	_ =	strace $0xD0000000  }
0x3: {  	_ = 	snop  }
0x4: {  	_ = 	snop  }
0x5: {  	_ = 	snop  }
0x6: {  	_ = 	snop  }
0x7: {  	_ = 	snop  }
__scs_overlays_trampoline_lowered:
0x8: {  	[smem:$0x3FA8] =	sst s0  }
0x9: {  	[smem:$0x3FA9] =	sst s1  }
0xa: {  	[smem:$0x3FAA] =	sst s2  }
0xb: {  	[smem:$0x3FAB] =	sst s3  }
0xc: {  	[smem:$0x3FAC] =	sst s4  }
0xd: {  	[smem:$0x3FAD] =	sst s5  }
0xe: {  	[smem:$0x3FAE] =	sst s6  }
0xf: {  	[smem:$0x3FAF] =	sst s7  }
0x10: {  	[smem:$0x3FB0] =	sst s8  }
0x11: {  	[smem:$0x3FB1] =	sst s9;
	s0 =	simm.s32 @!p0 $0x0  }
0x12: {  	s1 =	sld [smem:$0x3F97];
	s0 =	simm.s32 @p0 $0x1  }
0x13: {  	[smem:$0x3FB2] =	sst s0;
	s0 =	simm.s32 @!p1 $0x0  }
0x14: {  	s2 =	sld [smem:$0x3F96];
	s0 =	simm.s32 @p1 $0x1  }
0x15: {  	[smem:$0x3FB3] =	sst s0;
	s0 =	simm.s32 @!p2 $0x0  }
0x16: {  	s3 =	sld [smem:$0x3FDB];
	s0 =	simm.s32 @p2 $0x1  }
0x17: {  	s4 =	simm.s32 $0x1BF5;
	[smem:$0x3FB5] =	sst s0  }
0x18: {  	s0 =	sld [smem:$0x3F98];
	_ =	swait.ge [sflag:s4], $0x0  }
0x19: {  	s7 =	sld [smem:$0x3F99]  }
0x1a: {  	s8 =	sadd.s32 $0xFFFFE003, lr  }
0x1b: {  	s9 =	sadd.s32 $0xFFFFFEF7, lr;
	s5 =	simm.s32 $0xFFFFFFFF;
	p2 =	slt.u32 s8, $0xFFFFF086  }
0x1c: {  	p1 =	slt.u32 s9, $0xF7A;
	s5 =	simm.s32 @!p2 $0x0  }
0x1d: {  	s5 =	simm.s32 @p1 $0x1;
	p0 =	seq.s32 s7, s2  }
0x1e: {  	s7 =	smul.u32 @!p0 $0xF7A, s2;
	p2 =	seq.s32 @!p0 s5, $0x0  }
0x1f: {  	s9 =	smul.u32 $0xF7A, s1;
	s8 =	simm.s32 @!p0 $0x1BF5;
	p2 =	por !p2, p0  }
0x20: {  	[sflag:s8] =	ssyncset.s32 @!p0 $0xFFFFF086;
	s6 =	sadd.s32 @!p0 s3, s7;
	s7 =	simm.s32 @!p0 $0x108  }
0x21: {  	s3 =	sadd.s32 s3, s9;
	s6 =	sadd.s32 @!p0 $0x88, s6;
	s7 =	simm.s32 @p2 $0x1082  }
0x22: {  	[simem:s7], [sflag:s8] =	dma.local @!p0 [hbm:s6], $0xF7A  }
0x23: {  	s9 =	sor.u32 $0xD0000000, s2;
	s6 =	simm.s32 $0x108;
	_ =	swait.ge @!p0 [sflag:s8], $0x0  }
0x24: {  	s3 =	sadd.s32 $0x88, s3;
	s6 =	simm.s32 @!p1 $0x1082;
	[sflag:s4] =	ssyncset.s32 $0xFFFFF086  }
0x25: {  	[simem:s6], [sflag:s4] =	dma.local [hbm:s3], $0xF7A  }
0x26: {  	[smem:$0x3F99] =	sst s1;
	(tag) =	ssettag s2;
	_ =	strace s9  }
0x27: {  	s1 =	sld [smem:$0x3FA9]  }
0x28: {  	s2 =	sld [smem:$0x3FAA]  }
0x29: {  	s4 =	sld [smem:$0x3FAC]  }
0x2a: {  	p0 =	seq.s32 s5, $0x0;
	s5 =	sld [smem:$0x3FAD]  }
0x2b: {  	s6 =	sld [smem:$0x3FAE]  }
0x2c: {  	s7 =	sld [smem:$0x3FAF]  }
0x2d: {  	s3 =	simm.s32 $0x108;
	s8 =	sld [smem:$0x3FB0]  }
0x2e: {  	s3 =	simm.s32 @!p0 $0x1082;
	s9 =	sld [smem:$0x3FB1]  }
0x2f: {  	lr =	sadd.s32 s0, s3;
	s0 =	sld [smem:$0x3FA8]  }
0x30: {  	s3 =	sld [smem:$0x3FAB]  }
0x31: {  	[smem:$0x3FB4] =	sst s10  }
0x32: {  	s10 =	sld [smem:$0x3FB2];
	_ =	sdelay $0x3  }
0x33: {  	p0 =	seq.s32 s10, $0x1;
	s10 =	sld [smem:$0x3FB4];
	_ =	sdelay $0x3  }
0x34: {  	[smem:$0x3FB4] =	sst s10  }
0x35: {  	s10 =	sld [smem:$0x3FB3];
	_ =	sdelay $0x3  }
0x36: {  	p1 =	seq.s32 s10, $0x1;
	s10 =	sld [smem:$0x3FB4];
	_ =	sdelay $0x3  }
0x37: {  	[smem:$0x3FB4] =	sst s10  }
0x38: {  	s10 =	sld [smem:$0x3FB5]  }
0x39: {  	_ = 	snop;
	(pc) =	sbr.ind lr, $3  }
0x3a: {  	_ = 	snop  }
0x3b: {  	_ = 	snop  }
0x3c: {  	p2 =	seq.s32 s10, $0x1;
	s10 =	sld [smem:$0x3FB4]  }
0x3d: {  	_ =	shalt  }
0x3e: {  	_ =	shalt  }
0x3f: {  	_ =	shalt  }
0x40: {  	_ =	shalt  }
0x41: {  	_ =	shalt  }
0x42: {  	_ =	shalt  }
0x43: {  	_ =	shalt  }
0x44: {  	_ =	shalt  }
0x45: {  	_ =	shalt  }
0x46: {  	_ =	shalt  }
0x47: {  	_ =	shalt  }
0x48: {  	_ =	shalt  }
0x49: {  	_ =	shalt  }
0x4a: {  	_ =	shalt  }
0x4b: {  	_ =	shalt  }
0x4c: {  	_ =	shalt  }
0x4d: {  	_ =	shalt  }
0x4e: {  	_ =	shalt  }
0x4f: {  	_ =	shalt  }
0x50: {  	_ =	shalt  }
0x51: {  	_ =	shalt  }
0x52: {  	_ =	shalt  }
0x53: {  	_ =	shalt  }
0x54: {  	_ =	shalt  }
0x55: {  	_ =	shalt  }
0x56: {  	_ =	shalt  }
0x57: {  	_ =	shalt  }
0x58: {  	_ =	shalt  }
0x59: {  	_ =	shalt  }
0x5a: {  	_ =	shalt  }
0x5b: {  	_ =	shalt  }
0x5c: {  	_ =	shalt  }
0x5d: {  	_ =	shalt  }
0x5e: {  	_ =	shalt  }
0x5f: {  	_ =	shalt  }
0x60: {  	_ =	shalt  }
0x61: {  	_ =	shalt  }
0x62: {  	_ =	shalt  }
0x63: {  	_ =	shalt  }
0x64: {  	_ =	shalt  }
0x65: {  	_ =	shalt  }
0x66: {  	_ =	shalt  }
0x67: {  	_ =	shalt  }
0x68: {  	_ =	shalt  }
0x69: {  	_ =	shalt  }
0x6a: {  	_ =	shalt  }
0x6b: {  	_ =	shalt  }
0x6c: {  	_ =	shalt  }
0x6d: {  	_ =	shalt  }
0x6e: {  	_ =	shalt  }
0x6f: {  	_ =	shalt  }
0x70: {  	_ =	shalt  }
0x71: {  	_ =	shalt  }
0x72: {  	_ =	shalt  }
0x73: {  	_ =	shalt  }
0x74: {  	_ =	shalt  }
0x75: {  	_ =	shalt  }
0x76: {  	_ =	shalt  }
0x77: {  	_ =	shalt  }
0x78: {  	_ =	shalt  }
0x79: {  	_ =	shalt  }
0x7a: {  	_ =	shalt  }
0x7b: {  	_ =	shalt  }
0x7c: {  	_ =	shalt  }
0x7d: {  	_ =	shalt  }
0x7e: {  	_ =	shalt  }
0x7f: {  	_ =	shalt  }
0x80: {  	_ =	shalt  }
0x81: {  	_ =	shalt  }
0x82: {  	_ =	shalt  }
0x83: {  	_ =	shalt  }
0x84: {  	_ =	shalt  }
0x85: {  	_ =	shalt  }
0x86: {  	_ =	shalt  }
0x87: {  	_ =	shalt  }
.Lfunc_end0:
.L_simem_size_0:
called_computation.3_lowered:
.L_overlay_start_0:
0x88: {  	s2 =	sld [smem:$0x3FD9]  }
0x89: {  	s3 =	sld [smem:$0x3FFE];
	_ =	sdelay $0x1  }
0x8a: {  	s1 =	srdreg.scid  }
0x8b: {  	s0 =	sand.u32 $0x1, s1  }
0x8c: {  	s15 =	sshll.u32 s0, $0xA;
	s2 =	sadd.s32 s3, s2  }
0x8d: {  	s2 =	sadd.s32 s2, s15  }
0x8e: {  	[smem:$0x3FC0] =	sst s2  }
0x8f: {  	_ = 	snop  }
0x90: {  	s2 =	sld [smem:$0x3FD0];
	_ =	sdelay $0x2  }
0x91: {  	s16 =	simm.s32 $0xC;
	s4 =	simm.s32 $0x10  }
0x92: {  	[smem:s4], [sflag:s16] =	dma.local [hbm:s2], $0x1  }
0x93: {  	_ =	swait.eq [sflag:s16], $0x1  }
0x94: {  	[sflag:s16] =	ssyncset.done $0x0  }
0x95: {  	[sflag:s16] =	ssyncadd.s32 $0xFFFFFFFF  }
0x96: {  	s17 =	sld [smem:$0x12];
	(tm) =	ssettm $0x1  }
0x97: {  	s18 =	sld [smem:$0x3FFB];
	_ =	sdelay $0x3  }
0x98: {  	_ =	strace s18  }
0x99: {  	s2 =	sld [smem:$0x3FFC];
	_ =	sdelay $0x3  }
0x9a: {  	_ =	strace s2  }
0x9b: {  	s2 =	sld [smem:$0x3FFD];
	_ =	sdelay $0x3  }
0x9c: {  	_ =	strace s2  }
0x9d: {  	_ =	strace $0x8FFFFFFF  }
0x9e: {  	s19 =	sld [smem:$0x3FDB];
	_ =	sdelay $0x1  }
0x9f: {  	s20 =	simm.s32 $_scs_section_size  }
0xa0: {  	s5 =	simm.s32 $_size__tile_overlayer_lowered;
	s6 =	simm.s32 $_tile_overlayer_lowered  }
0xa1: {  	s7 =	simm.s32 $0x1BFF;
	s21 =	sshll.u32 s6, $0x1;
	s4 =	sadd.s32 s20, s19  }
0xa2: {  	s22 =	simm.s32 $0x0;
	s5 =	sshll.u32 s5, $0x1;
	s6 =	sadd.s32 s21, s4  }
0xa3: {  	[timem:s22], [sflag:s7] =	dma.local [hbm:s6], s5  }
0xa4: {  	_ =	swait.ge [sflag:s7], s5  }
0xa5: {  	s5 =	ssub.s32 $0x0, s5;
	[sflag:s7] =	ssyncset.done $0x0  }
0xa6: {  	[sflag:s7] =	ssyncadd.s32 s5;
	_ =	sdelay $0x1  }
0xa7: {  	s23 =	simm.s32 $0x1B8B  }
0xa8: {  	_ =	swait.ge [sflag:s23], $0x1  }
0xa9: {  	[sflag:s23] =	ssyncset.done $0x0  }
0xaa: {  	[sflag:s23] =	ssyncadd.s32 $0xFFFFFFFF  }
0xab: {  	s5 =	sld [smem:$0x0]  }
0xac: {  	s6 =	sand.u32 $0xFFFFFFFE, s1  }
0xad: {  	p0 =	sne.s32 s1, s6  }
0xae: {  	s6 =	sshll.u32 @p0 s6, $0xE  }
0xaf: {  	s6 =	sadd.s32 @p0 $0x11B8D, s6;
	s7 =	sshll.u32 @p0 s5, $0x11  }
0xb0: {  	s6 =	sor.u32 @p0 s7, s6  }
0xb1: {  	[sflag:s6] =	ssyncadd.remote.s32 @p0 $0x1;
	_ =	sdelay $0x1  }
0xb2: {  	s6 =	simm.s32 @p0 $0x1B8D  }
0xb3: {  	_ =	swait.eq @p0 [sflag:s6], $0x1  }
0xb4: {  	[sflag:s6] =	ssyncadd.s32 @p0 $0xFFFFFFFF  }
0xb5: {  	s7 =	sshll.u32 @!p0 s1, $0xE  }
0xb6: {  	s7 =	sor.u32 @!p0 $0x4000, s7;
	s6 =	simm.s32 @!p0 $0x1B8D  }
0xb7: {  	s5 =	sshll.u32 @!p0 s5, $0x11;
	s7 =	sadd.s32 @!p0 $0x11B8D, s7;
	_ =	swait.eq @!p0 [sflag:s6], $0x1  }
0xb8: {  	s5 =	sor.u32 @!p0 s5, s7;
	[sflag:s6] =	ssyncadd.s32 @!p0 $0xFFFFFFFF  }
0xb9: {  	s25 =	simm.s32 $0x1B8E;
	s24 =	sld [smem:$0x3FFE];
	[sflag:s5] =	ssyncadd.remote.s32 @!p0 $0x1  }
0xba: {  	s26 =	simm.s32 $execute0_lowered;
	[smem:$0x3FD2] =	sst s25  }
0xbb: {  	s6 =	sshll.u32 s26, $0x1;
	_ =	strace $0x8000004F;
	[dreg:$0x1] =	wrdreg $0xFFFFFFFF  }
0xbc: {  	s28 =	simm.s32 $_size_execute0_lowered;
	s4 =	sadd.s32 s4, s6;
	[dreg:$0x0] =	wrdreg $0x0  }
0xbd: {  	s6 =	sshll.u32 s28, $0x1;
	[dreg:$0x2] =	wrdreg s4  }
0xbe: {  	[dreg:$0x3] =	wrdreg s6  }
0xbf: {  	[dreg:$0x4] =	wrdreg $0xC0  }
0xc0: {  	_ =	task [dreg:s22], $0x5FFFF  }
0xc1: {  	[dreg:$0x1] =	wrdreg $0xFFFFFFFF  }
0xc2: {  	[dreg:$0x0] =	wrdreg $0x60  }
0xc3: {  	[dreg:$0x2] =	wrdreg s24  }
0xc4: {  	[dreg:$0x3] =	wrdreg s17  }
0xc5: {  	[dreg:$0x4] =	wrdreg $0xA  }
0xc6: {  	_ =	task.clear_ibuf [dreg:s22], $0x5FFFF;
	_ =	strace $0x9000004F  }
0xc7: {  	s29 =	simm.s32 $0xA;
	_ =	strace $0x80000051  }
0xc8: {  	_ =	swait.ge [sflag:s29], $0x1  }
0xc9: {  	[sflag:s29] =	ssyncadd.s32 $0xFFFFFFFF  }
0xca: {  	_ =	strace $0x90000051  }
0xcb: {  	_ =	sfence  }
0xcc: {  	s30 =	sld [smem:$0x0];
	_ =	sdelay $0x2  }
0xcd: {  	s31 =	sshll.u32 s1, $0xD;
	s1 =	sshrl.u32 s1, $0x2  }
0xce: {  	s4 =	sand.u32 $0x4000, s31;
	s1 =	sadd.s32 s1, s30  }
0xcf: {  	s0 =	sor.u32 s4, s0;
	s1 =	sshll.u32 s1, $0x11  }
0xd0: {  	s0 =	sor.u32 s1, s0  }
0xd1: {  	s0 =	sadd.s32 $0x8F2B, s0  }
0xd2: {  	[sflag:s0] =	ssyncadd.remote.s32 $0x1  }
0xd3: {  	_ =	sfence.sel $0xFFFF  }
0xd4: {  	[dreg:$0x0] =	wrdreg $0xFFFFFFFF;
	(pc) =	sbr.abs _section_cstart, $3  }
0xd5: {  	[dreg:$0x1] =	wrdreg $0xFFFFFFFF  }
0xd6: {  	_ =	task.clear_ibuf [dreg:s22], $0x2FFFF;
	_ =	strace $0x9FFFFFFF  }
0xd7: {  	(tm) =	ssettm $0x7FFFFFFF  }
tec
execute0_lowered:
.L_overlay_start_1:
0x0: {  	(tag) =	ssettag $0x1  }
0x1: {  	s1 =	srdreg.scid;
	s5 =	rddreg [dreg:$0x0]  }
0x2: {  	s0 =	stileid.u32;
	s2 =	rddreg [dreg:$0x1];
	s6 =	simm.s32 $0x1  }
0x3: {  	s9 =	simm.s32 $0x1;
	s10 =	simm.s32 $0x3;
	s1 =	sshll.u32 s1, $0x8  }
0x4: {  	s13 =	simm.s32 $0x0;
	s3 =	sshll.u32 s0, $0x9;
	s4 =	sand.u32 $0x100, s1  }
0x5: {  	s12 =	simm.s32 $0x0;
	s1 =	rddreg [dreg:$0x2];
	s3 =	sor.u32 s3, s4  }
0x6: {  	_ =	strace $0x80000050;
	s4 =	sadd.s32 $0x21A00, s5;
	s8 =	ssub.s32 $0x4000, s3  }
.Ltmp0:
0x7: {  	s5 =	sadd.s32 $0x7D800, s5;
	s7 =	sand.u32 $0x1F00, s8;
	(pc) =	sbr.rel .LBB2_1-.Ltmp0, $4  }
0x8: {  	[sflag:s6] =	ssyncpa.u1 $0x0;
	s11 =	smov.u32 s3;
	p0 =	sne.s32 s7, $0x0  }
0x9: {  	s8 =	sshrl.u32 s8, $0xD;
	s7 =	simm.s32 $0x2;
	s9 =	simm.s32 @!p0 $0x0  }
0xa: {  	[sflag:s7] =	ssyncpa.u1 $0x0;
	p0 =	por $0x0, $0x0;
	s8 =	sadd.s32 s9, s8  }
0xb: {  	vm0 =	vmmov $0xffff;
	[sflag:s10] =	ssyncpa.u1 $0x0;
	s10 =	simm.s32 $0x0;
	s9 =	sadd.s32 $0x1, s8  }
.LBB2_4:
0xc: {  	v2 =	vnsel vm1, $0x0, v2  }
0xd: {  	vm1 =	vgt.s32 v0, $0x0;
	v2 =	vmin.u32 v2, $0xF423F  }
0xe: {  	v0 =	vnsel vm1, $0x0, v0  }
0xf: {  	v0 =	vmin.u32 v0, $0xF423F  }
0x10: {  	[tilespmem:s15], [sflag:$0x1] =	stream.indirect_vreg.gather [hbm4b:s4+s10], $0x1, v1, vm0, $0x4038;
	[tilespmem:$0x400] =	vst v63  }
0x11: {  	(ifvalue) =	ssetifvalue $0x7FFFFFFF  }
0x12: {  	[tilespmem:s16], [sflag:$0x1] =	stream.indirect_vreg.gather [hbm4b:s4+s10], $0x1, v2, vm0, $0x4038;
	[tilespmem:$0x400] =	vst v63  }
0x13: {  	s29 =	sadd.s32 $0x10, s16;
	(ifvalue) =	ssetifvalue $0x7FFFFFFF  }
0x14: {  	[tilespmem:s29], [sflag:$0x1] =	stream.indirect_vreg.gather [hbm4b:s4+s10], $0x1, v0, vm0, $0x4038;
	[tilespmem:$0x400] =	vst v63  }
0x15: {  	_ =	swait.ge [sflag:s6], $0x100  }
0x16: {  	s30 =	sshrl.u32 s13, $0x3;
	[sflag:s6] =	ssyncset.done $0x0  }
0x17: {  	s31 =	sand.u32 $0x7, s13;
	s15 =	sadd.s32 s5, s30;
	[sflag:s6] =	ssyncadd.s32 $0xFFFFFF00  }
0x18: {  	[hbm4b:s15+s31] =	stream.linear.scatter [tilespmem:s14], [sflag:$0x3], $0x100, $0x38;
	[tilespmem:$0x400] =	vst v63  }
.LBB2_5:
0x19: {  	s15 =	sadd.s32 $0x2000, s11  }
0x1a: {  	p2 =	sgt.s32 s15, $0x3FFF  }
0x1b: {  	s15 =	smov.u32 @p2 s3;
	p2 =	sne.s32 s12, s9  }
.Ltmp1:
0x1c: {  	p1 =	slt.u32 s12, $0x2;
	(pc) =	sbr.rel @!p2 .LBB2_6-.Ltmp1, $4  }
0x1d: {  	s14 =	simm.s32 @!p1 $0x3  }
0x1e: {  	s16 =	sadd.s32 $0x1, s12;
	_ =	swait.ge @!p1 [sflag:s14], $0x100  }
0x1f: {  	s13 =	smov.u32 s11;
	p0 =	por !p0, !p0;
	[sflag:s14] =	ssyncset.done @!p1 $0x0  }
0x20: {  	s12 =	smov.u32 s16;
	s11 =	smov.u32 s15;
	[sflag:s14] =	ssyncadd.s32 @!p1 $0xFFFFFF00  }
.LBB2_1:
0x21: {  	p1 =	sge.u32 s12, s8  }
0x22: {  	s14 =	sxor.u32 @!p1 $0xFFFFFFFF, s12  }
0x23: {  	s31 =	sadd.s32 $0xFFFFFFFF, s12;
	s15 =	sshrl.u32 @!p1 s11, $0x3;
	s14 =	sshll.u32 @!p1 s14, $0x8  }
0x24: {  	s16 =	sand.u32 @!p1 $0x7, s11;
	s15 =	sadd.s32 @!p1 s2, s15;
	s14 =	sand.u32 @!p1 $0x100, s14  }
0x25: {  	[tilespmem:s14], [sflag:$0x2] =	stream.linear.gather @!p1 [hbm4b:s15+s16], $0x100, $0x38;
	[tilespmem:$0x400] =	vst v63  }
0x26: {  	p1 =	sge.u32 s31, s8  }
.Ltmp2:
0x27: {  	_ = 	snop;
	(pc) =	sbr.rel @p1 .LBB2_5-.Ltmp2, $1  }
0x28: {  	_ =	sdelay $0x3  }
0x29: {  	s14 =	simm.s32 $0x1  }
0x2a: {  	_ =	swait.ge [sflag:s7], $0x100;
	s14 =	simm.s32 @!p0 $0x0  }
0x2b: {  	[sflag:s7] =	ssyncset.done $0x0;
	s14 =	sshll.u32 s14, $0x8  }
0x2c: {  	[sflag:s7] =	ssyncadd.s32 $0xFFFFFF00;
	(ifvalue) =	ssetifvalue $0x7FFFFFFF;
	v0 =	vld.msk [tilespmem:s14+$0x0 ss:$0x1], $0xffff;
	_ =	sdelay $0x4  }
0x2d: {  	s15 =	sadd.s32 $0x10, s14;
	vm1 =	vgt.s32 v0, $0x0  }
0x2e: {  	v2 =	vld.msk [tilespmem:s15+$0x0 ss:$0x1], $0xffff;
	v1 =	vnsel vm1, $0x0, v0  }
0x2f: {  	v1 =	vmin.u32 v1, $0xF423F;
	_ =	sdelay $0x1  }
0x30: {  	s16 =	sshll.u32 s12, $0x8;
	s18 =	simm.s32 $0x20  }
0x31: {  	s16 =	sand.u32 $0x100, s16;
	s17 =	sadd.s32 $0x10, s15;
	s15 =	sor.u32 $0x200, s14  }
0x32: {  	s14 =	sor.u32 $0x200, s16;
	s16 =	sadd.s32 $0x10, s15;
	v0 =	vld.msk [tilespmem:s17+$0x0 ss:$0x1], $0xffff;
	vm1 =	vgt.s32 v2, $0x0;
	(ifvalue) =	ssetifvalue $0x7FFFFFFF  }
.LBB2_3:
0x33: {  	[tilespmem:s15], [sflag:$0x1] =	stream.indirect_vreg.gather [hbm4b:s4+s10], $0x1, v1, vm0, $0x4038;
	[tilespmem:$0x400] =	vst v63  }
0x34: {  	s18 =	sadd.s32 $0x10, s18  }
0x35: {  	v2 =	vnsel vm1, $0x0, v2;
	p1 =	slt.u32 s18, $0xF0  }
.Ltmp3:
0x36: {  	s15 =	smov.u32 s16;
	v1 =	vmin.u32 v2, $0xF423F;
	(pc) =	sbr.rel @p1 .LBB2_3-.Ltmp3, $3  }
0x37: {  	_ =	sdelay $0x1  }
0x38: {  	s17 =	sadd.s32 $0x10, s17  }
0x39: {  	vm1 =	vgt.s32 v0, $0x0;
	s16 =	sadd.s32 $0x10, s16;
	v2 =	vmov v0;
	(ifvalue) =	ssetifvalue $0x7FFFFFFF;
	v0 =	vld.msk [tilespmem:s17+$0x0 ss:$0x1], $0xffff  }
.Ltmp4:
0x3a: {  	_ = 	snop;
	(pc) =	sbr.rel .LBB2_4-.Ltmp4, $1  }
0x3b: {  	_ =	sdelay $0x3  }
.LBB2_6:
0x3c: {  	_ =	sfence.sel $0x180000  }
0x3d: {  	s2 =	simm.s32 $0x2;
	[bflag:$0x0] =	sbarrier.arrive $0xFFFF  }
0x3e: {  	s30 =	simm.s32 $0x3;
	[sflag:s2] =	ssyncpa.u1 $0x1  }
0x3f: {  	s31 =	simm.s32 $0x1;
	[sflag:s30] =	ssyncpa.u1 $0x1  }
0x40: {  	[sflag:s31] =	ssyncpa.u1 $0x1  }
0x41: {  	p0 =	sne.s32 s0, $0x0;
	_ =	strace $0x90000050  }
0x42: {  	s0 =	sadd.s32 @!p0 $0x100000, s1;
	[bflag:$0x2] =	sbarrier.arrive $0xFFFF  }
0x43: {  	[sflag:s0] =	ssyncadd.tile.s32 @!p0 $0x1;
	_ =	shalt  }
.Lfunc_end2:
_tile_overlayer_lowered:
.L_overlay_start_2:
0x44: {  	(tag) =	ssettag $0x2  }
0x45: {  	s0 =	rddreg [dreg:$0x0];
	s2 =	stileid.u32  }
0x46: {  	s1 =	rddreg [dreg:$0x1];
	p0 =	sne.s32 s2, $0x0  }
0x47: {  	s3 =	rddreg [dreg:$0x2];
	[bflag:$0x3] =	sbarrier.arrive $0xFFFF;
	s2 =	simm.s32 @!p0 $0x1C01  }
0x48: {  	[timem:s3], [sflag:s2] =	dma.local @!p0 [hbm:s0], s1  }
0x49: {  	s0 =	simm.s32 @!p0 $0x1  }
0x4a: {  	_ =	swait.ge @!p0 [sflag:s0], s1  }
0x4b: {  	s1 =	ssub.s32 @!p0 $0x0, s1;
	[sflag:s0] =	ssyncset.done @!p0 $0x0  }
0x4c: {  	[sflag:s0] =	ssyncadd.s32 @!p0 s1  }
0x4d: {  	[bflag:$0x3] =	sbarrier.arrive $0xFFFF  }
0x4e: {  	_ =	shalt  }

// kernel: gather_offload_async_start.4
scs
__scs_entry_jumppad:
0x0: {  	(pc) =	sbr.rel $0x88, $3  }
0x1: {  	(tag) =	ssettag $0x0;
	lr =	simm.s32 $0x1  }
0x2: {  	[smem:$0x3F99] =	sst lr;
	_ =	strace $0xD0000000  }
0x3: {  	_ = 	snop  }
0x4: {  	_ = 	snop  }
0x5: {  	_ = 	snop  }
0x6: {  	_ = 	snop  }
0x7: {  	_ = 	snop  }
__scs_overlays_trampoline_lowered:
0x8: {  	[smem:$0x3FA8] =	sst s0  }
0x9: {  	[smem:$0x3FA9] =	sst s1  }
0xa: {  	[smem:$0x3FAA] =	sst s2  }
0xb: {  	[smem:$0x3FAB] =	sst s3  }
0xc: {  	[smem:$0x3FAC] =	sst s4  }
0xd: {  	[smem:$0x3FAD] =	sst s5  }
0xe: {  	[smem:$0x3FAE] =	sst s6  }
0xf: {  	[smem:$0x3FAF] =	sst s7  }
0x10: {  	[smem:$0x3FB0] =	sst s8  }
0x11: {  	[smem:$0x3FB1] =	sst s9;
	s0 =	simm.s32 @!p0 $0x0  }
0x12: {  	s1 =	sld [smem:$0x3F97];
	s0 =	simm.s32 @p0 $0x1  }
0x13: {  	[smem:$0x3FB2] =	sst s0;
	s0 =	simm.s32 @!p1 $0x0  }
0x14: {  	s2 =	sld [smem:$0x3F96];
	s0 =	simm.s32 @p1 $0x1  }
0x15: {  	[smem:$0x3FB3] =	sst s0;
	s0 =	simm.s32 @!p2 $0x0  }
0x16: {  	s3 =	sld [smem:$0x3FDB];
	s0 =	simm.s32 @p2 $0x1  }
0x17: {  	s4 =	simm.s32 $0x1BF5;
	[smem:$0x3FB5] =	sst s0  }
0x18: {  	s0 =	sld [smem:$0x3F98];
	_ =	swait.ge [sflag:s4], $0x0  }
0x19: {  	s7 =	sld [smem:$0x3F99]  }
0x1a: {  	s8 =	sadd.s32 $0xFFFFE003, lr  }
0x1b: {  	s9 =	sadd.s32 $0xFFFFFEF7, lr;
	s5 =	simm.s32 $0xFFFFFFFF;
	p2 =	slt.u32 s8, $0xFFFFF086  }
0x1c: {  	p1 =	slt.u32 s9, $0xF7A;
	s5 =	simm.s32 @!p2 $0x0  }
0x1d: {  	s5 =	simm.s32 @p1 $0x1;
	p0 =	seq.s32 s7, s2  }
0x1e: {  	s7 =	smul.u32 @!p0 $0xF7A, s2;
	p2 =	seq.s32 @!p0 s5, $0x0  }
0x1f: {  	s9 =	smul.u32 $0xF7A, s1;
	s8 =	simm.s32 @!p0 $0x1BF5;
	p2 =	por !p2, p0  }
0x20: {  	[sflag:s8] =	ssyncset.s32 @!p0 $0xFFFFF086;
	s6 =	sadd.s32 @!p0 s3, s7;
	s7 =	simm.s32 @!p0 $0x108  }
0x21: {  	s3 =	sadd.s32 s3, s9;
	s6 =	sadd.s32 @!p0 $0x88, s6;
	s7 =	simm.s32 @p2 $0x1082  }
0x22: {  	[simem:s7], [sflag:s8] =	dma.local @!p0 [hbm:s6], $0xF7A  }
0x23: {  	s9 =	sor.u32 $0xD0000000, s2;
	s6 =	simm.s32 $0x108;
	_ =	swait.ge @!p0 [sflag:s8], $0x0  }
0x24: {  	s3 =	sadd.s32 $0x88, s3;
	s6 =	simm.s32 @!p1 $0x1082;
	[sflag:s4] =	ssyncset.s32 $0xFFFFF086  }
0x25: {  	[simem:s6], [sflag:s4] =	dma.local [hbm:s3], $0xF7A  }
0x26: {  	[smem:$0x3F99] =	sst s1;
	(tag) =	ssettag s2;
	_ =	strace s9  }
0x27: {  	s1 =	sld [smem:$0x3FA9]  }
0x28: {  	s2 =	sld [smem:$0x3FAA]  }
0x29: {  	s4 =	sld [smem:$0x3FAC]  }
0x2a: {  	p0 =	seq.s32 s5, $0x0;
	s5 =	sld [smem:$0x3FAD]  }
0x2b: {  	s6 =	sld [smem:$0x3FAE]  }
0x2c: {  	s7 =	sld [smem:$0x3FAF]  }
0x2d: {  	s3 =	simm.s32 $0x108;
	s8 =	sld [smem:$0x3FB0]  }
0x2e: {  	s3 =	simm.s32 @!p0 $0x1082;
	s9 =	sld [smem:$0x3FB1]  }
0x2f: {  	lr =	sadd.s32 s0, s3;
	s0 =	sld [smem:$0x3FA8]  }
0x30: {  	s3 =	sld [smem:$0x3FAB]  }
0x31: {  	[smem:$0x3FB4] =	sst s10  }
0x32: {  	s10 =	sld [smem:$0x3FB2];
	_ =	sdelay $0x3  }
0x33: {  	p0 =	seq.s32 s10, $0x1;
	s10 =	sld [smem:$0x3FB4];
	_ =	sdelay $0x3  }
0x34: {  	[smem:$0x3FB4] =	sst s10  }
0x35: {  	s10 =	sld [smem:$0x3FB3];
	_ =	sdelay $0x3  }
0x36: {  	p1 =	seq.s32 s10, $0x1;
	s10 =	sld [smem:$0x3FB4];
	_ =	sdelay $0x3  }
0x37: {  	[smem:$0x3FB4] =	sst s10  }
0x38: {  	s10 =	sld [smem:$0x3FB5]  }
0x39: {  	_ = 	snop;
	(pc) =	sbr.ind lr, $3  }
0x3a: {  	_ = 	snop  }
0x3b: {  	_ = 	snop  }
0x3c: {  	p2 =	seq.s32 s10, $0x1;
	s10 =	sld [smem:$0x3FB4]  }
0x3d: {  	_ =	shalt  }
0x3e: {  	_ =	shalt  }
0x3f: {  	_ =	shalt  }
0x40: {  	_ =	shalt  }
0x41: {  	_ =	shalt  }
0x42: {  	_ =	shalt  }
0x43: {  	_ =	shalt  }
0x44: {  	_ =	shalt  }
0x45: {  	_ =	shalt  }
0x46: {  	_ =	shalt  }
0x47: {  	_ =	shalt  }
0x48: {  	_ =	shalt  }
0x49: {  	_ =	shalt  }
0x4a: {  	_ =	shalt  }
0x4b: {  	_ =	shalt  }
0x4c: {  	_ =	shalt  }
0x4d: {  	_ =	shalt  }
0x4e: {  	_ =	shalt  }
0x4f: {  	_ =	shalt  }
0x50: {  	_ =	shalt  }
0x51: {  	_ =	shalt  }
0x52: {  	_ =	shalt  }
0x53: {  	_ =	shalt  }
0x54: {  	_ =	shalt  }
0x55: {  	_ =	shalt  }
0x56: {  	_ =	shalt  }
0x57: {  	_ =	shalt  }
0x58: {  	_ =	shalt  }
0x59: {  	_ =	shalt  }
0x5a: {  	_ =	shalt  }
0x5b: {  	_ =	shalt  }
0x5c: {  	_ =	shalt  }
0x5d: {  	_ =	shalt  }
0x5e: {  	_ =	shalt  }
0x5f: {  	_ =	shalt  }
0x60: {  	_ =	shalt  }
0x61: {  	_ =	shalt  }
0x62: {  	_ =	shalt  }
0x63: {  	_ =	shalt  }
0x64: {  	_ =	shalt  }
0x65: {  	_ =	shalt  }
0x66: {  	_ =	shalt  }
0x67: {  	_ =	shalt  }
0x68: {  	_ =	shalt  }
0x69: {  	_ =	shalt  }
0x6a: {  	_ =	shalt  }
0x6b: {  	_ =	shalt  }
0x6c: {  	_ =	shalt  }
0x6d: {  	_ =	shalt  }
0x6e: {  	_ =	shalt  }
0x6f: {  	_ =	shalt  }
0x70: {  	_ =	shalt  }
0x71: {  	_ =	shalt  }
0x72: {  	_ =	shalt  }
0x73: {  	_ =	shalt  }
0x74: {  	_ =	shalt  }
0x75: {  	_ =	shalt  }
0x76: {  	_ =	shalt  }
0x77: {  	_ =	shalt  }
0x78: {  	_ =	shalt  }
0x79: {  	_ =	shalt  }
0x7a: {  	_ =	shalt  }
0x7b: {  	_ =	shalt  }
0x7c: {  	_ =	shalt  }
0x7d: {  	_ =	shalt  }
0x7e: {  	_ =	shalt  }
0x7f: {  	_ =	shalt  }
0x80: {  	_ =	shalt  }
0x81: {  	_ =	shalt  }
0x82: {  	_ =	shalt  }
0x83: {  	_ =	shalt  }
0x84: {  	_ =	shalt  }
0x85: {  	_ =	shalt  }
0x86: {  	_ =	shalt  }
0x87: {  	_ =	shalt  }
.Lfunc_end0:
.L_simem_size_0:
called_computation.4_lowered:
.L_overlay_start_0:
0x88: {  	s2 =	sld [smem:$0x3FD9]  }
0x89: {  	s3 =	sld [smem:$0x3FFE];
	_ =	sdelay $0x1  }
0x8a: {  	s1 =	srdreg.scid  }
0x8b: {  	s0 =	sand.u32 $0x1, s1  }
0x8c: {  	s15 =	sshll.u32 s0, $0xA;
	s2 =	sadd.s32 s3, s2  }
0x8d: {  	s2 =	sadd.s32 s2, s15  }
0x8e: {  	[smem:$0x3FC0] =	sst s2  }
0x8f: {  	_ = 	snop  }
0x90: {  	s2 =	sld [smem:$0x3FD0];
	_ =	sdelay $0x2  }
0x91: {  	s16 =	simm.s32 $0xC;
	s4 =	simm.s32 $0x10  }
0x92: {  	[smem:s4], [sflag:s16] =	dma.local [hbm:s2], $0x1  }
0x93: {  	_ =	swait.eq [sflag:s16], $0x1  }
0x94: {  	[sflag:s16] =	ssyncset.done $0x0  }
0x95: {  	[sflag:s16] =	ssyncadd.s32 $0xFFFFFFFF  }
0x96: {  	s17 =	sld [smem:$0x11];
	(tm) =	ssettm $0x1  }
0x97: {  	s18 =	sld [smem:$0x3FFB];
	_ =	sdelay $0x3  }
0x98: {  	_ =	strace s18  }
0x99: {  	s2 =	sld [smem:$0x3FFC];
	_ =	sdelay $0x3  }
0x9a: {  	_ =	strace s2  }
0x9b: {  	s2 =	sld [smem:$0x3FFD];
	_ =	sdelay $0x3  }
0x9c: {  	_ =	strace s2  }
0x9d: {  	_ =	strace $0x8FFFFFFF  }
0x9e: {  	s19 =	sld [smem:$0x3FDB];
	_ =	sdelay $0x1  }
0x9f: {  	s20 =	simm.s32 $_scs_section_size  }
0xa0: {  	s5 =	simm.s32 $_size__tile_overlayer_lowered;
	s6 =	simm.s32 $_tile_overlayer_lowered  }
0xa1: {  	s7 =	simm.s32 $0x1BFF;
	s21 =	sshll.u32 s6, $0x1;
	s4 =	sadd.s32 s20, s19  }
0xa2: {  	s22 =	simm.s32 $0x0;
	s5 =	sshll.u32 s5, $0x1;
	s6 =	sadd.s32 s21, s4  }
0xa3: {  	[timem:s22], [sflag:s7] =	dma.local [hbm:s6], s5  }
0xa4: {  	_ =	swait.ge [sflag:s7], s5  }
0xa5: {  	s5 =	ssub.s32 $0x0, s5;
	[sflag:s7] =	ssyncset.done $0x0  }
0xa6: {  	[sflag:s7] =	ssyncadd.s32 s5;
	_ =	sdelay $0x1  }
0xa7: {  	s23 =	simm.s32 $0x1B8B  }
0xa8: {  	_ =	swait.ge [sflag:s23], $0x1  }
0xa9: {  	[sflag:s23] =	ssyncset.done $0x0  }
0xaa: {  	[sflag:s23] =	ssyncadd.s32 $0xFFFFFFFF  }
0xab: {  	s5 =	sld [smem:$0x0]  }
0xac: {  	s6 =	sand.u32 $0xFFFFFFFE, s1  }
0xad: {  	p0 =	sne.s32 s1, s6  }
0xae: {  	s6 =	sshll.u32 @p0 s6, $0xE  }
0xaf: {  	s6 =	sadd.s32 @p0 $0x11B8D, s6;
	s7 =	sshll.u32 @p0 s5, $0x11  }
0xb0: {  	s6 =	sor.u32 @p0 s7, s6  }
0xb1: {  	[sflag:s6] =	ssyncadd.remote.s32 @p0 $0x1;
	_ =	sdelay $0x1  }
0xb2: {  	s6 =	simm.s32 @p0 $0x1B8D  }
0xb3: {  	_ =	swait.eq @p0 [sflag:s6], $0x1  }
0xb4: {  	[sflag:s6] =	ssyncadd.s32 @p0 $0xFFFFFFFF  }
0xb5: {  	s7 =	sshll.u32 @!p0 s1, $0xE  }
0xb6: {  	s7 =	sor.u32 @!p0 $0x4000, s7;
	s6 =	simm.s32 @!p0 $0x1B8D  }
0xb7: {  	s5 =	sshll.u32 @!p0 s5, $0x11;
	s7 =	sadd.s32 @!p0 $0x11B8D, s7;
	_ =	swait.eq @!p0 [sflag:s6], $0x1  }
0xb8: {  	s5 =	sor.u32 @!p0 s5, s7;
	[sflag:s6] =	ssyncadd.s32 @!p0 $0xFFFFFFFF  }
0xb9: {  	s25 =	simm.s32 $0x1B8E;
	s24 =	sld [smem:$0x3FFE];
	[sflag:s5] =	ssyncadd.remote.s32 @!p0 $0x1  }
0xba: {  	s26 =	simm.s32 $execute0_lowered;
	[smem:$0x3FD2] =	sst s25  }
0xbb: {  	s6 =	sshll.u32 s26, $0x1;
	_ =	strace $0x80000052;
	[dreg:$0x1] =	wrdreg $0xFFFFFFFF  }
0xbc: {  	s28 =	simm.s32 $_size_execute0_lowered;
	s4 =	sadd.s32 s4, s6;
	[dreg:$0x0] =	wrdreg $0x0  }
0xbd: {  	s6 =	sshll.u32 s28, $0x1;
	[dreg:$0x2] =	wrdreg s4  }
0xbe: {  	[dreg:$0x3] =	wrdreg s6  }
0xbf: {  	[dreg:$0x4] =	wrdreg $0xC0  }
0xc0: {  	_ =	task [dreg:s22], $0x5FFFF  }
0xc1: {  	[dreg:$0x1] =	wrdreg $0xFFFFFFFF  }
0xc2: {  	[dreg:$0x0] =	wrdreg $0x60  }
0xc3: {  	[dreg:$0x2] =	wrdreg s24  }
0xc4: {  	[dreg:$0x3] =	wrdreg s17  }
0xc5: {  	[dreg:$0x4] =	wrdreg $0x9  }
0xc6: {  	_ =	task.clear_ibuf [dreg:s22], $0x5FFFF;
	_ =	strace $0x90000052  }
0xc7: {  	s29 =	simm.s32 $0x9;
	_ =	strace $0x80000054  }
0xc8: {  	_ =	swait.ge [sflag:s29], $0x1  }
0xc9: {  	[sflag:s29] =	ssyncadd.s32 $0xFFFFFFFF  }
0xca: {  	_ =	strace $0x90000054  }
0xcb: {  	_ =	sfence  }
0xcc: {  	s30 =	sld [smem:$0x0];
	_ =	sdelay $0x2  }
0xcd: {  	s31 =	sshll.u32 s1, $0xD;
	s1 =	sshrl.u32 s1, $0x2  }
0xce: {  	s4 =	sand.u32 $0x4000, s31;
	s1 =	sadd.s32 s1, s30  }
0xcf: {  	s0 =	sor.u32 s4, s0;
	s1 =	sshll.u32 s1, $0x11  }
0xd0: {  	s0 =	sor.u32 s1, s0  }
0xd1: {  	s0 =	sadd.s32 $0x8F2B, s0  }
0xd2: {  	[sflag:s0] =	ssyncadd.remote.s32 $0x1  }
0xd3: {  	_ =	sfence.sel $0xFFFF  }
0xd4: {  	[dreg:$0x0] =	wrdreg $0xFFFFFFFF;
	(pc) =	sbr.abs _section_cstart, $3  }
0xd5: {  	[dreg:$0x1] =	wrdreg $0xFFFFFFFF  }
0xd6: {  	_ =	task.clear_ibuf [dreg:s22], $0x2FFFF;
	_ =	strace $0x9FFFFFFF  }
0xd7: {  	(tm) =	ssettm $0x7FFFFFFF  }
tec
execute0_lowered:
.L_overlay_start_1:
0x0: {  	(tag) =	ssettag $0x1  }
0x1: {  	s1 =	srdreg.scid;
	s5 =	rddreg [dreg:$0x0]  }
0x2: {  	s0 =	stileid.u32;
	s2 =	rddreg [dreg:$0x1];
	s6 =	simm.s32 $0x1  }
0x3: {  	s9 =	simm.s32 $0x1;
	s10 =	simm.s32 $0x3;
	s1 =	sshll.u32 s1, $0x8  }
0x4: {  	s13 =	simm.s32 $0x0;
	s3 =	sshll.u32 s0, $0x9;
	s4 =	sand.u32 $0x100, s1  }
0x5: {  	s12 =	simm.s32 $0x0;
	s1 =	rddreg [dreg:$0x2];
	s3 =	sor.u32 s3, s4  }
0x6: {  	_ =	strace $0x80000053;
	s4 =	sadd.s32 $0x40400, s5;
	s8 =	ssub.s32 $0x4000, s3  }
.Ltmp0:
0x7: {  	s5 =	sadd.s32 $0x11A00, s5;
	s7 =	sand.u32 $0x1F00, s8;
	(pc) =	sbr.rel .LBB2_1-.Ltmp0, $4  }
0x8: {  	[sflag:s6] =	ssyncpa.u1 $0x0;
	s11 =	smov.u32 s3;
	p0 =	sne.s32 s7, $0x0  }
0x9: {  	s8 =	sshrl.u32 s8, $0xD;
	s7 =	simm.s32 $0x2;
	s9 =	simm.s32 @!p0 $0x0  }
0xa: {  	[sflag:s7] =	ssyncpa.u1 $0x0;
	p0 =	por $0x0, $0x0;
	s8 =	sadd.s32 s9, s8  }
0xb: {  	vm0 =	vmmov $0xffff;
	[sflag:s10] =	ssyncpa.u1 $0x0;
	s10 =	simm.s32 $0x0;
	s9 =	sadd.s32 $0x1, s8  }
.LBB2_4:
0xc: {  	v2 =	vnsel vm1, $0x0, v2  }
0xd: {  	vm1 =	vgt.s32 v0, $0x0;
	v2 =	vmin.u32 v2, $0xF423F  }
0xe: {  	v0 =	vnsel vm1, $0x0, v0  }
0xf: {  	v0 =	vmin.u32 v0, $0xF423F  }
0x10: {  	[tilespmem:s15], [sflag:$0x1] =	stream.indirect_vreg.gather [hbm4b:s4+s10], $0x1, v1, vm0, $0x4038;
	[tilespmem:$0x400] =	vst v63  }
0x11: {  	(ifvalue) =	ssetifvalue $0x7FFFFFFF  }
0x12: {  	[tilespmem:s16], [sflag:$0x1] =	stream.indirect_vreg.gather [hbm4b:s4+s10], $0x1, v2, vm0, $0x4038;
	[tilespmem:$0x400] =	vst v63  }
0x13: {  	s29 =	sadd.s32 $0x10, s16;
	(ifvalue) =	ssetifvalue $0x7FFFFFFF  }
0x14: {  	[tilespmem:s29], [sflag:$0x1] =	stream.indirect_vreg.gather [hbm4b:s4+s10], $0x1, v0, vm0, $0x4038;
	[tilespmem:$0x400] =	vst v63  }
0x15: {  	_ =	swait.ge [sflag:s6], $0x100  }
0x16: {  	s30 =	sshrl.u32 s13, $0x3;
	[sflag:s6] =	ssyncset.done $0x0  }
0x17: {  	s31 =	sand.u32 $0x7, s13;
	s15 =	sadd.s32 s5, s30;
	[sflag:s6] =	ssyncadd.s32 $0xFFFFFF00  }
0x18: {  	[hbm4b:s15+s31] =	stream.linear.scatter [tilespmem:s14], [sflag:$0x3], $0x100, $0x38;
	[tilespmem:$0x400] =	vst v63  }
.LBB2_5:
0x19: {  	s15 =	sadd.s32 $0x2000, s11  }
0x1a: {  	p2 =	sgt.s32 s15, $0x3FFF  }
0x1b: {  	s15 =	smov.u32 @p2 s3;
	p2 =	sne.s32 s12, s9  }
.Ltmp1:
0x1c: {  	p1 =	slt.u32 s12, $0x2;
	(pc) =	sbr.rel @!p2 .LBB2_6-.Ltmp1, $4  }
0x1d: {  	s14 =	simm.s32 @!p1 $0x3  }
0x1e: {  	s16 =	sadd.s32 $0x1, s12;
	_ =	swait.ge @!p1 [sflag:s14], $0x100  }
0x1f: {  	s13 =	smov.u32 s11;
	p0 =	por !p0, !p0;
	[sflag:s14] =	ssyncset.done @!p1 $0x0  }
0x20: {  	s12 =	smov.u32 s16;
	s11 =	smov.u32 s15;
	[sflag:s14] =	ssyncadd.s32 @!p1 $0xFFFFFF00  }
.LBB2_1:
0x21: {  	p1 =	sge.u32 s12, s8  }
0x22: {  	s14 =	sxor.u32 @!p1 $0xFFFFFFFF, s12  }
0x23: {  	s31 =	sadd.s32 $0xFFFFFFFF, s12;
	s15 =	sshrl.u32 @!p1 s11, $0x3;
	s14 =	sshll.u32 @!p1 s14, $0x8  }
0x24: {  	s16 =	sand.u32 @!p1 $0x7, s11;
	s15 =	sadd.s32 @!p1 s2, s15;
	s14 =	sand.u32 @!p1 $0x100, s14  }
0x25: {  	[tilespmem:s14], [sflag:$0x2] =	stream.linear.gather @!p1 [hbm4b:s15+s16], $0x100, $0x38;
	[tilespmem:$0x400] =	vst v63  }
0x26: {  	p1 =	sge.u32 s31, s8  }
.Ltmp2:
0x27: {  	_ = 	snop;
	(pc) =	sbr.rel @p1 .LBB2_5-.Ltmp2, $1  }
0x28: {  	_ =	sdelay $0x3  }
0x29: {  	s14 =	simm.s32 $0x1  }
0x2a: {  	_ =	swait.ge [sflag:s7], $0x100;
	s14 =	simm.s32 @!p0 $0x0  }
0x2b: {  	[sflag:s7] =	ssyncset.done $0x0;
	s14 =	sshll.u32 s14, $0x8  }
0x2c: {  	[sflag:s7] =	ssyncadd.s32 $0xFFFFFF00;
	(ifvalue) =	ssetifvalue $0x7FFFFFFF;
	v0 =	vld.msk [tilespmem:s14+$0x0 ss:$0x1], $0xffff;
	_ =	sdelay $0x4  }
0x2d: {  	s15 =	sadd.s32 $0x10, s14;
	vm1 =	vgt.s32 v0, $0x0  }
0x2e: {  	v2 =	vld.msk [tilespmem:s15+$0x0 ss:$0x1], $0xffff;
	v1 =	vnsel vm1, $0x0, v0  }
0x2f: {  	v1 =	vmin.u32 v1, $0xF423F;
	_ =	sdelay $0x1  }
0x30: {  	s16 =	sshll.u32 s12, $0x8;
	s18 =	simm.s32 $0x20  }
0x31: {  	s16 =	sand.u32 $0x100, s16;
	s17 =	sadd.s32 $0x10, s15;
	s15 =	sor.u32 $0x200, s14  }
0x32: {  	s14 =	sor.u32 $0x200, s16;
	s16 =	sadd.s32 $0x10, s15;
	v0 =	vld.msk [tilespmem:s17+$0x0 ss:$0x1], $0xffff;
	vm1 =	vgt.s32 v2, $0x0;
	(ifvalue) =	ssetifvalue $0x7FFFFFFF  }
.LBB2_3:
0x33: {  	[tilespmem:s15], [sflag:$0x1] =	stream.indirect_vreg.gather [hbm4b:s4+s10], $0x1, v1, vm0, $0x4038;
	[tilespmem:$0x400] =	vst v63  }
0x34: {  	s18 =	sadd.s32 $0x10, s18  }
0x35: {  	v2 =	vnsel vm1, $0x0, v2;
	p1 =	slt.u32 s18, $0xF0  }
.Ltmp3:
0x36: {  	s15 =	smov.u32 s16;
	v1 =	vmin.u32 v2, $0xF423F;
	(pc) =	sbr.rel @p1 .LBB2_3-.Ltmp3, $3  }
0x37: {  	_ =	sdelay $0x1  }
0x38: {  	s17 =	sadd.s32 $0x10, s17  }
0x39: {  	vm1 =	vgt.s32 v0, $0x0;
	s16 =	sadd.s32 $0x10, s16;
	v2 =	vmov v0;
	(ifvalue) =	ssetifvalue $0x7FFFFFFF;
	v0 =	vld.msk [tilespmem:s17+$0x0 ss:$0x1], $0xffff  }
.Ltmp4:
0x3a: {  	_ = 	snop;
	(pc) =	sbr.rel .LBB2_4-.Ltmp4, $1  }
0x3b: {  	_ =	sdelay $0x3  }
.LBB2_6:
0x3c: {  	_ =	sfence.sel $0x180000  }
0x3d: {  	s2 =	simm.s32 $0x2;
	[bflag:$0x0] =	sbarrier.arrive $0xFFFF  }
0x3e: {  	s30 =	simm.s32 $0x3;
	[sflag:s2] =	ssyncpa.u1 $0x1  }
0x3f: {  	s31 =	simm.s32 $0x1;
	[sflag:s30] =	ssyncpa.u1 $0x1  }
0x40: {  	[sflag:s31] =	ssyncpa.u1 $0x1  }
0x41: {  	p0 =	sne.s32 s0, $0x0;
	_ =	strace $0x90000053  }
0x42: {  	s0 =	sadd.s32 @!p0 $0x100000, s1;
	[bflag:$0x2] =	sbarrier.arrive $0xFFFF  }
0x43: {  	[sflag:s0] =	ssyncadd.tile.s32 @!p0 $0x1;
	_ =	shalt  }
.Lfunc_end2:
_tile_overlayer_lowered:
.L_overlay_start_2:
0x44: {  	(tag) =	ssettag $0x2  }
0x45: {  	s0 =	rddreg [dreg:$0x0];
	s2 =	stileid.u32  }
0x46: {  	s1 =	rddreg [dreg:$0x1];
	p0 =	sne.s32 s2, $0x0  }
0x47: {  	s3 =	rddreg [dreg:$0x2];
	[bflag:$0x3] =	sbarrier.arrive $0xFFFF;
	s2 =	simm.s32 @!p0 $0x1C01  }
0x48: {  	[timem:s3], [sflag:s2] =	dma.local @!p0 [hbm:s0], s1  }
0x49: {  	s0 =	simm.s32 @!p0 $0x1  }
0x4a: {  	_ =	swait.ge @!p0 [sflag:s0], s1  }
0x4b: {  	s1 =	ssub.s32 @!p0 $0x0, s1;
	[sflag:s0] =	ssyncset.done @!p0 $0x0  }
0x4c: {  	[sflag:s0] =	ssyncadd.s32 @!p0 s1  }
0x4d: {  	[bflag:$0x3] =	sbarrier.arrive $0xFFFF  }
0x4e: {  	_ =	shalt  }

// kernel: gather_offload_async_start.5
scs
__scs_entry_jumppad:
0x0: {  	(pc) =	sbr.rel $0x88, $3  }
0x1: {  	(tag) =	ssettag $0x0;
	lr =	simm.s32 $0x1  }
0x2: {  	[smem:$0x3F99] =	sst lr;
	_ =	strace $0xD0000000  }
0x3: {  	_ = 	snop  }
0x4: {  	_ = 	snop  }
0x5: {  	_ = 	snop  }
0x6: {  	_ = 	snop  }
0x7: {  	_ = 	snop  }
__scs_overlays_trampoline_lowered:
0x8: {  	[smem:$0x3FA8] =	sst s0  }
0x9: {  	[smem:$0x3FA9] =	sst s1  }
0xa: {  	[smem:$0x3FAA] =	sst s2  }
0xb: {  	[smem:$0x3FAB] =	sst s3  }
0xc: {  	[smem:$0x3FAC] =	sst s4  }
0xd: {  	[smem:$0x3FAD] =	sst s5  }
0xe: {  	[smem:$0x3FAE] =	sst s6  }
0xf: {  	[smem:$0x3FAF] =	sst s7  }
0x10: {  	[smem:$0x3FB0] =	sst s8  }
0x11: {  	[smem:$0x3FB1] =	sst s9;
	s0 =	simm.s32 @!p0 $0x0  }
0x12: {  	s1 =	sld [smem:$0x3F97];
	s0 =	simm.s32 @p0 $0x1  }
0x13: {  	[smem:$0x3FB2] =	sst s0;
	s0 =	simm.s32 @!p1 $0x0  }
0x14: {  	s2 =	sld [smem:$0x3F96];
	s0 =	simm.s32 @p1 $0x1  }
0x15: {  	[smem:$0x3FB3] =	sst s0;
	s0 =	simm.s32 @!p2 $0x0  }
0x16: {  	s3 =	sld [smem:$0x3FDB];
	s0 =	simm.s32 @p2 $0x1  }
0x17: {  	s4 =	simm.s32 $0x1BF5;
	[smem:$0x3FB5] =	sst s0  }
0x18: {  	s0 =	sld [smem:$0x3F98];
	_ =	swait.ge [sflag:s4], $0x0  }
0x19: {  	s7 =	sld [smem:$0x3F99]  }
0x1a: {  	s8 =	sadd.s32 $0xFFFFE003, lr  }
0x1b: {  	s9 =	sadd.s32 $0xFFFFFEF7, lr;
	s5 =	simm.s32 $0xFFFFFFFF;
	p2 =	slt.u32 s8, $0xFFFFF086  }
0x1c: {  	p1 =	slt.u32 s9, $0xF7A;
	s5 =	simm.s32 @!p2 $0x0  }
0x1d: {  	s5 =	simm.s32 @p1 $0x1;
	p0 =	seq.s32 s7, s2  }
0x1e: {  	s7 =	smul.u32 @!p0 $0xF7A, s2;
	p2 =	seq.s32 @!p0 s5, $0x0  }
0x1f: {  	s9 =	smul.u32 $0xF7A, s1;
	s8 =	simm.s32 @!p0 $0x1BF5;
	p2 =	por !p2, p0  }
0x20: {  	[sflag:s8] =	ssyncset.s32 @!p0 $0xFFFFF086;
	s6 =	sadd.s32 @!p0 s3, s7;
	s7 =	simm.s32 @!p0 $0x108  }
0x21: {  	s3 =	sadd.s32 s3, s9;
	s6 =	sadd.s32 @!p0 $0x88, s6;
	s7 =	simm.s32 @p2 $0x1082  }
0x22: {  	[simem:s7], [sflag:s8] =	dma.local @!p0 [hbm:s6], $0xF7A  }
0x23: {  	s9 =	sor.u32 $0xD0000000, s2;
	s6 =	simm.s32 $0x108;
	_ =	swait.ge @!p0 [sflag:s8], $0x0  }
0x24: {  	s3 =	sadd.s32 $0x88, s3;
	s6 =	simm.s32 @!p1 $0x1082;
	[sflag:s4] =	ssyncset.s32 $0xFFFFF086  }
0x25: {  	[simem:s6], [sflag:s4] =	dma.local [hbm:s3], $0xF7A  }
0x26: {  	[smem:$0x3F99] =	sst s1;
	(tag) =	ssettag s2;
	_ =	strace s9  }
0x27: {  	s1 =	sld [smem:$0x3FA9]  }
0x28: {  	s2 =	sld [smem:$0x3FAA]  }
0x29: {  	s4 =	sld [smem:$0x3FAC]  }
0x2a: {  	p0 =	seq.s32 s5, $0x0;
	s5 =	sld [smem:$0x3FAD]  }
0x2b: {  	s6 =	sld [smem:$0x3FAE]  }
0x2c: {  	s7 =	sld [smem:$0x3FAF]  }
0x2d: {  	s3 =	simm.s32 $0x108;
	s8 =	sld [smem:$0x3FB0]  }
0x2e: {  	s3 =	simm.s32 @!p0 $0x1082;
	s9 =	sld [smem:$0x3FB1]  }
0x2f: {  	lr =	sadd.s32 s0, s3;
	s0 =	sld [smem:$0x3FA8]  }
0x30: {  	s3 =	sld [smem:$0x3FAB]  }
0x31: {  	[smem:$0x3FB4] =	sst s10  }
0x32: {  	s10 =	sld [smem:$0x3FB2];
	_ =	sdelay $0x3  }
0x33: {  	p0 =	seq.s32 s10, $0x1;
	s10 =	sld [smem:$0x3FB4];
	_ =	sdelay $0x3  }
0x34: {  	[smem:$0x3FB4] =	sst s10  }
0x35: {  	s10 =	sld [smem:$0x3FB3];
	_ =	sdelay $0x3  }
0x36: {  	p1 =	seq.s32 s10, $0x1;
	s10 =	sld [smem:$0x3FB4];
	_ =	sdelay $0x3  }
0x37: {  	[smem:$0x3FB4] =	sst s10  }
0x38: {  	s10 =	sld [smem:$0x3FB5]  }
0x39: {  	_ = 	snop;
	(pc) =	sbr.ind lr, $3  }
0x3a: {  	_ = 	snop  }
0x3b: {  	_ = 	snop  }
0x3c: {  	p2 =	seq.s32 s10, $0x1;
	s10 =	sld [smem:$0x3FB4]  }
0x3d: {  	_ =	shalt  }
0x3e: {  	_ =	shalt  }
0x3f: {  	_ =	shalt  }
0x40: {  	_ =	shalt  }
0x41: {  	_ =	shalt  }
0x42: {  	_ =	shalt  }
0x43: {  	_ =	shalt  }
0x44: {  	_ =	shalt  }
0x45: {  	_ =	shalt  }
0x46: {  	_ =	shalt  }
0x47: {  	_ =	shalt  }
0x48: {  	_ =	shalt  }
0x49: {  	_ =	shalt  }
0x4a: {  	_ =	shalt  }
0x4b: {  	_ =	shalt  }
0x4c: {  	_ =	shalt  }
0x4d: {  	_ =	shalt  }
0x4e: {  	_ =	shalt  }
0x4f: {  	_ =	shalt  }
0x50: {  	_ =	shalt  }
0x51: {  	_ =	shalt  }
0x52: {  	_ =	shalt  }
0x53: {  	_ =	shalt  }
0x54: {  	_ =	shalt  }
0x55: {  	_ =	shalt  }
0x56: {  	_ =	shalt  }
0x57: {  	_ =	shalt  }
0x58: {  	_ =	shalt  }
0x59: {  	_ =	shalt  }
0x5a: {  	_ =	shalt  }
0x5b: {  	_ =	shalt  }
0x5c: {  	_ =	shalt  }
0x5d: {  	_ =	shalt  }
0x5e: {  	_ =	shalt  }
0x5f: {  	_ =	shalt  }
0x60: {  	_ =	shalt  }
0x61: {  	_ =	shalt  }
0x62: {  	_ =	shalt  }
0x63: {  	_ =	shalt  }
0x64: {  	_ =	shalt  }
0x65: {  	_ =	shalt  }
0x66: {  	_ =	shalt  }
0x67: {  	_ =	shalt  }
0x68: {  	_ =	shalt  }
0x69: {  	_ =	shalt  }
0x6a: {  	_ =	shalt  }
0x6b: {  	_ =	shalt  }
0x6c: {  	_ =	shalt  }
0x6d: {  	_ =	shalt  }
0x6e: {  	_ =	shalt  }
0x6f: {  	_ =	shalt  }
0x70: {  	_ =	shalt  }
0x71: {  	_ =	shalt  }
0x72: {  	_ =	shalt  }
0x73: {  	_ =	shalt  }
0x74: {  	_ =	shalt  }
0x75: {  	_ =	shalt  }
0x76: {  	_ =	shalt  }
0x77: {  	_ =	shalt  }
0x78: {  	_ =	shalt  }
0x79: {  	_ =	shalt  }
0x7a: {  	_ =	shalt  }
0x7b: {  	_ =	shalt  }
0x7c: {  	_ =	shalt  }
0x7d: {  	_ =	shalt  }
0x7e: {  	_ =	shalt  }
0x7f: {  	_ =	shalt  }
0x80: {  	_ =	shalt  }
0x81: {  	_ =	shalt  }
0x82: {  	_ =	shalt  }
0x83: {  	_ =	shalt  }
0x84: {  	_ =	shalt  }
0x85: {  	_ =	shalt  }
0x86: {  	_ =	shalt  }
0x87: {  	_ =	shalt  }
.Lfunc_end0:
.L_simem_size_0:
called_computation.5_lowered:
.L_overlay_start_0:
0x88: {  	s2 =	sld [smem:$0x3FD9]  }
0x89: {  	s3 =	sld [smem:$0x3FFE];
	_ =	sdelay $0x1  }
0x8a: {  	s1 =	srdreg.scid  }
0x8b: {  	s0 =	sand.u32 $0x1, s1  }
0x8c: {  	s15 =	sshll.u32 s0, $0xA;
	s2 =	sadd.s32 s3, s2  }
0x8d: {  	s2 =	sadd.s32 s2, s15  }
0x8e: {  	[smem:$0x3FC0] =	sst s2  }
0x8f: {  	_ = 	snop  }
0x90: {  	s2 =	sld [smem:$0x3FD0];
	_ =	sdelay $0x2  }
0x91: {  	s16 =	simm.s32 $0xC;
	s4 =	simm.s32 $0x10  }
0x92: {  	[smem:s4], [sflag:s16] =	dma.local [hbm:s2], $0x1  }
0x93: {  	_ =	swait.eq [sflag:s16], $0x1  }
0x94: {  	[sflag:s16] =	ssyncset.done $0x0  }
0x95: {  	[sflag:s16] =	ssyncadd.s32 $0xFFFFFFFF  }
0x96: {  	s17 =	sld [smem:$0x12];
	(tm) =	ssettm $0x1  }
0x97: {  	s18 =	sld [smem:$0x3FFB];
	_ =	sdelay $0x3  }
0x98: {  	_ =	strace s18  }
0x99: {  	s2 =	sld [smem:$0x3FFC];
	_ =	sdelay $0x3  }
0x9a: {  	_ =	strace s2  }
0x9b: {  	s2 =	sld [smem:$0x3FFD];
	_ =	sdelay $0x3  }
0x9c: {  	_ =	strace s2  }
0x9d: {  	_ =	strace $0x8FFFFFFF  }
0x9e: {  	s19 =	sld [smem:$0x3FDB];
	_ =	sdelay $0x1  }
0x9f: {  	s20 =	simm.s32 $_scs_section_size  }
0xa0: {  	s5 =	simm.s32 $_size__tile_overlayer_lowered;
	s6 =	simm.s32 $_tile_overlayer_lowered  }
0xa1: {  	s7 =	simm.s32 $0x1BFF;
	s21 =	sshll.u32 s6, $0x1;
	s4 =	sadd.s32 s20, s19  }
0xa2: {  	s22 =	simm.s32 $0x0;
	s5 =	sshll.u32 s5, $0x1;
	s6 =	sadd.s32 s21, s4  }
0xa3: {  	[timem:s22], [sflag:s7] =	dma.local [hbm:s6], s5  }
0xa4: {  	_ =	swait.ge [sflag:s7], s5  }
0xa5: {  	s5 =	ssub.s32 $0x0, s5;
	[sflag:s7] =	ssyncset.done $0x0  }
0xa6: {  	[sflag:s7] =	ssyncadd.s32 s5;
	_ =	sdelay $0x1  }
0xa7: {  	s23 =	simm.s32 $0x1B8B  }
0xa8: {  	_ =	swait.ge [sflag:s23], $0x1  }
0xa9: {  	[sflag:s23] =	ssyncset.done $0x0  }
0xaa: {  	[sflag:s23] =	ssyncadd.s32 $0xFFFFFFFF  }
0xab: {  	s5 =	sld [smem:$0x0]  }
0xac: {  	s6 =	sand.u32 $0xFFFFFFFE, s1  }
0xad: {  	p0 =	sne.s32 s1, s6  }
0xae: {  	s6 =	sshll.u32 @p0 s6, $0xE  }
0xaf: {  	s6 =	sadd.s32 @p0 $0x11B8D, s6;
	s7 =	sshll.u32 @p0 s5, $0x11  }
0xb0: {  	s6 =	sor.u32 @p0 s7, s6  }
0xb1: {  	[sflag:s6] =	ssyncadd.remote.s32 @p0 $0x1;
	_ =	sdelay $0x1  }
0xb2: {  	s6 =	simm.s32 @p0 $0x1B8D  }
0xb3: {  	_ =	swait.eq @p0 [sflag:s6], $0x1  }
0xb4: {  	[sflag:s6] =	ssyncadd.s32 @p0 $0xFFFFFFFF  }
0xb5: {  	s7 =	sshll.u32 @!p0 s1, $0xE  }
0xb6: {  	s7 =	sor.u32 @!p0 $0x4000, s7;
	s6 =	simm.s32 @!p0 $0x1B8D  }
0xb7: {  	s5 =	sshll.u32 @!p0 s5, $0x11;
	s7 =	sadd.s32 @!p0 $0x11B8D, s7;
	_ =	swait.eq @!p0 [sflag:s6], $0x1  }
0xb8: {  	s5 =	sor.u32 @!p0 s5, s7;
	[sflag:s6] =	ssyncadd.s32 @!p0 $0xFFFFFFFF  }
0xb9: {  	s25 =	simm.s32 $0x1B8E;
	s24 =	sld [smem:$0x3FFE];
	[sflag:s5] =	ssyncadd.remote.s32 @!p0 $0x1  }
0xba: {  	s26 =	simm.s32 $execute0_lowered;
	[smem:$0x3FD2] =	sst s25  }
0xbb: {  	s6 =	sshll.u32 s26, $0x1;
	_ =	strace $0x80000055;
	[dreg:$0x1] =	wrdreg $0xFFFFFFFF  }
0xbc: {  	s28 =	simm.s32 $_size_execute0_lowered;
	s4 =	sadd.s32 s4, s6;
	[dreg:$0x0] =	wrdreg $0x0  }
0xbd: {  	s6 =	sshll.u32 s28, $0x1;
	[dreg:$0x2] =	wrdreg s4  }
0xbe: {  	[dreg:$0x3] =	wrdreg s6  }
0xbf: {  	[dreg:$0x4] =	wrdreg $0xC0  }
0xc0: {  	_ =	task [dreg:s22], $0x5FFFF  }
0xc1: {  	[dreg:$0x1] =	wrdreg $0xFFFFFFFF  }
0xc2: {  	[dreg:$0x0] =	wrdreg $0x60  }
0xc3: {  	[dreg:$0x2] =	wrdreg s24  }
0xc4: {  	[dreg:$0x3] =	wrdreg s17  }
0xc5: {  	[dreg:$0x4] =	wrdreg $0xB  }
0xc6: {  	_ =	task.clear_ibuf [dreg:s22], $0x5FFFF;
	_ =	strace $0x90000055  }
0xc7: {  	s29 =	simm.s32 $0xB;
	_ =	strace $0x80000057  }
0xc8: {  	_ =	swait.ge [sflag:s29], $0x1  }
0xc9: {  	[sflag:s29] =	ssyncadd.s32 $0xFFFFFFFF  }
0xca: {  	_ =	strace $0x90000057  }
0xcb: {  	_ =	sfence  }
0xcc: {  	s30 =	sld [smem:$0x0];
	_ =	sdelay $0x2  }
0xcd: {  	s31 =	sshll.u32 s1, $0xD;
	s1 =	sshrl.u32 s1, $0x2  }
0xce: {  	s4 =	sand.u32 $0x4000, s31;
	s1 =	sadd.s32 s1, s30  }
0xcf: {  	s0 =	sor.u32 s4, s0;
	s1 =	sshll.u32 s1, $0x11  }
0xd0: {  	s0 =	sor.u32 s1, s0  }
0xd1: {  	s0 =	sadd.s32 $0x8F2B, s0  }
0xd2: {  	[sflag:s0] =	ssyncadd.remote.s32 $0x1  }
0xd3: {  	_ =	sfence.sel $0xFFFF  }
0xd4: {  	[dreg:$0x0] =	wrdreg $0xFFFFFFFF;
	(pc) =	sbr.abs _section_cstart, $3  }
0xd5: {  	[dreg:$0x1] =	wrdreg $0xFFFFFFFF  }
0xd6: {  	_ =	task.clear_ibuf [dreg:s22], $0x2FFFF;
	_ =	strace $0x9FFFFFFF  }
0xd7: {  	(tm) =	ssettm $0x7FFFFFFF  }
tec
execute0_lowered:
.L_overlay_start_1:
0x0: {  	(tag) =	ssettag $0x1  }
0x1: {  	s1 =	srdreg.scid;
	s5 =	rddreg [dreg:$0x0]  }
0x2: {  	s0 =	stileid.u32;
	s2 =	rddreg [dreg:$0x1];
	s6 =	simm.s32 $0x1  }
0x3: {  	s9 =	simm.s32 $0x1;
	s10 =	simm.s32 $0x3;
	s1 =	sshll.u32 s1, $0x8  }
0x4: {  	s13 =	simm.s32 $0x0;
	s3 =	sshll.u32 s0, $0x9;
	s4 =	sand.u32 $0x100, s1  }
0x5: {  	s12 =	simm.s32 $0x0;
	s1 =	rddreg [dreg:$0x2];
	s3 =	sor.u32 s3, s4  }
0x6: {  	_ =	strace $0x80000056;
	s4 =	sadd.s32 $0x5EE00, s5;
	s8 =	ssub.s32 $0x4000, s3  }
.Ltmp0:
0x7: {  	s5 =	sadd.s32 $0x12200, s5;
	s7 =	sand.u32 $0x1F00, s8;
	(pc) =	sbr.rel .LBB2_1-.Ltmp0, $4  }
0x8: {  	[sflag:s6] =	ssyncpa.u1 $0x0;
	s11 =	smov.u32 s3;
	p0 =	sne.s32 s7, $0x0  }
0x9: {  	s8 =	sshrl.u32 s8, $0xD;
	s7 =	simm.s32 $0x2;
	s9 =	simm.s32 @!p0 $0x0  }
0xa: {  	[sflag:s7] =	ssyncpa.u1 $0x0;
	p0 =	por $0x0, $0x0;
	s8 =	sadd.s32 s9, s8  }
0xb: {  	vm0 =	vmmov $0xffff;
	[sflag:s10] =	ssyncpa.u1 $0x0;
	s10 =	simm.s32 $0x0;
	s9 =	sadd.s32 $0x1, s8  }
.LBB2_4:
0xc: {  	v2 =	vnsel vm1, $0x0, v2  }
0xd: {  	vm1 =	vgt.s32 v0, $0x0;
	v2 =	vmin.u32 v2, $0xF423F  }
0xe: {  	v0 =	vnsel vm1, $0x0, v0  }
0xf: {  	v0 =	vmin.u32 v0, $0xF423F  }
0x10: {  	[tilespmem:s15], [sflag:$0x1] =	stream.indirect_vreg.gather [hbm4b:s4+s10], $0x1, v1, vm0, $0x4038;
	[tilespmem:$0x400] =	vst v63  }
0x11: {  	(ifvalue) =	ssetifvalue $0x7FFFFFFF  }
0x12: {  	[tilespmem:s16], [sflag:$0x1] =	stream.indirect_vreg.gather [hbm4b:s4+s10], $0x1, v2, vm0, $0x4038;
	[tilespmem:$0x400] =	vst v63  }
0x13: {  	s29 =	sadd.s32 $0x10, s16;
	(ifvalue) =	ssetifvalue $0x7FFFFFFF  }
0x14: {  	[tilespmem:s29], [sflag:$0x1] =	stream.indirect_vreg.gather [hbm4b:s4+s10], $0x1, v0, vm0, $0x4038;
	[tilespmem:$0x400] =	vst v63  }
0x15: {  	_ =	swait.ge [sflag:s6], $0x100  }
0x16: {  	s30 =	sshrl.u32 s13, $0x3;
	[sflag:s6] =	ssyncset.done $0x0  }
0x17: {  	s31 =	sand.u32 $0x7, s13;
	s15 =	sadd.s32 s5, s30;
	[sflag:s6] =	ssyncadd.s32 $0xFFFFFF00  }
0x18: {  	[hbm4b:s15+s31] =	stream.linear.scatter [tilespmem:s14], [sflag:$0x3], $0x100, $0x38;
	[tilespmem:$0x400] =	vst v63  }
.LBB2_5:
0x19: {  	s15 =	sadd.s32 $0x2000, s11  }
0x1a: {  	p2 =	sgt.s32 s15, $0x3FFF  }
0x1b: {  	s15 =	smov.u32 @p2 s3;
	p2 =	sne.s32 s12, s9  }
.Ltmp1:
0x1c: {  	p1 =	slt.u32 s12, $0x2;
	(pc) =	sbr.rel @!p2 .LBB2_6-.Ltmp1, $4  }
0x1d: {  	s14 =	simm.s32 @!p1 $0x3  }
0x1e: {  	s16 =	sadd.s32 $0x1, s12;
	_ =	swait.ge @!p1 [sflag:s14], $0x100  }
0x1f: {  	s13 =	smov.u32 s11;
	p0 =	por !p0, !p0;
	[sflag:s14] =	ssyncset.done @!p1 $0x0  }
0x20: {  	s12 =	smov.u32 s16;
	s11 =	smov.u32 s15;
	[sflag:s14] =	ssyncadd.s32 @!p1 $0xFFFFFF00  }
.LBB2_1:
0x21: {  	p1 =	sge.u32 s12, s8  }
0x22: {  	s14 =	sxor.u32 @!p1 $0xFFFFFFFF, s12  }
0x23: {  	s31 =	sadd.s32 $0xFFFFFFFF, s12;
	s15 =	sshrl.u32 @!p1 s11, $0x3;
	s14 =	sshll.u32 @!p1 s14, $0x8  }
0x24: {  	s16 =	sand.u32 @!p1 $0x7, s11;
	s15 =	sadd.s32 @!p1 s2, s15;
	s14 =	sand.u32 @!p1 $0x100, s14  }
0x25: {  	[tilespmem:s14], [sflag:$0x2] =	stream.linear.gather @!p1 [hbm4b:s15+s16], $0x100, $0x38;
	[tilespmem:$0x400] =	vst v63  }
0x26: {  	p1 =	sge.u32 s31, s8  }
.Ltmp2:
0x27: {  	_ = 	snop;
	(pc) =	sbr.rel @p1 .LBB2_5-.Ltmp2, $1  }
0x28: {  	_ =	sdelay $0x3  }
0x29: {  	s14 =	simm.s32 $0x1  }
0x2a: {  	_ =	swait.ge [sflag:s7], $0x100;
	s14 =	simm.s32 @!p0 $0x0  }
0x2b: {  	[sflag:s7] =	ssyncset.done $0x0;
	s14 =	sshll.u32 s14, $0x8  }
0x2c: {  	[sflag:s7] =	ssyncadd.s32 $0xFFFFFF00;
	(ifvalue) =	ssetifvalue $0x7FFFFFFF;
	v0 =	vld.msk [tilespmem:s14+$0x0 ss:$0x1], $0xffff;
	_ =	sdelay $0x4  }
0x2d: {  	s15 =	sadd.s32 $0x10, s14;
	vm1 =	vgt.s32 v0, $0x0  }
0x2e: {  	v2 =	vld.msk [tilespmem:s15+$0x0 ss:$0x1], $0xffff;
	v1 =	vnsel vm1, $0x0, v0  }
0x2f: {  	v1 =	vmin.u32 v1, $0xF423F;
	_ =	sdelay $0x1  }
0x30: {  	s16 =	sshll.u32 s12, $0x8;
	s18 =	simm.s32 $0x20  }
0x31: {  	s16 =	sand.u32 $0x100, s16;
	s17 =	sadd.s32 $0x10, s15;
	s15 =	sor.u32 $0x200, s14  }
0x32: {  	s14 =	sor.u32 $0x200, s16;
	s16 =	sadd.s32 $0x10, s15;
	v0 =	vld.msk [tilespmem:s17+$0x0 ss:$0x1], $0xffff;
	vm1 =	vgt.s32 v2, $0x0;
	(ifvalue) =	ssetifvalue $0x7FFFFFFF  }
.LBB2_3:
0x33: {  	[tilespmem:s15], [sflag:$0x1] =	stream.indirect_vreg.gather [hbm4b:s4+s10], $0x1, v1, vm0, $0x4038;
	[tilespmem:$0x400] =	vst v63  }
0x34: {  	s18 =	sadd.s32 $0x10, s18  }
0x35: {  	v2 =	vnsel vm1, $0x0, v2;
	p1 =	slt.u32 s18, $0xF0  }
.Ltmp3:
0x36: {  	s15 =	smov.u32 s16;
	v1 =	vmin.u32 v2, $0xF423F;
	(pc) =	sbr.rel @p1 .LBB2_3-.Ltmp3, $3  }
0x37: {  	_ =	sdelay $0x1  }
0x38: {  	s17 =	sadd.s32 $0x10, s17  }
0x39: {  	vm1 =	vgt.s32 v0, $0x0;
	s16 =	sadd.s32 $0x10, s16;
	v2 =	vmov v0;
	(ifvalue) =	ssetifvalue $0x7FFFFFFF;
	v0 =	vld.msk [tilespmem:s17+$0x0 ss:$0x1], $0xffff  }
.Ltmp4:
0x3a: {  	_ = 	snop;
	(pc) =	sbr.rel .LBB2_4-.Ltmp4, $1  }
0x3b: {  	_ =	sdelay $0x3  }
.LBB2_6:
0x3c: {  	_ =	sfence.sel $0x180000  }
0x3d: {  	s2 =	simm.s32 $0x2;
	[bflag:$0x0] =	sbarrier.arrive $0xFFFF  }
0x3e: {  	s30 =	simm.s32 $0x3;
	[sflag:s2] =	ssyncpa.u1 $0x1  }
0x3f: {  	s31 =	simm.s32 $0x1;
	[sflag:s30] =	ssyncpa.u1 $0x1  }
0x40: {  	[sflag:s31] =	ssyncpa.u1 $0x1  }
0x41: {  	p0 =	sne.s32 s0, $0x0;
	_ =	strace $0x90000056  }
0x42: {  	s0 =	sadd.s32 @!p0 $0x100000, s1;
	[bflag:$0x2] =	sbarrier.arrive $0xFFFF  }
0x43: {  	[sflag:s0] =	ssyncadd.tile.s32 @!p0 $0x1;
	_ =	shalt  }
.Lfunc_end2:
_tile_overlayer_lowered:
.L_overlay_start_2:
0x44: {  	(tag) =	ssettag $0x2  }
0x45: {  	s0 =	rddreg [dreg:$0x0];
	s2 =	stileid.u32  }
0x46: {  	s1 =	rddreg [dreg:$0x1];
	p0 =	sne.s32 s2, $0x0  }
0x47: {  	s3 =	rddreg [dreg:$0x2];
	[bflag:$0x3] =	sbarrier.arrive $0xFFFF;
	s2 =	simm.s32 @!p0 $0x1C01  }
0x48: {  	[timem:s3], [sflag:s2] =	dma.local @!p0 [hbm:s0], s1  }
0x49: {  	s0 =	simm.s32 @!p0 $0x1  }
0x4a: {  	_ =	swait.ge @!p0 [sflag:s0], s1  }
0x4b: {  	s1 =	ssub.s32 @!p0 $0x0, s1;
	[sflag:s0] =	ssyncset.done @!p0 $0x0  }
0x4c: {  	[sflag:s0] =	ssyncadd.s32 @!p0 s1  }
0x4d: {  	[bflag:$0x3] =	sbarrier.arrive $0xFFFF  }
0x4e: {  	_ =	shalt  }

// kernel: gather_offload_async_start
scs
__scs_entry_jumppad:
0x0: {  	(pc) =	sbr.rel $0x88, $3  }
0x1: {  	(tag) =	ssettag $0x0;
	lr =	simm.s32 $0x1  }
0x2: {  	[smem:$0x3F99] =	sst lr;
	_ =	strace $0xD0000000  }
0x3: {  	_ = 	snop  }
0x4: {  	_ = 	snop  }
0x5: {  	_ = 	snop  }
0x6: {  	_ = 	snop  }
0x7: {  	_ = 	snop  }
__scs_overlays_trampoline_lowered:
0x8: {  	[smem:$0x3FA8] =	sst s0  }
0x9: {  	[smem:$0x3FA9] =	sst s1  }
0xa: {  	[smem:$0x3FAA] =	sst s2  }
0xb: {  	[smem:$0x3FAB] =	sst s3  }
0xc: {  	[smem:$0x3FAC] =	sst s4  }
0xd: {  	[smem:$0x3FAD] =	sst s5  }
0xe: {  	[smem:$0x3FAE] =	sst s6  }
0xf: {  	[smem:$0x3FAF] =	sst s7  }
0x10: {  	[smem:$0x3FB0] =	sst s8  }
0x11: {  	[smem:$0x3FB1] =	sst s9;
	s0 =	simm.s32 @!p0 $0x0  }
0x12: {  	s1 =	sld [smem:$0x3F97];
	s0 =	simm.s32 @p0 $0x1  }
0x13: {  	[smem:$0x3FB2] =	sst s0;
	s0 =	simm.s32 @!p1 $0x0  }
0x14: {  	s2 =	sld [smem:$0x3F96];
	s0 =	simm.s32 @p1 $0x1  }
0x15: {  	[smem:$0x3FB3] =	sst s0;
	s0 =	simm.s32 @!p2 $0x0  }
0x16: {  	s3 =	sld [smem:$0x3FDB];
	s0 =	simm.s32 @p2 $0x1  }
0x17: {  	s4 =	simm.s32 $0x1BF5;
	[smem:$0x3FB5] =	sst s0  }
0x18: {  	s0 =	sld [smem:$0x3F98];
	_ =	swait.ge [sflag:s4], $0x0  }
0x19: {  	s7 =	sld [smem:$0x3F99]  }
0x1a: {  	s8 =	sadd.s32 $0xFFFFE003, lr  }
0x1b: {  	s9 =	sadd.s32 $0xFFFFFEF7, lr;
	s5 =	simm.s32 $0xFFFFFFFF;
	p2 =	slt.u32 s8, $0xFFFFF086  }
0x1c: {  	p1 =	slt.u32 s9, $0xF7A;
	s5 =	simm.s32 @!p2 $0x0  }
0x1d: {  	s5 =	simm.s32 @p1 $0x1;
	p0 =	seq.s32 s7, s2  }
0x1e: {  	s7 =	smul.u32 @!p0 $0xF7A, s2;
	p2 =	seq.s32 @!p0 s5, $0x0  }
0x1f: {  	s9 =	smul.u32 $0xF7A, s1;
	s8 =	simm.s32 @!p0 $0x1BF5;
	p2 =	por !p2, p0  }
0x20: {  	[sflag:s8] =	ssyncset.s32 @!p0 $0xFFFFF086;
	s6 =	sadd.s32 @!p0 s3, s7;
	s7 =	simm.s32 @!p0 $0x108  }
0x21: {  	s3 =	sadd.s32 s3, s9;
	s6 =	sadd.s32 @!p0 $0x88, s6;
	s7 =	simm.s32 @p2 $0x1082  }
0x22: {  	[simem:s7], [sflag:s8] =	dma.local @!p0 [hbm:s6], $0xF7A  }
0x23: {  	s9 =	sor.u32 $0xD0000000, s2;
	s6 =	simm.s32 $0x108;
	_ =	swait.ge @!p0 [sflag:s8], $0x0  }
0x24: {  	s3 =	sadd.s32 $0x88, s3;
	s6 =	simm.s32 @!p1 $0x1082;
	[sflag:s4] =	ssyncset.s32 $0xFFFFF086  }
0x25: {  	[simem:s6], [sflag:s4] =	dma.local [hbm:s3], $0xF7A  }
0x26: {  	[smem:$0x3F99] =	sst s1;
	(tag) =	ssettag s2;
	_ =	strace s9  }
0x27: {  	s1 =	sld [smem:$0x3FA9]  }
0x28: {  	s2 =	sld [smem:$0x3FAA]  }
0x29: {  	s4 =	sld [smem:$0x3FAC]  }
0x2a: {  	p0 =	seq.s32 s5, $0x0;
	s5 =	sld [smem:$0x3FAD]  }
0x2b: {  	s6 =	sld [smem:$0x3FAE]  }
0x2c: {  	s7 =	sld [smem:$0x3FAF]  }
0x2d: {  	s3 =	simm.s32 $0x108;
	s8 =	sld [smem:$0x3FB0]  }
0x2e: {  	s3 =	simm.s32 @!p0 $0x1082;
	s9 =	sld [smem:$0x3FB1]  }
0x2f: {  	lr =	sadd.s32 s0, s3;
	s0 =	sld [smem:$0x3FA8]  }
0x30: {  	s3 =	sld [smem:$0x3FAB]  }
0x31: {  	[smem:$0x3FB4] =	sst s10  }
0x32: {  	s10 =	sld [smem:$0x3FB2];
	_ =	sdelay $0x3  }
0x33: {  	p0 =	seq.s32 s10, $0x1;
	s10 =	sld [smem:$0x3FB4];
	_ =	sdelay $0x3  }
0x34: {  	[smem:$0x3FB4] =	sst s10  }
0x35: {  	s10 =	sld [smem:$0x3FB3];
	_ =	sdelay $0x3  }
0x36: {  	p1 =	seq.s32 s10, $0x1;
	s10 =	sld [smem:$0x3FB4];
	_ =	sdelay $0x3  }
0x37: {  	[smem:$0x3FB4] =	sst s10  }
0x38: {  	s10 =	sld [smem:$0x3FB5]  }
0x39: {  	_ = 	snop;
	(pc) =	sbr.ind lr, $3  }
0x3a: {  	_ = 	snop  }
0x3b: {  	_ = 	snop  }
0x3c: {  	p2 =	seq.s32 s10, $0x1;
	s10 =	sld [smem:$0x3FB4]  }
0x3d: {  	_ =	shalt  }
0x3e: {  	_ =	shalt  }
0x3f: {  	_ =	shalt  }
0x40: {  	_ =	shalt  }
0x41: {  	_ =	shalt  }
0x42: {  	_ =	shalt  }
0x43: {  	_ =	shalt  }
0x44: {  	_ =	shalt  }
0x45: {  	_ =	shalt  }
0x46: {  	_ =	shalt  }
0x47: {  	_ =	shalt  }
0x48: {  	_ =	shalt  }
0x49: {  	_ =	shalt  }
0x4a: {  	_ =	shalt  }
0x4b: {  	_ =	shalt  }
0x4c: {  	_ =	shalt  }
0x4d: {  	_ =	shalt  }
0x4e: {  	_ =	shalt  }
0x4f: {  	_ =	shalt  }
0x50: {  	_ =	shalt  }
0x51: {  	_ =	shalt  }
0x52: {  	_ =	shalt  }
0x53: {  	_ =	shalt  }
0x54: {  	_ =	shalt  }
0x55: {  	_ =	shalt  }
0x56: {  	_ =	shalt  }
0x57: {  	_ =	shalt  }
0x58: {  	_ =	shalt  }
0x59: {  	_ =	shalt  }
0x5a: {  	_ =	shalt  }
0x5b: {  	_ =	shalt  }
0x5c: {  	_ =	shalt  }
0x5d: {  	_ =	shalt  }
0x5e: {  	_ =	shalt  }
0x5f: {  	_ =	shalt  }
0x60: {  	_ =	shalt  }
0x61: {  	_ =	shalt  }
0x62: {  	_ =	shalt  }
0x63: {  	_ =	shalt  }
0x64: {  	_ =	shalt  }
0x65: {  	_ =	shalt  }
0x66: {  	_ =	shalt  }
0x67: {  	_ =	shalt  }
0x68: {  	_ =	shalt  }
0x69: {  	_ =	shalt  }
0x6a: {  	_ =	shalt  }
0x6b: {  	_ =	shalt  }
0x6c: {  	_ =	shalt  }
0x6d: {  	_ =	shalt  }
0x6e: {  	_ =	shalt  }
0x6f: {  	_ =	shalt  }
0x70: {  	_ =	shalt  }
0x71: {  	_ =	shalt  }
0x72: {  	_ =	shalt  }
0x73: {  	_ =	shalt  }
0x74: {  	_ =	shalt  }
0x75: {  	_ =	shalt  }
0x76: {  	_ =	shalt  }
0x77: {  	_ =	shalt  }
0x78: {  	_ =	shalt  }
0x79: {  	_ =	shalt  }
0x7a: {  	_ =	shalt  }
0x7b: {  	_ =	shalt  }
0x7c: {  	_ =	shalt  }
0x7d: {  	_ =	shalt  }
0x7e: {  	_ =	shalt  }
0x7f: {  	_ =	shalt  }
0x80: {  	_ =	shalt  }
0x81: {  	_ =	shalt  }
0x82: {  	_ =	shalt  }
0x83: {  	_ =	shalt  }
0x84: {  	_ =	shalt  }
0x85: {  	_ =	shalt  }
0x86: {  	_ =	shalt  }
0x87: {  	_ =	shalt  }
.Lfunc_end0:
.L_simem_size_0:
called_computation_lowered:
.L_overlay_start_0:
0x88: {  	s2 =	sld [smem:$0x3FD9]  }
0x89: {  	s3 =	sld [smem:$0x3FFE];
	_ =	sdelay $0x1  }
0x8a: {  	s1 =	srdreg.scid  }
0x8b: {  	s0 =	sand.u32 $0x1, s1  }
0x8c: {  	s15 =	sshll.u32 s0, $0xA;
	s2 =	sadd.s32 s3, s2  }
0x8d: {  	s2 =	sadd.s32 s2, s15  }
0x8e: {  	[smem:$0x3FC0] =	sst s2  }
0x8f: {  	_ = 	snop  }
0x90: {  	s16 =	sld [smem:$0x3FD0];
	_ =	sdelay $0x2  }
0x91: {  	s4 =	simm.s32 $0xC;
	s5 =	simm.s32 $0x10;
	s2 =	sld [smem:$0x3FC7]  }
0x92: {  	[smem:s5], [sflag:s4] =	dma.local [hbm:s16], $0x1  }
0x93: {  	_ =	swait.eq [sflag:s4], $0x1  }
0x94: {  	[sflag:s4] =	ssyncset.done $0x0  }
0x95: {  	[sflag:s4] =	ssyncadd.s32 $0xFFFFFFFF  }
0x96: {  	s17 =	sld [smem:$0x12];
	(tm) =	ssettm $0x1  }
0x97: {  	s18 =	sld [smem:$0x3FFB];
	_ =	sdelay $0x3  }
0x98: {  	_ =	strace s18  }
0x99: {  	s3 =	sld [smem:$0x3FFC];
	_ =	sdelay $0x3  }
0x9a: {  	_ =	strace s3  }
0x9b: {  	s3 =	sld [smem:$0x3FFD];
	_ =	sdelay $0x3  }
0x9c: {  	_ =	strace s3  }
0x9d: {  	_ =	strace $0x8FFFFFFF  }
0x9e: {  	s19 =	sld [smem:$0x3FDB];
	_ =	sdelay $0x1  }
0x9f: {  	s20 =	simm.s32 $_scs_section_size  }
0xa0: {  	s6 =	simm.s32 $_size__tile_overlayer_lowered;
	s7 =	simm.s32 $_tile_overlayer_lowered  }
0xa1: {  	s8 =	simm.s32 $0x1BFF;
	s21 =	sshll.u32 s7, $0x1;
	s5 =	sadd.s32 s20, s19  }
0xa2: {  	s22 =	simm.s32 $0x0;
	s6 =	sshll.u32 s6, $0x1;
	s7 =	sadd.s32 s21, s5  }
0xa3: {  	[timem:s22], [sflag:s8] =	dma.local [hbm:s7], s6  }
0xa4: {  	_ =	swait.ge [sflag:s8], s6  }
0xa5: {  	s6 =	ssub.s32 $0x0, s6;
	[sflag:s8] =	ssyncset.done $0x0  }
0xa6: {  	[sflag:s8] =	ssyncadd.s32 s6;
	_ =	sdelay $0x1  }
0xa7: {  	s23 =	simm.s32 $0x1B8B  }
0xa8: {  	_ =	swait.ge [sflag:s23], $0x1  }
0xa9: {  	[sflag:s23] =	ssyncset.done $0x0  }
0xaa: {  	[sflag:s23] =	ssyncadd.s32 $0xFFFFFFFF  }
0xab: {  	s6 =	sld [smem:$0x0]  }
0xac: {  	s7 =	sand.u32 $0xFFFFFFFE, s1  }
0xad: {  	p0 =	sne.s32 s1, s7  }
0xae: {  	s7 =	sshll.u32 @p0 s7, $0xE  }
0xaf: {  	s7 =	sadd.s32 @p0 $0x11B8D, s7;
	s8 =	sshll.u32 @p0 s6, $0x11  }
0xb0: {  	s7 =	sor.u32 @p0 s8, s7  }
0xb1: {  	[sflag:s7] =	ssyncadd.remote.s32 @p0 $0x1;
	_ =	sdelay $0x1  }
0xb2: {  	s7 =	simm.s32 @p0 $0x1B8D  }
0xb3: {  	_ =	swait.eq @p0 [sflag:s7], $0x1  }
0xb4: {  	[sflag:s7] =	ssyncadd.s32 @p0 $0xFFFFFFFF  }
0xb5: {  	s8 =	sshll.u32 @!p0 s1, $0xE  }
0xb6: {  	s8 =	sor.u32 @!p0 $0x4000, s8;
	s7 =	simm.s32 @!p0 $0x1B8D  }
0xb7: {  	s6 =	sshll.u32 @!p0 s6, $0x11;
	s8 =	sadd.s32 @!p0 $0x11B8D, s8;
	_ =	swait.eq @!p0 [sflag:s7], $0x1  }
0xb8: {  	s6 =	sor.u32 @!p0 s6, s8;
	[sflag:s7] =	ssyncadd.s32 @!p0 $0xFFFFFFFF  }
0xb9: {  	s25 =	simm.s32 $0x1B8E;
	s24 =	sld [smem:$0x3FFE];
	[sflag:s6] =	ssyncadd.remote.s32 @!p0 $0x1  }
0xba: {  	s26 =	simm.s32 $execute0_lowered;
	[smem:$0x3FD2] =	sst s25  }
0xbb: {  	s7 =	sshll.u32 s26, $0x1;
	_ =	strace $0x80000049;
	[dreg:$0x1] =	wrdreg $0xFFFFFFFF  }
0xbc: {  	s28 =	simm.s32 $_size_execute0_lowered;
	s5 =	sadd.s32 s5, s7;
	[dreg:$0x0] =	wrdreg $0x0  }
0xbd: {  	s7 =	sshll.u32 s28, $0x1;
	[dreg:$0x2] =	wrdreg s5  }
0xbe: {  	[dreg:$0x3] =	wrdreg s7  }
0xbf: {  	[dreg:$0x4] =	wrdreg $0xC0  }
0xc0: {  	_ =	task [dreg:s22], $0x5FFFF  }
0xc1: {  	[dreg:$0x1] =	wrdreg $0xFFFFFFFF  }
0xc2: {  	[dreg:$0x0] =	wrdreg $0x60  }
0xc3: {  	[dreg:$0x2] =	wrdreg s2  }
0xc4: {  	[dreg:$0x3] =	wrdreg s17  }
0xc5: {  	[dreg:$0x4] =	wrdreg s24  }
0xc6: {  	[dreg:$0x5] =	wrdreg $0xA  }
0xc7: {  	_ =	task.clear_ibuf [dreg:s22], $0x6FFFF;
	_ =	strace $0x90000049  }
0xc8: {  	s29 =	simm.s32 $0xA;
	_ =	strace $0x8000004B  }
0xc9: {  	_ =	swait.ge [sflag:s29], $0x1  }
0xca: {  	[sflag:s29] =	ssyncadd.s32 $0xFFFFFFFF  }
0xcb: {  	_ =	strace $0x9000004B  }
0xcc: {  	_ =	sfence  }
0xcd: {  	s30 =	sld [smem:$0x0];
	_ =	sdelay $0x2  }
0xce: {  	s31 =	sshll.u32 s1, $0xD;
	s1 =	sshrl.u32 s1, $0x2  }
0xcf: {  	s4 =	sand.u32 $0x4000, s31;
	s1 =	sadd.s32 s1, s30  }
0xd0: {  	s0 =	sor.u32 s4, s0;
	s1 =	sshll.u32 s1, $0x11  }
0xd1: {  	s0 =	sor.u32 s1, s0  }
0xd2: {  	s0 =	sadd.s32 $0x8F2B, s0  }
0xd3: {  	[sflag:s0] =	ssyncadd.remote.s32 $0x1  }
0xd4: {  	_ =	sfence.sel $0xFFFF  }
0xd5: {  	[dreg:$0x0] =	wrdreg $0xFFFFFFFF;
	(pc) =	sbr.abs _section_cstart, $3  }
0xd6: {  	[dreg:$0x1] =	wrdreg $0xFFFFFFFF  }
0xd7: {  	_ =	task.clear_ibuf [dreg:s22], $0x2FFFF;
	_ =	strace $0x9FFFFFFF  }
0xd8: {  	(tm) =	ssettm $0x7FFFFFFF  }
0xd9: {  	_ =	shalt  }
tec
execute0_lowered:
.L_overlay_start_1:
0x0: {  	(tag) =	ssettag $0x1  }
0x1: {  	s2 =	rddreg [dreg:$0x0]  }
0x2: {  	s8 =	rddreg [dreg:$0x1];
	s0 =	srdreg.scid  }
0x3: {  	s11 =	rddreg [dreg:$0x2];
	s1 =	stileid.u32;
	s5 =	simm.s32 $0x1  }
0x4: {  	s6 =	simm.s32 $0x2;
	s10 =	simm.s32 $0x3;
	s13 =	simm.s32 $0x0  }
0x5: {  	s15 =	simm.s32 $0x0;
	s3 =	sshll.u32 s0, $0x9;
	s0 =	rddreg [dreg:$0x3]  }
0x6: {  	s4 =	sshll.u32 s1, $0xA;
	_ =	strace $0x8000004A;
	s3 =	sand.u32 $0x200, s3  }
0x7: {  	s14 =	simm.s32 $0x0;
	[sflag:s5] =	ssyncpa.u1 $0x0;
	s3 =	sor.u32 s4, s3  }
0x8: {  	s4 =	sadd.s32 $0x1A00, s11;
	[sflag:s6] =	ssyncpa.u1 $0x0;
	s7 =	ssub.s32 $0x4000, s3  }
.Ltmp0:
0x9: {  	[sflag:s10] =	ssyncpa.u1 $0x0;
	s9 =	sand.u32 $0x3E00, s7;
	(pc) =	sbr.rel .LBB2_1-.Ltmp0, $4  }
0xa: {  	s31 =	sshrl.u32 s3, $0x3;
	p0 =	sne.s32 s9, $0x0;
	s9 =	simm.s32 $0x1  }
0xb: {  	s10 =	sadd.s32 $0x9A00, s11;
	s7 =	sshrl.u32 s7, $0xE;
	s9 =	simm.s32 @!p0 $0x0  }
0xc: {  	s8 =	sadd.s32 s8, s31;
	p0 =	por $0x0, $0x0;
	s7 =	sadd.s32 s9, s7  }
0xd: {  	vm0 =	vmmov $0xffff;
	s9 =	sadd.s32 $0x5A00, s11;
	s11 =	sadd.s32 $0xDA00, s11;
	s12 =	sadd.s32 $0x1, s7  }
.LBB2_4:
0xe: {  	_ =	sdelay $0x3  }
0xf: {  	[tilespmem:s21], [sflag:$0x1] =	stream.indirect_vreg.gather [hbm4b:s2+s13], $0x1, v0, vm0, $0x4038;
	[tilespmem:$0x8400] =	vst v63  }
0x10: {  	s18 =	sshll.u32 s15, $0x3  }
0x11: {  	s24 =	sand.u32 $0x78, s15;
	s18 =	sand.u32 $0x7FFFFC00, s18  }
0x12: {  	_ =	swait.ge [sflag:s5], $0x4000;
	s15 =	sor.u32 s24, s18  }
0x13: {  	[sflag:s5] =	ssyncset.done $0x0;
	s15 =	sshrl.u32 s15, $0x3  }
0x14: {  	[sflag:s5] =	ssyncadd.s32 $0xFFFFC000;
	s25 =	sadd.s32 s4, s15  }
0x15: {  	[hbm:s25] =	stream.linear.scatter [tilespmem:s17], [sflag:$0x3], $0x1000, $0x38;
	[tilespmem:$0x8400] =	vst v63  }
0x16: {  	s26 =	sadd.s32 $0x1400, s16;
	s28 =	sadd.s32 s15, s9  }
0x17: {  	[hbm:s28] =	stream.linear.scatter [tilespmem:s26], [sflag:$0x3], $0x1000, $0x38;
	[tilespmem:$0x8400] =	vst v63  }
0x18: {  	s29 =	sadd.s32 $0x2400, s16;
	s30 =	sadd.s32 s15, s10  }
0x19: {  	[hbm:s30] =	stream.linear.scatter [tilespmem:s29], [sflag:$0x3], $0x1000, $0x38;
	[tilespmem:$0x8400] =	vst v63  }
0x1a: {  	s31 =	sadd.s32 $0x3400, s16;
	s15 =	sadd.s32 s15, s11  }
0x1b: {  	[hbm:s15] =	stream.linear.scatter [tilespmem:s31], [sflag:$0x3], $0x1000, $0x38;
	[tilespmem:$0x8400] =	vst v63  }
.LBB2_5:
0x1c: {  	p2 =	sne.s32 s14, s12  }
.Ltmp1:
0x1d: {  	p1 =	slt.u32 s14, $0x2;
	(pc) =	sbr.rel @!p2 .LBB2_6-.Ltmp1, $4  }
0x1e: {  	s15 =	simm.s32 @!p1 $0x3  }
0x1f: {  	_ =	swait.ge @!p1 [sflag:s15], $0x4000  }
0x20: {  	s16 =	sadd.s32 $0x1, s14;
	p0 =	por !p0, !p0;
	[sflag:s15] =	ssyncset.done @!p1 $0x0  }
0x21: {  	s14 =	smov.u32 s16;
	[sflag:s15] =	ssyncadd.s32 @!p1 $0xFFFFC000;
	s15 =	smov.u32 s3  }
.LBB2_1:
0x22: {  	p1 =	sge.u32 s14, s7  }
0x23: {  	s16 =	sxor.u32 @!p1 $0xFFFFFFFF, s14  }
0x24: {  	s16 =	sshll.u32 @!p1 s16, $0x9  }
0x25: {  	s31 =	sadd.s32 $0xFFFFFFFF, s14;
	s17 =	simm.s32 @!p1 $0x0;
	s16 =	sand.u32 @!p1 $0x200, s16  }
0x26: {  	[tilespmem:s16], [sflag:$0x2] =	stream.linear.gather @!p1 [hbm4b:s8+s17], $0x200, $0x38;
	[tilespmem:$0x8400] =	vst v63  }
0x27: {  	p1 =	sge.u32 s31, s7  }
.Ltmp2:
0x28: {  	_ = 	snop;
	(pc) =	sbr.rel @p1 .LBB2_5-.Ltmp2, $1  }
0x29: {  	_ =	sdelay $0x3  }
0x2a: {  	s16 =	simm.s32 $0x1;
	_ =	swait.ge [sflag:s6], $0x200  }
0x2b: {  	s16 =	simm.s32 @!p0 $0x0;
	[sflag:s6] =	ssyncset.done $0x0  }
0x2c: {  	s19 =	sshll.u32 s16, $0x9;
	[sflag:s6] =	ssyncadd.s32 $0xFFFFFE00  }
0x2d: {  	v0 =	vld.msk [tilespmem:s19+$0x0 ss:$0x1], $0xffff;
	_ =	sdelay $0x4  }
0x2e: {  	vm1 =	vgt.s32 v0, $0x0  }
0x2f: {  	v0 =	vnsel vm1, $0x0, v0  }
0x30: {  	v0 =	vmin.u32 v0, $0xF423F  }
0x31: {  	v1 =	vshll.u32 v0, $0x3  }
0x32: {  	v0 =	vand.u32 $0x7F, v0;
	v1 =	vand.u32 $0x7FFC00, v1  }
0x33: {  	s22 =	sshll.u32 s14, $0xE;
	v0 =	vor.u32 v0, v1  }
0x34: {  	s18 =	simm.s32 $0x0;
	s16 =	sand.u32 $0x4000, s22  }
0x35: {  	s20 =	sand.u32 $0xC00, s18;
	s17 =	sor.u32 $0x400, s16  }
0x36: {  	s21 =	sand.u32 $0x70, s18;
	(ifvalue) =	ssetifvalue $0x7FFFFFFF;
	s20 =	sadd.s32 s20, s17;
	v1 =	vor.u32 $0x80, v0  }
0x37: {  	(ifvalue) =	ssetifvalue $0x7FFFFFFF;
	s20 =	sadd.s32 s21, s20  }
0x38: {  	[tilespmem:s20], [sflag:$0x1] =	stream.indirect_vreg.gather [hbm4b:s2+s13], $0x1, v0, vm0, $0x4038;
	[tilespmem:$0x8400] =	vst v63  }
0x39: {  	v2 =	vor.u32 $0x100, v0;
	(ifvalue) =	ssetifvalue $0x7FFFFFFF  }
0x3a: {  	s21 =	sadd.s32 $0x80, s20;
	(ifvalue) =	ssetifvalue $0x7FFFFFFF  }
0x3b: {  	[tilespmem:s21], [sflag:$0x1] =	stream.indirect_vreg.gather [hbm4b:s2+s13], $0x1, v1, vm0, $0x4038;
	[tilespmem:$0x8400] =	vst v63  }
0x3c: {  	v1 =	vor.u32 $0x180, v0;
	(ifvalue) =	ssetifvalue $0x7FFFFFFF  }
0x3d: {  	s23 =	sadd.s32 $0x100, s20;
	(ifvalue) =	ssetifvalue $0x7FFFFFFF  }
0x3e: {  	[tilespmem:s23], [sflag:$0x1] =	stream.indirect_vreg.gather [hbm4b:s2+s13], $0x1, v2, vm0, $0x4038;
	[tilespmem:$0x8400] =	vst v63  }
0x3f: {  	v2 =	vor.u32 $0x200, v0;
	(ifvalue) =	ssetifvalue $0x7FFFFFFF  }
0x40: {  	s24 =	sadd.s32 $0x180, s20;
	(ifvalue) =	ssetifvalue $0x7FFFFFFF  }
0x41: {  	[tilespmem:s24], [sflag:$0x1] =	stream.indirect_vreg.gather [hbm4b:s2+s13], $0x1, v1, vm0, $0x4038;
	[tilespmem:$0x8400] =	vst v63  }
0x42: {  	(ifvalue) =	ssetifvalue $0x7FFFFFFF;
	v1 =	vor.u32 $0x280, v0  }
0x43: {  	s25 =	sadd.s32 $0x200, s20;
	(ifvalue) =	ssetifvalue $0x7FFFFFFF  }
0x44: {  	[tilespmem:s25], [sflag:$0x1] =	stream.indirect_vreg.gather [hbm4b:s2+s13], $0x1, v2, vm0, $0x4038;
	[tilespmem:$0x8400] =	vst v63  }
0x45: {  	(ifvalue) =	ssetifvalue $0x7FFFFFFF;
	v2 =	vor.u32 $0x300, v0  }
0x46: {  	s26 =	sadd.s32 $0x280, s20;
	(ifvalue) =	ssetifvalue $0x7FFFFFFF  }
0x47: {  	[tilespmem:s26], [sflag:$0x1] =	stream.indirect_vreg.gather [hbm4b:s2+s13], $0x1, v1, vm0, $0x4038;
	[tilespmem:$0x8400] =	vst v63  }
0x48: {  	(ifvalue) =	ssetifvalue $0x7FFFFFFF;
	v1 =	vor.u32 $0x380, v0  }
0x49: {  	s18 =	sor.u32 s18, s18;
	s28 =	sadd.s32 $0x300, s20;
	(ifvalue) =	ssetifvalue $0x7FFFFFFF  }
0x4a: {  	[tilespmem:s28], [sflag:$0x1] =	stream.indirect_vreg.gather [hbm4b:s2+s13], $0x1, v2, vm0, $0x4038;
	[tilespmem:$0x8400] =	vst v63  }
0x4b: {  	s18 =	sor.u32 $0x380, s18;
	(ifvalue) =	ssetifvalue $0x7FFFFFFF;
	v2 =	vadd.s32 $0x7A1400, v0  }
0x4c: {  	s18 =	sadd.s32 s18, s17;
	(ifvalue) =	ssetifvalue $0x7FFFFFFF  }
0x4d: {  	[tilespmem:s18], [sflag:$0x1] =	stream.indirect_vreg.gather [hbm4b:s2+s13], $0x1, v1, vm0, $0x4038;
	[tilespmem:$0x8400] =	vst v63  }
0x4e: {  	(ifvalue) =	ssetifvalue $0x7FFFFFFF;
	v1 =	vadd.s32 $0x7A1480, v0  }
0x4f: {  	s29 =	sadd.s32 $0x1000, s20;
	(ifvalue) =	ssetifvalue $0x7FFFFFFF  }
0x50: {  	[tilespmem:s29], [sflag:$0x1] =	stream.indirect_vreg.gather [hbm4b:s2+s13], $0x1, v2, vm0, $0x4038;
	[tilespmem:$0x8400] =	vst v63  }
0x51: {  	(ifvalue) =	ssetifvalue $0x7FFFFFFF;
	v2 =	vadd.s32 $0x7A1500, v0  }
0x52: {  	s30 =	sadd.s32 $0x1080, s20;
	(ifvalue) =	ssetifvalue $0x7FFFFFFF  }
0x53: {  	[tilespmem:s30], [sflag:$0x1] =	stream.indirect_vreg.gather [hbm4b:s2+s13], $0x1, v1, vm0, $0x4038;
	[tilespmem:$0x8400] =	vst v63  }
0x54: {  	(ifvalue) =	ssetifvalue $0x7FFFFFFF;
	v1 =	vadd.s32 $0x7A1580, v0  }
0x55: {  	s31 =	sadd.s32 $0x1100, s20;
	(ifvalue) =	ssetifvalue $0x7FFFFFFF  }
0x56: {  	[tilespmem:s31], [sflag:$0x1] =	stream.indirect_vreg.gather [hbm4b:s2+s13], $0x1, v2, vm0, $0x4038;
	[tilespmem:$0x8400] =	vst v63  }
0x57: {  	(ifvalue) =	ssetifvalue $0x7FFFFFFF;
	v2 =	vadd.s32 $0x7A1600, v0  }
0x58: {  	s21 =	sadd.s32 $0x1180, s20;
	(ifvalue) =	ssetifvalue $0x7FFFFFFF  }
0x59: {  	[tilespmem:s21], [sflag:$0x1] =	stream.indirect_vreg.gather [hbm4b:s2+s13], $0x1, v1, vm0, $0x4038;
	[tilespmem:$0x8400] =	vst v63  }
0x5a: {  	(ifvalue) =	ssetifvalue $0x7FFFFFFF;
	v1 =	vadd.s32 $0x7A1680, v0  }
0x5b: {  	s22 =	sadd.s32 $0x1200, s20;
	(ifvalue) =	ssetifvalue $0x7FFFFFFF  }
0x5c: {  	[tilespmem:s22], [sflag:$0x1] =	stream.indirect_vreg.gather [hbm4b:s2+s13], $0x1, v2, vm0, $0x4038;
	[tilespmem:$0x8400] =	vst v63  }
0x5d: {  	(ifvalue) =	ssetifvalue $0x7FFFFFFF;
	v2 =	vadd.s32 $0x7A1700, v0  }
0x5e: {  	s23 =	sadd.s32 $0x1280, s20;
	(ifvalue) =	ssetifvalue $0x7FFFFFFF  }
0x5f: {  	[tilespmem:s23], [sflag:$0x1] =	stream.indirect_vreg.gather [hbm4b:s2+s13], $0x1, v1, vm0, $0x4038;
	[tilespmem:$0x8400] =	vst v63  }
0x60: {  	(ifvalue) =	ssetifvalue $0x7FFFFFFF;
	v1 =	vadd.s32 $0x7A1780, v0  }
0x61: {  	s24 =	sadd.s32 $0x1300, s20;
	(ifvalue) =	ssetifvalue $0x7FFFFFFF  }
0x62: {  	[tilespmem:s24], [sflag:$0x1] =	stream.indirect_vreg.gather [hbm4b:s2+s13], $0x1, v2, vm0, $0x4038;
	[tilespmem:$0x8400] =	vst v63  }
0x63: {  	(ifvalue) =	ssetifvalue $0x7FFFFFFF;
	v2 =	vadd.s32 $0xF42800, v0  }
0x64: {  	s25 =	sadd.s32 $0x1380, s20;
	(ifvalue) =	ssetifvalue $0x7FFFFFFF  }
0x65: {  	[tilespmem:s25], [sflag:$0x1] =	stream.indirect_vreg.gather [hbm4b:s2+s13], $0x1, v1, vm0, $0x4038;
	[tilespmem:$0x8400] =	vst v63  }
0x66: {  	(ifvalue) =	ssetifvalue $0x7FFFFFFF;
	v1 =	vadd.s32 $0xF42880, v0  }
0x67: {  	s26 =	sadd.s32 $0x2000, s20;
	(ifvalue) =	ssetifvalue $0x7FFFFFFF  }
0x68: {  	[tilespmem:s26], [sflag:$0x1] =	stream.indirect_vreg.gather [hbm4b:s2+s13], $0x1, v2, vm0, $0x4038;
	[tilespmem:$0x8400] =	vst v63  }
0x69: {  	(ifvalue) =	ssetifvalue $0x7FFFFFFF;
	v2 =	vadd.s32 $0xF42900, v0  }
0x6a: {  	s28 =	sadd.s32 $0x2080, s20;
	(ifvalue) =	ssetifvalue $0x7FFFFFFF  }
0x6b: {  	[tilespmem:s28], [sflag:$0x1] =	stream.indirect_vreg.gather [hbm4b:s2+s13], $0x1, v1, vm0, $0x4038;
	[tilespmem:$0x8400] =	vst v63  }
0x6c: {  	(ifvalue) =	ssetifvalue $0x7FFFFFFF;
	v1 =	vadd.s32 $0xF42980, v0  }
0x6d: {  	s29 =	sadd.s32 $0x2100, s20;
	(ifvalue) =	ssetifvalue $0x7FFFFFFF  }
0x6e: {  	[tilespmem:s29], [sflag:$0x1] =	stream.indirect_vreg.gather [hbm4b:s2+s13], $0x1, v2, vm0, $0x4038;
	[tilespmem:$0x8400] =	vst v63  }
0x6f: {  	(ifvalue) =	ssetifvalue $0x7FFFFFFF;
	v2 =	vadd.s32 $0xF42A00, v0  }
0x70: {  	s30 =	sadd.s32 $0x2180, s20;
	(ifvalue) =	ssetifvalue $0x7FFFFFFF  }
0x71: {  	[tilespmem:s30], [sflag:$0x1] =	stream.indirect_vreg.gather [hbm4b:s2+s13], $0x1, v1, vm0, $0x4038;
	[tilespmem:$0x8400] =	vst v63  }
0x72: {  	(ifvalue) =	ssetifvalue $0x7FFFFFFF;
	v1 =	vadd.s32 $0xF42A80, v0  }
0x73: {  	s31 =	sadd.s32 $0x2200, s20;
	(ifvalue) =	ssetifvalue $0x7FFFFFFF  }
0x74: {  	[tilespmem:s31], [sflag:$0x1] =	stream.indirect_vreg.gather [hbm4b:s2+s13], $0x1, v2, vm0, $0x4038;
	[tilespmem:$0x8400] =	vst v63  }
0x75: {  	(ifvalue) =	ssetifvalue $0x7FFFFFFF;
	v2 =	vadd.s32 $0xF42B00, v0  }
0x76: {  	s21 =	sadd.s32 $0x2280, s20;
	(ifvalue) =	ssetifvalue $0x7FFFFFFF  }
0x77: {  	[tilespmem:s21], [sflag:$0x1] =	stream.indirect_vreg.gather [hbm4b:s2+s13], $0x1, v1, vm0, $0x4038;
	[tilespmem:$0x8400] =	vst v63  }
0x78: {  	(ifvalue) =	ssetifvalue $0x7FFFFFFF;
	v1 =	vadd.s32 $0xF42B80, v0  }
0x79: {  	s22 =	sadd.s32 $0x2300, s20;
	(ifvalue) =	ssetifvalue $0x7FFFFFFF  }
0x7a: {  	[tilespmem:s22], [sflag:$0x1] =	stream.indirect_vreg.gather [hbm4b:s2+s13], $0x1, v2, vm0, $0x4038;
	[tilespmem:$0x8400] =	vst v63  }
0x7b: {  	(ifvalue) =	ssetifvalue $0x7FFFFFFF;
	v2 =	vadd.s32 $0x16E3C00, v0  }
0x7c: {  	s23 =	sadd.s32 $0x2380, s20;
	(ifvalue) =	ssetifvalue $0x7FFFFFFF  }
0x7d: {  	[tilespmem:s23], [sflag:$0x1] =	stream.indirect_vreg.gather [hbm4b:s2+s13], $0x1, v1, vm0, $0x4038;
	[tilespmem:$0x8400] =	vst v63  }
0x7e: {  	(ifvalue) =	ssetifvalue $0x7FFFFFFF;
	v1 =	vadd.s32 $0x16E3C80, v0  }
0x7f: {  	s24 =	sadd.s32 $0x3000, s20;
	(ifvalue) =	ssetifvalue $0x7FFFFFFF  }
0x80: {  	[tilespmem:s24], [sflag:$0x1] =	stream.indirect_vreg.gather [hbm4b:s2+s13], $0x1, v2, vm0, $0x4038;
	[tilespmem:$0x8400] =	vst v63  }
0x81: {  	(ifvalue) =	ssetifvalue $0x7FFFFFFF;
	v2 =	vadd.s32 $0x16E3D00, v0  }
0x82: {  	s25 =	sadd.s32 $0x3080, s20;
	(ifvalue) =	ssetifvalue $0x7FFFFFFF  }
0x83: {  	[tilespmem:s25], [sflag:$0x1] =	stream.indirect_vreg.gather [hbm4b:s2+s13], $0x1, v1, vm0, $0x4038;
	[tilespmem:$0x8400] =	vst v63  }
0x84: {  	(ifvalue) =	ssetifvalue $0x7FFFFFFF;
	v1 =	vadd.s32 $0x16E3D80, v0  }
0x85: {  	s26 =	sadd.s32 $0x3100, s20;
	(ifvalue) =	ssetifvalue $0x7FFFFFFF  }
0x86: {  	[tilespmem:s26], [sflag:$0x1] =	stream.indirect_vreg.gather [hbm4b:s2+s13], $0x1, v2, vm0, $0x4038;
	[tilespmem:$0x8400] =	vst v63  }
0x87: {  	(ifvalue) =	ssetifvalue $0x7FFFFFFF;
	v2 =	vadd.s32 $0x16E3E00, v0  }
0x88: {  	s28 =	sadd.s32 $0x3180, s20;
	(ifvalue) =	ssetifvalue $0x7FFFFFFF  }
0x89: {  	[tilespmem:s28], [sflag:$0x1] =	stream.indirect_vreg.gather [hbm4b:s2+s13], $0x1, v1, vm0, $0x4038;
	[tilespmem:$0x8400] =	vst v63  }
0x8a: {  	(ifvalue) =	ssetifvalue $0x7FFFFFFF;
	v1 =	vadd.s32 $0x16E3E80, v0  }
0x8b: {  	s29 =	sadd.s32 $0x3200, s20;
	(ifvalue) =	ssetifvalue $0x7FFFFFFF  }
0x8c: {  	[tilespmem:s29], [sflag:$0x1] =	stream.indirect_vreg.gather [hbm4b:s2+s13], $0x1, v2, vm0, $0x4038;
	[tilespmem:$0x8400] =	vst v63  }
0x8d: {  	(ifvalue) =	ssetifvalue $0x7FFFFFFF;
	v2 =	vadd.s32 $0x16E3F00, v0  }
0x8e: {  	s30 =	sadd.s32 $0x3280, s20;
	(ifvalue) =	ssetifvalue $0x7FFFFFFF  }
0x8f: {  	[tilespmem:s30], [sflag:$0x1] =	stream.indirect_vreg.gather [hbm4b:s2+s13], $0x1, v1, vm0, $0x4038;
	[tilespmem:$0x8400] =	vst v63  }
0x90: {  	v0 =	vadd.s32 $0x16E3F80, v0;
	(ifvalue) =	ssetifvalue $0x7FFFFFFF  }
0x91: {  	s31 =	sadd.s32 $0x3300, s20;
	(ifvalue) =	ssetifvalue $0x7FFFFFFF  }
0x92: {  	[tilespmem:s31], [sflag:$0x1] =	stream.indirect_vreg.gather [hbm4b:s2+s13], $0x1, v2, vm0, $0x4038;
	[tilespmem:$0x8400] =	vst v63  }
0x93: {  	s19 =	sadd.s32 $0x10, s19;
	s18 =	simm.s32 $0x10;
	(ifvalue) =	ssetifvalue $0x7FFFFFFF  }
0x94: {  	s21 =	sadd.s32 $0x3380, s20;
	s20 =	simm.s32 $0x80;
	(ifvalue) =	ssetifvalue $0x7FFFFFFF  }
.LBB2_3:
0x95: {  	[tilespmem:s21], [sflag:$0x1] =	stream.indirect_vreg.gather [hbm4b:s2+s13], $0x1, v0, vm0, $0x4038;
	[tilespmem:$0x8400] =	vst v63  }
0x96: {  	p1 =	sne.s32 s18, $0x1F0;
	s22 =	smov.u32 s18;
	s18 =	sadd.s32 $0x10, s18;
	v0 =	vld.msk [tilespmem:s19+$0x0 ss:$0x1], $0xffff  }
0x97: {  	(ifvalue) =	ssetifvalue $0x7FFFFFFF;
	_ =	sdelay $0x4  }
0x98: {  	vm1 =	vgt.s32 v0, $0x0  }
0x99: {  	v0 =	vnsel vm1, $0x0, v0  }
0x9a: {  	v0 =	vmin.u32 v0, $0xF423F  }
0x9b: {  	v1 =	vshll.u32 v0, $0x3  }
0x9c: {  	v0 =	vand.u32 $0x7F, v0;
	v1 =	vand.u32 $0x7FFC00, v1  }
0x9d: {  	v0 =	vor.u32 v0, v1;
	_ =	sdelay $0x1  }
0x9e: {  	s21 =	sand.u32 $0xC00, s20  }
0x9f: {  	s23 =	sand.u32 $0x70, s22;
	s21 =	sadd.s32 s21, s17;
	v1 =	vor.u32 $0x80, v0  }
0xa0: {  	s21 =	sadd.s32 s23, s21;
	(ifvalue) =	ssetifvalue $0x7FFFFFFF  }
0xa1: {  	[tilespmem:s21], [sflag:$0x1] =	stream.indirect_vreg.gather [hbm4b:s2+s13], $0x1, v0, vm0, $0x4038;
	[tilespmem:$0x8400] =	vst v63  }
0xa2: {  	v2 =	vor.u32 $0x100, v0;
	(ifvalue) =	ssetifvalue $0x7FFFFFFF  }
0xa3: {  	s23 =	sadd.s32 $0x80, s21;
	(ifvalue) =	ssetifvalue $0x7FFFFFFF  }
0xa4: {  	[tilespmem:s23], [sflag:$0x1] =	stream.indirect_vreg.gather [hbm4b:s2+s13], $0x1, v1, vm0, $0x4038;
	[tilespmem:$0x8400] =	vst v63  }
0xa5: {  	v1 =	vor.u32 $0x180, v0;
	(ifvalue) =	ssetifvalue $0x7FFFFFFF  }
0xa6: {  	s23 =	sadd.s32 $0x100, s21;
	(ifvalue) =	ssetifvalue $0x7FFFFFFF  }
0xa7: {  	[tilespmem:s23], [sflag:$0x1] =	stream.indirect_vreg.gather [hbm4b:s2+s13], $0x1, v2, vm0, $0x4038;
	[tilespmem:$0x8400] =	vst v63  }
0xa8: {  	v2 =	vor.u32 $0x200, v0;
	(ifvalue) =	ssetifvalue $0x7FFFFFFF  }
0xa9: {  	s23 =	sadd.s32 $0x180, s21;
	(ifvalue) =	ssetifvalue $0x7FFFFFFF  }
0xaa: {  	[tilespmem:s23], [sflag:$0x1] =	stream.indirect_vreg.gather [hbm4b:s2+s13], $0x1, v1, vm0, $0x4038;
	[tilespmem:$0x8400] =	vst v63  }
0xab: {  	v1 =	vor.u32 $0x280, v0;
	(ifvalue) =	ssetifvalue $0x7FFFFFFF  }
0xac: {  	s23 =	sadd.s32 $0x200, s21;
	(ifvalue) =	ssetifvalue $0x7FFFFFFF  }
0xad: {  	[tilespmem:s23], [sflag:$0x1] =	stream.indirect_vreg.gather [hbm4b:s2+s13], $0x1, v2, vm0, $0x4038;
	[tilespmem:$0x8400] =	vst v63  }
0xae: {  	v2 =	vor.u32 $0x300, v0;
	(ifvalue) =	ssetifvalue $0x7FFFFFFF  }
0xaf: {  	s23 =	sadd.s32 $0x280, s21;
	(ifvalue) =	ssetifvalue $0x7FFFFFFF  }
0xb0: {  	[tilespmem:s23], [sflag:$0x1] =	stream.indirect_vreg.gather [hbm4b:s2+s13], $0x1, v1, vm0, $0x4038;
	[tilespmem:$0x8400] =	vst v63  }
0xb1: {  	v1 =	vor.u32 $0x380, v0;
	(ifvalue) =	ssetifvalue $0x7FFFFFFF  }
0xb2: {  	s22 =	sor.u32 s20, s22;
	s23 =	sadd.s32 $0x300, s21;
	(ifvalue) =	ssetifvalue $0x7FFFFFFF  }
0xb3: {  	[tilespmem:s23], [sflag:$0x1] =	stream.indirect_vreg.gather [hbm4b:s2+s13], $0x1, v2, vm0, $0x4038;
	[tilespmem:$0x8400] =	vst v63  }
0xb4: {  	s22 =	sor.u32 $0x380, s22;
	v2 =	vadd.s32 $0x7A1400, v0;
	(ifvalue) =	ssetifvalue $0x7FFFFFFF  }
0xb5: {  	s22 =	sadd.s32 s22, s17;
	(ifvalue) =	ssetifvalue $0x7FFFFFFF  }
0xb6: {  	[tilespmem:s22], [sflag:$0x1] =	stream.indirect_vreg.gather [hbm4b:s2+s13], $0x1, v1, vm0, $0x4038;
	[tilespmem:$0x8400] =	vst v63  }
0xb7: {  	v1 =	vadd.s32 $0x7A1480, v0;
	(ifvalue) =	ssetifvalue $0x7FFFFFFF  }
0xb8: {  	s22 =	sadd.s32 $0x1000, s21;
	(ifvalue) =	ssetifvalue $0x7FFFFFFF  }
0xb9: {  	[tilespmem:s22], [sflag:$0x1] =	stream.indirect_vreg.gather [hbm4b:s2+s13], $0x1, v2, vm0, $0x4038;
	[tilespmem:$0x8400] =	vst v63  }
0xba: {  	v2 =	vadd.s32 $0x7A1500, v0;
	(ifvalue) =	ssetifvalue $0x7FFFFFFF  }
0xbb: {  	s22 =	sadd.s32 $0x1080, s21;
	(ifvalue) =	ssetifvalue $0x7FFFFFFF  }
0xbc: {  	[tilespmem:s22], [sflag:$0x1] =	stream.indirect_vreg.gather [hbm4b:s2+s13], $0x1, v1, vm0, $0x4038;
	[tilespmem:$0x8400] =	vst v63  }
0xbd: {  	v1 =	vadd.s32 $0x7A1580, v0;
	(ifvalue) =	ssetifvalue $0x7FFFFFFF  }
0xbe: {  	s22 =	sadd.s32 $0x1100, s21;
	(ifvalue) =	ssetifvalue $0x7FFFFFFF  }
0xbf: {  	[tilespmem:s22], [sflag:$0x1] =	stream.indirect_vreg.gather [hbm4b:s2+s13], $0x1, v2, vm0, $0x4038;
	[tilespmem:$0x8400] =	vst v63  }
0xc0: {  	v2 =	vadd.s32 $0x7A1600, v0;
	(ifvalue) =	ssetifvalue $0x7FFFFFFF  }
0xc1: {  	s22 =	sadd.s32 $0x1180, s21;
	(ifvalue) =	ssetifvalue $0x7FFFFFFF  }
0xc2: {  	[tilespmem:s22], [sflag:$0x1] =	stream.indirect_vreg.gather [hbm4b:s2+s13], $0x1, v1, vm0, $0x4038;
	[tilespmem:$0x8400] =	vst v63  }
0xc3: {  	v1 =	vadd.s32 $0x7A1680, v0;
	(ifvalue) =	ssetifvalue $0x7FFFFFFF  }
0xc4: {  	s22 =	sadd.s32 $0x1200, s21;
	(ifvalue) =	ssetifvalue $0x7FFFFFFF  }
0xc5: {  	[tilespmem:s22], [sflag:$0x1] =	stream.indirect_vreg.gather [hbm4b:s2+s13], $0x1, v2, vm0, $0x4038;
	[tilespmem:$0x8400] =	vst v63  }
0xc6: {  	v2 =	vadd.s32 $0x7A1700, v0;
	(ifvalue) =	ssetifvalue $0x7FFFFFFF  }
0xc7: {  	s22 =	sadd.s32 $0x1280, s21;
	(ifvalue) =	ssetifvalue $0x7FFFFFFF  }
0xc8: {  	[tilespmem:s22], [sflag:$0x1] =	stream.indirect_vreg.gather [hbm4b:s2+s13], $0x1, v1, vm0, $0x4038;
	[tilespmem:$0x8400] =	vst v63  }
0xc9: {  	v1 =	vadd.s32 $0x7A1780, v0;
	(ifvalue) =	ssetifvalue $0x7FFFFFFF  }
0xca: {  	s22 =	sadd.s32 $0x1300, s21;
	(ifvalue) =	ssetifvalue $0x7FFFFFFF  }
0xcb: {  	[tilespmem:s22], [sflag:$0x1] =	stream.indirect_vreg.gather [hbm4b:s2+s13], $0x1, v2, vm0, $0x4038;
	[tilespmem:$0x8400] =	vst v63  }
0xcc: {  	v2 =	vadd.s32 $0xF42800, v0;
	(ifvalue) =	ssetifvalue $0x7FFFFFFF  }
0xcd: {  	s22 =	sadd.s32 $0x1380, s21;
	(ifvalue) =	ssetifvalue $0x7FFFFFFF  }
0xce: {  	[tilespmem:s22], [sflag:$0x1] =	stream.indirect_vreg.gather [hbm4b:s2+s13], $0x1, v1, vm0, $0x4038;
	[tilespmem:$0x8400] =	vst v63  }
0xcf: {  	v1 =	vadd.s32 $0xF42880, v0;
	(ifvalue) =	ssetifvalue $0x7FFFFFFF  }
0xd0: {  	s22 =	sadd.s32 $0x2000, s21;
	(ifvalue) =	ssetifvalue $0x7FFFFFFF  }
0xd1: {  	[tilespmem:s22], [sflag:$0x1] =	stream.indirect_vreg.gather [hbm4b:s2+s13], $0x1, v2, vm0, $0x4038;
	[tilespmem:$0x8400] =	vst v63  }
0xd2: {  	v2 =	vadd.s32 $0xF42900, v0;
	(ifvalue) =	ssetifvalue $0x7FFFFFFF  }
0xd3: {  	s22 =	sadd.s32 $0x2080, s21;
	(ifvalue) =	ssetifvalue $0x7FFFFFFF  }
0xd4: {  	[tilespmem:s22], [sflag:$0x1] =	stream.indirect_vreg.gather [hbm4b:s2+s13], $0x1, v1, vm0, $0x4038;
	[tilespmem:$0x8400] =	vst v63  }
0xd5: {  	v1 =	vadd.s32 $0xF42980, v0;
	(ifvalue) =	ssetifvalue $0x7FFFFFFF  }
0xd6: {  	s22 =	sadd.s32 $0x2100, s21;
	(ifvalue) =	ssetifvalue $0x7FFFFFFF  }
0xd7: {  	[tilespmem:s22], [sflag:$0x1] =	stream.indirect_vreg.gather [hbm4b:s2+s13], $0x1, v2, vm0, $0x4038;
	[tilespmem:$0x8400] =	vst v63  }
0xd8: {  	v2 =	vadd.s32 $0xF42A00, v0;
	(ifvalue) =	ssetifvalue $0x7FFFFFFF  }
0xd9: {  	s22 =	sadd.s32 $0x2180, s21;
	(ifvalue) =	ssetifvalue $0x7FFFFFFF  }
0xda: {  	[tilespmem:s22], [sflag:$0x1] =	stream.indirect_vreg.gather [hbm4b:s2+s13], $0x1, v1, vm0, $0x4038;
	[tilespmem:$0x8400] =	vst v63  }
0xdb: {  	v1 =	vadd.s32 $0xF42A80, v0;
	(ifvalue) =	ssetifvalue $0x7FFFFFFF  }
0xdc: {  	s22 =	sadd.s32 $0x2200, s21;
	(ifvalue) =	ssetifvalue $0x7FFFFFFF  }
0xdd: {  	[tilespmem:s22], [sflag:$0x1] =	stream.indirect_vreg.gather [hbm4b:s2+s13], $0x1, v2, vm0, $0x4038;
	[tilespmem:$0x8400] =	vst v63  }
0xde: {  	v2 =	vadd.s32 $0xF42B00, v0;
	(ifvalue) =	ssetifvalue $0x7FFFFFFF  }
0xdf: {  	s22 =	sadd.s32 $0x2280, s21;
	(ifvalue) =	ssetifvalue $0x7FFFFFFF  }
0xe0: {  	[tilespmem:s22], [sflag:$0x1] =	stream.indirect_vreg.gather [hbm4b:s2+s13], $0x1, v1, vm0, $0x4038;
	[tilespmem:$0x8400] =	vst v63  }
0xe1: {  	v1 =	vadd.s32 $0xF42B80, v0;
	(ifvalue) =	ssetifvalue $0x7FFFFFFF  }
0xe2: {  	s22 =	sadd.s32 $0x2300, s21;
	(ifvalue) =	ssetifvalue $0x7FFFFFFF  }
0xe3: {  	[tilespmem:s22], [sflag:$0x1] =	stream.indirect_vreg.gather [hbm4b:s2+s13], $0x1, v2, vm0, $0x4038;
	[tilespmem:$0x8400] =	vst v63  }
0xe4: {  	v2 =	vadd.s32 $0x16E3C00, v0;
	(ifvalue) =	ssetifvalue $0x7FFFFFFF  }
0xe5: {  	s22 =	sadd.s32 $0x2380, s21;
	(ifvalue) =	ssetifvalue $0x7FFFFFFF  }
0xe6: {  	[tilespmem:s22], [sflag:$0x1] =	stream.indirect_vreg.gather [hbm4b:s2+s13], $0x1, v1, vm0, $0x4038;
	[tilespmem:$0x8400] =	vst v63  }
0xe7: {  	v1 =	vadd.s32 $0x16E3C80, v0;
	(ifvalue) =	ssetifvalue $0x7FFFFFFF  }
0xe8: {  	s22 =	sadd.s32 $0x3000, s21;
	(ifvalue) =	ssetifvalue $0x7FFFFFFF  }
0xe9: {  	[tilespmem:s22], [sflag:$0x1] =	stream.indirect_vreg.gather [hbm4b:s2+s13], $0x1, v2, vm0, $0x4038;
	[tilespmem:$0x8400] =	vst v63  }
0xea: {  	v2 =	vadd.s32 $0x16E3D00, v0;
	(ifvalue) =	ssetifvalue $0x7FFFFFFF  }
0xeb: {  	s22 =	sadd.s32 $0x3080, s21;
	(ifvalue) =	ssetifvalue $0x7FFFFFFF  }
0xec: {  	[tilespmem:s22], [sflag:$0x1] =	stream.indirect_vreg.gather [hbm4b:s2+s13], $0x1, v1, vm0, $0x4038;
	[tilespmem:$0x8400] =	vst v63  }
0xed: {  	v1 =	vadd.s32 $0x16E3D80, v0;
	(ifvalue) =	ssetifvalue $0x7FFFFFFF  }
0xee: {  	s22 =	sadd.s32 $0x3100, s21;
	(ifvalue) =	ssetifvalue $0x7FFFFFFF  }
0xef: {  	[tilespmem:s22], [sflag:$0x1] =	stream.indirect_vreg.gather [hbm4b:s2+s13], $0x1, v2, vm0, $0x4038;
	[tilespmem:$0x8400] =	vst v63  }
0xf0: {  	v2 =	vadd.s32 $0x16E3E00, v0;
	(ifvalue) =	ssetifvalue $0x7FFFFFFF  }
0xf1: {  	s22 =	sadd.s32 $0x3180, s21;
	(ifvalue) =	ssetifvalue $0x7FFFFFFF  }
0xf2: {  	[tilespmem:s22], [sflag:$0x1] =	stream.indirect_vreg.gather [hbm4b:s2+s13], $0x1, v1, vm0, $0x4038;
	[tilespmem:$0x8400] =	vst v63  }
0xf3: {  	v1 =	vadd.s32 $0x16E3E80, v0;
	(ifvalue) =	ssetifvalue $0x7FFFFFFF  }
0xf4: {  	s22 =	sadd.s32 $0x3200, s21;
	(ifvalue) =	ssetifvalue $0x7FFFFFFF  }
0xf5: {  	[tilespmem:s22], [sflag:$0x1] =	stream.indirect_vreg.gather [hbm4b:s2+s13], $0x1, v2, vm0, $0x4038;
	[tilespmem:$0x8400] =	vst v63  }
0xf6: {  	v2 =	vadd.s32 $0x16E3F00, v0;
	(ifvalue) =	ssetifvalue $0x7FFFFFFF  }
0xf7: {  	s22 =	sadd.s32 $0x3280, s21;
	(ifvalue) =	ssetifvalue $0x7FFFFFFF  }
0xf8: {  	[tilespmem:s22], [sflag:$0x1] =	stream.indirect_vreg.gather [hbm4b:s2+s13], $0x1, v1, vm0, $0x4038;
	[tilespmem:$0x8400] =	vst v63  }
.Ltmp3:
0xf9: {  	v0 =	vadd.s32 $0x16E3F80, v0;
	(ifvalue) =	ssetifvalue $0x7FFFFFFF;
	(pc) =	sbr.rel @p1 .LBB2_3-.Ltmp3, $4  }
0xfa: {  	s22 =	sadd.s32 $0x3300, s21;
	(ifvalue) =	ssetifvalue $0x7FFFFFFF  }
0xfb: {  	[tilespmem:s22], [sflag:$0x1] =	stream.indirect_vreg.gather [hbm4b:s2+s13], $0x1, v2, vm0, $0x4038;
	[tilespmem:$0x8400] =	vst v63  }
0xfc: {  	s19 =	sadd.s32 $0x10, s19;
	(ifvalue) =	ssetifvalue $0x7FFFFFFF  }
0xfd: {  	s20 =	sadd.s32 $0x80, s20;
	s21 =	sadd.s32 $0x3380, s21;
	(ifvalue) =	ssetifvalue $0x7FFFFFFF  }
.Ltmp4:
0xfe: {  	_ = 	snop;
	(pc) =	sbr.rel .LBB2_4-.Ltmp4, $1  }
0xff: {  	_ =	sdelay $0x3  }
.LBB2_6:
0x100: {  	_ =	sfence.sel $0x180000  }
0x101: {  	s2 =	simm.s32 $0x2;
	[bflag:$0x0] =	sbarrier.arrive $0xFFFF  }
0x102: {  	s30 =	simm.s32 $0x3;
	[sflag:s2] =	ssyncpa.u1 $0x1  }
0x103: {  	s31 =	simm.s32 $0x1;
	[sflag:s30] =	ssyncpa.u1 $0x1  }
0x104: {  	[sflag:s31] =	ssyncpa.u1 $0x1  }
0x105: {  	p0 =	sne.s32 s1, $0x0;
	_ =	strace $0x9000004A  }
0x106: {  	s0 =	sadd.s32 @!p0 $0x100000, s0;
	[bflag:$0x2] =	sbarrier.arrive $0xFFFF  }
0x107: {  	[sflag:s0] =	ssyncadd.tile.s32 @!p0 $0x1;
	_ =	shalt  }
.Lfunc_end2:
_tile_overlayer_lowered:
.L_overlay_start_2:
0x108: {  	(tag) =	ssettag $0x2  }
0x109: {  	s0 =	rddreg [dreg:$0x0];
	s2 =	stileid.u32  }
0x10a: {  	s1 =	rddreg [dreg:$0x1];
	p0 =	sne.s32 s2, $0x0  }
0x10b: {  	s3 =	rddreg [dreg:$0x2];
	[bflag:$0x3] =	sbarrier.arrive $0xFFFF;
	s2 =	simm.s32 @!p0 $0x1C01  }
0x10c: {  	[timem:s3], [sflag:s2] =	dma.local @!p0 [hbm:s0], s1  }
0x10d: {  	s0 =	simm.s32 @!p0 $0x1  }
0x10e: {  	_ =	swait.ge @!p0 [sflag:s0], s1  }
0x10f: {  	s1 =	ssub.s32 @!p0 $0x0, s1;
	[sflag:s0] =	ssyncset.done @!p0 $0x0  }
0x110: {  	[sflag:s0] =	ssyncadd.s32 @!p0 s1  }
0x111: {  	[bflag:$0x3] =	sbarrier.arrive $0xFFFF  }
0x112: {  	_ =	shalt  }

// kernel: kernel.3.cloned.1.call-start
scs
__scs_entry_jumppad:
0x0: {  	(pc) =	sbr.rel $0x88, $3  }
0x1: {  	(tag) =	ssettag $0x0;
	lr =	simm.s32 $0x1  }
0x2: {  	[smem:$0x3F99] =	sst lr;
	_ =	strace $0xD0000000  }
0x3: {  	_ = 	snop  }
0x4: {  	_ = 	snop  }
0x5: {  	_ = 	snop  }
0x6: {  	_ = 	snop  }
0x7: {  	_ = 	snop  }
__scs_overlays_trampoline_lowered:
0x8: {  	[smem:$0x3FA8] =	sst s0  }
0x9: {  	[smem:$0x3FA9] =	sst s1  }
0xa: {  	[smem:$0x3FAA] =	sst s2  }
0xb: {  	[smem:$0x3FAB] =	sst s3  }
0xc: {  	[smem:$0x3FAC] =	sst s4  }
0xd: {  	[smem:$0x3FAD] =	sst s5  }
0xe: {  	[smem:$0x3FAE] =	sst s6  }
0xf: {  	[smem:$0x3FAF] =	sst s7  }
0x10: {  	[smem:$0x3FB0] =	sst s8  }
0x11: {  	[smem:$0x3FB1] =	sst s9;
	s0 =	simm.s32 @!p0 $0x0  }
0x12: {  	s1 =	sld [smem:$0x3F97];
	s0 =	simm.s32 @p0 $0x1  }
0x13: {  	[smem:$0x3FB2] =	sst s0;
	s0 =	simm.s32 @!p1 $0x0  }
0x14: {  	s2 =	sld [smem:$0x3F96];
	s0 =	simm.s32 @p1 $0x1  }
0x15: {  	[smem:$0x3FB3] =	sst s0;
	s0 =	simm.s32 @!p2 $0x0  }
0x16: {  	s3 =	sld [smem:$0x3FDB];
	s0 =	simm.s32 @p2 $0x1  }
0x17: {  	s4 =	simm.s32 $0x1BF5;
	[smem:$0x3FB5] =	sst s0  }
0x18: {  	s0 =	sld [smem:$0x3F98];
	_ =	swait.ge [sflag:s4], $0x0  }
0x19: {  	s7 =	sld [smem:$0x3F99]  }
0x1a: {  	s8 =	sadd.s32 $0xFFFFE003, lr  }
0x1b: {  	s9 =	sadd.s32 $0xFFFFFEF7, lr;
	s5 =	simm.s32 $0xFFFFFFFF;
	p2 =	slt.u32 s8, $0xFFFFF086  }
0x1c: {  	p1 =	slt.u32 s9, $0xF7A;
	s5 =	simm.s32 @!p2 $0x0  }
0x1d: {  	s5 =	simm.s32 @p1 $0x1;
	p0 =	seq.s32 s7, s2  }
0x1e: {  	s7 =	smul.u32 @!p0 $0xF7A, s2;
	p2 =	seq.s32 @!p0 s5, $0x0  }
0x1f: {  	s9 =	smul.u32 $0xF7A, s1;
	s8 =	simm.s32 @!p0 $0x1BF5;
	p2 =	por !p2, p0  }
0x20: {  	[sflag:s8] =	ssyncset.s32 @!p0 $0xFFFFF086;
	s6 =	sadd.s32 @!p0 s3, s7;
	s7 =	simm.s32 @!p0 $0x108  }
0x21: {  	s3 =	sadd.s32 s3, s9;
	s6 =	sadd.s32 @!p0 $0x88, s6;
	s7 =	simm.s32 @p2 $0x1082  }
0x22: {  	[simem:s7], [sflag:s8] =	dma.local @!p0 [hbm:s6], $0xF7A  }
0x23: {  	s9 =	sor.u32 $0xD0000000, s2;
	s6 =	simm.s32 $0x108;
	_ =	swait.ge @!p0 [sflag:s8], $0x0  }
0x24: {  	s3 =	sadd.s32 $0x88, s3;
	s6 =	simm.s32 @!p1 $0x1082;
	[sflag:s4] =	ssyncset.s32 $0xFFFFF086  }
0x25: {  	[simem:s6], [sflag:s4] =	dma.local [hbm:s3], $0xF7A  }
0x26: {  	[smem:$0x3F99] =	sst s1;
	(tag) =	ssettag s2;
	_ =	strace s9  }
0x27: {  	s1 =	sld [smem:$0x3FA9]  }
0x28: {  	s2 =	sld [smem:$0x3FAA]  }
0x29: {  	s4 =	sld [smem:$0x3FAC]  }
0x2a: {  	p0 =	seq.s32 s5, $0x0;
	s5 =	sld [smem:$0x3FAD]  }
0x2b: {  	s6 =	sld [smem:$0x3FAE]  }
0x2c: {  	s7 =	sld [smem:$0x3FAF]  }
0x2d: {  	s3 =	simm.s32 $0x108;
	s8 =	sld [smem:$0x3FB0]  }
0x2e: {  	s3 =	simm.s32 @!p0 $0x1082;
	s9 =	sld [smem:$0x3FB1]  }
0x2f: {  	lr =	sadd.s32 s0, s3;
	s0 =	sld [smem:$0x3FA8]  }
0x30: {  	s3 =	sld [smem:$0x3FAB]  }
0x31: {  	[smem:$0x3FB4] =	sst s10  }
0x32: {  	s10 =	sld [smem:$0x3FB2];
	_ =	sdelay $0x3  }
0x33: {  	p0 =	seq.s32 s10, $0x1;
	s10 =	sld [smem:$0x3FB4];
	_ =	sdelay $0x3  }
0x34: {  	[smem:$0x3FB4] =	sst s10  }
0x35: {  	s10 =	sld [smem:$0x3FB3];
	_ =	sdelay $0x3  }
0x36: {  	p1 =	seq.s32 s10, $0x1;
	s10 =	sld [smem:$0x3FB4];
	_ =	sdelay $0x3  }
0x37: {  	[smem:$0x3FB4] =	sst s10  }
0x38: {  	s10 =	sld [smem:$0x3FB5]  }
0x39: {  	_ = 	snop;
	(pc) =	sbr.ind lr, $3  }
0x3a: {  	_ = 	snop  }
0x3b: {  	_ = 	snop  }
0x3c: {  	p2 =	seq.s32 s10, $0x1;
	s10 =	sld [smem:$0x3FB4]  }
0x3d: {  	_ =	shalt  }
0x3e: {  	_ =	shalt  }
0x3f: {  	_ =	shalt  }
0x40: {  	_ =	shalt  }
0x41: {  	_ =	shalt  }
0x42: {  	_ =	shalt  }
0x43: {  	_ =	shalt  }
0x44: {  	_ =	shalt  }
0x45: {  	_ =	shalt  }
0x46: {  	_ =	shalt  }
0x47: {  	_ =	shalt  }
0x48: {  	_ =	shalt  }
0x49: {  	_ =	shalt  }
0x4a: {  	_ =	shalt  }
0x4b: {  	_ =	shalt  }
0x4c: {  	_ =	shalt  }
0x4d: {  	_ =	shalt  }
0x4e: {  	_ =	shalt  }
0x4f: {  	_ =	shalt  }
0x50: {  	_ =	shalt  }
0x51: {  	_ =	shalt  }
0x52: {  	_ =	shalt  }
0x53: {  	_ =	shalt  }
0x54: {  	_ =	shalt  }
0x55: {  	_ =	shalt  }
0x56: {  	_ =	shalt  }
0x57: {  	_ =	shalt  }
0x58: {  	_ =	shalt  }
0x59: {  	_ =	shalt  }
0x5a: {  	_ =	shalt  }
0x5b: {  	_ =	shalt  }
0x5c: {  	_ =	shalt  }
0x5d: {  	_ =	shalt  }
0x5e: {  	_ =	shalt  }
0x5f: {  	_ =	shalt  }
0x60: {  	_ =	shalt  }
0x61: {  	_ =	shalt  }
0x62: {  	_ =	shalt  }
0x63: {  	_ =	shalt  }
0x64: {  	_ =	shalt  }
0x65: {  	_ =	shalt  }
0x66: {  	_ =	shalt  }
0x67: {  	_ =	shalt  }
0x68: {  	_ =	shalt  }
0x69: {  	_ =	shalt  }
0x6a: {  	_ =	shalt  }
0x6b: {  	_ =	shalt  }
0x6c: {  	_ =	shalt  }
0x6d: {  	_ =	shalt  }
0x6e: {  	_ =	shalt  }
0x6f: {  	_ =	shalt  }
0x70: {  	_ =	shalt  }
0x71: {  	_ =	shalt  }
0x72: {  	_ =	shalt  }
0x73: {  	_ =	shalt  }
0x74: {  	_ =	shalt  }
0x75: {  	_ =	shalt  }
0x76: {  	_ =	shalt  }
0x77: {  	_ =	shalt  }
0x78: {  	_ =	shalt  }
0x79: {  	_ =	shalt  }
0x7a: {  	_ =	shalt  }
0x7b: {  	_ =	shalt  }
0x7c: {  	_ =	shalt  }
0x7d: {  	_ =	shalt  }
0x7e: {  	_ =	shalt  }
0x7f: {  	_ =	shalt  }
0x80: {  	_ =	shalt  }
0x81: {  	_ =	shalt  }
0x82: {  	_ =	shalt  }
0x83: {  	_ =	shalt  }
0x84: {  	_ =	shalt  }
0x85: {  	_ =	shalt  }
0x86: {  	_ =	shalt  }
0x87: {  	_ =	shalt  }
.Lfunc_end0:
.L_simem_size_0:
called_computation.6_lowered:
.L_overlay_start_0:
0x88: {  	s2 =	sld [smem:$0x3FD9]  }
0x89: {  	s3 =	sld [smem:$0x3FFE];
	_ =	sdelay $0x1  }
0x8a: {  	s1 =	srdreg.scid  }
0x8b: {  	s0 =	sand.u32 $0x1, s1  }
0x8c: {  	s14 =	sshll.u32 s0, $0xA;
	s2 =	sadd.s32 s3, s2  }
0x8d: {  	s2 =	sadd.s32 s2, s14  }
0x8e: {  	[smem:$0x3FC0] =	sst s2  }
0x8f: {  	_ = 	snop  }
0x90: {  	s2 =	sld [smem:$0x3FD0];
	_ =	sdelay $0x2  }
0x91: {  	s15 =	simm.s32 $0xC;
	s4 =	simm.s32 $0x10  }
0x92: {  	[smem:s4], [sflag:s15] =	dma.local [hbm:s2], $0x1  }
0x93: {  	_ =	swait.eq [sflag:s15], $0x1  }
0x94: {  	s16 =	sld [smem:$0x10]  }
0x95: {  	s17 =	sld [smem:$0x11];
	[sflag:s15] =	ssyncset.done $0x0  }
0x96: {  	s5 =	sld [smem:$0x12];
	[sflag:s15] =	ssyncadd.s32 $0xFFFFFFFF  }
0x97: {  	s18 =	sld [smem:$0x13];
	(tm) =	ssettm $0x1  }
0x98: {  	s6 =	sld [smem:$0x3FFB];
	_ =	sdelay $0x3  }
0x99: {  	_ =	strace s6  }
0x9a: {  	s6 =	sld [smem:$0x3FFC];
	_ =	sdelay $0x3  }
0x9b: {  	_ =	strace s6  }
0x9c: {  	s6 =	sld [smem:$0x3FFD];
	_ =	sdelay $0x3  }
0x9d: {  	_ =	strace s6  }
0x9e: {  	_ =	strace $0x8FFFFFFF  }
0x9f: {  	s19 =	sld [smem:$0x3FDB];
	_ =	sdelay $0x1  }
0xa0: {  	s7 =	simm.s32 $_scs_section_size  }
0xa1: {  	s8 =	simm.s32 $_size__tile_overlayer_lowered;
	s9 =	simm.s32 $_tile_overlayer_lowered  }
0xa2: {  	s22 =	simm.s32 $0x1BFF;
	s21 =	sshll.u32 s9, $0x1;
	s6 =	sadd.s32 s7, s19  }
0xa3: {  	s10 =	simm.s32 $0x0;
	s20 =	sshll.u32 s8, $0x1;
	s8 =	sadd.s32 s21, s6  }
0xa4: {  	[timem:s10], [sflag:s22] =	dma.local [hbm:s8], s20  }
0xa5: {  	_ =	swait.ge [sflag:s22], s20  }
0xa6: {  	s7 =	ssub.s32 $0x0, s20;
	[sflag:s22] =	ssyncset.done $0x0  }
0xa7: {  	[sflag:s22] =	ssyncadd.s32 s7;
	_ =	sdelay $0x1  }
0xa8: {  	s23 =	simm.s32 $0x1B8B  }
0xa9: {  	_ =	swait.ge [sflag:s23], $0x1  }
0xaa: {  	[sflag:s23] =	ssyncset.done $0x0  }
0xab: {  	s25 =	simm.s32 $0x1B8E;
	s24 =	sld [smem:$0x3FFE];
	[sflag:s23] =	ssyncadd.s32 $0xFFFFFFFF  }
0xac: {  	s26 =	simm.s32 $execute0_lowered;
	[smem:$0x3FD2] =	sst s25  }
0xad: {  	s8 =	sshll.u32 s26, $0x1;
	_ =	strace $0x80000058;
	[dreg:$0x1] =	wrdreg $0xFFFFFFFF  }
0xae: {  	s28 =	simm.s32 $_size_execute0_lowered;
	s6 =	sadd.s32 s6, s8;
	[dreg:$0x0] =	wrdreg $0x0  }
0xaf: {  	s8 =	sshll.u32 s28, $0x1;
	[dreg:$0x2] =	wrdreg s6  }
0xb0: {  	[dreg:$0x3] =	wrdreg s8  }
0xb1: {  	[dreg:$0x4] =	wrdreg $0xC0  }
0xb2: {  	_ =	task [dreg:s10], $0x5FFFF  }
0xb3: {  	[dreg:$0x1] =	wrdreg $0xFFFFFFFF  }
0xb4: {  	[dreg:$0x0] =	wrdreg $0x60  }
0xb5: {  	[dreg:$0x2] =	wrdreg s24  }
0xb6: {  	[dreg:$0x3] =	wrdreg s16  }
0xb7: {  	[dreg:$0x4] =	wrdreg s18  }
0xb8: {  	[dreg:$0x5] =	wrdreg s17  }
0xb9: {  	[dreg:$0x6] =	wrdreg s5  }
0xba: {  	[dreg:$0x7] =	wrdreg $0x9  }
0xbb: {  	_ =	task.clear_ibuf [dreg:s10], $0x8FFFF;
	_ =	strace $0x90000058  }
0xbc: {  	s29 =	simm.s32 $0x9;
	_ =	strace $0x8000005A  }
0xbd: {  	_ =	swait.ge [sflag:s29], $0x1  }
0xbe: {  	[sflag:s29] =	ssyncadd.s32 $0xFFFFFFFF  }
0xbf: {  	_ =	strace $0x9000005A  }
0xc0: {  	_ =	sfence  }
0xc1: {  	s30 =	sld [smem:$0x0];
	_ =	sdelay $0x2  }
0xc2: {  	s31 =	sshll.u32 s1, $0xD;
	s1 =	sshrl.u32 s1, $0x2  }
0xc3: {  	s3 =	sand.u32 $0x4000, s31;
	s1 =	sadd.s32 s1, s30  }
0xc4: {  	s0 =	sor.u32 s3, s0;
	s1 =	sshll.u32 s1, $0x11  }
0xc5: {  	s0 =	sor.u32 s1, s0  }
0xc6: {  	s0 =	sadd.s32 $0x8F2B, s0  }
0xc7: {  	[sflag:s0] =	ssyncadd.remote.s32 $0x1  }
0xc8: {  	_ =	sfence.sel $0xFFFF  }
0xc9: {  	[dreg:$0x0] =	wrdreg $0xFFFFFFFF;
	(pc) =	sbr.abs _section_cstart, $3  }
0xca: {  	[dreg:$0x1] =	wrdreg $0xFFFFFFFF  }
0xcb: {  	_ =	task.clear_ibuf [dreg:s10], $0x2FFFF;
	_ =	strace $0x9FFFFFFF  }
0xcc: {  	(tm) =	ssettm $0x7FFFFFFF  }
0xcd: {  	_ =	shalt  }
tec
execute0_lowered:
.L_overlay_start_1:
0x0: {  	(tag) =	ssettag $0x1  }
0x1: {  	s0 =	rddreg [dreg:$0x0]  }
0x2: {  	s1 =	rddreg [dreg:$0x1]  }
0x3: {  	s9 =	rddreg [dreg:$0x2]  }
0x4: {  	s2 =	srdreg.scid;
	s10 =	rddreg [dreg:$0x3]  }
0x5: {  	s4 =	stileid.u32;
	s11 =	rddreg [dreg:$0x4]  }
0x6: {  	s15 =	simm.s32 $0x8600;
	s19 =	simm.s32 $0x1;
	s20 =	simm.s32 $0xBA00  }
0x7: {  	s21 =	simm.s32 $0x9600;
	s22 =	simm.s32 $0x2;
	s23 =	simm.s32 $0xB600  }
0x8: {  	s24 =	simm.s32 $0xB800;
	s25 =	simm.s32 $0x0;
	s3 =	sand.u32 $0x1, s2  }
0x9: {  	s4 =	sshll.u32 s4, $0xA;
	s2 =	simm.s32 $0x0;
	s5 =	sshll.u32 s3, $0x9  }
0xa: {  	[smem:$0x7FF] =	sst s2;
	s3 =	ssub.s32 $0x2, s3;
	s5 =	sor.u32 s5, s4  }
0xb: {  	_ =	strace $0x80000059;
	s6 =	sshrl.u32 s3, $0x1;
	s4 =	sshll.u32 s5, $0x2  }
0xc: {  	s12 =	sshrl.u32 s5, $0x3;
	s13 =	sshll.u32 s5, $0x1;
	s14 =	ssub.s32 s3, s6  }
0xd: {  	s5 =	sadd.s32 s1, s5;
	s4 =	sadd.s32 s4, s0;
	s8 =	sadd.s32 s12, s0  }
0xe: {  	s0 =	sadd.s32 s13, s0;
	s9 =	sadd.s32 s9, s13;
	s10 =	sadd.s32 s10, s12  }
0xf: {  	s11 =	sadd.s32 s11, s12;
	s13 =	smax.u32 s14, $0x1;
	s14 =	simm.s32 $0x4000  }
0x10: {  	s3 =	sadd.s32 $0x1A00, s4;
	s4 =	sadd.s32 $0x7E000, s4;
	s6 =	sadd.s32 $0x7D800, s8  }
0x11: {  	v49 =	vlaneseq.u32;
	v50 =	vimm.f32 $5.000000000e-01;
	v60 =	vimm.f32 $+Inf;
	s7 =	sadd.s32 $0x11A00, s8;
	s8 =	sadd.s32 $0x12200, s8;
	s12 =	sadd.s32 $0x12A00, s0  }
.LBB2_1:
0x12: {  	[tilespmem:s2], [sflag:$0x1] =	stream.linear.gather [hbm4b:s3+s2], $0x4000, $0x38;
	[tilespmem:$0xDA00] =	vst v63  }
0x13: {  	_ = 	snop  }
0x14: {  	[tilespmem:s14], [sflag:$0x1] =	stream.linear.gather [hbm4b:s4+s2], $0x4000, $0x38;
	[tilespmem:$0xDA00] =	vst v63  }
0x15: {  	_ = 	snop  }
0x16: {  	[tilespmem:s15], [sflag:$0x1] =	stream.linear.gather [hbm4b:s5+s2], $0x1000, $0x38;
	[tilespmem:$0xDA00] =	vst v63  }
0x17: {  	s0 =	simm.s32 $0x8000  }
0x18: {  	[tilespmem:s0], [sflag:$0x1] =	stream.linear.gather [hbm4b:s6+s2], $0x200, $0x38;
	[tilespmem:$0xDA00] =	vst v63  }
0x19: {  	s17 =	simm.s32 $0x8200  }
0x1a: {  	[tilespmem:s17], [sflag:$0x1] =	stream.linear.gather [hbm4b:s7+s2], $0x200, $0x38;
	[tilespmem:$0xDA00] =	vst v63  }
0x1b: {  	s18 =	simm.s32 $0x8400  }
0x1c: {  	[tilespmem:s18], [sflag:$0x1] =	stream.linear.gather [hbm4b:s8+s2], $0x200, $0x38;
	[tilespmem:$0xDA00] =	vst v63  }
0x1d: {  	_ =	swait.ge [sflag:s19], $0x4000  }
0x1e: {  	[sflag:s19] =	ssyncset.done $0x0  }
0x1f: {  	[sflag:s19] =	ssyncadd.s32 $0xFFFFC000  }
0x20: {  	_ =	swait.ge [sflag:s19], $0x4000  }
0x21: {  	[sflag:s19] =	ssyncset.done $0x0  }
0x22: {  	[sflag:s19] =	ssyncadd.s32 $0xFFFFC000  }
0x23: {  	_ =	swait.ge [sflag:s19], $0x1000  }
0x24: {  	[sflag:s19] =	ssyncset.done $0x0  }
0x25: {  	[sflag:s19] =	ssyncadd.s32 $0xFFFFF000  }
0x26: {  	_ =	swait.ge [sflag:s19], $0x200  }
0x27: {  	[sflag:s19] =	ssyncset.done $0x0  }
0x28: {  	s26 =	simm.s32 $0x10;
	[sflag:s19] =	ssyncadd.s32 $0xFFFFFE00  }
0x29: {  	v3 =	vor.u32 s26, v49;
	_ =	swait.ge [sflag:s19], $0x200  }
0x2a: {  	v0 =	vshll.u32 v3, $0x3;
	[sflag:s19] =	ssyncset.done $0x0  }
0x2b: {  	v2 =	vshll.u32 v3, $0x5;
	[sflag:s19] =	ssyncadd.s32 $0xFFFFFE00  }
0x2c: {  	_ =	swait.ge [sflag:s19], $0x200  }
0x2d: {  	v1 =	vor.u32 $0x5, v0;
	[sflag:s19] =	ssyncset.done $0x0  }
0x2e: {  	v5 =	vor.u32 $0x4, v0;
	[sflag:s19] =	ssyncadd.s32 $0xFFFFFE00  }
0x2f: {  	v6 =	vor.u32 $0x3, v0;
	v7 =	vld.idx.msk [tilespmem:v0+s15+$0x0], $0xffff  }
0x30: {  	v8 =	vor.u32 $0x2, v0;
	v9 =	vld.idx.msk [tilespmem:v2+s2+$0x0], $0xffff  }
0x31: {  	v11 =	vor.u32 $0x1, v0;
	v10 =	vld.idx.msk [tilespmem:v2+s14+$0x0], $0xffff  }
0x32: {  	v12 =	vor.u32 $0x1, v2;
	v4 =	vld.idx.msk [tilespmem:v1+s15+$0x0], $0xffff  }
0x33: {  	v5 =	vld.idx.msk [tilespmem:v5+s15+$0x0], $0xffff  }
0x34: {  	v13 =	vor.u32 $0x2, v2;
	v1 =	vld.idx.msk [tilespmem:v6+s15+$0x0], $0xffff  }
0x35: {  	v51 =	vld.idx.msk [tilespmem:v8+s15+$0x0], $0xffff  }
0x36: {  	v14 =	vor.u32 $0x3, v2;
	v8 =	vld.idx.msk [tilespmem:v11+s15+$0x0], $0xffff  }
0x37: {  	v11 =	vld.idx.msk [tilespmem:v12+s2+$0x0], $0xffff  }
0x38: {  	v15 =	vor.u32 $0x4, v2;
	v12 =	vld.idx.msk [tilespmem:v12+s14+$0x0], $0xffff  }
0x39: {  	v16 =	vld.idx.msk [tilespmem:v13+s2+$0x0], $0xffff  }
0x3a: {  	v17 =	vor.u32 $0x5, v2;
	v13 =	vld.idx.msk [tilespmem:v13+s14+$0x0], $0xffff  }
0x3b: {  	v18 =	vld.idx.msk [tilespmem:v14+s2+$0x0], $0xffff;
	v9 =	vmul.f32 v10, v9  }
0x3c: {  	v10 =	vld.idx.msk [tilespmem:v14+s14+$0x0], $0xffff;
	v14 =	vor.u32 $0x6, v2  }
0x3d: {  	v19 =	vld.idx.msk [tilespmem:v15+s2+$0x0], $0xffff;
	v11 =	vmul.f32 v12, v11;
	v9 =	vadd.f32 $0.0e+00, v9  }
0x3e: {  	v12 =	vld.idx.msk [tilespmem:v15+s14+$0x0], $0xffff;
	v15 =	vor.u32 $0x7, v2  }
0x3f: {  	v20 =	vld.idx.msk [tilespmem:v17+s2+$0x0], $0xffff;
	v9 =	vadd.f32 v11, v9;
	v11 =	vmul.f32 v13, v16  }
0x40: {  	v13 =	vld.idx.msk [tilespmem:v17+s14+$0x0], $0xffff;
	v16 =	vor.u32 $0x8, v2  }
0x41: {  	v17 =	vld.idx.msk [tilespmem:v14+s2+$0x0], $0xffff;
	v10 =	vmul.f32 v10, v18;
	v9 =	vadd.f32 v11, v9  }
0x42: {  	v11 =	vld.idx.msk [tilespmem:v14+s14+$0x0], $0xffff;
	v14 =	vor.u32 $0x9, v2  }
0x43: {  	v18 =	vld.idx.msk [tilespmem:v15+s2+$0x0], $0xffff;
	v9 =	vadd.f32 v10, v9;
	v10 =	vmul.f32 v12, v19  }
0x44: {  	v12 =	vld.idx.msk [tilespmem:v15+s14+$0x0], $0xffff;
	v15 =	vor.u32 $0xA, v2  }
0x45: {  	v19 =	vld.idx.msk [tilespmem:v16+s2+$0x0], $0xffff;
	v9 =	vadd.f32 v10, v9;
	v10 =	vmul.f32 v13, v20  }
0x46: {  	v13 =	vld.idx.msk [tilespmem:v16+s14+$0x0], $0xffff;
	v16 =	vor.u32 $0xB, v2  }
0x47: {  	v20 =	vld.idx.msk [tilespmem:v14+s2+$0x0], $0xffff;
	v9 =	vadd.f32 v10, v9;
	v10 =	vmul.f32 v11, v17  }
0x48: {  	v11 =	vld.idx.msk [tilespmem:v14+s14+$0x0], $0xffff;
	v14 =	vor.u32 $0xC, v2  }
0x49: {  	v17 =	vld.idx.msk [tilespmem:v15+s2+$0x0], $0xffff;
	v9 =	vadd.f32 v10, v9;
	v10 =	vmul.f32 v12, v18  }
0x4a: {  	v12 =	vld.idx.msk [tilespmem:v15+s14+$0x0], $0xffff;
	v15 =	vor.u32 $0xD, v2  }
0x4b: {  	v18 =	vld.idx.msk [tilespmem:v16+s2+$0x0], $0xffff;
	v9 =	vadd.f32 v10, v9;
	v10 =	vmul.f32 v13, v19  }
0x4c: {  	v13 =	vld.idx.msk [tilespmem:v16+s14+$0x0], $0xffff;
	v16 =	vor.u32 $0xE, v2  }
0x4d: {  	v19 =	vld.idx.msk [tilespmem:v14+s2+$0x0], $0xffff;
	v9 =	vadd.f32 v10, v9;
	v10 =	vmul.f32 v11, v20  }
0x4e: {  	v11 =	vld.idx.msk [tilespmem:v14+s14+$0x0], $0xffff;
	v14 =	vor.u32 $0xF, v2  }
0x4f: {  	v20 =	vld.idx.msk [tilespmem:v15+s2+$0x0], $0xffff;
	v9 =	vadd.f32 v10, v9;
	v10 =	vmul.f32 v12, v17  }
0x50: {  	v12 =	vld.idx.msk [tilespmem:v15+s14+$0x0], $0xffff;
	v15 =	vor.u32 $0x10, v2  }
0x51: {  	v17 =	vld.idx.msk [tilespmem:v16+s2+$0x0], $0xffff;
	v9 =	vadd.f32 v10, v9;
	v10 =	vmul.f32 v13, v18  }
0x52: {  	v13 =	vld.idx.msk [tilespmem:v16+s14+$0x0], $0xffff;
	v16 =	vor.u32 $0x11, v2  }
0x53: {  	v18 =	vld.idx.msk [tilespmem:v14+s2+$0x0], $0xffff;
	v9 =	vadd.f32 v10, v9;
	v10 =	vmul.f32 v11, v19  }
0x54: {  	v11 =	vld.idx.msk [tilespmem:v14+s14+$0x0], $0xffff;
	v14 =	vor.u32 $0x12, v2  }
0x55: {  	v19 =	vld.idx.msk [tilespmem:v15+s2+$0x0], $0xffff;
	v9 =	vadd.f32 v10, v9;
	v10 =	vmul.f32 v12, v20  }
0x56: {  	v12 =	vld.idx.msk [tilespmem:v15+s14+$0x0], $0xffff;
	v15 =	vor.u32 $0x13, v2  }
0x57: {  	v20 =	vld.idx.msk [tilespmem:v16+s2+$0x0], $0xffff;
	v9 =	vadd.f32 v10, v9;
	v10 =	vmul.f32 v13, v17  }
0x58: {  	v13 =	vld.idx.msk [tilespmem:v16+s14+$0x0], $0xffff;
	v16 =	vor.u32 $0x14, v2  }
0x59: {  	v17 =	vld.idx.msk [tilespmem:v14+s2+$0x0], $0xffff;
	v9 =	vadd.f32 v10, v9;
	v10 =	vmul.f32 v11, v18  }
0x5a: {  	v11 =	vld.idx.msk [tilespmem:v14+s14+$0x0], $0xffff;
	v14 =	vor.u32 $0x15, v2  }
0x5b: {  	v18 =	vld.idx.msk [tilespmem:v15+s2+$0x0], $0xffff;
	v9 =	vadd.f32 v10, v9;
	v10 =	vmul.f32 v12, v19  }
0x5c: {  	v12 =	vld.idx.msk [tilespmem:v15+s14+$0x0], $0xffff;
	v15 =	vor.u32 $0x16, v2  }
0x5d: {  	v19 =	vld.idx.msk [tilespmem:v16+s2+$0x0], $0xffff;
	v9 =	vadd.f32 v10, v9;
	v10 =	vmul.f32 v13, v20  }
0x5e: {  	v13 =	vld.idx.msk [tilespmem:v16+s14+$0x0], $0xffff;
	v16 =	vor.u32 $0x17, v2  }
0x5f: {  	v20 =	vld.idx.msk [tilespmem:v14+s2+$0x0], $0xffff;
	v9 =	vadd.f32 v10, v9;
	v10 =	vmul.f32 v11, v17  }
0x60: {  	v11 =	vld.idx.msk [tilespmem:v14+s14+$0x0], $0xffff;
	v14 =	vor.u32 $0x18, v2  }
0x61: {  	v17 =	vld.idx.msk [tilespmem:v15+s2+$0x0], $0xffff;
	v9 =	vadd.f32 v10, v9;
	v10 =	vmul.f32 v12, v18  }
0x62: {  	v12 =	vld.idx.msk [tilespmem:v15+s14+$0x0], $0xffff;
	v15 =	vor.u32 $0x19, v2  }
0x63: {  	v18 =	vld.idx.msk [tilespmem:v16+s2+$0x0], $0xffff;
	v9 =	vadd.f32 v10, v9;
	v10 =	vmul.f32 v13, v19  }
0x64: {  	v13 =	vld.idx.msk [tilespmem:v16+s14+$0x0], $0xffff;
	v16 =	vor.u32 $0x1A, v2  }
0x65: {  	v19 =	vld.idx.msk [tilespmem:v14+s2+$0x0], $0xffff;
	v9 =	vadd.f32 v10, v9;
	v10 =	vmul.f32 v11, v20  }
0x66: {  	v11 =	vld.idx.msk [tilespmem:v14+s14+$0x0], $0xffff;
	v14 =	vor.u32 $0x1B, v2  }
0x67: {  	v20 =	vld.idx.msk [tilespmem:v15+s2+$0x0], $0xffff;
	v9 =	vadd.f32 v10, v9;
	v10 =	vmul.f32 v12, v17  }
0x68: {  	v12 =	vld.idx.msk [tilespmem:v15+s14+$0x0], $0xffff;
	v15 =	vor.u32 $0x1C, v2  }
0x69: {  	v17 =	vld.idx.msk [tilespmem:v16+s2+$0x0], $0xffff;
	v9 =	vadd.f32 v10, v9;
	v10 =	vmul.f32 v13, v18  }
0x6a: {  	v13 =	vld.idx.msk [tilespmem:v16+s14+$0x0], $0xffff;
	v16 =	vor.u32 $0x1D, v2  }
0x6b: {  	v18 =	vld.idx.msk [tilespmem:v14+s2+$0x0], $0xffff;
	v9 =	vadd.f32 v10, v9;
	v10 =	vmul.f32 v11, v19  }
0x6c: {  	v11 =	vld.idx.msk [tilespmem:v14+s14+$0x0], $0xffff;
	v14 =	vor.u32 $0x1E, v2  }
0x6d: {  	v19 =	vld.idx.msk [tilespmem:v15+s2+$0x0], $0xffff;
	v9 =	vadd.f32 v10, v9;
	v10 =	vmul.f32 v12, v20  }
0x6e: {  	v7 =	vmul.f32 $1.442695020e+00, v7;
	v2 =	vor.u32 $0x1F, v2;
	v12 =	vld.idx.msk [tilespmem:v15+s14+$0x0], $0xffff  }
0x6f: {  	v8 =	vmul.f32 $1.442695020e+00, v8;
	v15 =	vld.idx.msk [tilespmem:v16+s2+$0x0], $0xffff;
	v9 =	vadd.f32 v10, v9;
	v10 =	vmul.f32 v13, v17  }
0x70: {  	v6 =	vmul.f32 $1.442695020e+00, v51;
	(erf) = vpow2.f32 v7;
	v13 =	vld.idx.msk [tilespmem:v16+s14+$0x0], $0xffff  }
0x71: {  	v16 =	vor.u32 $0x6, v0;
	v52 =	vld.idx.msk [tilespmem:v14+s2+$0x0], $0xffff;
	v9 =	vadd.f32 v10, v9;
	v10 =	vmul.f32 v11, v18  }
0x72: {  	(erf) = vpow2.f32 v8;
	v17 =	vmul.f32 $1.442695020e+00, v1;
	v11 =	vld.idx.msk [tilespmem:v14+s14+$0x0], $0xffff;
	v14 =	vor.u32 $0x7, v0  }
0x73: {  	v8 =	vld.idx.msk [tilespmem:v2+s2+$0x0], $0xffff;
	v0 =	vor.u32 s2, v49;
	v9 =	vadd.f32 v10, v9;
	v10 =	vmul.f32 v12, v19  }
0x74: {  	s26 =	simm.s32 $0x8410;
	v5 =	vmul.f32 $1.442695020e+00, v5;
	(erf) = vpow2.f32 v6;
	v1 =	vshll.u32 v0, $0x5;
	v12 =	vld.idx.msk [tilespmem:v2+s14+$0x0], $0xffff  }
0x75: {  	(erf) = vpow2.f32 v17;
	v2 =	vld [tilespmem:s26+$0x0];
	v53 =	vadd.f32 v10, v9;
	v9 =	vmul.f32 v13, v15  }
0x76: {  	v4 =	vmul.f32 $1.442695020e+00, v4;
	(erf) = vpow2.f32 v5;
	v10 =	vld.idx.msk [tilespmem:v16+s15+$0x0], $0xffff  }
0x77: {  	s28 =	simm.s32 $0x8210;
	v13 =	vor.u32 $0x1, v1;
	v7 =	vmul.f32 v11, v52;
	v6 =	vadd.f32 v9, v53;
	v9 =	vld.idx.msk [tilespmem:v14+s15+$0x0], $0xffff  }
0x78: {  	(erf) = vpow2.f32 v4;
	v14 =	vld [tilespmem:s28+$0x0]  }
0x79: {  	s29 =	simm.s32 $0x8010;
	v4 =	vor.u32 $0x5, v1;
	v18 =	vld.idx.msk [tilespmem:v1+s2+$0x0], $0xffff;
	v54 =	vmul.f32 v12, v8;
	v6 =	vadd.f32 v7, v6  }
0x7a: {  	v11 =	vor.u32 $0x2, v1;
	v8 =	vld [tilespmem:s29+$0x0]  }
0x7b: {  	v5 =	vpop (erf);
	v17 =	vor.u32 $0x7, v1;
	v19 =	vld.idx.msk [tilespmem:v1+s14+$0x0], $0xffff;
	v7 =	vadd.f32 v54, v6  }
0x7c: {  	v20 =	vor.u32 $0x8, v1;
	v15 =	vor.u32 $0x3, v1;
	v5 =	vadd.f32 v5, v2;
	v25 =	vld.idx.msk [tilespmem:v13+s2+$0x0], $0xffff  }
0x7d: {  	v55 =	vpop (erf);
	v21 =	vor.u32 $0x9, v1;
	v10 =	vmul.f32 $1.442695020e+00, v10;
	v13 =	vld.idx.msk [tilespmem:v13+s14+$0x0], $0xffff;
	v14 =	vadd.f32 v14, v7  }
0x7e: {  	v23 =	vor.u32 $0xB, v1;
	v12 =	vor.u32 $0x4, v1;
	v35 =	vld.idx.msk [tilespmem:v4+s14+$0x0], $0xffff;
	v6 =	vadd.f32 v55, v5  }
0x7f: {  	v56 =	vpop (erf);
	v30 =	vld.idx.msk [tilespmem:v11+s14+$0x0], $0xffff;
	v9 =	vmul.f32 $1.442695020e+00, v9;
	(erf) = vpow2.f32 v10;
	v14 =	vadd.f32 v14, v8  }
0x80: {  	v27 =	vor.u32 $0xE, v1;
	v29 =	vor.u32 $0xF, v1;
	v18 =	vmul.f32 v19, v18;
	v19 =	vld.idx.msk [tilespmem:v11+s2+$0x0], $0xffff  }
0x81: {  	v32 =	vld.idx.msk [tilespmem:v15+s2+$0x0], $0xffff;
	v7 =	vadd.f32 v56, v6;
	(erf) = vpow2.f32 v9;
	v10 =	vsub.f32 v14, v2  }
0x82: {  	v15 =	vld.idx.msk [tilespmem:v15+s14+$0x0], $0xffff;
	v18 =	vadd.f32 $0.0e+00, v18;
	v8 =	vpop (erf);
	v13 =	vmul.f32 v13, v25;
	v28 =	vsub.f32 v14, v5  }
0x83: {  	v16 =	vor.u32 $0x6, v1;
	v58 =	vld.idx.msk [tilespmem:v20+s2+$0x0], $0xffff;
	v9 =	vadd.f32 v8, v7;
	v11 =	vmul.f32 $1.442695020e+00, v10  }
0x84: {  	v34 =	vld.idx.msk [tilespmem:v12+s2+$0x0], $0xffff;
	v8 =	vpop (erf);
	v31 =	vsub.f32 v14, v6;
	v13 =	vadd.f32 v13, v18;
	v28 =	vmul.f32 $1.442695020e+00, v28  }
0x85: {  	v12 =	vld.idx.msk [tilespmem:v12+s14+$0x0], $0xffff;
	v19 =	vmul.f32 v30, v19;
	v8 =	vadd.f32 v8, v9;
	(erf) = vpow2.f32 v11  }
0x86: {  	v20 =	vld.idx.msk [tilespmem:v20+s14+$0x0], $0xffff;
	v25 =	vsub.f32 v14, v9;
	v31 =	vmul.f32 $1.442695020e+00, v31;
	v10 =	vpop (erf);
	(erf) = vpow2.f32 v28  }
0x87: {  	v63 =	vld.idx.msk [tilespmem:v27+s2+$0x0], $0xffff;
	v15 =	vmul.f32 v15, v32;
	v33 =	vsub.f32 v14, v7;
	v10 =	vadd.f32 v10, v8  }
0x88: {  	v27 =	vld.idx.msk [tilespmem:v27+s14+$0x0], $0xffff;
	v13 =	vadd.f32 v19, v13;
	v18 =	vmul.f32 $1.442695020e+00, v25;
	v11 =	vpop (erf);
	(erf) = vpow2.f32 v31  }
0x89: {  	v25 =	vsub.f32 v14, v8;
	v28 =	vmul.f32 $1.442695020e+00, v33;
	v31 =	vld.idx.msk [tilespmem:v4+s2+$0x0], $0xffff;
	v11 =	vadd.f32 v11, v10  }
0x8a: {  	v37 =	vld.idx.msk [tilespmem:v29+s2+$0x0], $0xffff;
	v12 =	vmul.f32 v12, v34;
	v13 =	vadd.f32 v15, v13;
	v57 =	vpop (erf);
	v30 =	vsub.f32 v14, v10  }
0x8b: {  	v29 =	vld.idx.msk [tilespmem:v29+s14+$0x0], $0xffff;
	v25 =	vmul.f32 $1.442695020e+00, v25;
	(erf) = vpow2.f32 v28;
	v4 =	vadd.f32 v57, v11  }
0x8c: {  	v12 =	vadd.f32 v12, v13;
	v28 =	vld.idx.msk [tilespmem:v16+s2+$0x0], $0xffff;
	(erf) = vpow2.f32 v18;
	v30 =	vmul.f32 $1.442695020e+00, v30  }
0x8d: {  	v16 =	vld.idx.msk [tilespmem:v16+s14+$0x0], $0xffff;
	(erf) = vpow2.f32 v25;
	v25 =	vor.u32 $0x10, v1;
	v18 =	vsub.f32 v14, v4  }
0x8e: {  	v19 =	vld.idx.msk [tilespmem:v17+s2+$0x0], $0xffff;
	v14 =	vsub.f32 v14, v11;
	(erf) = vpow2.f32 v30;
	v30 =	vmul.f32 v35, v31;
	v15 =	vpop (erf)  }
0x8f: {  	v22 =	vor.u32 $0xA, v1;
	v17 =	vld.idx.msk [tilespmem:v17+s14+$0x0], $0xffff;
	v18 =	vmul.f32 $1.442695020e+00, v18;
	v31 =	vpop (erf)  }
0x90: {  	v14 =	vmul.f32 $1.442695020e+00, v14;
	v12 =	vadd.f32 v30, v12;
	v30 =	vld.idx.msk [tilespmem:v23+s2+$0x0], $0xffff;
	v13 =	vadd.f32 $1.000000000e+00, v31  }
0x91: {  	v36 =	vshll.u32 v3, $0x4;
	v15 =	vadd.f32 $1.000000000e+00, v15;
	(erf) = vpow2.f32 v18;
	v18 =	vld.idx.msk [tilespmem:v21+s2+$0x0], $0xffff;
	v31 =	vpop (erf)  }
0x92: {  	v16 =	vmul.f32 v16, v28;
	(erf) = vpow2.f32 v14;
	v14 =	vld.idx.msk [tilespmem:v21+s14+$0x0], $0xffff;
	v21 =	vadd.f32 $1.000000000e+00, v31  }
0x93: {  	v42 =	vor.u32 $0x3, v36;
	v26 =	vor.u32 $0xD, v1;
	v38 =	vld.idx.msk [tilespmem:v25+s2+$0x0], $0xffff;
	(erf) = vrcp.f32 v15  }
0x94: {  	v17 =	vmul.f32 v17, v19;
	v25 =	vld.idx.msk [tilespmem:v25+s14+$0x0], $0xffff;
	v12 =	vadd.f32 v16, v12;
	(erf) = vrcp.f32 v13;
	v13 =	vpop (erf)  }
0x95: {  	v24 =	vor.u32 $0xC, v1;
	v59 =	vor.u32 $0x11, v1;
	v15 =	vld.idx.msk [tilespmem:v22+s2+$0x0], $0xffff;
	v13 =	vadd.f32 $1.000000000e+00, v13  }
0x96: {  	v20 =	vmul.f32 v20, v58;
	v22 =	vld.idx.msk [tilespmem:v22+s14+$0x0], $0xffff;
	v12 =	vadd.f32 v17, v12;
	(erf) = vrcp.f32 v21;
	v21 =	vpop (erf)  }
0x97: {  	v27 =	vmul.f32 v27, v63;
	v29 =	vmul.f32 v29, v37;
	v16 =	vadd.f32 $1.000000000e+00, v21;
	v21 =	vld.idx.msk [tilespmem:v23+s14+$0x0], $0xffff  }
0x98: {  	[tilespmem:v36+s20+$0x0] =	vst.idx.msk $0xffff, v2;
	v2 =	vor.u32 $0x5, v36;
	v17 =	vor.u32 $0x14, v1;
	v12 =	vadd.f32 v20, v12;
	v20 =	vld.idx.msk [tilespmem:v26+s2+$0x0], $0xffff  }
0x99: {  	v19 =	vor.u32 $0x13, v1;
	v35 =	vor.u32 $0x2, v36;
	v26 =	vld.idx.msk [tilespmem:v26+s14+$0x0], $0xffff;
	(erf) = vrcp.f32 v13;
	v13 =	vpop (erf)  }
0x9a: {  	v14 =	vmul.f32 v14, v18;
	(erf) = vrcp.f32 v16;
	v16 =	vld.idx.msk [tilespmem:v24+s2+$0x0], $0xffff;
	v13 =	vadd.f32 $1.000000000e+00, v13  }
0x9b: {  	v28 =	vor.u32 $0x12, v1;
	v31 =	vor.u32 $0x16, v1;
	v25 =	vmul.f32 v25, v38;
	v24 =	vld.idx.msk [tilespmem:v24+s14+$0x0], $0xffff  }
0x9c: {  	v22 =	vmul.f32 v22, v15;
	v61 =	vpop (erf);
	v21 =	vmul.f32 v21, v30;
	v30 =	vadd.f32 v14, v12  }
0x9d: {  	v23 =	vor.u32 $0x15, v1;
	v18 =	vor.u32 $0x17, v1;
	v57 =	vld.idx.msk [tilespmem:v17+s2+$0x0], $0xffff;
	v15 =	vadd.f32 $1.000000000e+00, v61  }
0x9e: {  	v17 =	vld.idx.msk [tilespmem:v17+s14+$0x0], $0xffff;
	v20 =	vmul.f32 v26, v20;
	(erf) = vrcp.f32 v13;
	v22 =	vadd.f32 v22, v30;
	v13 =	vpop (erf)  }
0x9f: {  	v26 =	vor.u32 $0x19, v1;
	(erf) = vrcp.f32 v15;
	v62 =	vpop (erf);
	v13 =	vadd.f32 $1.000000000e+00, v13  }
0xa0: {  	v24 =	vmul.f32 v24, v16;
	v21 =	vadd.f32 v21, v22;
	v12 =	vpop (erf);
	v32 =	vadd.f32 $1.000000000e+00, v62  }
0xa1: {  	v61 =	vor.u32 $0x1A, v1;
	v15 =	vmul.f32 $5.000000000e-01, v12;
	v48 =	vpop (erf);
	(erf) = vrcp.f32 v13  }
0xa2: {  	v44 =	vld.idx.msk [tilespmem:v59+s2+$0x0], $0xffff;
	v21 =	vadd.f32 v24, v21;
	v3 =	vpop (erf);
	(erf) = vrcp.f32 v32;
	v32 =	vor.u32 $0x1, v36  }
0xa3: {  	v47 =	vld.idx.msk [tilespmem:v59+s14+$0x0], $0xffff;
	v17 =	vmul.f32 v17, v57;
	v14 =	vsub.f32 v48, v12;
	v15 =	vadd.f32 $0.0e+00, v15  }
0xa4: {  	v59 =	vld.idx.msk [tilespmem:v31+s2+$0x0], $0xffff;
	v22 =	vor.u32 $0x18, v1;
	v13 =	vsub.f32 v3, v48;
	v16 =	vpop (erf);
	v20 =	vadd.f32 v20, v21  }
0xa5: {  	v30 =	vld.idx.msk [tilespmem:v28+s2+$0x0], $0xffff;
	v3 =	vsub.f32 v16, v3;
	v41 =	vpop (erf);
	v39 =	vadd.f32 v14, v15;
	v15 =	vor.u32 $0x4, v36  }
0xa6: {  	v28 =	vld.idx.msk [tilespmem:v28+s14+$0x0], $0xffff;
	vm0 =	vgt.f32 v14, v12;
	v40 =	vmul.f32 $1.500000000e+00, v13;
	v16 =	vsub.f32 v41, v16  }
0xa7: {  	v62 =	vld.idx.msk [tilespmem:v18+s2+$0x0], $0xffff;
	v45 =	vsel vm0, v14, v12;
	v51 =	vadd.f32 v3, v3;
	[tilespmem:v32+s20+$0x0] =	vst.idx.msk $0xffff, v5  }
0xa8: {  	v21 =	vor.u32 $0x8, v36;
	v43 =	vpop (erf);
	vm2 =	vgt.f32 v13, v45;
	v39 =	vadd.f32 v40, v39;
	[tilespmem:v35+s20+$0x0] =	vst.idx.msk $0xffff, v6  }
0xa9: {  	v41 =	vsub.f32 v43, v41;
	v46 =	vmul.f32 $2.500000000e+00, v16;
	v52 =	vsel vm2, v13, v45;
	[tilespmem:v42+s20+$0x0] =	vst.idx.msk $0xffff, v7  }
0xaa: {  	v53 =	vpop (erf);
	v6 =	vor.u32 $0x6, v36;
	vm6 =	vgt.f32 v3, v52;
	v39 =	vadd.f32 v51, v39;
	[tilespmem:v15+s20+$0x0] =	vst.idx.msk $0xffff, v9  }
0xab: {  	v5 =	vor.u32 $0x7, v36;
	v7 =	vsub.f32 v53, v43;
	[tilespmem:v2+s20+$0x0] =	vst.idx.msk $0xffff, v8;
	v8 =	vsel vm6, v3, v52  }
0xac: {  	v18 =	vld.idx.msk [tilespmem:v18+s14+$0x0], $0xffff;
	v54 =	vmul.f32 $3.000000000e+00, v41;
	v48 =	vpop (erf);
	v39 =	vadd.f32 v46, v39;
	vm7 =	vgt.f32 v16, v8  }
0xad: {  	v37 =	vld.idx.msk [tilespmem:v61+s14+$0x0], $0xffff;
	v9 =	vpop (erf);
	v55 =	vmul.f32 $3.500000000e+00, v7;
	v46 =	vsub.f32 $1.000000000e+00, v48;
	v8 =	vsel vm7, v16, v8  }
0xae: {  	v63 =	vld.idx.msk [tilespmem:v22+s2+$0x0], $0xffff;
	v45 =	vsub.f32 v9, v53;
	v9 =	vsub.f32 v48, v9;
	vm1 =	vgt.f32 v41, v8  }
0xaf: {  	v48 =	vor.u32 $0x9, v36;
	v39 =	vadd.f32 v54, v39;
	[tilespmem:v6+s20+$0x0] =	vst.idx.msk $0xffff, v10;
	v8 =	vsel vm1, v41, v8  }
0xb0: {  	v20 =	vadd.f32 v27, v20;
	[tilespmem:v5+s20+$0x0] =	vst.idx.msk $0xffff, v11;
	v11 =	vld.idx.msk [tilespmem:v19+s2+$0x0], $0xffff;
	vm3 =	vgt.f32 v7, v8  }
0xb1: {  	v56 =	vmul.f32 $4.000000000e+00, v45;
	v19 =	vld.idx.msk [tilespmem:v19+s14+$0x0], $0xffff;
	v10 =	vadd.f32 v55, v39;
	v8 =	vsel vm3, v7, v8  }
0xb2: {  	v27 =	vld.idx.msk [tilespmem:v31+s14+$0x0], $0xffff;
	v20 =	vadd.f32 v29, v20;
	v29 =	vsel vm0, $0x3F800000, v50;
	vm4 =	vgt.f32 v45, v8  }
0xb3: {  	v33 =	vld [tilespmem:s26+$0xFFFFFFF0];
	v24 =	vmul.f32 $4.500000000e+00, v9;
	[tilespmem:v21+s20+$0x0] =	vst.idx.msk $0xffff, v4;
	v10 =	vadd.f32 v56, v10;
	v8 =	vsel vm4, v45, v8  }
0xb4: {  	v22 =	vld.idx.msk [tilespmem:v22+s14+$0x0], $0xffff;
	v39 =	vor.u32 $0x1D, v1;
	[tilespmem:v48+s20+$0x0] =	vst.idx.msk $0xffff, v60;
	v56 =	vor.u32 $0x1E, v1;
	vm5 =	vgt.f32 v9, v8  }
0xb5: {  	[tilespmem:v36+s21+$0x0] =	vst.idx.msk $0xffff, v12;
	v10 =	vadd.f32 v24, v10;
	v24 =	vld.idx.msk [tilespmem:v23+s2+$0x0], $0xffff;
	v8 =	vsel vm5, v9, v8  }
0xb6: {  	v23 =	vld.idx.msk [tilespmem:v23+s14+$0x0], $0xffff;
	v11 =	vmul.f32 v19, v11;
	vm15 =	vgt.f32 v46, v8;
	v8 =	vsel vm2, $0x3FC00000, v29  }
0xb7: {  	v19 =	vld.idx.msk [tilespmem:v26+s2+$0x0], $0xffff;
	v29 =	vmul.f32 v47, v44;
	v4 =	vsel vm6, $0x40000000, v8;
	v8 =	vadd.f32 v25, v20  }
0xb8: {  	v27 =	vmul.f32 v27, v59;
	v58 =	vmul.f32 $5.000000000e+00, v46;
	v26 =	vld.idx.msk [tilespmem:v26+s14+$0x0], $0xffff;
	[tilespmem:v32+s21+$0x0] =	vst.idx.msk $0xffff, v14  }
0xb9: {  	v40 =	vld [tilespmem:s28+$0xFFFFFFF0];
	[tilespmem:v35+s21+$0x0] =	vst.idx.msk $0xffff, v13;
	v20 =	vor.u32 $0x1B, v1;
	v25 =	vmul.f32 v28, v30;
	v8 =	vadd.f32 v29, v8  }
0xba: {  	v43 =	vld [tilespmem:s29+$0xFFFFFFF0];
	v10 =	vadd.f32 v10, v58;
	v58 =	vmul.f32 v18, v62;
	[tilespmem:v42+s21+$0x0] =	vst.idx.msk $0xffff, v3;
	v28 =	vor.u32 $0x1C, v1  }
0xbb: {  	v14 =	vor.u32 $0x1F, v1;
	[tilespmem:v15+s21+$0x0] =	vst.idx.msk $0xffff, v16;
	v18 =	vld.idx.msk [tilespmem:v56+s2+$0x0], $0xffff;
	v4 =	vsel vm7, $0x40200000, v4;
	v8 =	vadd.f32 v25, v8  }
0xbc: {  	[tilespmem:v2+s21+$0x0] =	vst.idx.msk $0xffff, v41;
	v2 =	vld.idx.msk [tilespmem:v39+s14+$0x0], $0xffff;
	v23 =	vmul.f32 v23, v24;
	v29 =	vshll.u32 v0, $0x3;
	v3 =	vsel vm1, $0x40400000, v4  }
0xbd: {  	v24 =	vld.idx.msk [tilespmem:v61+s2+$0x0], $0xffff;
	v57 =	vor.u32 $0x2, v29;
	v52 =	vor.u32 $0x3, v29;
	v1 =	vadd.f32 v11, v8  }
0xbe: {  	v51 =	vor.u32 $0x4, v29;
	v34 =	vor.u32 $0x5, v29;
	v13 =	vor.u32 $0x6, v29;
	v12 =	vld.idx.msk [tilespmem:v20+s2+$0x0], $0xffff  }
0xbf: {  	v16 =	vsel vm3, $0x40600000, v3;
	v25 =	vor.u32 $0x1, v29;
	v59 =	vld.idx.msk [tilespmem:v28+s2+$0x0], $0xffff;
	v1 =	vadd.f32 v17, v1  }
0xc0: {  	[tilespmem:v6+s21+$0x0] =	vst.idx.msk $0xffff, v7;
	v15 =	vor.u32 $0x7, v29;
	v3 =	vshll.u32 v0, $0x4;
	v0 =	vsel vm4, $0x40800000, v16;
	v4 =	vld.idx.msk [tilespmem:v28+s14+$0x0], $0xffff  }
0xc1: {  	[tilespmem:v5+s21+$0x0] =	vst.idx.msk $0xffff, v45;
	v61 =	vor.u32 $0x2, v3;
	v32 =	vor.u32 $0x3, v3;
	v8 =	vld.idx.msk [tilespmem:v20+s14+$0x0], $0xffff;
	v16 =	vadd.f32 v23, v1  }
0xc2: {  	[tilespmem:v21+s21+$0x0] =	vst.idx.msk $0xffff, v9;
	v9 =	vor.u32 $0x7, v3;
	v0 =	vsel vm5, $0x40900000, v0;
	v11 =	vmul.f32 v22, v63;
	v28 =	vld.idx.msk [tilespmem:v29+s15+$0x0], $0xffff  }
0xc3: {  	v63 =	vor.u32 $0x1, v3;
	v0 =	vsel vm15, $0x40A00000, v0;
	v29 =	vld.idx.msk [tilespmem:v14+s2+$0x0], $0xffff;
	v5 =	vadd.f32 v27, v16  }
0xc4: {  	v17 =	vmul.f32 v26, v19;
	v19 =	vmul.f32 v37, v24;
	v26 =	vor.u32 $0x4, v3;
	v20 =	vld.idx.msk [tilespmem:v25+s15+$0x0], $0xffff  }
0xc5: {  	s1 =	simm.s32 $0xB610;
	[tilespmem:v48+s21+$0x0] =	vst.idx.msk $0xffff, v46;
	v37 =	vor.u32 $0x6, v3;
	v24 =	vor.u32 $0x8, v3;
	v25 =	vld.idx.msk [tilespmem:v56+s14+$0x0], $0xffff;
	v16 =	vadd.f32 v58, v5  }
0xc6: {  	s16 =	simm.s32 $0x0;
	s0 =	simm.s32 $0xB810;
	[tilespmem:s1+$0x0] =	vst v10;
	v1 =	vld.idx.msk [tilespmem:v39+s2+$0x0], $0xffff;
	v39 =	vor.u32 $0x5, v3;
	v22 =	vmul.f32 v8, v12;
	v27 =	vmul.f32 v4, v59  }
0xc7: {  	s30 =	simm.s32 $0xB610;
	s31 =	simm.s32 $0xB810;
	s17 =	simm.s32 $0x20;
	[tilespmem:s0+$0x0] =	vst v0;
	v23 =	vld.idx.msk [tilespmem:v57+s15+$0x0], $0xffff;
	v59 =	vor.u32 $0x9, v3;
	v10 =	vmul.f32 $1.442695020e+00, v28;
	v56 =	vadd.f32 v11, v16  }
.LBB2_2:
0xc8: {  	v0 =	vor.u32 s17, v49;
	v31 =	vld.idx.msk [tilespmem:v14+s14+$0x0], $0xffff  }
0xc9: {  	s18 =	sadd.s32 $0x10, s17;
	v21 =	vld.idx.msk [tilespmem:v13+s15+$0x0], $0xffff;
	v57 =	vshll.u32 v0, $0x5  }
0xca: {  	(erf) = vpow2.f32 v10;
	v35 =	vor.u32 s18, v49;
	v10 =	vld.idx.msk [tilespmem:v15+s15+$0x0], $0xffff  }
0xcb: {  	v38 =	vmov v61;
	v61 =	vshll.u32 v35, $0x5;
	v11 =	vld.idx.msk [tilespmem:v52+s15+$0x0], $0xffff  }
0xcc: {  	v58 =	vshll.u32 v35, $0x3;
	v12 =	vld.idx.msk [tilespmem:v51+s15+$0x0], $0xffff  }
0xcd: {  	v13 =	vor.u32 $0x3, v58;
	v28 =	vld.idx.msk [tilespmem:v34+s15+$0x0], $0xffff;
	[tilespmem:v3+s20+$0x0] =	vst.idx.msk $0xffff, v33  }
0xce: {  	v30 =	vmul.f32 v2, v1;
	v4 =	vor.u32 $0xF, v57;
	v2 =	vld.idx.msk [tilespmem:v57+s2+$0x0], $0xffff  }
0xcf: {  	v20 =	vmul.f32 $1.442695020e+00, v20;
	[tilespmem:$0x1FE80] =	vst v4;
	v4 =	vor.u32 $0x10, v57  }
0xd0: {  	v16 =	vshll.u32 v0, $0x3;
	v0 =	vshll.u32 v0, $0x4;
	[tilespmem:$0x1FE90] =	vst v4;
	v4 =	vor.u32 $0x11, v57;
	v15 =	vld.idx.msk [tilespmem:v61+s2+$0x0], $0xffff  }
0xd1: {  	v55 =	vor.u32 $0x1, v57;
	v54 =	vor.u32 $0x2, v57;
	v1 =	vor.u32 $0x5, v58;
	[tilespmem:$0x1FEA0] =	vst v4;
	v4 =	vld.idx.msk [tilespmem:v61+s14+$0x0], $0xffff  }
0xd2: {  	v53 =	vor.u32 $0x3, v57;
	v50 =	vor.u32 $0x6, v57;
	v62 =	vld.idx.msk [tilespmem:v13+s15+$0x0], $0xffff;
	v13 =	vor.u32 $0x3, v61  }
0xd3: {  	v49 =	vor.u32 $0x7, v57;
	v48 =	vor.u32 $0x8, v57;
	[tilespmem:$0x1FE70] =	vst v2;
	v2 =	vor.u32 $0x4, v58  }
0xd4: {  	v47 =	vor.u32 $0x9, v57;
	v5 =	vor.u32 $0x1, v58;
	v34 =	vor.u32 $0x13, v57  }
0xd5: {  	v46 =	vor.u32 $0xA, v57;
	v7 =	vor.u32 $0x12, v57;
	[tilespmem:$0x1FEC0] =	vst v34;
	v34 =	vor.u32 $0x1, v61;
	v36 =	vld.idx.msk [tilespmem:v58+s15+$0x0], $0xffff  }
0xd6: {  	v45 =	vor.u32 $0xB, v57;
	v44 =	vor.u32 $0xC, v57;
	v8 =	vor.u32 $0x1D, v57;
	[tilespmem:$0x1FEB0] =	vst v7;
	v1 =	vld.idx.msk [tilespmem:v1+s15+$0x0], $0xffff  }
0xd7: {  	v7 =	vor.u32 $0x2, v61;
	[tilespmem:$0x1FFB0] =	vst v8;
	v8 =	vor.u32 $0x1E, v57;
	v4 =	vmul.f32 v4, v15;
	v15 =	vld.idx.msk [tilespmem:v13+s14+$0x0], $0xffff  }
0xd8: {  	v42 =	vor.u32 $0xD, v57;
	[tilespmem:$0x1FFE0] =	vst v8;
	v8 =	vor.u32 $0x1, v16;
	v60 =	vld.idx.msk [tilespmem:v2+s15+$0x0], $0xffff;
	v2 =	vor.u32 $0x1C, v57  }
0xd9: {  	v6 =	vpop (erf);
	(erf) = vpow2.f32 v20;
	v20 =	vor.u32 $0x6, v61;
	[tilespmem:$0x1FF90] =	vst v2;
	v2 =	vld.idx.msk [tilespmem:v5+s15+$0x0], $0xffff;
	v5 =	vadd.f32 v17, v56  }
0xda: {  	v18 =	vmul.f32 v25, v18;
	v23 =	vmul.f32 $1.442695020e+00, v23;
	[tilespmem:$0x1FFD0] =	vst v8;
	v8 =	vor.u32 $0x2, v16;
	v17 =	vld.idx.msk [tilespmem:v34+s2+$0x0], $0xffff  }
0xdb: {  	[tilespmem:$0x1FFF0] =	vst v8;
	v8 =	vor.u32 $0x3, v16;
	v34 =	vld.idx.msk [tilespmem:v34+s14+$0x0], $0xffff;
	v56 =	vor.u32 $0x4, v61;
	v5 =	vadd.f32 v19, v5  }
0xdc: {  	v14 =	vor.u32 $0x2, v58;
	[tilespmem:$0x1FF20] =	vst v8;
	v8 =	vor.u32 $0x4, v16;
	v11 =	vmul.f32 $1.442695020e+00, v11;
	v19 =	vld.idx.msk [tilespmem:v7+s2+$0x0], $0xffff  }
0xdd: {  	[tilespmem:$0x1FF00] =	vst v8;
	v8 =	vor.u32 $0x5, v61;
	(erf) = vpow2.f32 v23;
	v7 =	vld.idx.msk [tilespmem:v7+s14+$0x0], $0xffff;
	v5 =	vadd.f32 v22, v5  }
0xde: {  	v10 =	vmul.f32 $1.442695020e+00, v10;
	(erf) = vpow2.f32 v11;
	[tilespmem:$0x1FE60] =	vst v1;
	v11 =	vld.idx.msk [tilespmem:v20+s14+$0x0], $0xffff;
	v22 =	vor.u32 $0x5, v16  }
0xdf: {  	v1 =	vor.u32 $0x14, v57;
	v4 =	vadd.f32 $0.0e+00, v4;
	[tilespmem:$0x1FEF0] =	vst v22;
	v22 =	vld.idx.msk [tilespmem:v13+s2+$0x0], $0xffff;
	v5 =	vadd.f32 v27, v5  }
0xe0: {  	v25 =	vld.idx.msk [tilespmem:v56+s2+$0x0], $0xffff;
	v17 =	vmul.f32 v34, v17;
	v27 =	vmul.f32 v31, v29;
	v31 =	vor.u32 $0x7, v61  }
0xe1: {  	v12 =	vmul.f32 $1.442695020e+00, v12;
	[tilespmem:$0x1FED0] =	vst v1;
	v1 =	vor.u32 $0x15, v57;
	v29 =	vld.idx.msk [tilespmem:v56+s14+$0x0], $0xffff;
	v5 =	vadd.f32 v30, v5  }
0xe2: {  	v34 =	vld.idx.msk [tilespmem:v8+s2+$0x0], $0xffff;
	v4 =	vadd.f32 v17, v4;
	v7 =	vmul.f32 v7, v19;
	v17 =	vor.u32 $0x8, v61  }
0xe3: {  	v6 =	vadd.f32 v6, v33;
	[tilespmem:$0x1FEE0] =	vst v1;
	v1 =	vor.u32 $0x16, v57;
	v8 =	vld.idx.msk [tilespmem:v8+s14+$0x0], $0xffff;
	v5 =	vadd.f32 v18, v5  }
0xe4: {  	v19 =	vld.idx.msk [tilespmem:v20+s2+$0x0], $0xffff;
	v4 =	vadd.f32 v7, v4;
	v56 =	vmul.f32 v15, v22;
	v18 =	vor.u32 $0x9, v61  }
0xe5: {  	(erf) = vpow2.f32 v12;
	[tilespmem:$0x1FF10] =	vst v1;
	v1 =	vor.u32 $0x17, v57;
	v20 =	vld.idx.msk [tilespmem:v31+s2+$0x0], $0xffff;
	v5 =	vadd.f32 v27, v5  }
0xe6: {  	v22 =	vor.u32 $0xA, v61;
	v12 =	vld.idx.msk [tilespmem:v31+s14+$0x0], $0xffff;
	v4 =	vadd.f32 v56, v4;
	v56 =	vmul.f32 v29, v25  }
0xe7: {  	[tilespmem:$0x1FF30] =	vst v1;
	v1 =	vor.u32 $0x18, v57;
	v25 =	vld.idx.msk [tilespmem:v17+s2+$0x0], $0xffff;
	v27 =	vmul.f32 $1.442695020e+00, v28;
	v5 =	vadd.f32 v40, v5  }
0xe8: {  	v28 =	vor.u32 $0xB, v61;
	v4 =	vadd.f32 v56, v4;
	v40 =	vmul.f32 v8, v34;
	v8 =	vld.idx.msk [tilespmem:v17+s14+$0x0], $0xffff  }
0xe9: {  	[tilespmem:v63+s20+$0x0] =	vst.idx.msk $0xffff, v6;
	v23 =	vpop (erf);
	(erf) = vpow2.f32 v27;
	v29 =	vld.idx.msk [tilespmem:v18+s2+$0x0], $0xffff;
	v17 =	vadd.f32 v5, v43;
	v5 =	vmul.f32 $1.442695020e+00, v21  }
0xea: {  	v4 =	vadd.f32 v40, v4;
	v43 =	vmul.f32 v11, v19;
	v11 =	vld.idx.msk [tilespmem:v18+s14+$0x0], $0xffff;
	v18 =	vor.u32 $0xC, v61  }
0xeb: {  	[tilespmem:$0x1FF40] =	vst v1;
	v1 =	vor.u32 $0x19, v57;
	v23 =	vadd.f32 v23, v6;
	v56 =	vld.idx.msk [tilespmem:v22+s14+$0x0], $0xffff;
	v19 =	vpop (erf);
	(erf) = vpow2.f32 v5  }
0xec: {  	v21 =	vld.idx.msk [tilespmem:v22+s2+$0x0], $0xffff;
	v4 =	vadd.f32 v43, v4;
	v5 =	vmul.f32 v12, v20;
	v12 =	vor.u32 $0xD, v61  }
0xed: {  	[tilespmem:v38+s20+$0x0] =	vst.idx.msk $0xffff, v23;
	v22 =	vld.idx.msk [tilespmem:v28+s2+$0x0], $0xffff;
	v19 =	vadd.f32 v19, v23;
	v27 =	vsub.f32 v17, v33  }
0xee: {  	v20 =	vpop (erf);
	v4 =	vadd.f32 v5, v4;
	v5 =	vmul.f32 v8, v25;
	v8 =	vld.idx.msk [tilespmem:v28+s14+$0x0], $0xffff;
	v25 =	vor.u32 $0xE, v61  }
0xef: {  	v6 =	vsub.f32 v17, v6;
	v23 =	vsub.f32 v17, v23;
	v28 =	vpop (erf);
	(erf) = vpow2.f32 v10;
	v30 =	vld.idx.msk [tilespmem:v18+s2+$0x0], $0xffff  }
0xf0: {  	v10 =	vld.idx.msk [tilespmem:v18+s14+$0x0], $0xffff;
	v4 =	vadd.f32 v5, v4;
	v5 =	vmul.f32 v11, v29;
	v11 =	vor.u32 $0xF, v61  }
0xf1: {  	v27 =	vmul.f32 $1.442695020e+00, v27;
	v6 =	vmul.f32 $1.442695020e+00, v6;
	v29 =	vsub.f32 v17, v19;
	v18 =	vld.idx.msk [tilespmem:v12+s2+$0x0], $0xffff  }
0xf2: {  	v33 =	vld.idx.msk [tilespmem:v12+s14+$0x0], $0xffff;
	v12 =	vor.u32 $0x10, v61;
	v4 =	vadd.f32 v5, v4;
	v5 =	vmul.f32 v56, v21  }
0xf3: {  	[tilespmem:v32+s20+$0x0] =	vst.idx.msk $0xffff, v19;
	(erf) = vpow2.f32 v27;
	v19 =	vadd.f32 v20, v19;
	v20 =	vmul.f32 $1.442695020e+00, v23;
	v27 =	vld.idx.msk [tilespmem:v25+s2+$0x0], $0xffff  }
0xf4: {  	[tilespmem:$0x1FFA0] =	vst v9;
	v21 =	vpop (erf);
	(erf) = vpow2.f32 v6;
	v34 =	vld.idx.msk [tilespmem:v25+s14+$0x0], $0xffff;
	v4 =	vadd.f32 v5, v4;
	v5 =	vmul.f32 v8, v22  }
0xf5: {  	[tilespmem:v26+s20+$0x0] =	vst.idx.msk $0xffff, v19;
	v25 =	vmul.f32 $1.442695020e+00, v29;
	v29 =	vsub.f32 v17, v19;
	v8 =	vor.u32 $0x11, v61;
	v23 =	vld.idx.msk [tilespmem:v11+s2+$0x0], $0xffff  }
0xf6: {  	v19 =	vadd.f32 v28, v19;
	v4 =	vadd.f32 v5, v4;
	v5 =	vmul.f32 v10, v30;
	v10 =	vld.idx.msk [tilespmem:v11+s14+$0x0], $0xffff  }
0xf7: {  	[tilespmem:$0x1FF50] =	vst v1;
	v1 =	vor.u32 $0x1A, v57;
	v22 =	vpop (erf);
	(erf) = vpow2.f32 v20;
	v11 =	vor.u32 $0x12, v61;
	v20 =	vld.idx.msk [tilespmem:v12+s2+$0x0], $0xffff  }
0xf8: {  	[tilespmem:$0x1FF60] =	vst v1;
	v1 =	vor.u32 $0x1B, v57;
	v21 =	vadd.f32 v21, v19;
	v40 =	vld.idx.msk [tilespmem:v12+s14+$0x0], $0xffff;
	v12 =	vor.u32 $0x13, v61  }
0xf9: {  	[tilespmem:$0x1FF70] =	vst v1;
	v1 =	vld.idx.msk [tilespmem:v14+s15+$0x0], $0xffff;
	(erf) = vpow2.f32 v25;
	v4 =	vadd.f32 v5, v4;
	v5 =	vmul.f32 v33, v18  }
0xfa: {  	v41 =	vor.u32 $0xE, v57;
	v28 =	vmul.f32 $1.442695020e+00, v29;
	v29 =	vsub.f32 v17, v19;
	[tilespmem:v39+s20+$0x0] =	vst.idx.msk $0xffff, v19;
	v25 =	vld.idx.msk [tilespmem:v8+s2+$0x0], $0xffff  }
0xfb: {  	v22 =	vadd.f32 v22, v21;
	v43 =	vld.idx.msk [tilespmem:v8+s14+$0x0], $0xffff;
	v4 =	vadd.f32 v5, v4;
	v5 =	vmul.f32 v34, v27  }
0xfc: {  	v30 =	vsub.f32 v17, v21;
	[tilespmem:v37+s20+$0x0] =	vst.idx.msk $0xffff, v21;
	v18 =	vpop (erf);
	(erf) = vpow2.f32 v28;
	v8 =	vor.u32 $0x14, v61;
	v28 =	vld.idx.msk [tilespmem:v11+s2+$0x0], $0xffff  }
0xfd: {  	v18 =	vadd.f32 v18, v22;
	v31 =	vld.idx.msk [tilespmem:v12+s2+$0x0], $0xffff;
	v4 =	vadd.f32 v5, v4;
	v5 =	vmul.f32 v10, v23  }
0xfe: {  	v29 =	vmul.f32 $1.442695020e+00, v29;
	v30 =	vmul.f32 $1.442695020e+00, v30;
	[tilespmem:v9+s20+$0x0] =	vst.idx.msk $0xffff, v22;
	v10 =	vld.idx.msk [tilespmem:v11+s14+$0x0], $0xffff;
	v11 =	vor.u32 $0x15, v61  }
0xff: {  	v9 =	vimm.f32 $+Inf;
	v27 =	vpop (erf);
	v34 =	vld.idx.msk [tilespmem:v12+s14+$0x0], $0xffff;
	[tilespmem:v24+s20+$0x0] =	vst.idx.msk $0xffff, v18;
	v4 =	vadd.f32 v5, v4;
	v5 =	vmul.f32 v40, v20  }
0x100: {  	v12 =	vor.u32 $0x16, v61;
	v27 =	vadd.f32 $1.000000000e+00, v27;
	v23 =	vpop (erf);
	(erf) = vpow2.f32 v29;
	[tilespmem:v59+s20+$0x0] =	vst.idx.msk $0xffff, v9;
	v9 =	vld [tilespmem:$0x1FE60]  }
0x101: {  	v19 =	vpop (erf);
	v20 =	vld.idx.msk [tilespmem:v8+s2+$0x0], $0xffff;
	(erf) = vpow2.f32 v30;
	v4 =	vadd.f32 v5, v4;
	v5 =	vmul.f32 v43, v25  }
0x102: {  	[tilespmem:$0x1FF80] =	vst v37;
	v56 =	vsub.f32 v17, v22;
	v37 =	vld.idx.msk [tilespmem:v8+s14+$0x0], $0xffff;
	v8 =	vor.u32 $0x17, v61;
	v21 =	vpop (erf);
	(erf) = vrcp.f32 v27  }
0x103: {  	v52 =	vor.u32 $0x4, v57;
	v25 =	vld.idx.msk [tilespmem:v11+s2+$0x0], $0xffff;
	v4 =	vadd.f32 v5, v4;
	v5 =	vmul.f32 v10, v28  }
0x104: {  	v17 =	vsub.f32 v17, v18;
	v29 =	vmul.f32 $1.442695020e+00, v56;
	v10 =	vld.idx.msk [tilespmem:v11+s14+$0x0], $0xffff;
	v11 =	vor.u32 $0x18, v61  }
0x105: {  	v23 =	vadd.f32 $1.000000000e+00, v23;
	v27 =	vld.idx.msk [tilespmem:v12+s2+$0x0], $0xffff;
	v4 =	vadd.f32 v5, v4;
	v5 =	vmul.f32 v34, v31  }
0x106: {  	v17 =	vmul.f32 $1.442695020e+00, v17;
	v19 =	vadd.f32 $1.000000000e+00, v19;
	v40 =	vld.idx.msk [tilespmem:v12+s14+$0x0], $0xffff;
	v12 =	vor.u32 $0x19, v61  }
0x107: {  	v22 =	vpop (erf);
	(erf) = vpow2.f32 v29;
	v18 =	vld.idx.msk [tilespmem:v8+s2+$0x0], $0xffff;
	v4 =	vadd.f32 v5, v4;
	v5 =	vmul.f32 v37, v20  }
0x108: {  	v51 =	vor.u32 $0x5, v57;
	v14 =	vor.u32 $0x1F, v57;
	v43 =	vld.idx.msk [tilespmem:v8+s14+$0x0], $0xffff;
	v8 =	vor.u32 $0x1A, v61  }
0x109: {  	(erf) = vrcp.f32 v23;
	v20 =	vpop (erf);
	v23 =	vld.idx.msk [tilespmem:v11+s2+$0x0], $0xffff;
	v4 =	vadd.f32 v5, v4;
	v5 =	vmul.f32 v10, v25  }
0x10a: {  	v2 =	vmul.f32 $1.442695020e+00, v2;
	(erf) = vrcp.f32 v19;
	v19 =	vpop (erf);
	v10 =	vld.idx.msk [tilespmem:v11+s14+$0x0], $0xffff;
	v11 =	vor.u32 $0x1B, v61  }
0x10b: {  	v56 =	vld.idx.msk [tilespmem:v12+s14+$0x0], $0xffff;
	(erf) = vpow2.f32 v17;
	v17 =	vpop (erf);
	v4 =	vadd.f32 v5, v4;
	v5 =	vmul.f32 v40, v27  }
0x10c: {  	v1 =	vmul.f32 $1.442695020e+00, v1;
	v21 =	vadd.f32 $1.000000000e+00, v21;
	v25 =	vld.idx.msk [tilespmem:v12+s2+$0x0], $0xffff;
	v12 =	vor.u32 $0x1C, v61;
	[tilespmem:v3+s21+$0x0] =	vst.idx.msk $0xffff, v17  }
0x10d: {  	v28 =	vld.idx.msk [tilespmem:v8+s2+$0x0], $0xffff;
	v3 =	vmovc v0;
	v27 =	vor.u32 $0x1, v0;
	v0 =	vadd.f32 v5, v4;
	v4 =	vmul.f32 v43, v18  }
0x10e: {  	v33 =	vor.u32 $0x1D, v61;
	v22 =	vadd.f32 $1.000000000e+00, v22;
	(erf) = vrcp.f32 v21;
	v5 =	vld.idx.msk [tilespmem:v8+s14+$0x0], $0xffff  }
0x10f: {  	v29 =	vmul.f32 $5.000000000e-01, v17;
	v18 =	vld.idx.msk [tilespmem:v11+s2+$0x0], $0xffff;
	v0 =	vadd.f32 v4, v0;
	v4 =	vmul.f32 v10, v23  }
0x110: {  	v20 =	vadd.f32 $1.000000000e+00, v20;
	v8 =	vpop (erf);
	(erf) = vrcp.f32 v22;
	v10 =	vld.idx.msk [tilespmem:v11+s14+$0x0], $0xffff;
	v11 =	vor.u32 $0x1E, v61  }
0x111: {  	v21 =	vadd.f32 $0.0e+00, v29;
	v29 =	vld.idx.msk [tilespmem:v12+s2+$0x0], $0xffff;
	v0 =	vadd.f32 v4, v0;
	v4 =	vmul.f32 v56, v25  }
0x112: {  	v19 =	vadd.f32 $1.000000000e+00, v19;
	v8 =	vadd.f32 $1.000000000e+00, v8;
	v34 =	vld.idx.msk [tilespmem:v12+s14+$0x0], $0xffff;
	v12 =	vor.u32 $0x1F, v61  }
0x113: {  	v22 =	vpop (erf);
	(erf) = vrcp.f32 v20;
	v25 =	vld.idx.msk [tilespmem:v33+s2+$0x0], $0xffff;
	v0 =	vadd.f32 v4, v0;
	v4 =	vmul.f32 v5, v28  }
0x114: {  	v31 =	vmul.f32 $1.442695020e+00, v36;
	v23 =	vor.u32 $0x2, v3;
	v20 =	vpop (erf);
	(erf) = vrcp.f32 v19;
	v5 =	vld.idx.msk [tilespmem:v33+s14+$0x0], $0xffff  }
0x115: {  	(erf) = vrcp.f32 v8;
	v8 =	vld.idx.msk [tilespmem:v11+s2+$0x0], $0xffff;
	v0 =	vadd.f32 v4, v0;
	v4 =	vmul.f32 v10, v18  }
0x116: {  	v30 =	vsub.f32 v22, v17;
	v19 =	vor.u32 $0x6, v58;
	v36 =	vpop (erf);
	(erf) = vpow2.f32 v31;
	v10 =	vld.idx.msk [tilespmem:v11+s14+$0x0], $0xffff  }
0x117: {  	v11 =	vpop (erf);
	v18 =	vld.idx.msk [tilespmem:v12+s2+$0x0], $0xffff;
	(erf) = vpow2.f32 v2;
	v2 =	vmul.f32 v34, v29;
	v0 =	vadd.f32 v4, v0  }
0x118: {  	v22 =	vsub.f32 v20, v22;
	[tilespmem:v63+s21+$0x0] =	vst.idx.msk $0xffff, v30;
	v63 =	vmov v27;
	v27 =	vor.u32 $0x7, v58;
	v4 =	vld.idx.msk [tilespmem:v12+s14+$0x0], $0xffff  }
0x119: {  	s26 =	sadd.s32 $0x20, s26;
	v12 =	vpop (erf);
	(erf) = vpow2.f32 v1;
	v1 =	vmul.f32 v5, v25;
	v0 =	vadd.f32 v2, v0  }
0x11a: {  	v61 =	vmovc v23;
	v23 =	vmul.f32 $1.442695020e+00, v60;
	v37 =	vadd.f32 v30, v21;
	v21 =	vmul.f32 $1.442695020e+00, v62;
	v33 =	vld [tilespmem:s26+$0x0]  }
0x11b: {  	[tilespmem:v38+s21+$0x0] =	vst.idx.msk $0xffff, v22;
	v2 =	vld.idx.msk [tilespmem:v19+s15+$0x0], $0xffff;
	v0 =	vadd.f32 v1, v0;
	v1 =	vmul.f32 v10, v8  }
0x11c: {  	vm0 =	vgt.f32 v30, v17;
	v20 =	vsub.f32 v11, v20;
	v58 =	vpop (erf);
	(erf) = vpow2.f32 v21;
	v19 =	vld.idx.msk [tilespmem:v57+s14+$0x0], $0xffff  }
0x11d: {  	s28 =	sadd.s32 $0x20, s28;
	v21 =	vmul.f32 $1.442695020e+00, v9;
	v8 =	vld.idx.msk [tilespmem:v27+s15+$0x0], $0xffff;
	v9 =	vmul.f32 v4, v18;
	v0 =	vadd.f32 v1, v0  }
0x11e: {  	v6 =	vadd.f32 $1.000000000e+00, v36;
	v5 =	vmul.f32 $1.500000000e+00, v22;
	v57 =	vpop (erf);
	v10 =	vsel vm0, v30, v17;
	v17 =	vld [tilespmem:s28+$0x0]  }
0x11f: {  	s29 =	sadd.s32 $0x20, s29;
	(erf) = vpow2.f32 v23;
	[tilespmem:v32+s21+$0x0] =	vst.idx.msk $0xffff, v20;
	v32 =	vpop (erf);
	v0 =	vadd.f32 v9, v0;
	v9 =	vld [tilespmem:$0x1FE70]  }
0x120: {  	v34 =	vld [tilespmem:s29+$0x0];
	v5 =	vadd.f32 v5, v37;
	v4 =	vpop (erf);
	(erf) = vrcp.f32 v6  }
0x121: {  	v38 =	vld.idx.msk [tilespmem:v55+s2+$0x0], $0xffff;
	vm1 =	vgt.f32 v22, v10;
	v36 =	vadd.f32 v4, v33;
	(erf) = vpow2.f32 v21  }
0x122: {  	v18 =	vadd.f32 v20, v20;
	v4 =	vld.idx.msk [tilespmem:v55+s14+$0x0], $0xffff;
	v10 =	vsel vm1, v22, v10;
	v2 =	vmul.f32 $1.442695020e+00, v2;
	v1 =	vpop (erf)  }
0x123: {  	v21 =	vld.idx.msk [tilespmem:v54+s2+$0x0], $0xffff;
	v60 =	vadd.f32 v1, v36;
	v1 =	vsub.f32 v12, v11;
	v8 =	vmul.f32 $1.442695020e+00, v8  }
0x124: {  	v11 =	vld.idx.msk [tilespmem:v54+s14+$0x0], $0xffff;
	v19 =	vmul.f32 v19, v9;
	v9 =	vadd.f32 v17, v0;
	v17 =	vpop (erf);
	(erf) = vpow2.f32 v2  }
0x125: {  	v23 =	vld.idx.msk [tilespmem:v53+s2+$0x0], $0xffff;
	v5 =	vadd.f32 v18, v5;
	vm2 =	vgt.f32 v20, v10;
	v54 =	vadd.f32 v17, v60  }
0x126: {  	v37 =	vld.idx.msk [tilespmem:v52+s14+$0x0], $0xffff;
	v2 =	vsub.f32 v58, v12;
	v0 =	vpop (erf);
	(erf) = vpow2.f32 v8;
	v6 =	vadd.f32 v9, v34  }
0x127: {  	v4 =	vmul.f32 v4, v38;
	v17 =	vld.idx.msk [tilespmem:v53+s14+$0x0], $0xffff;
	v19 =	vadd.f32 $0.0e+00, v19;
	v62 =	vadd.f32 v0, v54  }
0x128: {  	v8 =	vld.idx.msk [tilespmem:v52+s2+$0x0], $0xffff;
	v52 =	vsel vm2, v20, v10;
	v0 =	vpop (erf);
	v9 =	vsub.f32 v6, v33;
	v25 =	vsub.f32 v6, v36  }
0x129: {  	v12 =	vld.idx.msk [tilespmem:v51+s2+$0x0], $0xffff;
	v11 =	vmul.f32 v11, v21;
	v20 =	vsub.f32 v6, v60;
	v53 =	vadd.f32 v0, v62;
	v0 =	vpop (erf)  }
0x12a: {  	v10 =	vld.idx.msk [tilespmem:v51+s14+$0x0], $0xffff;
	v4 =	vadd.f32 v4, v19;
	v27 =	vsub.f32 v6, v54;
	v19 =	vmul.f32 $1.442695020e+00, v9;
	v22 =	vpop (erf)  }
0x12b: {  	v21 =	vld.idx.msk [tilespmem:v50+s2+$0x0], $0xffff;
	v20 =	vmul.f32 $1.442695020e+00, v20;
	v51 =	vadd.f32 v22, v53;
	v22 =	vmul.f32 $1.442695020e+00, v25  }
0x12c: {  	v17 =	vmul.f32 v17, v23;
	v25 =	vld.idx.msk [tilespmem:v50+s14+$0x0], $0xffff;
	[tilespmem:v26+s21+$0x0] =	vst.idx.msk $0xffff, v1;
	(erf) = vpow2.f32 v19  }
0x12d: {  	v4 =	vadd.f32 v11, v4;
	v7 =	vmul.f32 v37, v8;
	v11 =	vld.idx.msk [tilespmem:v49+s2+$0x0], $0xffff;
	v26 =	vpop (erf);
	(erf) = vpow2.f32 v22  }
0x12e: {  	v18 =	vmul.f32 $2.500000000e+00, v1;
	v22 =	vld.idx.msk [tilespmem:v49+s14+$0x0], $0xffff;
	[tilespmem:v39+s21+$0x0] =	vst.idx.msk $0xffff, v2;
	v49 =	vadd.f32 v26, v51;
	(erf) = vpow2.f32 v20  }
0x12f: {  	[tilespmem:$0x1FFC0] =	vst v24;
	v23 =	vsub.f32 v6, v53;
	v19 =	vsub.f32 v6, v62;
	v26 =	vmul.f32 $1.442695020e+00, v27;
	v20 =	vld.idx.msk [tilespmem:v48+s2+$0x0], $0xffff;
	v24 =	vpop (erf)  }
0x130: {  	v10 =	vmul.f32 v10, v12;
	v4 =	vadd.f32 v17, v4;
	v8 =	vld.idx.msk [tilespmem:v48+s14+$0x0], $0xffff;
	v48 =	vadd.f32 v24, v49  }
0x131: {  	v19 =	vmul.f32 $1.442695020e+00, v19;
	(erf) = vpow2.f32 v26;
	v24 =	vsub.f32 v6, v51  }
0x132: {  	v23 =	vmul.f32 $1.442695020e+00, v23;
	v38 =	vmul.f32 v25, v21;
	v17 =	vsub.f32 v6, v48  }
0x133: {  	(erf) = vpow2.f32 v19;
	v24 =	vmul.f32 $1.442695020e+00, v24;
	v6 =	vsub.f32 v6, v49  }
0x134: {  	(erf) = vpow2.f32 v23;
	v9 =	vmul.f32 $1.442695020e+00, v17  }
0x135: {  	v6 =	vmul.f32 $1.442695020e+00, v6;
	v25 =	vpop (erf);
	(erf) = vpow2.f32 v24  }
0x136: {  	v24 =	vadd.f32 v18, v5;
	v25 =	vadd.f32 $1.000000000e+00, v25;
	v18 =	vpop (erf);
	(erf) = vpow2.f32 v9  }
0x137: {  	v18 =	vadd.f32 $1.000000000e+00, v18;
	v17 =	vpop (erf);
	(erf) = vpow2.f32 v6  }
0x138: {  	v4 =	vadd.f32 v7, v4;
	v9 =	vadd.f32 $1.000000000e+00, v17;
	(erf) = vrcp.f32 v25  }
0x139: {  	(erf) = vrcp.f32 v18  }
0x13a: {  	v4 =	vadd.f32 v10, v4;
	v10 =	vpop (erf);
	(erf) = vrcp.f32 v9;
	v9 =	vld [tilespmem:$0x1FE80];
	_ =	sdelay $0x1  }
0x13b: {  	v12 =	vld.idx.msk [tilespmem:v47+s14+$0x0], $0xffff  }
0x13c: {  	v39 =	vld.idx.msk [tilespmem:v44+s14+$0x0], $0xffff  }
0x13d: {  	v11 =	vmul.f32 v22, v11;
	v22 =	vld.idx.msk [tilespmem:v44+s2+$0x0], $0xffff;
	v4 =	vadd.f32 v38, v4  }
0x13e: {  	v26 =	vld.idx.msk [tilespmem:v47+s2+$0x0], $0xffff  }
0x13f: {  	v21 =	vld.idx.msk [tilespmem:v46+s14+$0x0], $0xffff;
	v20 =	vmul.f32 v8, v20;
	v4 =	vadd.f32 v11, v4  }
0x140: {  	v19 =	vld.idx.msk [tilespmem:v46+s2+$0x0], $0xffff  }
0x141: {  	v4 =	vadd.f32 v20, v4;
	v20 =	vld.idx.msk [tilespmem:v9+s2+$0x0], $0xffff  }
0x142: {  	v27 =	vmul.f32 v39, v22;
	v22 =	vld.idx.msk [tilespmem:v9+s14+$0x0], $0xffff  }
0x143: {  	v9 =	vld [tilespmem:$0x1FE90]  }
0x144: {  	v23 =	vld.idx.msk [tilespmem:v45+s2+$0x0], $0xffff  }
0x145: {  	v5 =	vld.idx.msk [tilespmem:v45+s14+$0x0], $0xffff;
	_ =	sdelay $0x2  }
0x146: {  	v10 =	vadd.f32 $1.000000000e+00, v10;
	v44 =	vpop (erf)  }
0x147: {  	v11 =	vmul.f32 v12, v26;
	v12 =	vmul.f32 v21, v19;
	v21 =	vadd.f32 $1.000000000e+00, v44;
	v8 =	vpop (erf)  }
0x148: {  	v5 =	vmul.f32 v5, v23;
	(erf) = vrcp.f32 v10;
	v23 =	vadd.f32 $1.000000000e+00, v8  }
0x149: {  	(erf) = vrcp.f32 v21;
	v10 =	vld.idx.msk [tilespmem:v9+s2+$0x0], $0xffff  }
0x14a: {  	v45 =	vpop (erf);
	(erf) = vrcp.f32 v23;
	v23 =	vld.idx.msk [tilespmem:v9+s14+$0x0], $0xffff  }
0x14b: {  	v9 =	vld [tilespmem:$0x1FEA0];
	_ =	sdelay $0x6  }
0x14c: {  	v8 =	vpop (erf)  }
0x14d: {  	v21 =	vpop (erf);
	v25 =	vld.idx.msk [tilespmem:v9+s2+$0x0], $0xffff  }
0x14e: {  	v28 =	vadd.f32 $1.000000000e+00, v21;
	v21 =	vld.idx.msk [tilespmem:v9+s14+$0x0], $0xffff  }
0x14f: {  	v9 =	vld [tilespmem:$0x1FEB0];
	_ =	sdelay $0x2  }
0x150: {  	v6 =	vshll.u32 v35, $0x4  }
0x151: {  	v4 =	vadd.f32 v11, v4;
	v11 =	vor.u32 $0x1, v6;
	v7 =	vadd.f32 $1.000000000e+00, v45  }
0x152: {  	v46 =	vadd.f32 $1.000000000e+00, v8  }
0x153: {  	v30 =	vpop (erf);
	(erf) = vrcp.f32 v7  }
0x154: {  	v50 =	vpop (erf);
	(erf) = vrcp.f32 v46  }
0x155: {  	[tilespmem:v6+s20+$0x0] =	vst.idx.msk $0xffff, v33;
	v8 =	vpop (erf);
	(erf) = vrcp.f32 v28;
	v28 =	vld.idx.msk [tilespmem:v9+s2+$0x0], $0xffff  }
0x156: {  	[tilespmem:v11+s20+$0x0] =	vst.idx.msk $0xffff, v36;
	v36 =	vld.idx.msk [tilespmem:v9+s14+$0x0], $0xffff  }
0x157: {  	v9 =	vld [tilespmem:$0x1FEC0];
	_ =	sdelay $0x1  }
0x158: {  	v4 =	vadd.f32 v12, v4;
	v12 =	vor.u32 $0x2, v6  }
0x159: {  	v29 =	vor.u32 $0x3, v6;
	_ =	sdelay $0x1  }
0x15a: {  	v31 =	vor.u32 $0x4, v6;
	v47 =	vmul.f32 $5.000000000e-01, v30  }
0x15b: {  	v19 =	vld.idx.msk [tilespmem:v41+s2+$0x0], $0xffff;
	v4 =	vadd.f32 v5, v4;
	v5 =	vsub.f32 v50, v30  }
0x15c: {  	v35 =	vor.u32 $0x5, v6;
	v18 =	vld.idx.msk [tilespmem:v41+s14+$0x0], $0xffff;
	[tilespmem:v12+s20+$0x0] =	vst.idx.msk $0xffff, v60;
	v34 =	vsub.f32 v8, v50;
	v7 =	vadd.f32 $0.0e+00, v47;
	v55 =	vpop (erf)  }
0x15d: {  	v37 =	vor.u32 $0x6, v6;
	v38 =	vor.u32 $0x7, v6;
	[tilespmem:v29+s20+$0x0] =	vst.idx.msk $0xffff, v54;
	v8 =	vsub.f32 v55, v8;
	v45 =	vpop (erf);
	v47 =	vld.idx.msk [tilespmem:v9+s2+$0x0], $0xffff  }
0x15e: {  	v7 =	vadd.f32 v5, v7;
	v60 =	vmul.f32 $1.500000000e+00, v34;
	v41 =	vsub.f32 v45, v55;
	v55 =	vld.idx.msk [tilespmem:v9+s14+$0x0], $0xffff  }
0x15f: {  	v39 =	vor.u32 $0x8, v6;
	[tilespmem:v31+s20+$0x0] =	vst.idx.msk $0xffff, v62;
	v46 =	vor.u32 $0x9, v6;
	vm4 =	vgt.f32 v5, v30;
	v9 =	vld [tilespmem:$0x1FED0]  }
0x160: {  	v62 =	vsel vm4, v5, v30;
	v7 =	vadd.f32 v60, v7;
	v60 =	vadd.f32 v8, v8  }
0x161: {  	[tilespmem:v35+s20+$0x0] =	vst.idx.msk $0xffff, v53;
	vm5 =	vgt.f32 v34, v62  }
0x162: {  	[tilespmem:v37+s20+$0x0] =	vst.idx.msk $0xffff, v51;
	v50 =	vsel vm5, v34, v62;
	v62 =	vmul.f32 $2.500000000e+00, v41;
	v7 =	vadd.f32 v60, v7  }
0x163: {  	[tilespmem:v38+s20+$0x0] =	vst.idx.msk $0xffff, v49  }
0x164: {  	[tilespmem:v39+s20+$0x0] =	vst.idx.msk $0xffff, v48;
	v7 =	vadd.f32 v62, v7;
	v62 =	vimm.f32 $+Inf  }
0x165: {  	v54 =	vpop (erf);
	[tilespmem:v46+s20+$0x0] =	vst.idx.msk $0xffff, v62  }
0x166: {  	v45 =	vsub.f32 v54, v45;
	vm6 =	vgt.f32 v8, v50;
	[tilespmem:v6+s21+$0x0] =	vst.idx.msk $0xffff, v30  }
0x167: {  	v50 =	vsel vm6, v8, v50;
	[tilespmem:v11+s21+$0x0] =	vst.idx.msk $0xffff, v5;
	v53 =	vld.idx.msk [tilespmem:v9+s2+$0x0], $0xffff  }
0x168: {  	v44 =	vmul.f32 $3.000000000e+00, v45;
	vm7 =	vgt.f32 v41, v50;
	v60 =	vpop (erf);
	[tilespmem:v12+s21+$0x0] =	vst.idx.msk $0xffff, v34;
	v12 =	vld.idx.msk [tilespmem:v9+s14+$0x0], $0xffff  }
0x169: {  	v50 =	vsel vm7, v41, v50;
	v54 =	vsub.f32 v60, v54;
	v9 =	vld [tilespmem:$0x1FEE0]  }
0x16a: {  	v49 =	vpop (erf);
	vm8 =	vgt.f32 v45, v50;
	v7 =	vadd.f32 v44, v7;
	v44 =	vimm.f32 $5.000000000e-01  }
0x16b: {  	v48 =	vpop (erf);
	v5 =	vsel vm8, v45, v50;
	v11 =	vsel vm4, $0x3F800000, v44  }
0x16c: {  	v51 =	vsub.f32 v48, v60;
	vm14 =	vgt.f32 v54, v5;
	v11 =	vsel vm5, $0x3FC00000, v11  }
0x16d: {  	[tilespmem:v29+s21+$0x0] =	vst.idx.msk $0xffff, v8;
	v5 =	vsel vm14, v54, v5;
	v8 =	vsel vm6, $0x40000000, v11  }
0x16e: {  	v6 =	vsub.f32 v49, v48;
	vm15 =	vgt.f32 v51, v5;
	v8 =	vsel vm7, $0x40200000, v8  }
0x16f: {  	v17 =	vld.idx.msk [tilespmem:v42+s2+$0x0], $0xffff;
	v5 =	vsel vm15, v51, v5;
	v8 =	vsel vm8, $0x40400000, v8  }
0x170: {  	v42 =	vld.idx.msk [tilespmem:v42+s14+$0x0], $0xffff;
	v56 =	vsub.f32 $1.000000000e+00, v49;
	vm9 =	vgt.f32 v6, v5;
	v8 =	vsel vm14, $0x40600000, v8  }
0x171: {  	v5 =	vsel vm9, v6, v5;
	v8 =	vsel vm15, $0x40800000, v8;
	v11 =	vld.idx.msk [tilespmem:v9+s2+$0x0], $0xffff  }
0x172: {  	vm10 =	vgt.f32 v56, v5;
	v5 =	vsel vm9, $0x40900000, v8;
	v8 =	vmul.f32 v18, v19;
	v18 =	vld.idx.msk [tilespmem:v9+s14+$0x0], $0xffff  }
0x173: {  	v9 =	vld [tilespmem:$0x1FF10];
	_ =	sdelay $0x4  }
0x174: {  	v42 =	vmul.f32 v42, v17;
	v4 =	vadd.f32 v27, v4;
	_ =	sdelay $0x1  }
0x175: {  	v4 =	vadd.f32 v42, v4  }
0x176: {  	v19 =	vld.idx.msk [tilespmem:v9+s2+$0x0], $0xffff  }
0x177: {  	v4 =	vadd.f32 v8, v4;
	v8 =	vmul.f32 v12, v53;
	v12 =	vld.idx.msk [tilespmem:v9+s14+$0x0], $0xffff  }
0x178: {  	v9 =	vld [tilespmem:$0x1FF30];
	_ =	sdelay $0x2  }
0x179: {  	[tilespmem:v31+s21+$0x0] =	vst.idx.msk $0xffff, v41  }
0x17a: {  	[tilespmem:v35+s21+$0x0] =	vst.idx.msk $0xffff, v45  }
0x17b: {  	[tilespmem:v37+s21+$0x0] =	vst.idx.msk $0xffff, v54  }
0x17c: {  	[tilespmem:v38+s21+$0x0] =	vst.idx.msk $0xffff, v51  }
0x17d: {  	v17 =	vmul.f32 v22, v20;
	[tilespmem:v39+s21+$0x0] =	vst.idx.msk $0xffff, v6  }
0x17e: {  	[tilespmem:v46+s21+$0x0] =	vst.idx.msk $0xffff, v56;
	v46 =	vmul.f32 v21, v25;
	v21 =	vld.idx.msk [tilespmem:v9+s2+$0x0], $0xffff  }
0x17f: {  	v4 =	vadd.f32 v17, v4;
	v17 =	vld.idx.msk [tilespmem:v9+s14+$0x0], $0xffff  }
0x180: {  	v9 =	vld [tilespmem:$0x1FF40];
	_ =	sdelay $0x4  }
0x181: {  	vm3 =	vgt.f32 v1, v52  }
0x182: {  	v1 =	vsel vm3, v1, v52  }
0x183: {  	vm11 =	vgt.f32 v2, v1  }
0x184: {  	v1 =	vsel vm11, v2, v1;
	v26 =	vmul.f32 $3.000000000e+00, v2;
	v2 =	vmul.f32 v18, v11;
	v11 =	vld.idx.msk [tilespmem:v9+s2+$0x0], $0xffff  }
0x185: {  	v29 =	vmul.f32 $5.000000000e+00, v56;
	v56 =	vld.idx.msk [tilespmem:v9+s14+$0x0], $0xffff  }
0x186: {  	v9 =	vld [tilespmem:$0x1FF50];
	_ =	sdelay $0x3  }
0x187: {  	v20 =	vsub.f32 v57, v58  }
0x188: {  	v62 =	vmul.f32 $3.500000000e+00, v54  }
0x189: {  	v22 =	vadd.f32 v26, v24;
	v45 =	vmul.f32 v23, v10;
	v23 =	vmul.f32 $3.500000000e+00, v20;
	_ =	sdelay $0x1  }
0x18a: {  	v30 =	vmul.f32 $4.000000000e+00, v51;
	v7 =	vadd.f32 v62, v7;
	v18 =	vadd.f32 v23, v22;
	v23 =	vld.idx.msk [tilespmem:v9+s2+$0x0], $0xffff  }
0x18b: {  	v24 =	vsub.f32 v32, v57;
	v57 =	vmul.f32 v12, v19;
	v12 =	vld.idx.msk [tilespmem:v9+s14+$0x0], $0xffff  }
0x18c: {  	v62 =	vmul.f32 $4.500000000e+00, v6;
	v7 =	vadd.f32 v30, v7;
	v9 =	vld [tilespmem:$0x1FF60];
	_ =	sdelay $0x1  }
0x18d: {  	v7 =	vadd.f32 v62, v7;
	_ =	sdelay $0x1  }
0x18e: {  	v7 =	vadd.f32 v7, v29  }
0x18f: {  	s1 =	sadd.s32 $0x20, s1;
	v4 =	vadd.f32 v45, v4  }
0x190: {  	s0 =	sadd.s32 $0x20, s0;
	v5 =	vsel vm10, $0x40A00000, v5;
	[tilespmem:s1+$0x0] =	vst v7;
	v22 =	vsel vm0, $0x3F800000, v44  }
0x191: {  	[tilespmem:s0+$0x0] =	vst v5;
	v4 =	vadd.f32 v46, v4;
	v5 =	vmul.f32 v36, v28;
	v22 =	vsel vm1, $0x3FC00000, v22  }
0x192: {  	v19 =	vsel vm2, $0x40000000, v22;
	v22 =	vld.idx.msk [tilespmem:v9+s2+$0x0], $0xffff  }
0x193: {  	v26 =	vmul.f32 $4.000000000e+00, v24;
	v4 =	vadd.f32 v5, v4;
	v5 =	vmul.f32 v17, v21;
	v21 =	vld.idx.msk [tilespmem:v9+s14+$0x0], $0xffff  }
0x194: {  	v9 =	vld [tilespmem:$0x1FF70]  }
0x195: {  	v18 =	vadd.f32 v26, v18;
	v26 =	vld [tilespmem:$0x1FF80];
	_ =	sdelay $0x1  }
0x196: {  	v25 =	vsub.f32 v0, v32  }
0x197: {  	v40 =	vld [tilespmem:s28+$0xFFFFFFF0]  }
0x198: {  	v43 =	vld [tilespmem:s29+$0xFFFFFFF0];
	v10 =	vmul.f32 v55, v47;
	v17 =	vmul.f32 $4.500000000e+00, v25  }
0x199: {  	v33 =	vld [tilespmem:s26+$0xFFFFFFF0]  }
0x19a: {  	v4 =	vadd.f32 v10, v4;
	v10 =	vadd.f32 v17, v18;
	v17 =	vld [tilespmem:$0x1FFA0]  }
0x19b: {  	vm12 =	vgt.f32 v20, v1;
	v27 =	vld.idx.msk [tilespmem:v9+s2+$0x0], $0xffff  }
0x19c: {  	v1 =	vsel vm12, v20, v1;
	v0 =	vsub.f32 $1.000000000e+00, v0;
	[tilespmem:v26+s21+$0x0] =	vst.idx.msk $0xffff, v20;
	v20 =	vld [tilespmem:$0x1FF90]  }
0x19d: {  	v4 =	vadd.f32 v8, v4  }
0x19e: {  	v18 =	vmul.f32 $5.000000000e+00, v0  }
0x19f: {  	v4 =	vadd.f32 v2, v4;
	v2 =	vld [tilespmem:$0x1FFB0]  }
0x1a0: {  	v10 =	vadd.f32 v10, v18;
	v18 =	vld [tilespmem:$0x1FFC0]  }
0x1a1: {  	v58 =	vld [tilespmem:$0x1FFD0]  }
0x1a2: {  	v62 =	vld [tilespmem:$0x1FFE0]  }
0x1a3: {  	vm13 =	vgt.f32 v24, v1;
	v9 =	vld.idx.msk [tilespmem:v9+s14+$0x0], $0xffff  }
0x1a4: {  	v1 =	vsel vm13, v24, v1;
	v6 =	vmul.f32 v56, v11;
	v11 =	vld.idx.msk [tilespmem:v20+s2+$0x0], $0xffff;
	[tilespmem:v17+s21+$0x0] =	vst.idx.msk $0xffff, v24  }
0x1a5: {  	vm14 =	vgt.f32 v25, v1;
	v8 =	vld.idx.msk [tilespmem:v20+s14+$0x0], $0xffff  }
0x1a6: {  	v1 =	vsel vm14, v25, v1;
	v17 =	vmul.f32 v12, v23;
	v12 =	vld.idx.msk [tilespmem:v16+s15+$0x0], $0xffff  }
0x1a7: {  	vm15 =	vgt.f32 v0, v1;
	v1 =	vld.idx.msk [tilespmem:v2+s2+$0x0], $0xffff  }
0x1a8: {  	v2 =	vld.idx.msk [tilespmem:v2+s14+$0x0], $0xffff;
	[tilespmem:v18+s21+$0x0] =	vst.idx.msk $0xffff, v25  }
0x1a9: {  	v4 =	vadd.f32 v57, v4;
	v20 =	vld.idx.msk [tilespmem:v58+s15+$0x0], $0xffff  }
0x1aa: {  	v18 =	vld.idx.msk [tilespmem:v62+s2+$0x0], $0xffff  }
0x1ab: {  	[tilespmem:v59+s21+$0x0] =	vst.idx.msk $0xffff, v0;
	v0 =	vadd.f32 v5, v4;
	v4 =	vld [tilespmem:$0x1FFF0];
	_ =	sdelay $0x1  }
0x1ac: {  	v13 =	vor.u32 $0x6, v16;
	v19 =	vsel vm3, $0x40200000, v19  }
0x1ad: {  	s16 =	sadd.s32 $0x2, s16;
	v15 =	vor.u32 $0x7, v16;
	v60 =	vimm.f32 $+Inf;
	v19 =	vsel vm11, $0x40400000, v19  }
0x1ae: {  	p0 =	slt.u32 s16, $0x1E;
	v52 =	vld [tilespmem:$0x1FF20];
	v49 =	vlaneseq.u32;
	v50 =	vimm.f32 $5.000000000e-01;
	v19 =	vsel vm12, $0x40600000, v19  }
.Ltmp0:
0x1af: {  	v34 =	vld [tilespmem:$0x1FEF0];
	v37 =	vor.u32 $0x6, v3;
	v39 =	vor.u32 $0x5, v3;
	v16 =	vsel vm13, $0x40800000, v19;
	(pc) =	sbr.rel @p0 .LBB2_2-.Ltmp0, $4  }
0x1b0: {  	v51 =	vld [tilespmem:$0x1FF00];
	v32 =	vor.u32 $0x3, v3;
	v26 =	vor.u32 $0x4, v3;
	v16 =	vsel vm14, $0x40900000, v16  }
0x1b1: {  	v24 =	vor.u32 $0x8, v3;
	v19 =	vmul.f32 v21, v22;
	v16 =	vsel vm15, $0x40A00000, v16;
	v25 =	vld.idx.msk [tilespmem:v62+s14+$0x0], $0xffff;
	[tilespmem:s30+$0xFFFFFFF0] =	vst v10  }
0x1b2: {  	v22 =	vmul.f32 v9, v27;
	v9 =	vor.u32 $0x7, v3;
	v59 =	vor.u32 $0x9, v3;
	v23 =	vld.idx.msk [tilespmem:v4+s15+$0x0], $0xffff;
	[tilespmem:s31+$0xFFFFFFF0] =	vst v16  }
0x1b3: {  	s17 =	sadd.s32 $0x20, s17;
	s30 =	smov.u32 s1;
	v56 =	vadd.f32 v6, v0;
	v27 =	vmul.f32 v8, v11;
	v10 =	vmul.f32 $1.442695020e+00, v12;
	s31 =	smov.u32 s0;
	v29 =	vld.idx.msk [tilespmem:v14+s2+$0x0], $0xffff  }
0x1b4: {  	_ = 	snop  }
0x1b5: {  	v0 =	vadd.f32 v17, v56;
	_ =	sdelay $0x1  }
0x1b6: {  	v0 =	vadd.f32 v19, v0;
	_ =	sdelay $0x1  }
0x1b7: {  	v4 =	vld.idx.msk [tilespmem:v14+s14+$0x0], $0xffff;
	v0 =	vadd.f32 v22, v0  }
0x1b8: {  	v1 =	vmul.f32 v2, v1;
	v22 =	vld.idx.msk [tilespmem:v52+s15+$0x0], $0xffff  }
0x1b9: {  	v5 =	vmul.f32 $1.442695020e+00, v20;
	(erf) = vpow2.f32 v10;
	v0 =	vadd.f32 v27, v0  }
0x1ba: {  	v6 =	vld.idx.msk [tilespmem:v51+s15+$0x0], $0xffff;
	v7 =	vmul.f32 v25, v18  }
0x1bb: {  	(erf) = vpow2.f32 v5;
	v25 =	vmul.f32 $1.442695020e+00, v23;
	v0 =	vadd.f32 v1, v0  }
0x1bc: {  	v4 =	vmul.f32 v4, v29  }
0x1bd: {  	(erf) = vpow2.f32 v25;
	v27 =	vld.idx.msk [tilespmem:v34+s15+$0x0], $0xffff;
	v2 =	vmul.f32 $1.442695020e+00, v22;
	v0 =	vadd.f32 v7, v0  }
0x1be: {  	v28 =	vld.idx.msk [tilespmem:v13+s15+$0x0], $0xffff  }
0x1bf: {  	v30 =	vld.idx.msk [tilespmem:v15+s15+$0x0], $0xffff;
	v29 =	vmul.f32 $1.442695020e+00, v6;
	(erf) = vpow2.f32 v2;
	v0 =	vadd.f32 v4, v0;
	_ =	sdelay $0x1  }
0x1c0: {  	(erf) = vpow2.f32 v29;
	v0 =	vadd.f32 v40, v0  }
0x1c1: {  	v34 =	vpop (erf);
	v31 =	vmul.f32 $1.442695020e+00, v27  }
0x1c2: {  	v1 =	vmul.f32 $1.442695020e+00, v28;
	v5 =	vadd.f32 v34, v33;
	v0 =	vadd.f32 v0, v43  }
0x1c3: {  	v38 =	vmul.f32 $1.442695020e+00, v30;
	v35 =	vpop (erf);
	(erf) = vpow2.f32 v31  }
0x1c4: {  	v4 =	vadd.f32 v35, v5;
	(erf) = vpow2.f32 v1;
	v36 =	vsub.f32 v0, v33  }
0x1c5: {  	v40 =	vpop (erf);
	(erf) = vpow2.f32 v38  }
0x1c6: {  	v2 =	vadd.f32 v40, v4;
	v41 =	vsub.f32 v0, v5;
	v6 =	vmul.f32 $1.442695020e+00, v36  }
0x1c7: {  	v8 =	vsub.f32 v0, v4;
	v42 =	vpop (erf)  }
0x1c8: {  	v7 =	vmul.f32 $1.442695020e+00, v41;
	v1 =	vadd.f32 v42, v2;
	(erf) = vpow2.f32 v6  }
0x1c9: {  	v45 =	vsub.f32 v0, v2;
	v43 =	vmul.f32 $1.442695020e+00, v8;
	v44 =	vpop (erf)  }
0x1ca: {  	(erf) = vpow2.f32 v7;
	v46 =	vadd.f32 v44, v1;
	v51 =	vsub.f32 v0, v1  }
0x1cb: {  	v48 =	vmul.f32 $1.442695020e+00, v45;
	(erf) = vpow2.f32 v43  }
0x1cc: {  	v47 =	vpop (erf);
	v10 =	vmul.f32 $1.442695020e+00, v51;
	v52 =	vsub.f32 v0, v46  }
0x1cd: {  	v11 =	vpop (erf);
	v7 =	vadd.f32 v47, v46;
	(erf) = vpow2.f32 v48  }
0x1ce: {  	v53 =	vpop (erf);
	(erf) = vpow2.f32 v10;
	v8 =	vmul.f32 $1.442695020e+00, v52  }
0x1cf: {  	v11 =	vadd.f32 v11, v7;
	v12 =	vsub.f32 v0, v7  }
0x1d0: {  	(erf) = vpow2.f32 v8  }
0x1d1: {  	v12 =	vmul.f32 $1.442695020e+00, v12;
	v55 =	vsub.f32 v0, v11;
	v54 =	vpop (erf)  }
0x1d2: {  	v13 =	vadd.f32 v53, v11;
	v56 =	vadd.f32 $1.000000000e+00, v54  }
0x1d3: {  	(erf) = vpow2.f32 v12;
	v58 =	vmul.f32 $1.442695020e+00, v55;
	v57 =	vpop (erf)  }
0x1d4: {  	v0 =	vsub.f32 v0, v13;
	v62 =	vpop (erf);
	v16 =	vadd.f32 $1.000000000e+00, v57;
	(erf) = vrcp.f32 v56  }
0x1d5: {  	v17 =	vadd.f32 $1.000000000e+00, v62;
	(erf) = vpow2.f32 v58  }
0x1d6: {  	v0 =	vmul.f32 $1.442695020e+00, v0;
	v18 =	vpop (erf);
	(erf) = vrcp.f32 v16  }
0x1d7: {  	v8 =	vadd.f32 $1.000000000e+00, v18;
	v19 =	vpop (erf);
	(erf) = vrcp.f32 v17  }
0x1d8: {  	v20 =	vadd.f32 $1.000000000e+00, v19;
	(erf) = vpow2.f32 v0  }
0x1d9: {  	v21 =	vpop (erf);
	(erf) = vrcp.f32 v8  }
0x1da: {  	v8 =	vadd.f32 $1.000000000e+00, v21;
	(erf) = vrcp.f32 v20;
	_ =	sdelay $0x1  }
0x1db: {  	v22 =	vpop (erf);
	(erf) = vrcp.f32 v8  }
0x1dc: {  	v23 =	vpop (erf)  }
0x1dd: {  	v28 =	vadd.f32 $1.000000000e+00, v22;
	v25 =	vmul.f32 $5.000000000e-01, v23;
	v27 =	vpop (erf)  }
0x1de: {  	v29 =	vpop (erf);
	v14 =	vadd.f32 $1.000000000e+00, v27  }
0x1df: {  	[tilespmem:v3+s20+$0x0] =	vst.idx.msk $0xffff, v33;
	v12 =	vadd.f32 $0.0e+00, v25;
	v30 =	vpop (erf);
	v16 =	vsub.f32 v29, v23;
	(erf) = vrcp.f32 v28  }
0x1e0: {  	[tilespmem:v63+s20+$0x0] =	vst.idx.msk $0xffff, v5;
	v10 =	vsub.f32 v30, v29;
	(erf) = vrcp.f32 v14;
	v31 =	vpop (erf)  }
0x1e1: {  	[tilespmem:v61+s20+$0x0] =	vst.idx.msk $0xffff, v4;
	v8 =	vadd.f32 $1.000000000e+00, v31;
	v33 =	vpop (erf);
	v12 =	vadd.f32 v16, v12  }
0x1e2: {  	[tilespmem:v32+s20+$0x0] =	vst.idx.msk $0xffff, v2;
	vm0 =	vgt.f32 v16, v23;
	v34 =	vmul.f32 $1.500000000e+00, v10;
	v35 =	vsub.f32 v33, v30;
	v36 =	vpop (erf)  }
0x1e3: {  	[tilespmem:v26+s20+$0x0] =	vst.idx.msk $0xffff, v1;
	v38 =	vsel vm0, v16, v23;
	(erf) = vrcp.f32 v8;
	v14 =	vsub.f32 v36, v33  }
0x1e4: {  	vm1 =	vgt.f32 v10, v38;
	v41 =	vpop (erf);
	v12 =	vadd.f32 v34, v12;
	v40 =	vadd.f32 v35, v35  }
0x1e5: {  	[tilespmem:v39+s20+$0x0] =	vst.idx.msk $0xffff, v46;
	v15 =	vsel vm1, v10, v38;
	v4 =	vsub.f32 v41, v36  }
0x1e6: {  	[tilespmem:v37+s20+$0x0] =	vst.idx.msk $0xffff, v7;
	v43 =	vmul.f32 $2.500000000e+00, v14;
	vm2 =	vgt.f32 v35, v15;
	v42 =	vadd.f32 v40, v12  }
0x1e7: {  	[tilespmem:v9+s20+$0x0] =	vst.idx.msk $0xffff, v11;
	v45 =	vsel vm2, v35, v15  }
0x1e8: {  	[tilespmem:v24+s20+$0x0] =	vst.idx.msk $0xffff, v13;
	v46 =	vmul.f32 $3.000000000e+00, v4;
	vm3 =	vgt.f32 v14, v45;
	v44 =	vpop (erf);
	v1 =	vadd.f32 v43, v42  }
0x1e9: {  	[tilespmem:v59+s20+$0x0] =	vst.idx.msk $0xffff, v60;
	v53 =	vsel vm0, $0x3F800000, v50;
	v7 =	vsel vm3, v14, v45;
	v2 =	vsub.f32 v44, v41;
	v47 =	vpop (erf)  }
0x1ea: {  	vm4 =	vgt.f32 v4, v7;
	v1 =	vadd.f32 v46, v1;
	v6 =	vsub.f32 v47, v44  }
0x1eb: {  	[tilespmem:v3+s21+$0x0] =	vst.idx.msk $0xffff, v23;
	v51 =	vsel vm4, v4, v7;
	v7 =	vsel vm1, $0x3FC00000, v53;
	v48 =	vmul.f32 $3.500000000e+00, v2  }
0x1ec: {  	[tilespmem:v63+s21+$0x0] =	vst.idx.msk $0xffff, v16;
	vm12 =	vgt.f32 v2, v51;
	v56 =	vsel vm2, $0x40000000, v7;
	v52 =	vpop (erf)  }
0x1ed: {  	[tilespmem:v61+s21+$0x0] =	vst.idx.msk $0xffff, v10;
	v54 =	vmul.f32 $4.000000000e+00, v6;
	v1 =	vadd.f32 v48, v1;
	v55 =	vsub.f32 v52, v47  }
0x1ee: {  	[tilespmem:v32+s21+$0x0] =	vst.idx.msk $0xffff, v35;
	v0 =	vsel vm12, v2, v51;
	v58 =	vsel vm3, $0x40200000, v56  }
0x1ef: {  	[tilespmem:v26+s21+$0x0] =	vst.idx.msk $0xffff, v14;
	v3 =	vsub.f32 $1.000000000e+00, v52;
	v1 =	vadd.f32 v54, v1;
	v57 =	vmul.f32 $4.500000000e+00, v55  }
0x1f0: {  	[tilespmem:v39+s21+$0x0] =	vst.idx.msk $0xffff, v4;
	vm13 =	vgt.f32 v6, v0;
	v4 =	vsel vm4, $0x40400000, v58  }
0x1f1: {  	[tilespmem:v37+s21+$0x0] =	vst.idx.msk $0xffff, v2;
	v0 =	vsel vm13, v6, v0;
	v61 =	vmul.f32 $5.000000000e+00, v3;
	v1 =	vadd.f32 v57, v1  }
0x1f2: {  	[tilespmem:v9+s21+$0x0] =	vst.idx.msk $0xffff, v6;
	v4 =	vsel vm12, $0x40600000, v4;
	vm14 =	vgt.f32 v55, v0  }
0x1f3: {  	v62 =	vsel vm13, $0x40800000, v4;
	[tilespmem:v24+s21+$0x0] =	vst.idx.msk $0xffff, v55;
	v0 =	vsel vm14, v55, v0;
	v1 =	vadd.f32 v1, v61  }
0x1f4: {  	v63 =	vsel vm14, $0x40900000, v62;
	[tilespmem:v59+s21+$0x0] =	vst.idx.msk $0xffff, v3;
	vm15 =	vgt.f32 v3, v0  }
0x1f5: {  	v0 =	vsel vm15, $0x40A00000, v63;
	[tilespmem:s30+$0xFFFFFFF0] =	vst v1  }
0x1f6: {  	[tilespmem:s31+$0xFFFFFFF0] =	vst v0  }
0x1f7: {  	[hbm4b:s9+s2] =	stream.linear.scatter [tilespmem:s21], [sflag:$0x2], $0x2000, $0x38;
	[tilespmem:$0xDA00] =	vst v63  }
0x1f8: {  	_ =	swait.ge [sflag:s22], $0x2000  }
0x1f9: {  	[sflag:s22] =	ssyncset.done $0x0  }
0x1fa: {  	[sflag:s22] =	ssyncadd.s32 $0xFFFFE000  }
0x1fb: {  	[hbm4b:s10+s2] =	stream.linear.scatter [tilespmem:s23], [sflag:$0x2], $0x200, $0x38;
	[tilespmem:$0xDA00] =	vst v63  }
0x1fc: {  	_ =	swait.ge [sflag:s22], $0x200  }
0x1fd: {  	[sflag:s22] =	ssyncset.done $0x0  }
0x1fe: {  	[sflag:s22] =	ssyncadd.s32 $0xFFFFFE00  }
0x1ff: {  	[hbm4b:s11+s2] =	stream.linear.scatter [tilespmem:s24], [sflag:$0x2], $0x200, $0x38;
	[tilespmem:$0xDA00] =	vst v63  }
0x200: {  	s25 =	sadd.s32 $0x1, s25;
	_ =	swait.ge [sflag:s22], $0x200  }
0x201: {  	p0 =	sne.s32 s25, s13;
	[sflag:s22] =	ssyncset.done $0x0  }
.Ltmp1:
0x202: {  	[sflag:s22] =	ssyncadd.s32 $0xFFFFFE00;
	(pc) =	sbr.rel @p0 .LBB2_1-.Ltmp1, $4  }
0x203: {  	[hbm4b:s12+s2] =	stream.linear.scatter [tilespmem:s20], [sflag:$0x2], $0x2000, $0x38;
	[tilespmem:$0xDA00] =	vst v63  }
0x204: {  	_ =	swait.ge [sflag:s22], $0x2000  }
0x205: {  	[sflag:s22] =	ssyncset.done $0x0  }
0x206: {  	[sflag:s22] =	ssyncadd.s32 $0xFFFFE000  }
0x207: {  	_ =	sfence.sel $0x180000  }
0x208: {  	[bflag:$0x0] =	sbarrier.arrive $0xFFFF  }
0x209: {  	_ =	strace $0x90000059  }
0x20a: {  	s0 =	stileid.u32;
	[bflag:$0x2] =	sbarrier.arrive $0xFFFF  }
0x20b: {  	p0 =	sne.s32 s0, $0x0;
	s0 =	rddreg [dreg:$0x5]  }
0x20c: {  	s0 =	sadd.s32 @!p0 $0x100000, s0  }
0x20d: {  	[sflag:s0] =	ssyncadd.tile.s32 @!p0 $0x1;
	_ =	shalt  }
.Lfunc_end2:
_tile_overlayer_lowered:
.L_overlay_start_2:
0x20e: {  	(tag) =	ssettag $0x2  }
0x20f: {  	s0 =	rddreg [dreg:$0x0];
	s2 =	stileid.u32  }
0x210: {  	s1 =	rddreg [dreg:$0x1];
	p0 =	sne.s32 s2, $0x0  }
0x211: {  	s3 =	rddreg [dreg:$0x2];
	[bflag:$0x3] =	sbarrier.arrive $0xFFFF;
	s2 =	simm.s32 @!p0 $0x1C02  }
0x212: {  	[timem:s3], [sflag:s2] =	dma.local @!p0 [hbm:s0], s1  }
0x213: {  	s0 =	simm.s32 @!p0 $0x2  }
0x214: {  	_ =	swait.ge @!p0 [sflag:s0], s1  }
0x215: {  	s1 =	ssub.s32 @!p0 $0x0, s1;
	[sflag:s0] =	ssyncset.done @!p0 $0x0  }
0x216: {  	[sflag:s0] =	ssyncadd.s32 @!p0 s1  }
0x217: {  	[bflag:$0x3] =	sbarrier.arrive $0xFFFF  }
0x218: {  	_ =	shalt  }

</sc_bundles>
